<compile_context>
chip_gen: v7x
topology: tpu7x:2x2x1
jax: 0.10.2.dev20260603
libtpu: 0.0.44.dev20260713+nightly
codegen_flags: <defaults>
</compile_context>

<pallas_src>
import functools

import jax
import jax.numpy as jnp
from jax import lax
from jax.experimental import pallas as pl
from jax.experimental.pallas import tpu as pltpu
from jax.experimental.pallas import tpu_sc as plsc

B = 16384
D = 64
L = 16
SL = 8

_NC = 2
_NS = 16
_NW = _NC * _NS
_BPW = B // _NW
_C = 16
_NCH = _BPW // _C

_mesh = plsc.VectorSubcoreMesh(core_axis_name="c", subcore_axis_name="s")


@functools.partial(
    pl.kernel,
    out_type=jax.ShapeDtypeStruct((B,), jnp.float32),
    mesh=_mesh,
    scratch_types=[
        pltpu.VMEM((_BPW,), jnp.int32),
        pltpu.VMEM((_BPW,), jnp.int32),
        pltpu.VMEM((2, _C, D), jnp.float32),
        pltpu.VMEM((2, _C, D), jnp.float32),
        pltpu.VMEM((_BPW,), jnp.float32),
        pltpu.VMEM((_BPW,), jnp.float32),
        pltpu.VMEM((L,), jnp.float32),
        pltpu.VMEM((_BPW,), jnp.float32),
        pltpu.VMEM((L * (L + 1),), jnp.float32),
        pltpu.SemaphoreType.DMA,
        pltpu.SemaphoreType.DMA,
        pltpu.SemaphoreType.DMA,
    ],
    compiler_params=pltpu.CompilerParams(needs_layout_passes=False),
)
def _mf_kernel(u_id, i_id, user_emb, user_bias, item_emb, item_bias, mean,
               out, u_idx_v, i_idx_v,
               u_blk, i_blk, bu_v, bi_v, mean_v, out_v, tr_v,
               sem0, sem1, semb):
  wid = lax.axis_index("s") * _NC + lax.axis_index("c")
  base = wid * _BPW
  sems = (sem0, sem1)

  pltpu.sync_copy(u_id.at[pl.ds(base, _BPW)], u_idx_v)
  pltpu.sync_copy(i_id.at[pl.ds(base, _BPW)], i_idx_v)

  cb1 = pltpu.async_copy(user_bias.at[u_idx_v], bu_v, semb)
  cb2 = pltpu.async_copy(item_bias.at[i_idx_v], bi_v, semb)

  pltpu.sync_copy(mean, mean_v)

  def fire(ch, slot):
    for g in range(_C // L):
      uvec = u_idx_v[pl.ds(ch * _C + g * L, L)]
      ivec = i_idx_v[pl.ds(ch * _C + g * L, L)]
      for r in range(L):
        pltpu.async_copy(user_emb.at[uvec[r] >> 3, uvec[r] & 7],
                         u_blk.at[slot, g * L + r], sems[slot])
        pltpu.async_copy(item_emb.at[ivec[r] >> 3, ivec[r] & 7],
                         i_blk.at[slot, g * L + r], sems[slot])

  def drain(slot):
    for h in range(_C // SL):
      pltpu.make_async_copy(user_emb.at[0],
                            u_blk.at[slot, pl.ds(h * SL, SL)],
                            sems[slot]).wait()
      pltpu.make_async_copy(item_emb.at[0],
                            i_blk.at[slot, pl.ds(h * SL, SL)],
                            sems[slot]).wait()

  fire(0, 0)
  cb1.wait()
  cb2.wait()
  mvec = mean_v[...]
  lane17 = lax.iota(jnp.int32, L) * (L + 1)

  def compute(ch, slot):
    for g in range(_C // L):
      uvec = u_idx_v[pl.ds(ch * _C + g * L, L)]
      ivec = i_idx_v[pl.ds(ch * _C + g * L, L)]
      for r in range(L):
        acc = (u_blk[slot, g * L + r, pl.ds(0, L)] *
               i_blk[slot, g * L + r, pl.ds(0, L)])
        for j in range(1, D // L):
          acc = acc + (u_blk[slot, g * L + r, pl.ds(j * L, L)] *
                       i_blk[slot, g * L + r, pl.ds(j * L, L)])
        tr_v[pl.ds(r * (L + 1), L)] = acc
      dots = mvec
      for c in range(L):
        dots = dots + plsc.load_gather(tr_v, [lane17 + c])
      sl = pl.ds(ch * _C + g * L, L)
      out_v[sl] = dots + bu_v[sl] + bi_v[sl]

  def step(t, carry):
    ch0 = t * 2
    fire(ch0 + 1, 1)
    drain(0)
    compute(ch0, 0)

    @pl.when(ch0 + 2 < _NCH)
    def _():
      fire(ch0 + 2, 0)

    drain(1)
    compute(ch0 + 1, 1)
    return carry

  lax.fori_loop(0, _NCH // 2, step, 0)

  pltpu.sync_copy(out_v, out.at[pl.ds(base, _BPW)])


def kernel(u_id, i_id, user_emb, user_bias, item_emb, item_bias, mean):
  u_id = u_id.astype(jnp.int32)
  i_id = i_id.astype(jnp.int32)
  mean16 = jnp.broadcast_to(mean, (L,))
  u3 = jnp.reshape(user_emb, (user_emb.shape[0] // SL, SL, D))
  i3 = jnp.reshape(item_emb, (item_emb.shape[0] // SL, SL, D))
  return _mf_kernel(u_id, i_id, u3, jnp.reshape(user_bias, (-1,)),
                    i3, jnp.reshape(item_bias, (-1,)), mean16)

# --- scband reference (transcript-rebuilt; emitter-appended) ---
"""Pipeline reference for scband-mf-67370857005473 (READ-ONLY COPY).

The authoritative reference and input builder live on the scoring server;
editing this copy changes nothing except your own understanding.
"""

import jax, jax.numpy as jnp
import numpy as np

NUM_USERS = 1000000
NUM_ITEMS = 1000000
EMBED_DIM = 64
BATCH = 16384
MEAN = 3.5


def setup_inputs(seed: int = 0) -> dict:
    key = jax.random.key(seed)
    k1, k2, k3, k4, k5, k6 = jax.random.split(key, 6)
    u_id = jax.random.randint(k1, (BATCH,), 0, NUM_USERS, dtype=jnp.int64 if jax.config.jax_enable_x64 else jnp.int32)
    i_id = jax.random.randint(k2, (BATCH,), 0, NUM_ITEMS, dtype=jnp.int64 if jax.config.jax_enable_x64 else jnp.int32)
    # Parameters, matching torch init ranges
    user_emb = jax.random.uniform(k3, (NUM_USERS, EMBED_DIM), minval=0.0, maxval=0.005, dtype=jnp.float32)
    user_bias = jax.random.uniform(k4, (NUM_USERS, 1), minval=-0.01, maxval=0.01, dtype=jnp.float32)
    item_emb = jax.random.uniform(k5, (NUM_ITEMS, EMBED_DIM), minval=0.0, maxval=0.005, dtype=jnp.float32)
    item_bias = jax.random.uniform(k6, (NUM_ITEMS, 1), minval=-0.01, maxval=0.01, dtype=jnp.float32)
    mean = jnp.array([MEAN], dtype=jnp.float32)
    return {
        "u_id": u_id,
        "i_id": i_id,
        "user_emb": user_emb,
        "user_bias": user_bias,
        "item_emb": item_emb,
        "item_bias": item_bias,
        "mean": mean,
    }


def reference(u_id, i_id, user_emb, user_bias, item_emb, item_bias, mean):
    U = jnp.take(user_emb, u_id, axis=0)            # [B, D]
    b_u = jnp.take(user_bias, u_id, axis=0).squeeze(-1)  # [B]
    I = jnp.take(item_emb, i_id, axis=0)            # [B, D]
    b_i = jnp.take(item_bias, i_id, axis=0).squeeze(-1)  # [B]
    return (U * I).sum(axis=1) + b_i + b_u + mean[0]

if __name__ == "__main__":
    import jax
    _d = setup_inputs()
    print(jax.jit(kernel)(*tuple(_d.values())))

</pallas_src>

<mosaic_0001>
#map = affine_map<(d0, d1) -> (0)>
#map1 = affine_map<(d0, d1) -> (0, 0, 0)>
module attributes {stable_mosaic.version = 14 : i64} {
  func.func @_mf_kernel(%arg0: i32, %arg1: i32, %arg2: memref<16384xi32, #tpu.memory_space<hbm>>, %arg3: memref<16384xi32, #tpu.memory_space<hbm>>, %arg4: memref<125000x8x64xf32, #tpu.memory_space<hbm>>, %arg5: memref<1000000xf32, #tpu.memory_space<hbm>>, %arg6: memref<125000x8x64xf32, #tpu.memory_space<hbm>>, %arg7: memref<1000000xf32, #tpu.memory_space<hbm>>, %arg8: memref<16xf32, #tpu.memory_space<hbm>>, %arg9: memref<16384xf32, #tpu.memory_space<hbm>>, %arg10: memref<512xi32, #tpu.memory_space<vmem>>, %arg11: memref<512xi32, #tpu.memory_space<vmem>>, %arg12: memref<2x16x64xf32, #tpu.memory_space<vmem>>, %arg13: memref<2x16x64xf32, #tpu.memory_space<vmem>>, %arg14: memref<512xf32, #tpu.memory_space<vmem>>, %arg15: memref<512xf32, #tpu.memory_space<vmem>>, %arg16: memref<16xf32, #tpu.memory_space<vmem>>, %arg17: memref<512xf32, #tpu.memory_space<vmem>>, %arg18: memref<272xf32, #tpu.memory_space<vmem>>, %arg19: memref<!tpu.dma_semaphore, #tpu.memory_space<semaphore_mem>>, %arg20: memref<!tpu.dma_semaphore, #tpu.memory_space<semaphore_mem>>, %arg21: memref<!tpu.dma_semaphore, #tpu.memory_space<semaphore_mem>>) attributes {dimension_semantics = [#tpu.dimension_semantics<core_parallel>, #tpu.dimension_semantics<subcore_parallel>], iteration_bounds = array<i64: 2, 16>, scalar_prefetch = 0 : i64, scratch_operands = 12 : i64, tpu.core_type = #tpu.core_type<sc_vector_subcore>, window_params = [{transform_indices = #map}, {transform_indices = #map}, {transform_indices = #map1}, {transform_indices = #map}, {transform_indices = #map1}, {transform_indices = #map}, {transform_indices = #map}, {transform_indices = #map}]} {
    %mul3A = arith.constant 2 : i32
    %mul3A_0 = arith.muli %arg1, %mul3A : i32
    %add3A = arith.addi %mul3A_0, %arg0 : i32
    %mul3A_1 = arith.constant 512 : i32
    %mul3A_2 = arith.muli %add3A, %mul3A_1 : i32
    "tpu.region"() ({
      %run_scoped3A = tpu.sem_alloc : memref<!tpu.dma_semaphore, #tpu.memory_space<semaphore_mem>>
      %dma_start3A_722 = tpu.memref_slice %arg2[%mul3A_2] : memref<16384xi32, #tpu.memory_space<hbm>> -> memref<512xi32, #tpu.memory_space<hbm>>
      %dma_start3A_723 = tpu.memref_slice %arg2[%mul3A_2] : memref<16384xi32, #tpu.memory_space<hbm>> -> memref<512xi32, #tpu.memory_space<hbm>>
      tpu.enqueue_dma source(%dma_start3A_723 : memref<512xi32, #tpu.memory_space<hbm>>) target(%arg10 : memref<512xi32, #tpu.memory_space<vmem>>) target_semaphore(%run_scoped3A : memref<!tpu.dma_semaphore, #tpu.memory_space<semaphore_mem>>)
      %dma_wait3A_724 = tpu.memref_slice %arg2[%mul3A_2] : memref<16384xi32, #tpu.memory_space<hbm>> -> memref<512xi32, #tpu.memory_space<hbm>>
      %dma_wait3A_725 = tpu.memref_slice %arg2[%mul3A_2] : memref<16384xi32, #tpu.memory_space<hbm>> -> memref<512xi32, #tpu.memory_space<hbm>>
      tpu.wait_dma2 semaphore(%run_scoped3A : memref<!tpu.dma_semaphore, #tpu.memory_space<semaphore_mem>>) src(%dma_wait3A_725 : memref<512xi32, #tpu.memory_space<hbm>>) dst(%arg10 : memref<512xi32, #tpu.memory_space<vmem>>)
      tpu.yield
    }) : () -> ()
    "tpu.region"() ({
      %run_scoped3A = tpu.sem_alloc : memref<!tpu.dma_semaphore, #tpu.memory_space<semaphore_mem>>
      %dma_start3A_722 = tpu.memref_slice %arg3[%mul3A_2] : memref<16384xi32, #tpu.memory_space<hbm>> -> memref<512xi32, #tpu.memory_space<hbm>>
      %dma_start3A_723 = tpu.memref_slice %arg3[%mul3A_2] : memref<16384xi32, #tpu.memory_space<hbm>> -> memref<512xi32, #tpu.memory_space<hbm>>
      tpu.enqueue_dma source(%dma_start3A_723 : memref<512xi32, #tpu.memory_space<hbm>>) target(%arg11 : memref<512xi32, #tpu.memory_space<vmem>>) target_semaphore(%run_scoped3A : memref<!tpu.dma_semaphore, #tpu.memory_space<semaphore_mem>>)
      %dma_wait3A_724 = tpu.memref_slice %arg3[%mul3A_2] : memref<16384xi32, #tpu.memory_space<hbm>> -> memref<512xi32, #tpu.memory_space<hbm>>
      %dma_wait3A_725 = tpu.memref_slice %arg3[%mul3A_2] : memref<16384xi32, #tpu.memory_space<hbm>> -> memref<512xi32, #tpu.memory_space<hbm>>
      tpu.wait_dma2 semaphore(%run_scoped3A : memref<!tpu.dma_semaphore, #tpu.memory_space<semaphore_mem>>) src(%dma_wait3A_725 : memref<512xi32, #tpu.memory_space<hbm>>) dst(%arg11 : memref<512xi32, #tpu.memory_space<vmem>>)
      tpu.yield
    }) : () -> ()
    %dma_start3A = arith.constant 0 : i32
    %dma_start3A_3 = tpu.memref_slice %arg5[%dma_start3A] : memref<1000000xf32, #tpu.memory_space<hbm>> -> memref<1000000xf32, #tpu.memory_space<hbm>>
    tpu.enqueue_indirect_dma source(%dma_start3A_3 : memref<1000000xf32, #tpu.memory_space<hbm>>) target(%arg14 : memref<512xf32, #tpu.memory_space<vmem>>) offsets(%arg10 : memref<512xi32, #tpu.memory_space<vmem>>) semaphore(%arg21 : memref<!tpu.dma_semaphore, #tpu.memory_space<semaphore_mem>>)
    %dma_start3A_4 = arith.constant 0 : i32
    %dma_start3A_5 = tpu.memref_slice %arg7[%dma_start3A_4] : memref<1000000xf32, #tpu.memory_space<hbm>> -> memref<1000000xf32, #tpu.memory_space<hbm>>
    tpu.enqueue_indirect_dma source(%dma_start3A_5 : memref<1000000xf32, #tpu.memory_space<hbm>>) target(%arg15 : memref<512xf32, #tpu.memory_space<vmem>>) offsets(%arg11 : memref<512xi32, #tpu.memory_space<vmem>>) semaphore(%arg21 : memref<!tpu.dma_semaphore, #tpu.memory_space<semaphore_mem>>)
    "tpu.region"() ({
      %run_scoped3A = tpu.sem_alloc : memref<!tpu.dma_semaphore, #tpu.memory_space<semaphore_mem>>
      tpu.enqueue_dma source(%arg8 : memref<16xf32, #tpu.memory_space<hbm>>) target(%arg16 : memref<16xf32, #tpu.memory_space<vmem>>) target_semaphore(%run_scoped3A : memref<!tpu.dma_semaphore, #tpu.memory_space<semaphore_mem>>)
      tpu.wait_dma2 semaphore(%run_scoped3A : memref<!tpu.dma_semaphore, #tpu.memory_space<semaphore_mem>>) src(%arg8 : memref<16xf32, #tpu.memory_space<hbm>>) dst(%arg16 : memref<16xf32, #tpu.memory_space<vmem>>)
      tpu.yield
    }) : () -> ()
    %get3A = arith.constant 0 : index
    %get3A_6 = tpu.vector_load %arg10[%get3A] {strides = array<i32>} : memref<512xi32, #tpu.memory_space<vmem>>, vector<16xi32>,
    %get3A_7 = arith.constant 0 : index
    %get3A_8 = tpu.vector_load %arg11[%get3A_7] {strides = array<i32>} : memref<512xi32, #tpu.memory_space<vmem>>, vector<16xi32>,
    %slice3A = vector.extract_strided_slice %get3A_6 {offsets = [0], sizes = [1], strides = [1]} : vector<16xi32> to vector<1xi32>
    %squeeze3A = vector.extract %slice3A[0] : i32 from vector<1xi32>
    %shift_right_arithmetic3A = arith.constant 3 : i32
    %shift_right_arithmetic3A_9 = arith.shrsi %squeeze3A, %shift_right_arithmetic3A : i32
    %slice3A_10 = vector.extract_strided_slice %get3A_6 {offsets = [0], sizes = [1], strides = [1]} : vector<16xi32> to vector<1xi32>
    %squeeze3A_11 = vector.extract %slice3A_10[0] : i32 from vector<1xi32>
    %and3A = arith.constant 7 : i32
    %and3A_12 = arith.andi %squeeze3A_11, %and3A : i32
    %dma_start3A_13 = arith.constant 0 : i32
    %dma_start3A_14 = arith.constant 0 : i32
    %dma_start3A_15 = arith.constant 0 : i32
    %dma_start3A_16 = tpu.memref_slice %arg12[%dma_start3A_13, %dma_start3A_14, %dma_start3A_15] : memref<2x16x64xf32, #tpu.memory_space<vmem>> -> memref<1x1x64xf32, #tpu.memory_space<vmem>>
    %dma_start3A_17 = tpu.memref_squeeze %dma_start3A_16 : memref<1x1x64xf32, #tpu.memory_space<vmem>> -> memref<64xf32, #tpu.memory_space<vmem>>
    %dma_start3A_18 = arith.constant 0 : i32
    %dma_start3A_19 = tpu.memref_slice %arg4[%shift_right_arithmetic3A_9, %and3A_12, %dma_start3A_18] : memref<125000x8x64xf32, #tpu.memory_space<hbm>> -> memref<1x1x64xf32, #tpu.memory_space<hbm>>
    %dma_start3A_20 = tpu.memref_squeeze %dma_start3A_19 : memref<1x1x64xf32, #tpu.memory_space<hbm>> -> memref<64xf32, #tpu.memory_space<hbm>>
    %dma_start3A_21 = arith.constant 0 : i32
    %dma_start3A_22 = tpu.memref_slice %arg12[%dma_start3A_13, %dma_start3A_14, %dma_start3A_21] : memref<2x16x64xf32, #tpu.memory_space<vmem>> -> memref<1x1x64xf32, #tpu.memory_space<vmem>>
    %dma_start3A_23 = tpu.memref_squeeze %dma_start3A_22 : memref<1x1x64xf32, #tpu.memory_space<vmem>> -> memref<64xf32, #tpu.memory_space<vmem>>
    %dma_start3A_24 = arith.constant 0 : i32
    %dma_start3A_25 = tpu.memref_slice %arg4[%shift_right_arithmetic3A_9, %and3A_12, %dma_start3A_24] : memref<125000x8x64xf32, #tpu.memory_space<hbm>> -> memref<1x1x64xf32, #tpu.memory_space<hbm>>
    %dma_start3A_26 = tpu.memref_squeeze %dma_start3A_25 : memref<1x1x64xf32, #tpu.memory_space<hbm>> -> memref<64xf32, #tpu.memory_space<hbm>>
    tpu.enqueue_dma source(%dma_start3A_26 : memref<64xf32, #tpu.memory_space<hbm>>) target(%dma_start3A_23 : memref<64xf32, #tpu.memory_space<vmem>>) target_semaphore(%arg19 : memref<!tpu.dma_semaphore, #tpu.memory_space<semaphore_mem>>)
    %slice3A_27 = vector.extract_strided_slice %get3A_8 {offsets = [0], sizes = [1], strides = [1]} : vector<16xi32> to vector<1xi32>
    %squeeze3A_28 = vector.extract %slice3A_27[0] : i32 from vector<1xi32>
    %shift_right_arithmetic3A_29 = arith.constant 3 : i32
    %shift_right_arithmetic3A_30 = arith.shrsi %squeeze3A_28, %shift_right_arithmetic3A_29 : i32
    %slice3A_31 = vector.extract_strided_slice %get3A_8 {offsets = [0], sizes = [1], strides = [1]} : vector<16xi32> to vector<1xi32>
    %squeeze3A_32 = vector.extract %slice3A_31[0] : i32 from vector<1xi32>
    %and3A_33 = arith.constant 7 : i32
    %and3A_34 = arith.andi %squeeze3A_32, %and3A_33 : i32
    %dma_start3A_35 = arith.constant 0 : i32
    %dma_start3A_36 = arith.constant 0 : i32
    %dma_start3A_37 = arith.constant 0 : i32
    %dma_start3A_38 = tpu.memref_slice %arg13[%dma_start3A_35, %dma_start3A_36, %dma_start3A_37] : memref<2x16x64xf32, #tpu.memory_space<vmem>> -> memref<1x1x64xf32, #tpu.memory_space<vmem>>
    %dma_start3A_39 = tpu.memref_squeeze %dma_start3A_38 : memref<1x1x64xf32, #tpu.memory_space<vmem>> -> memref<64xf32, #tpu.memory_space<vmem>>
    %dma_start3A_40 = arith.constant 0 : i32
    %dma_start3A_41 = tpu.memref_slice %arg6[%shift_right_arithmetic3A_30, %and3A_34, %dma_start3A_40] : memref<125000x8x64xf32, #tpu.memory_space<hbm>> -> memref<1x1x64xf32, #tpu.memory_space<hbm>>
    %dma_start3A_42 = tpu.memref_squeeze %dma_start3A_41 : memref<1x1x64xf32, #tpu.memory_space<hbm>> -> memref<64xf32, #tpu.memory_space<hbm>>
    %dma_start3A_43 = arith.constant 0 : i32
    %dma_start3A_44 = tpu.memref_slice %arg13[%dma_start3A_35, %dma_start3A_36, %dma_start3A_43] : memref<2x16x64xf32, #tpu.memory_space<vmem>> -> memref<1x1x64xf32, #tpu.memory_space<vmem>>
    %dma_start3A_45 = tpu.memref_squeeze %dma_start3A_44 : memref<1x1x64xf32, #tpu.memory_space<vmem>> -> memref<64xf32, #tpu.memory_space<vmem>>
    %dma_start3A_46 = arith.constant 0 : i32
    %dma_start3A_47 = tpu.memref_slice %arg6[%shift_right_arithmetic3A_30, %and3A_34, %dma_start3A_46] : memref<125000x8x64xf32, #tpu.memory_space<hbm>> -> memref<1x1x64xf32, #tpu.memory_space<hbm>>
    %dma_start3A_48 = tpu.memref_squeeze %dma_start3A_47 : memref<1x1x64xf32, #tpu.memory_space<hbm>> -> memref<64xf32, #tpu.memory_space<hbm>>
    tpu.enqueue_dma source(%dma_start3A_48 : memref<64xf32, #tpu.memory_space<hbm>>) target(%dma_start3A_45 : memref<64xf32, #tpu.memory_space<vmem>>) target_semaphore(%arg19 : memref<!tpu.dma_semaphore, #tpu.memory_space<semaphore_mem>>)
    %slice3A_49 = vector.extract_strided_slice %get3A_6 {offsets = [1], sizes = [1], strides = [1]} : vector<16xi32> to vector<1xi32>
    %squeeze3A_50 = vector.extract %slice3A_49[0] : i32 from vector<1xi32>
    %shift_right_arithmetic3A_51 = arith.constant 3 : i32
    %shift_right_arithmetic3A_52 = arith.shrsi %squeeze3A_50, %shift_right_arithmetic3A_51 : i32
    %slice3A_53 = vector.extract_strided_slice %get3A_6 {offsets = [1], sizes = [1], strides = [1]} : vector<16xi32> to vector<1xi32>
    %squeeze3A_54 = vector.extract %slice3A_53[0] : i32 from vector<1xi32>
    %and3A_55 = arith.constant 7 : i32
    %and3A_56 = arith.andi %squeeze3A_54, %and3A_55 : i32
    %dma_start3A_57 = arith.constant 0 : i32
    %dma_start3A_58 = arith.constant 1 : i32
    %dma_start3A_59 = arith.constant 0 : i32
    %dma_start3A_60 = tpu.memref_slice %arg12[%dma_start3A_57, %dma_start3A_58, %dma_start3A_59] : memref<2x16x64xf32, #tpu.memory_space<vmem>> -> memref<1x1x64xf32, #tpu.memory_space<vmem>>
    %dma_start3A_61 = tpu.memref_squeeze %dma_start3A_60 : memref<1x1x64xf32, #tpu.memory_space<vmem>> -> memref<64xf32, #tpu.memory_space<vmem>>
    %dma_start3A_62 = arith.constant 0 : i32
    %dma_start3A_63 = tpu.memref_slice %arg4[%shift_right_arithmetic3A_52, %and3A_56, %dma_start3A_62] : memref<125000x8x64xf32, #tpu.memory_space<hbm>> -> memref<1x1x64xf32, #tpu.memory_space<hbm>>
    %dma_start3A_64 = tpu.memref_squeeze %dma_start3A_63 : memref<1x1x64xf32, #tpu.memory_space<hbm>> -> memref<64xf32, #tpu.memory_space<hbm>>
    %dma_start3A_65 = arith.constant 0 : i32
    %dma_start3A_66 = tpu.memref_slice %arg12[%dma_start3A_57, %dma_start3A_58, %dma_start3A_65] : memref<2x16x64xf32, #tpu.memory_space<vmem>> -> memref<1x1x64xf32, #tpu.memory_space<vmem>>
    %dma_start3A_67 = tpu.memref_squeeze %dma_start3A_66 : memref<1x1x64xf32, #tpu.memory_space<vmem>> -> memref<64xf32, #tpu.memory_space<vmem>>
    %dma_start3A_68 = arith.constant 0 : i32
    %dma_start3A_69 = tpu.memref_slice %arg4[%shift_right_arithmetic3A_52, %and3A_56, %dma_start3A_68] : memref<125000x8x64xf32, #tpu.memory_space<hbm>> -> memref<1x1x64xf32, #tpu.memory_space<hbm>>
    %dma_start3A_70 = tpu.memref_squeeze %dma_start3A_69 : memref<1x1x64xf32, #tpu.memory_space<hbm>> -> memref<64xf32, #tpu.memory_space<hbm>>
    tpu.enqueue_dma source(%dma_start3A_70 : memref<64xf32, #tpu.memory_space<hbm>>) target(%dma_start3A_67 : memref<64xf32, #tpu.memory_space<vmem>>) target_semaphore(%arg19 : memref<!tpu.dma_semaphore, #tpu.memory_space<semaphore_mem>>)
    %slice3A_71 = vector.extract_strided_slice %get3A_8 {offsets = [1], sizes = [1], strides = [1]} : vector<16xi32> to vector<1xi32>
    %squeeze3A_72 = vector.extract %slice3A_71[0] : i32 from vector<1xi32>
    %shift_right_arithmetic3A_73 = arith.constant 3 : i32
    %shift_right_arithmetic3A_74 = arith.shrsi %squeeze3A_72, %shift_right_arithmetic3A_73 : i32
    %slice3A_75 = vector.extract_strided_slice %get3A_8 {offsets = [1], sizes = [1], strides = [1]} : vector<16xi32> to vector<1xi32>
    %squeeze3A_76 = vector.extract %slice3A_75[0] : i32 from vector<1xi32>
    %and3A_77 = arith.constant 7 : i32
    %and3A_78 = arith.andi %squeeze3A_76, %and3A_77 : i32
    %dma_start3A_79 = arith.constant 0 : i32
    %dma_start3A_80 = arith.constant 1 : i32
    %dma_start3A_81 = arith.constant 0 : i32
    %dma_start3A_82 = tpu.memref_slice %arg13[%dma_start3A_79, %dma_start3A_80, %dma_start3A_81] : memref<2x16x64xf32, #tpu.memory_space<vmem>> -> memref<1x1x64xf32, #tpu.memory_space<vmem>>
    %dma_start3A_83 = tpu.memref_squeeze %dma_start3A_82 : memref<1x1x64xf32, #tpu.memory_space<vmem>> -> memref<64xf32, #tpu.memory_space<vmem>>
    %dma_start3A_84 = arith.constant 0 : i32
    %dma_start3A_85 = tpu.memref_slice %arg6[%shift_right_arithmetic3A_74, %and3A_78, %dma_start3A_84] : memref<125000x8x64xf32, #tpu.memory_space<hbm>> -> memref<1x1x64xf32, #tpu.memory_space<hbm>>
    %dma_start3A_86 = tpu.memref_squeeze %dma_start3A_85 : memref<1x1x64xf32, #tpu.memory_space<hbm>> -> memref<64xf32, #tpu.memory_space<hbm>>
    %dma_start3A_87 = arith.constant 0 : i32
    %dma_start3A_88 = tpu.memref_slice %arg13[%dma_start3A_79, %dma_start3A_80, %dma_start3A_87] : memref<2x16x64xf32, #tpu.memory_space<vmem>> -> memref<1x1x64xf32, #tpu.memory_space<vmem>>
    %dma_start3A_89 = tpu.memref_squeeze %dma_start3A_88 : memref<1x1x64xf32, #tpu.memory_space<vmem>> -> memref<64xf32, #tpu.memory_space<vmem>>
    %dma_start3A_90 = arith.constant 0 : i32
    %dma_start3A_91 = tpu.memref_slice %arg6[%shift_right_arithmetic3A_74, %and3A_78, %dma_start3A_90] : memref<125000x8x64xf32, #tpu.memory_space<hbm>> -> memref<1x1x64xf32, #tpu.memory_space<hbm>>
    %dma_start3A_92 = tpu.memref_squeeze %dma_start3A_91 : memref<1x1x64xf32, #tpu.memory_space<hbm>> -> memref<64xf32, #tpu.memory_space<hbm>>
    tpu.enqueue_dma source(%dma_start3A_92 : memref<64xf32, #tpu.memory_space<hbm>>) target(%dma_start3A_89 : memref<64xf32, #tpu.memory_space<vmem>>) target_semaphore(%arg19 : memref<!tpu.dma_semaphore, #tpu.memory_space<semaphore_mem>>)
    %slice3A_93 = vector.extract_strided_slice %get3A_6 {offsets = [2], sizes = [1], strides = [1]} : vector<16xi32> to vector<1xi32>
    %squeeze3A_94 = vector.extract %slice3A_93[0] : i32 from vector<1xi32>
    %shift_right_arithmetic3A_95 = arith.constant 3 : i32
    %shift_right_arithmetic3A_96 = arith.shrsi %squeeze3A_94, %shift_right_arithmetic3A_95 : i32
    %slice3A_97 = vector.extract_strided_slice %get3A_6 {offsets = [2], sizes = [1], strides = [1]} : vector<16xi32> to vector<1xi32>
    %squeeze3A_98 = vector.extract %slice3A_97[0] : i32 from vector<1xi32>
    %and3A_99 = arith.constant 7 : i32
    %and3A_100 = arith.andi %squeeze3A_98, %and3A_99 : i32
    %dma_start3A_101 = arith.constant 0 : i32
    %dma_start3A_102 = arith.constant 2 : i32
    %dma_start3A_103 = arith.constant 0 : i32
    %dma_start3A_104 = tpu.memref_slice %arg12[%dma_start3A_101, %dma_start3A_102, %dma_start3A_103] : memref<2x16x64xf32, #tpu.memory_space<vmem>> -> memref<1x1x64xf32, #tpu.memory_space<vmem>>
    %dma_start3A_105 = tpu.memref_squeeze %dma_start3A_104 : memref<1x1x64xf32, #tpu.memory_space<vmem>> -> memref<64xf32, #tpu.memory_space<vmem>>
    %dma_start3A_106 = arith.constant 0 : i32
    %dma_start3A_107 = tpu.memref_slice %arg4[%shift_right_arithmetic3A_96, %and3A_100, %dma_start3A_106] : memref<125000x8x64xf32, #tpu.memory_space<hbm>> -> memref<1x1x64xf32, #tpu.memory_space<hbm>>
    %dma_start3A_108 = tpu.memref_squeeze %dma_start3A_107 : memref<1x1x64xf32, #tpu.memory_space<hbm>> -> memref<64xf32, #tpu.memory_space<hbm>>
    %dma_start3A_109 = arith.constant 0 : i32
    %dma_start3A_110 = tpu.memref_slice %arg12[%dma_start3A_101, %dma_start3A_102, %dma_start3A_109] : memref<2x16x64xf32, #tpu.memory_space<vmem>> -> memref<1x1x64xf32, #tpu.memory_space<vmem>>
    %dma_start3A_111 = tpu.memref_squeeze %dma_start3A_110 : memref<1x1x64xf32, #tpu.memory_space<vmem>> -> memref<64xf32, #tpu.memory_space<vmem>>
    %dma_start3A_112 = arith.constant 0 : i32
    %dma_start3A_113 = tpu.memref_slice %arg4[%shift_right_arithmetic3A_96, %and3A_100, %dma_start3A_112] : memref<125000x8x64xf32, #tpu.memory_space<hbm>> -> memref<1x1x64xf32, #tpu.memory_space<hbm>>
    %dma_start3A_114 = tpu.memref_squeeze %dma_start3A_113 : memref<1x1x64xf32, #tpu.memory_space<hbm>> -> memref<64xf32, #tpu.memory_space<hbm>>
    tpu.enqueue_dma source(%dma_start3A_114 : memref<64xf32, #tpu.memory_space<hbm>>) target(%dma_start3A_111 : memref<64xf32, #tpu.memory_space<vmem>>) target_semaphore(%arg19 : memref<!tpu.dma_semaphore, #tpu.memory_space<semaphore_mem>>)
    %slice3A_115 = vector.extract_strided_slice %get3A_8 {offsets = [2], sizes = [1], strides = [1]} : vector<16xi32> to vector<1xi32>
    %squeeze3A_116 = vector.extract %slice3A_115[0] : i32 from vector<1xi32>
    %shift_right_arithmetic3A_117 = arith.constant 3 : i32
    %shift_right_arithmetic3A_118 = arith.shrsi %squeeze3A_116, %shift_right_arithmetic3A_117 : i32
    %slice3A_119 = vector.extract_strided_slice %get3A_8 {offsets = [2], sizes = [1], strides = [1]} : vector<16xi32> to vector<1xi32>
    %squeeze3A_120 = vector.extract %slice3A_119[0] : i32 from vector<1xi32>
    %and3A_121 = arith.constant 7 : i32
    %and3A_122 = arith.andi %squeeze3A_120, %and3A_121 : i32
    %dma_start3A_123 = arith.constant 0 : i32
    %dma_start3A_124 = arith.constant 2 : i32
    %dma_start3A_125 = arith.constant 0 : i32
    %dma_start3A_126 = tpu.memref_slice %arg13[%dma_start3A_123, %dma_start3A_124, %dma_start3A_125] : memref<2x16x64xf32, #tpu.memory_space<vmem>> -> memref<1x1x64xf32, #tpu.memory_space<vmem>>
    %dma_start3A_127 = tpu.memref_squeeze %dma_start3A_126 : memref<1x1x64xf32, #tpu.memory_space<vmem>> -> memref<64xf32, #tpu.memory_space<vmem>>
    %dma_start3A_128 = arith.constant 0 : i32
    %dma_start3A_129 = tpu.memref_slice %arg6[%shift_right_arithmetic3A_118, %and3A_122, %dma_start3A_128] : memref<125000x8x64xf32, #tpu.memory_space<hbm>> -> memref<1x1x64xf32, #tpu.memory_space<hbm>>
    %dma_start3A_130 = tpu.memref_squeeze %dma_start3A_129 : memref<1x1x64xf32, #tpu.memory_space<hbm>> -> memref<64xf32, #tpu.memory_space<hbm>>
    %dma_start3A_131 = arith.constant 0 : i32
    %dma_start3A_132 = tpu.memref_slice %arg13[%dma_start3A_123, %dma_start3A_124, %dma_start3A_131] : memref<2x16x64xf32, #tpu.memory_space<vmem>> -> memref<1x1x64xf32, #tpu.memory_space<vmem>>
    %dma_start3A_133 = tpu.memref_squeeze %dma_start3A_132 : memref<1x1x64xf32, #tpu.memory_space<vmem>> -> memref<64xf32, #tpu.memory_space<vmem>>
    %dma_start3A_134 = arith.constant 0 : i32
    %dma_start3A_135 = tpu.memref_slice %arg6[%shift_right_arithmetic3A_118, %and3A_122, %dma_start3A_134] : memref<125000x8x64xf32, #tpu.memory_space<hbm>> -> memref<1x1x64xf32, #tpu.memory_space<hbm>>
    %dma_start3A_136 = tpu.memref_squeeze %dma_start3A_135 : memref<1x1x64xf32, #tpu.memory_space<hbm>> -> memref<64xf32, #tpu.memory_space<hbm>>
    tpu.enqueue_dma source(%dma_start3A_136 : memref<64xf32, #tpu.memory_space<hbm>>) target(%dma_start3A_133 : memref<64xf32, #tpu.memory_space<vmem>>) target_semaphore(%arg19 : memref<!tpu.dma_semaphore, #tpu.memory_space<semaphore_mem>>)
    %slice3A_137 = vector.extract_strided_slice %get3A_6 {offsets = [3], sizes = [1], strides = [1]} : vector<16xi32> to vector<1xi32>
    %squeeze3A_138 = vector.extract %slice3A_137[0] : i32 from vector<1xi32>
    %shift_right_arithmetic3A_139 = arith.constant 3 : i32
    %shift_right_arithmetic3A_140 = arith.shrsi %squeeze3A_138, %shift_right_arithmetic3A_139 : i32
    %slice3A_141 = vector.extract_strided_slice %get3A_6 {offsets = [3], sizes = [1], strides = [1]} : vector<16xi32> to vector<1xi32>
    %squeeze3A_142 = vector.extract %slice3A_141[0] : i32 from vector<1xi32>
    %and3A_143 = arith.constant 7 : i32
    %and3A_144 = arith.andi %squeeze3A_142, %and3A_143 : i32
    %dma_start3A_145 = arith.constant 0 : i32
    %dma_start3A_146 = arith.constant 3 : i32
    %dma_start3A_147 = arith.constant 0 : i32
    %dma_start3A_148 = tpu.memref_slice %arg12[%dma_start3A_145, %dma_start3A_146, %dma_start3A_147] : memref<2x16x64xf32, #tpu.memory_space<vmem>> -> memref<1x1x64xf32, #tpu.memory_space<vmem>>
    %dma_start3A_149 = tpu.memref_squeeze %dma_start3A_148 : memref<1x1x64xf32, #tpu.memory_space<vmem>> -> memref<64xf32, #tpu.memory_space<vmem>>
    %dma_start3A_150 = arith.constant 0 : i32
    %dma_start3A_151 = tpu.memref_slice %arg4[%shift_right_arithmetic3A_140, %and3A_144, %dma_start3A_150] : memref<125000x8x64xf32, #tpu.memory_space<hbm>> -> memref<1x1x64xf32, #tpu.memory_space<hbm>>
    %dma_start3A_152 = tpu.memref_squeeze %dma_start3A_151 : memref<1x1x64xf32, #tpu.memory_space<hbm>> -> memref<64xf32, #tpu.memory_space<hbm>>
    %dma_start3A_153 = arith.constant 0 : i32
    %dma_start3A_154 = tpu.memref_slice %arg12[%dma_start3A_145, %dma_start3A_146, %dma_start3A_153] : memref<2x16x64xf32, #tpu.memory_space<vmem>> -> memref<1x1x64xf32, #tpu.memory_space<vmem>>
    %dma_start3A_155 = tpu.memref_squeeze %dma_start3A_154 : memref<1x1x64xf32, #tpu.memory_space<vmem>> -> memref<64xf32, #tpu.memory_space<vmem>>
    %dma_start3A_156 = arith.constant 0 : i32
    %dma_start3A_157 = tpu.memref_slice %arg4[%shift_right_arithmetic3A_140, %and3A_144, %dma_start3A_156] : memref<125000x8x64xf32, #tpu.memory_space<hbm>> -> memref<1x1x64xf32, #tpu.memory_space<hbm>>
    %dma_start3A_158 = tpu.memref_squeeze %dma_start3A_157 : memref<1x1x64xf32, #tpu.memory_space<hbm>> -> memref<64xf32, #tpu.memory_space<hbm>>
    tpu.enqueue_dma source(%dma_start3A_158 : memref<64xf32, #tpu.memory_space<hbm>>) target(%dma_start3A_155 : memref<64xf32, #tpu.memory_space<vmem>>) target_semaphore(%arg19 : memref<!tpu.dma_semaphore, #tpu.memory_space<semaphore_mem>>)
    %slice3A_159 = vector.extract_strided_slice %get3A_8 {offsets = [3], sizes = [1], strides = [1]} : vector<16xi32> to vector<1xi32>
    %squeeze3A_160 = vector.extract %slice3A_159[0] : i32 from vector<1xi32>
    %shift_right_arithmetic3A_161 = arith.constant 3 : i32
    %shift_right_arithmetic3A_162 = arith.shrsi %squeeze3A_160, %shift_right_arithmetic3A_161 : i32
    %slice3A_163 = vector.extract_strided_slice %get3A_8 {offsets = [3], sizes = [1], strides = [1]} : vector<16xi32> to vector<1xi32>
    %squeeze3A_164 = vector.extract %slice3A_163[0] : i32 from vector<1xi32>
    %and3A_165 = arith.constant 7 : i32
    %and3A_166 = arith.andi %squeeze3A_164, %and3A_165 : i32
    %dma_start3A_167 = arith.constant 0 : i32
    %dma_start3A_168 = arith.constant 3 : i32
    %dma_start3A_169 = arith.constant 0 : i32
    %dma_start3A_170 = tpu.memref_slice %arg13[%dma_start3A_167, %dma_start3A_168, %dma_start3A_169] : memref<2x16x64xf32, #tpu.memory_space<vmem>> -> memref<1x1x64xf32, #tpu.memory_space<vmem>>
    %dma_start3A_171 = tpu.memref_squeeze %dma_start3A_170 : memref<1x1x64xf32, #tpu.memory_space<vmem>> -> memref<64xf32, #tpu.memory_space<vmem>>
    %dma_start3A_172 = arith.constant 0 : i32
    %dma_start3A_173 = tpu.memref_slice %arg6[%shift_right_arithmetic3A_162, %and3A_166, %dma_start3A_172] : memref<125000x8x64xf32, #tpu.memory_space<hbm>> -> memref<1x1x64xf32, #tpu.memory_space<hbm>>
    %dma_start3A_174 = tpu.memref_squeeze %dma_start3A_173 : memref<1x1x64xf32, #tpu.memory_space<hbm>> -> memref<64xf32, #tpu.memory_space<hbm>>
    %dma_start3A_175 = arith.constant 0 : i32
    %dma_start3A_176 = tpu.memref_slice %arg13[%dma_start3A_167, %dma_start3A_168, %dma_start3A_175] : memref<2x16x64xf32, #tpu.memory_space<vmem>> -> memref<1x1x64xf32, #tpu.memory_space<vmem>>
    %dma_start3A_177 = tpu.memref_squeeze %dma_start3A_176 : memref<1x1x64xf32, #tpu.memory_space<vmem>> -> memref<64xf32, #tpu.memory_space<vmem>>
    %dma_start3A_178 = arith.constant 0 : i32
    %dma_start3A_179 = tpu.memref_slice %arg6[%shift_right_arithmetic3A_162, %and3A_166, %dma_start3A_178] : memref<125000x8x64xf32, #tpu.memory_space<hbm>> -> memref<1x1x64xf32, #tpu.memory_space<hbm>>
    %dma_start3A_180 = tpu.memref_squeeze %dma_start3A_179 : memref<1x1x64xf32, #tpu.memory_space<hbm>> -> memref<64xf32, #tpu.memory_space<hbm>>
    tpu.enqueue_dma source(%dma_start3A_180 : memref<64xf32, #tpu.memory_space<hbm>>) target(%dma_start3A_177 : memref<64xf32, #tpu.memory_space<vmem>>) target_semaphore(%arg19 : memref<!tpu.dma_semaphore, #tpu.memory_space<semaphore_mem>>)
    %slice3A_181 = vector.extract_strided_slice %get3A_6 {offsets = [4], sizes = [1], strides = [1]} : vector<16xi32> to vector<1xi32>
    %squeeze3A_182 = vector.extract %slice3A_181[0] : i32 from vector<1xi32>
    %shift_right_arithmetic3A_183 = arith.constant 3 : i32
    %shift_right_arithmetic3A_184 = arith.shrsi %squeeze3A_182, %shift_right_arithmetic3A_183 : i32
    %slice3A_185 = vector.extract_strided_slice %get3A_6 {offsets = [4], sizes = [1], strides = [1]} : vector<16xi32> to vector<1xi32>
    %squeeze3A_186 = vector.extract %slice3A_185[0] : i32 from vector<1xi32>
    %and3A_187 = arith.constant 7 : i32
    %and3A_188 = arith.andi %squeeze3A_186, %and3A_187 : i32
    %dma_start3A_189 = arith.constant 0 : i32
    %dma_start3A_190 = arith.constant 4 : i32
    %dma_start3A_191 = arith.constant 0 : i32
    %dma_start3A_192 = tpu.memref_slice %arg12[%dma_start3A_189, %dma_start3A_190, %dma_start3A_191] : memref<2x16x64xf32, #tpu.memory_space<vmem>> -> memref<1x1x64xf32, #tpu.memory_space<vmem>>
    %dma_start3A_193 = tpu.memref_squeeze %dma_start3A_192 : memref<1x1x64xf32, #tpu.memory_space<vmem>> -> memref<64xf32, #tpu.memory_space<vmem>>
    %dma_start3A_194 = arith.constant 0 : i32
    %dma_start3A_195 = tpu.memref_slice %arg4[%shift_right_arithmetic3A_184, %and3A_188, %dma_start3A_194] : memref<125000x8x64xf32, #tpu.memory_space<hbm>> -> memref<1x1x64xf32, #tpu.memory_space<hbm>>
    %dma_start3A_196 = tpu.memref_squeeze %dma_start3A_195 : memref<1x1x64xf32, #tpu.memory_space<hbm>> -> memref<64xf32, #tpu.memory_space<hbm>>
    %dma_start3A_197 = arith.constant 0 : i32
    %dma_start3A_198 = tpu.memref_slice %arg12[%dma_start3A_189, %dma_start3A_190, %dma_start3A_197] : memref<2x16x64xf32, #tpu.memory_space<vmem>> -> memref<1x1x64xf32, #tpu.memory_space<vmem>>
    %dma_start3A_199 = tpu.memref_squeeze %dma_start3A_198 : memref<1x1x64xf32, #tpu.memory_space<vmem>> -> memref<64xf32, #tpu.memory_space<vmem>>
    %dma_start3A_200 = arith.constant 0 : i32
    %dma_start3A_201 = tpu.memref_slice %arg4[%shift_right_arithmetic3A_184, %and3A_188, %dma_start3A_200] : memref<125000x8x64xf32, #tpu.memory_space<hbm>> -> memref<1x1x64xf32, #tpu.memory_space<hbm>>
    %dma_start3A_202 = tpu.memref_squeeze %dma_start3A_201 : memref<1x1x64xf32, #tpu.memory_space<hbm>> -> memref<64xf32, #tpu.memory_space<hbm>>
    tpu.enqueue_dma source(%dma_start3A_202 : memref<64xf32, #tpu.memory_space<hbm>>) target(%dma_start3A_199 : memref<64xf32, #tpu.memory_space<vmem>>) target_semaphore(%arg19 : memref<!tpu.dma_semaphore, #tpu.memory_space<semaphore_mem>>)
    %slice3A_203 = vector.extract_strided_slice %get3A_8 {offsets = [4], sizes = [1], strides = [1]} : vector<16xi32> to vector<1xi32>
    %squeeze3A_204 = vector.extract %slice3A_203[0] : i32 from vector<1xi32>
    %shift_right_arithmetic3A_205 = arith.constant 3 : i32
    %shift_right_arithmetic3A_206 = arith.shrsi %squeeze3A_204, %shift_right_arithmetic3A_205 : i32
    %slice3A_207 = vector.extract_strided_slice %get3A_8 {offsets = [4], sizes = [1], strides = [1]} : vector<16xi32> to vector<1xi32>
    %squeeze3A_208 = vector.extract %slice3A_207[0] : i32 from vector<1xi32>
    %and3A_209 = arith.constant 7 : i32
    %and3A_210 = arith.andi %squeeze3A_208, %and3A_209 : i32
    %dma_start3A_211 = arith.constant 0 : i32
    %dma_start3A_212 = arith.constant 4 : i32
    %dma_start3A_213 = arith.constant 0 : i32
    %dma_start3A_214 = tpu.memref_slice %arg13[%dma_start3A_211, %dma_start3A_212, %dma_start3A_213] : memref<2x16x64xf32, #tpu.memory_space<vmem>> -> memref<1x1x64xf32, #tpu.memory_space<vmem>>
    %dma_start3A_215 = tpu.memref_squeeze %dma_start3A_214 : memref<1x1x64xf32, #tpu.memory_space<vmem>> -> memref<64xf32, #tpu.memory_space<vmem>>
    %dma_start3A_216 = arith.constant 0 : i32
    %dma_start3A_217 = tpu.memref_slice %arg6[%shift_right_arithmetic3A_206, %and3A_210, %dma_start3A_216] : memref<125000x8x64xf32, #tpu.memory_space<hbm>> -> memref<1x1x64xf32, #tpu.memory_space<hbm>>
    %dma_start3A_218 = tpu.memref_squeeze %dma_start3A_217 : memref<1x1x64xf32, #tpu.memory_space<hbm>> -> memref<64xf32, #tpu.memory_space<hbm>>
    %dma_start3A_219 = arith.constant 0 : i32
    %dma_start3A_220 = tpu.memref_slice %arg13[%dma_start3A_211, %dma_start3A_212, %dma_start3A_219] : memref<2x16x64xf32, #tpu.memory_space<vmem>> -> memref<1x1x64xf32, #tpu.memory_space<vmem>>
    %dma_start3A_221 = tpu.memref_squeeze %dma_start3A_220 : memref<1x1x64xf32, #tpu.memory_space<vmem>> -> memref<64xf32, #tpu.memory_space<vmem>>
    %dma_start3A_222 = arith.constant 0 : i32
    %dma_start3A_223 = tpu.memref_slice %arg6[%shift_right_arithmetic3A_206, %and3A_210, %dma_start3A_222] : memref<125000x8x64xf32, #tpu.memory_space<hbm>> -> memref<1x1x64xf32, #tpu.memory_space<hbm>>
    %dma_start3A_224 = tpu.memref_squeeze %dma_start3A_223 : memref<1x1x64xf32, #tpu.memory_space<hbm>> -> memref<64xf32, #tpu.memory_space<hbm>>
    tpu.enqueue_dma source(%dma_start3A_224 : memref<64xf32, #tpu.memory_space<hbm>>) target(%dma_start3A_221 : memref<64xf32, #tpu.memory_space<vmem>>) target_semaphore(%arg19 : memref<!tpu.dma_semaphore, #tpu.memory_space<semaphore_mem>>)
    %slice3A_225 = vector.extract_strided_slice %get3A_6 {offsets = [5], sizes = [1], strides = [1]} : vector<16xi32> to vector<1xi32>
    %squeeze3A_226 = vector.extract %slice3A_225[0] : i32 from vector<1xi32>
    %shift_right_arithmetic3A_227 = arith.constant 3 : i32
    %shift_right_arithmetic3A_228 = arith.shrsi %squeeze3A_226, %shift_right_arithmetic3A_227 : i32
    %slice3A_229 = vector.extract_strided_slice %get3A_6 {offsets = [5], sizes = [1], strides = [1]} : vector<16xi32> to vector<1xi32>
    %squeeze3A_230 = vector.extract %slice3A_229[0] : i32 from vector<1xi32>
    %and3A_231 = arith.constant 7 : i32
    %and3A_232 = arith.andi %squeeze3A_230, %and3A_231 : i32
    %dma_start3A_233 = arith.constant 0 : i32
    %dma_start3A_234 = arith.constant 5 : i32
    %dma_start3A_235 = arith.constant 0 : i32
    %dma_start3A_236 = tpu.memref_slice %arg12[%dma_start3A_233, %dma_start3A_234, %dma_start3A_235] : memref<2x16x64xf32, #tpu.memory_space<vmem>> -> memref<1x1x64xf32, #tpu.memory_space<vmem>>
    %dma_start3A_237 = tpu.memref_squeeze %dma_start3A_236 : memref<1x1x64xf32, #tpu.memory_space<vmem>> -> memref<64xf32, #tpu.memory_space<vmem>>
    %dma_start3A_238 = arith.constant 0 : i32
    %dma_start3A_239 = tpu.memref_slice %arg4[%shift_right_arithmetic3A_228, %and3A_232, %dma_start3A_238] : memref<125000x8x64xf32, #tpu.memory_space<hbm>> -> memref<1x1x64xf32, #tpu.memory_space<hbm>>
    %dma_start3A_240 = tpu.memref_squeeze %dma_start3A_239 : memref<1x1x64xf32, #tpu.memory_space<hbm>> -> memref<64xf32, #tpu.memory_space<hbm>>
    %dma_start3A_241 = arith.constant 0 : i32
    %dma_start3A_242 = tpu.memref_slice %arg12[%dma_start3A_233, %dma_start3A_234, %dma_start3A_241] : memref<2x16x64xf32, #tpu.memory_space<vmem>> -> memref<1x1x64xf32, #tpu.memory_space<vmem>>
    %dma_start3A_243 = tpu.memref_squeeze %dma_start3A_242 : memref<1x1x64xf32, #tpu.memory_space<vmem>> -> memref<64xf32, #tpu.memory_space<vmem>>
    %dma_start3A_244 = arith.constant 0 : i32
    %dma_start3A_245 = tpu.memref_slice %arg4[%shift_right_arithmetic3A_228, %and3A_232, %dma_start3A_244] : memref<125000x8x64xf32, #tpu.memory_space<hbm>> -> memref<1x1x64xf32, #tpu.memory_space<hbm>>
    %dma_start3A_246 = tpu.memref_squeeze %dma_start3A_245 : memref<1x1x64xf32, #tpu.memory_space<hbm>> -> memref<64xf32, #tpu.memory_space<hbm>>
    tpu.enqueue_dma source(%dma_start3A_246 : memref<64xf32, #tpu.memory_space<hbm>>) target(%dma_start3A_243 : memref<64xf32, #tpu.memory_space<vmem>>) target_semaphore(%arg19 : memref<!tpu.dma_semaphore, #tpu.memory_space<semaphore_mem>>)
    %slice3A_247 = vector.extract_strided_slice %get3A_8 {offsets = [5], sizes = [1], strides = [1]} : vector<16xi32> to vector<1xi32>
    %squeeze3A_248 = vector.extract %slice3A_247[0] : i32 from vector<1xi32>
    %shift_right_arithmetic3A_249 = arith.constant 3 : i32
    %shift_right_arithmetic3A_250 = arith.shrsi %squeeze3A_248, %shift_right_arithmetic3A_249 : i32
    %slice3A_251 = vector.extract_strided_slice %get3A_8 {offsets = [5], sizes = [1], strides = [1]} : vector<16xi32> to vector<1xi32>
    %squeeze3A_252 = vector.extract %slice3A_251[0] : i32 from vector<1xi32>
    %and3A_253 = arith.constant 7 : i32
    %and3A_254 = arith.andi %squeeze3A_252, %and3A_253 : i32
    %dma_start3A_255 = arith.constant 0 : i32
    %dma_start3A_256 = arith.constant 5 : i32
    %dma_start3A_257 = arith.constant 0 : i32
    %dma_start3A_258 = tpu.memref_slice %arg13[%dma_start3A_255, %dma_start3A_256, %dma_start3A_257] : memref<2x16x64xf32, #tpu.memory_space<vmem>> -> memref<1x1x64xf32, #tpu.memory_space<vmem>>
    %dma_start3A_259 = tpu.memref_squeeze %dma_start3A_258 : memref<1x1x64xf32, #tpu.memory_space<vmem>> -> memref<64xf32, #tpu.memory_space<vmem>>
    %dma_start3A_260 = arith.constant 0 : i32
    %dma_start3A_261 = tpu.memref_slice %arg6[%shift_right_arithmetic3A_250, %and3A_254, %dma_start3A_260] : memref<125000x8x64xf32, #tpu.memory_space<hbm>> -> memref<1x1x64xf32, #tpu.memory_space<hbm>>
    %dma_start3A_262 = tpu.memref_squeeze %dma_start3A_261 : memref<1x1x64xf32, #tpu.memory_space<hbm>> -> memref<64xf32, #tpu.memory_space<hbm>>
    %dma_start3A_263 = arith.constant 0 : i32
    %dma_start3A_264 = tpu.memref_slice %arg13[%dma_start3A_255, %dma_start3A_256, %dma_start3A_263] : memref<2x16x64xf32, #tpu.memory_space<vmem>> -> memref<1x1x64xf32, #tpu.memory_space<vmem>>
    %dma_start3A_265 = tpu.memref_squeeze %dma_start3A_264 : memref<1x1x64xf32, #tpu.memory_space<vmem>> -> memref<64xf32, #tpu.memory_space<vmem>>
    %dma_start3A_266 = arith.constant 0 : i32
    %dma_start3A_267 = tpu.memref_slice %arg6[%shift_right_arithmetic3A_250, %and3A_254, %dma_start3A_266] : memref<125000x8x64xf32, #tpu.memory_space<hbm>> -> memref<1x1x64xf32, #tpu.memory_space<hbm>>
    %dma_start3A_268 = tpu.memref_squeeze %dma_start3A_267 : memref<1x1x64xf32, #tpu.memory_space<hbm>> -> memref<64xf32, #tpu.memory_space<hbm>>
    tpu.enqueue_dma source(%dma_start3A_268 : memref<64xf32, #tpu.memory_space<hbm>>) target(%dma_start3A_265 : memref<64xf32, #tpu.memory_space<vmem>>) target_semaphore(%arg19 : memref<!tpu.dma_semaphore, #tpu.memory_space<semaphore_mem>>)
    %slice3A_269 = vector.extract_strided_slice %get3A_6 {offsets = [6], sizes = [1], strides = [1]} : vector<16xi32> to vector<1xi32>
    %squeeze3A_270 = vector.extract %slice3A_269[0] : i32 from vector<1xi32>
    %shift_right_arithmetic3A_271 = arith.constant 3 : i32
    %shift_right_arithmetic3A_272 = arith.shrsi %squeeze3A_270, %shift_right_arithmetic3A_271 : i32
    %slice3A_273 = vector.extract_strided_slice %get3A_6 {offsets = [6], sizes = [1], strides = [1]} : vector<16xi32> to vector<1xi32>
    %squeeze3A_274 = vector.extract %slice3A_273[0] : i32 from vector<1xi32>
    %and3A_275 = arith.constant 7 : i32
    %and3A_276 = arith.andi %squeeze3A_274, %and3A_275 : i32
    %dma_start3A_277 = arith.constant 0 : i32
    %dma_start3A_278 = arith.constant 6 : i32
    %dma_start3A_279 = arith.constant 0 : i32
    %dma_start3A_280 = tpu.memref_slice %arg12[%dma_start3A_277, %dma_start3A_278, %dma_start3A_279] : memref<2x16x64xf32, #tpu.memory_space<vmem>> -> memref<1x1x64xf32, #tpu.memory_space<vmem>>
    %dma_start3A_281 = tpu.memref_squeeze %dma_start3A_280 : memref<1x1x64xf32, #tpu.memory_space<vmem>> -> memref<64xf32, #tpu.memory_space<vmem>>
    %dma_start3A_282 = arith.constant 0 : i32
    %dma_start3A_283 = tpu.memref_slice %arg4[%shift_right_arithmetic3A_272, %and3A_276, %dma_start3A_282] : memref<125000x8x64xf32, #tpu.memory_space<hbm>> -> memref<1x1x64xf32, #tpu.memory_space<hbm>>
    %dma_start3A_284 = tpu.memref_squeeze %dma_start3A_283 : memref<1x1x64xf32, #tpu.memory_space<hbm>> -> memref<64xf32, #tpu.memory_space<hbm>>
    %dma_start3A_285 = arith.constant 0 : i32
    %dma_start3A_286 = tpu.memref_slice %arg12[%dma_start3A_277, %dma_start3A_278, %dma_start3A_285] : memref<2x16x64xf32, #tpu.memory_space<vmem>> -> memref<1x1x64xf32, #tpu.memory_space<vmem>>
    %dma_start3A_287 = tpu.memref_squeeze %dma_start3A_286 : memref<1x1x64xf32, #tpu.memory_space<vmem>> -> memref<64xf32, #tpu.memory_space<vmem>>
    %dma_start3A_288 = arith.constant 0 : i32
    %dma_start3A_289 = tpu.memref_slice %arg4[%shift_right_arithmetic3A_272, %and3A_276, %dma_start3A_288] : memref<125000x8x64xf32, #tpu.memory_space<hbm>> -> memref<1x1x64xf32, #tpu.memory_space<hbm>>
    %dma_start3A_290 = tpu.memref_squeeze %dma_start3A_289 : memref<1x1x64xf32, #tpu.memory_space<hbm>> -> memref<64xf32, #tpu.memory_space<hbm>>
    tpu.enqueue_dma source(%dma_start3A_290 : memref<64xf32, #tpu.memory_space<hbm>>) target(%dma_start3A_287 : memref<64xf32, #tpu.memory_space<vmem>>) target_semaphore(%arg19 : memref<!tpu.dma_semaphore, #tpu.memory_space<semaphore_mem>>)
    %slice3A_291 = vector.extract_strided_slice %get3A_8 {offsets = [6], sizes = [1], strides = [1]} : vector<16xi32> to vector<1xi32>
    %squeeze3A_292 = vector.extract %slice3A_291[0] : i32 from vector<1xi32>
    %shift_right_arithmetic3A_293 = arith.constant 3 : i32
    %shift_right_arithmetic3A_294 = arith.shrsi %squeeze3A_292, %shift_right_arithmetic3A_293 : i32
    %slice3A_295 = vector.extract_strided_slice %get3A_8 {offsets = [6], sizes = [1], strides = [1]} : vector<16xi32> to vector<1xi32>
    %squeeze3A_296 = vector.extract %slice3A_295[0] : i32 from vector<1xi32>
    %and3A_297 = arith.constant 7 : i32
    %and3A_298 = arith.andi %squeeze3A_296, %and3A_297 : i32
    %dma_start3A_299 = arith.constant 0 : i32
    %dma_start3A_300 = arith.constant 6 : i32
    %dma_start3A_301 = arith.constant 0 : i32
    %dma_start3A_302 = tpu.memref_slice %arg13[%dma_start3A_299, %dma_start3A_300, %dma_start3A_301] : memref<2x16x64xf32, #tpu.memory_space<vmem>> -> memref<1x1x64xf32, #tpu.memory_space<vmem>>
    %dma_start3A_303 = tpu.memref_squeeze %dma_start3A_302 : memref<1x1x64xf32, #tpu.memory_space<vmem>> -> memref<64xf32, #tpu.memory_space<vmem>>
    %dma_start3A_304 = arith.constant 0 : i32
    %dma_start3A_305 = tpu.memref_slice %arg6[%shift_right_arithmetic3A_294, %and3A_298, %dma_start3A_304] : memref<125000x8x64xf32, #tpu.memory_space<hbm>> -> memref<1x1x64xf32, #tpu.memory_space<hbm>>
    %dma_start3A_306 = tpu.memref_squeeze %dma_start3A_305 : memref<1x1x64xf32, #tpu.memory_space<hbm>> -> memref<64xf32, #tpu.memory_space<hbm>>
    %dma_start3A_307 = arith.constant 0 : i32
    %dma_start3A_308 = tpu.memref_slice %arg13[%dma_start3A_299, %dma_start3A_300, %dma_start3A_307] : memref<2x16x64xf32, #tpu.memory_space<vmem>> -> memref<1x1x64xf32, #tpu.memory_space<vmem>>
    %dma_start3A_309 = tpu.memref_squeeze %dma_start3A_308 : memref<1x1x64xf32, #tpu.memory_space<vmem>> -> memref<64xf32, #tpu.memory_space<vmem>>
    %dma_start3A_310 = arith.constant 0 : i32
    %dma_start3A_311 = tpu.memref_slice %arg6[%shift_right_arithmetic3A_294, %and3A_298, %dma_start3A_310] : memref<125000x8x64xf32, #tpu.memory_space<hbm>> -> memref<1x1x64xf32, #tpu.memory_space<hbm>>
    %dma_start3A_312 = tpu.memref_squeeze %dma_start3A_311 : memref<1x1x64xf32, #tpu.memory_space<hbm>> -> memref<64xf32, #tpu.memory_space<hbm>>
    tpu.enqueue_dma source(%dma_start3A_312 : memref<64xf32, #tpu.memory_space<hbm>>) target(%dma_start3A_309 : memref<64xf32, #tpu.memory_space<vmem>>) target_semaphore(%arg19 : memref<!tpu.dma_semaphore, #tpu.memory_space<semaphore_mem>>)
    %slice3A_313 = vector.extract_strided_slice %get3A_6 {offsets = [7], sizes = [1], strides = [1]} : vector<16xi32> to vector<1xi32>
    %squeeze3A_314 = vector.extract %slice3A_313[0] : i32 from vector<1xi32>
    %shift_right_arithmetic3A_315 = arith.constant 3 : i32
    %shift_right_arithmetic3A_316 = arith.shrsi %squeeze3A_314, %shift_right_arithmetic3A_315 : i32
    %slice3A_317 = vector.extract_strided_slice %get3A_6 {offsets = [7], sizes = [1], strides = [1]} : vector<16xi32> to vector<1xi32>
    %squeeze3A_318 = vector.extract %slice3A_317[0] : i32 from vector<1xi32>
    %and3A_319 = arith.constant 7 : i32
    %and3A_320 = arith.andi %squeeze3A_318, %and3A_319 : i32
    %dma_start3A_321 = arith.constant 0 : i32
    %dma_start3A_322 = arith.constant 7 : i32
    %dma_start3A_323 = arith.constant 0 : i32
    %dma_start3A_324 = tpu.memref_slice %arg12[%dma_start3A_321, %dma_start3A_322, %dma_start3A_323] : memref<2x16x64xf32, #tpu.memory_space<vmem>> -> memref<1x1x64xf32, #tpu.memory_space<vmem>>
    %dma_start3A_325 = tpu.memref_squeeze %dma_start3A_324 : memref<1x1x64xf32, #tpu.memory_space<vmem>> -> memref<64xf32, #tpu.memory_space<vmem>>
    %dma_start3A_326 = arith.constant 0 : i32
    %dma_start3A_327 = tpu.memref_slice %arg4[%shift_right_arithmetic3A_316, %and3A_320, %dma_start3A_326] : memref<125000x8x64xf32, #tpu.memory_space<hbm>> -> memref<1x1x64xf32, #tpu.memory_space<hbm>>
    %dma_start3A_328 = tpu.memref_squeeze %dma_start3A_327 : memref<1x1x64xf32, #tpu.memory_space<hbm>> -> memref<64xf32, #tpu.memory_space<hbm>>
    %dma_start3A_329 = arith.constant 0 : i32
    %dma_start3A_330 = tpu.memref_slice %arg12[%dma_start3A_321, %dma_start3A_322, %dma_start3A_329] : memref<2x16x64xf32, #tpu.memory_space<vmem>> -> memref<1x1x64xf32, #tpu.memory_space<vmem>>
    %dma_start3A_331 = tpu.memref_squeeze %dma_start3A_330 : memref<1x1x64xf32, #tpu.memory_space<vmem>> -> memref<64xf32, #tpu.memory_space<vmem>>
    %dma_start3A_332 = arith.constant 0 : i32
    %dma_start3A_333 = tpu.memref_slice %arg4[%shift_right_arithmetic3A_316, %and3A_320, %dma_start3A_332] : memref<125000x8x64xf32, #tpu.memory_space<hbm>> -> memref<1x1x64xf32, #tpu.memory_space<hbm>>
    %dma_start3A_334 = tpu.memref_squeeze %dma_start3A_333 : memref<1x1x64xf32, #tpu.memory_space<hbm>> -> memref<64xf32, #tpu.memory_space<hbm>>
    tpu.enqueue_dma source(%dma_start3A_334 : memref<64xf32, #tpu.memory_space<hbm>>) target(%dma_start3A_331 : memref<64xf32, #tpu.memory_space<vmem>>) target_semaphore(%arg19 : memref<!tpu.dma_semaphore, #tpu.memory_space<semaphore_mem>>)
    %slice3A_335 = vector.extract_strided_slice %get3A_8 {offsets = [7], sizes = [1], strides = [1]} : vector<16xi32> to vector<1xi32>
    %squeeze3A_336 = vector.extract %slice3A_335[0] : i32 from vector<1xi32>
    %shift_right_arithmetic3A_337 = arith.constant 3 : i32
    %shift_right_arithmetic3A_338 = arith.shrsi %squeeze3A_336, %shift_right_arithmetic3A_337 : i32
    %slice3A_339 = vector.extract_strided_slice %get3A_8 {offsets = [7], sizes = [1], strides = [1]} : vector<16xi32> to vector<1xi32>
    %squeeze3A_340 = vector.extract %slice3A_339[0] : i32 from vector<1xi32>
    %and3A_341 = arith.constant 7 : i32
    %and3A_342 = arith.andi %squeeze3A_340, %and3A_341 : i32
    %dma_start3A_343 = arith.constant 0 : i32
    %dma_start3A_344 = arith.constant 7 : i32
    %dma_start3A_345 = arith.constant 0 : i32
    %dma_start3A_346 = tpu.memref_slice %arg13[%dma_start3A_343, %dma_start3A_344, %dma_start3A_345] : memref<2x16x64xf32, #tpu.memory_space<vmem>> -> memref<1x1x64xf32, #tpu.memory_space<vmem>>
    %dma_start3A_347 = tpu.memref_squeeze %dma_start3A_346 : memref<1x1x64xf32, #tpu.memory_space<vmem>> -> memref<64xf32, #tpu.memory_space<vmem>>
    %dma_start3A_348 = arith.constant 0 : i32
    %dma_start3A_349 = tpu.memref_slice %arg6[%shift_right_arithmetic3A_338, %and3A_342, %dma_start3A_348] : memref<125000x8x64xf32, #tpu.memory_space<hbm>> -> memref<1x1x64xf32, #tpu.memory_space<hbm>>
    %dma_start3A_350 = tpu.memref_squeeze %dma_start3A_349 : memref<1x1x64xf32, #tpu.memory_space<hbm>> -> memref<64xf32, #tpu.memory_space<hbm>>
    %dma_start3A_351 = arith.constant 0 : i32
    %dma_start3A_352 = tpu.memref_slice %arg13[%dma_start3A_343, %dma_start3A_344, %dma_start3A_351] : memref<2x16x64xf32, #tpu.memory_space<vmem>> -> memref<1x1x64xf32, #tpu.memory_space<vmem>>
    %dma_start3A_353 = tpu.memref_squeeze %dma_start3A_352 : memref<1x1x64xf32, #tpu.memory_space<vmem>> -> memref<64xf32, #tpu.memory_space<vmem>>
    %dma_start3A_354 = arith.constant 0 : i32
    %dma_start3A_355 = tpu.memref_slice %arg6[%shift_right_arithmetic3A_338, %and3A_342, %dma_start3A_354] : memref<125000x8x64xf32, #tpu.memory_space<hbm>> -> memref<1x1x64xf32, #tpu.memory_space<hbm>>
    %dma_start3A_356 = tpu.memref_squeeze %dma_start3A_355 : memref<1x1x64xf32, #tpu.memory_space<hbm>> -> memref<64xf32, #tpu.memory_space<hbm>>
    tpu.enqueue_dma source(%dma_start3A_356 : memref<64xf32, #tpu.memory_space<hbm>>) target(%dma_start3A_353 : memref<64xf32, #tpu.memory_space<vmem>>) target_semaphore(%arg19 : memref<!tpu.dma_semaphore, #tpu.memory_space<semaphore_mem>>)
    %slice3A_357 = vector.extract_strided_slice %get3A_6 {offsets = [8], sizes = [1], strides = [1]} : vector<16xi32> to vector<1xi32>
    %squeeze3A_358 = vector.extract %slice3A_357[0] : i32 from vector<1xi32>
    %shift_right_arithmetic3A_359 = arith.constant 3 : i32
    %shift_right_arithmetic3A_360 = arith.shrsi %squeeze3A_358, %shift_right_arithmetic3A_359 : i32
    %slice3A_361 = vector.extract_strided_slice %get3A_6 {offsets = [8], sizes = [1], strides = [1]} : vector<16xi32> to vector<1xi32>
    %squeeze3A_362 = vector.extract %slice3A_361[0] : i32 from vector<1xi32>
    %and3A_363 = arith.constant 7 : i32
    %and3A_364 = arith.andi %squeeze3A_362, %and3A_363 : i32
    %dma_start3A_365 = arith.constant 0 : i32
    %dma_start3A_366 = arith.constant 8 : i32
    %dma_start3A_367 = arith.constant 0 : i32
    %dma_start3A_368 = tpu.memref_slice %arg12[%dma_start3A_365, %dma_start3A_366, %dma_start3A_367] : memref<2x16x64xf32, #tpu.memory_space<vmem>> -> memref<1x1x64xf32, #tpu.memory_space<vmem>>
    %dma_start3A_369 = tpu.memref_squeeze %dma_start3A_368 : memref<1x1x64xf32, #tpu.memory_space<vmem>> -> memref<64xf32, #tpu.memory_space<vmem>>
    %dma_start3A_370 = arith.constant 0 : i32
    %dma_start3A_371 = tpu.memref_slice %arg4[%shift_right_arithmetic3A_360, %and3A_364, %dma_start3A_370] : memref<125000x8x64xf32, #tpu.memory_space<hbm>> -> memref<1x1x64xf32, #tpu.memory_space<hbm>>
    %dma_start3A_372 = tpu.memref_squeeze %dma_start3A_371 : memref<1x1x64xf32, #tpu.memory_space<hbm>> -> memref<64xf32, #tpu.memory_space<hbm>>
    %dma_start3A_373 = arith.constant 0 : i32
    %dma_start3A_374 = tpu.memref_slice %arg12[%dma_start3A_365, %dma_start3A_366, %dma_start3A_373] : memref<2x16x64xf32, #tpu.memory_space<vmem>> -> memref<1x1x64xf32, #tpu.memory_space<vmem>>
    %dma_start3A_375 = tpu.memref_squeeze %dma_start3A_374 : memref<1x1x64xf32, #tpu.memory_space<vmem>> -> memref<64xf32, #tpu.memory_space<vmem>>
    %dma_start3A_376 = arith.constant 0 : i32
    %dma_start3A_377 = tpu.memref_slice %arg4[%shift_right_arithmetic3A_360, %and3A_364, %dma_start3A_376] : memref<125000x8x64xf32, #tpu.memory_space<hbm>> -> memref<1x1x64xf32, #tpu.memory_space<hbm>>
    %dma_start3A_378 = tpu.memref_squeeze %dma_start3A_377 : memref<1x1x64xf32, #tpu.memory_space<hbm>> -> memref<64xf32, #tpu.memory_space<hbm>>
    tpu.enqueue_dma source(%dma_start3A_378 : memref<64xf32, #tpu.memory_space<hbm>>) target(%dma_start3A_375 : memref<64xf32, #tpu.memory_space<vmem>>) target_semaphore(%arg19 : memref<!tpu.dma_semaphore, #tpu.memory_space<semaphore_mem>>)
    %slice3A_379 = vector.extract_strided_slice %get3A_8 {offsets = [8], sizes = [1], strides = [1]} : vector<16xi32> to vector<1xi32>
    %squeeze3A_380 = vector.extract %slice3A_379[0] : i32 from vector<1xi32>
    %shift_right_arithmetic3A_381 = arith.constant 3 : i32
    %shift_right_arithmetic3A_382 = arith.shrsi %squeeze3A_380, %shift_right_arithmetic3A_381 : i32
    %slice3A_383 = vector.extract_strided_slice %get3A_8 {offsets = [8], sizes = [1], strides = [1]} : vector<16xi32> to vector<1xi32>
    %squeeze3A_384 = vector.extract %slice3A_383[0] : i32 from vector<1xi32>
    %and3A_385 = arith.constant 7 : i32
    %and3A_386 = arith.andi %squeeze3A_384, %and3A_385 : i32
    %dma_start3A_387 = arith.constant 0 : i32
    %dma_start3A_388 = arith.constant 8 : i32
    %dma_start3A_389 = arith.constant 0 : i32
    %dma_start3A_390 = tpu.memref_slice %arg13[%dma_start3A_387, %dma_start3A_388, %dma_start3A_389] : memref<2x16x64xf32, #tpu.memory_space<vmem>> -> memref<1x1x64xf32, #tpu.memory_space<vmem>>
    %dma_start3A_391 = tpu.memref_squeeze %dma_start3A_390 : memref<1x1x64xf32, #tpu.memory_space<vmem>> -> memref<64xf32, #tpu.memory_space<vmem>>
    %dma_start3A_392 = arith.constant 0 : i32
    %dma_start3A_393 = tpu.memref_slice %arg6[%shift_right_arithmetic3A_382, %and3A_386, %dma_start3A_392] : memref<125000x8x64xf32, #tpu.memory_space<hbm>> -> memref<1x1x64xf32, #tpu.memory_space<hbm>>
    %dma_start3A_394 = tpu.memref_squeeze %dma_start3A_393 : memref<1x1x64xf32, #tpu.memory_space<hbm>> -> memref<64xf32, #tpu.memory_space<hbm>>
    %dma_start3A_395 = arith.constant 0 : i32
    %dma_start3A_396 = tpu.memref_slice %arg13[%dma_start3A_387, %dma_start3A_388, %dma_start3A_395] : memref<2x16x64xf32, #tpu.memory_space<vmem>> -> memref<1x1x64xf32, #tpu.memory_space<vmem>>
    %dma_start3A_397 = tpu.memref_squeeze %dma_start3A_396 : memref<1x1x64xf32, #tpu.memory_space<vmem>> -> memref<64xf32, #tpu.memory_space<vmem>>
    %dma_start3A_398 = arith.constant 0 : i32
    %dma_start3A_399 = tpu.memref_slice %arg6[%shift_right_arithmetic3A_382, %and3A_386, %dma_start3A_398] : memref<125000x8x64xf32, #tpu.memory_space<hbm>> -> memref<1x1x64xf32, #tpu.memory_space<hbm>>
    %dma_start3A_400 = tpu.memref_squeeze %dma_start3A_399 : memref<1x1x64xf32, #tpu.memory_space<hbm>> -> memref<64xf32, #tpu.memory_space<hbm>>
    tpu.enqueue_dma source(%dma_start3A_400 : memref<64xf32, #tpu.memory_space<hbm>>) target(%dma_start3A_397 : memref<64xf32, #tpu.memory_space<vmem>>) target_semaphore(%arg19 : memref<!tpu.dma_semaphore, #tpu.memory_space<semaphore_mem>>)
    %slice3A_401 = vector.extract_strided_slice %get3A_6 {offsets = [9], sizes = [1], strides = [1]} : vector<16xi32> to vector<1xi32>
    %squeeze3A_402 = vector.extract %slice3A_401[0] : i32 from vector<1xi32>
    %shift_right_arithmetic3A_403 = arith.constant 3 : i32
    %shift_right_arithmetic3A_404 = arith.shrsi %squeeze3A_402, %shift_right_arithmetic3A_403 : i32
    %slice3A_405 = vector.extract_strided_slice %get3A_6 {offsets = [9], sizes = [1], strides = [1]} : vector<16xi32> to vector<1xi32>
    %squeeze3A_406 = vector.extract %slice3A_405[0] : i32 from vector<1xi32>
    %and3A_407 = arith.constant 7 : i32
    %and3A_408 = arith.andi %squeeze3A_406, %and3A_407 : i32
    %dma_start3A_409 = arith.constant 0 : i32
    %dma_start3A_410 = arith.constant 9 : i32
    %dma_start3A_411 = arith.constant 0 : i32
    %dma_start3A_412 = tpu.memref_slice %arg12[%dma_start3A_409, %dma_start3A_410, %dma_start3A_411] : memref<2x16x64xf32, #tpu.memory_space<vmem>> -> memref<1x1x64xf32, #tpu.memory_space<vmem>>
    %dma_start3A_413 = tpu.memref_squeeze %dma_start3A_412 : memref<1x1x64xf32, #tpu.memory_space<vmem>> -> memref<64xf32, #tpu.memory_space<vmem>>
    %dma_start3A_414 = arith.constant 0 : i32
    %dma_start3A_415 = tpu.memref_slice %arg4[%shift_right_arithmetic3A_404, %and3A_408, %dma_start3A_414] : memref<125000x8x64xf32, #tpu.memory_space<hbm>> -> memref<1x1x64xf32, #tpu.memory_space<hbm>>
    %dma_start3A_416 = tpu.memref_squeeze %dma_start3A_415 : memref<1x1x64xf32, #tpu.memory_space<hbm>> -> memref<64xf32, #tpu.memory_space<hbm>>
    %dma_start3A_417 = arith.constant 0 : i32
    %dma_start3A_418 = tpu.memref_slice %arg12[%dma_start3A_409, %dma_start3A_410, %dma_start3A_417] : memref<2x16x64xf32, #tpu.memory_space<vmem>> -> memref<1x1x64xf32, #tpu.memory_space<vmem>>
    %dma_start3A_419 = tpu.memref_squeeze %dma_start3A_418 : memref<1x1x64xf32, #tpu.memory_space<vmem>> -> memref<64xf32, #tpu.memory_space<vmem>>
    %dma_start3A_420 = arith.constant 0 : i32
    %dma_start3A_421 = tpu.memref_slice %arg4[%shift_right_arithmetic3A_404, %and3A_408, %dma_start3A_420] : memref<125000x8x64xf32, #tpu.memory_space<hbm>> -> memref<1x1x64xf32, #tpu.memory_space<hbm>>
    %dma_start3A_422 = tpu.memref_squeeze %dma_start3A_421 : memref<1x1x64xf32, #tpu.memory_space<hbm>> -> memref<64xf32, #tpu.memory_space<hbm>>
    tpu.enqueue_dma source(%dma_start3A_422 : memref<64xf32, #tpu.memory_space<hbm>>) target(%dma_start3A_419 : memref<64xf32, #tpu.memory_space<vmem>>) target_semaphore(%arg19 : memref<!tpu.dma_semaphore, #tpu.memory_space<semaphore_mem>>)
    %slice3A_423 = vector.extract_strided_slice %get3A_8 {offsets = [9], sizes = [1], strides = [1]} : vector<16xi32> to vector<1xi32>
    %squeeze3A_424 = vector.extract %slice3A_423[0] : i32 from vector<1xi32>
    %shift_right_arithmetic3A_425 = arith.constant 3 : i32
    %shift_right_arithmetic3A_426 = arith.shrsi %squeeze3A_424, %shift_right_arithmetic3A_425 : i32
    %slice3A_427 = vector.extract_strided_slice %get3A_8 {offsets = [9], sizes = [1], strides = [1]} : vector<16xi32> to vector<1xi32>
    %squeeze3A_428 = vector.extract %slice3A_427[0] : i32 from vector<1xi32>
    %and3A_429 = arith.constant 7 : i32
    %and3A_430 = arith.andi %squeeze3A_428, %and3A_429 : i32
    %dma_start3A_431 = arith.constant 0 : i32
    %dma_start3A_432 = arith.constant 9 : i32
    %dma_start3A_433 = arith.constant 0 : i32
    %dma_start3A_434 = tpu.memref_slice %arg13[%dma_start3A_431, %dma_start3A_432, %dma_start3A_433] : memref<2x16x64xf32, #tpu.memory_space<vmem>> -> memref<1x1x64xf32, #tpu.memory_space<vmem>>
    %dma_start3A_435 = tpu.memref_squeeze %dma_start3A_434 : memref<1x1x64xf32, #tpu.memory_space<vmem>> -> memref<64xf32, #tpu.memory_space<vmem>>
    %dma_start3A_436 = arith.constant 0 : i32
    %dma_start3A_437 = tpu.memref_slice %arg6[%shift_right_arithmetic3A_426, %and3A_430, %dma_start3A_436] : memref<125000x8x64xf32, #tpu.memory_space<hbm>> -> memref<1x1x64xf32, #tpu.memory_space<hbm>>
    %dma_start3A_438 = tpu.memref_squeeze %dma_start3A_437 : memref<1x1x64xf32, #tpu.memory_space<hbm>> -> memref<64xf32, #tpu.memory_space<hbm>>
    %dma_start3A_439 = arith.constant 0 : i32
    %dma_start3A_440 = tpu.memref_slice %arg13[%dma_start3A_431, %dma_start3A_432, %dma_start3A_439] : memref<2x16x64xf32, #tpu.memory_space<vmem>> -> memref<1x1x64xf32, #tpu.memory_space<vmem>>
    %dma_start3A_441 = tpu.memref_squeeze %dma_start3A_440 : memref<1x1x64xf32, #tpu.memory_space<vmem>> -> memref<64xf32, #tpu.memory_space<vmem>>
    %dma_start3A_442 = arith.constant 0 : i32
    %dma_start3A_443 = tpu.memref_slice %arg6[%shift_right_arithmetic3A_426, %and3A_430, %dma_start3A_442] : memref<125000x8x64xf32, #tpu.memory_space<hbm>> -> memref<1x1x64xf32, #tpu.memory_space<hbm>>
    %dma_start3A_444 = tpu.memref_squeeze %dma_start3A_443 : memref<1x1x64xf32, #tpu.memory_space<hbm>> -> memref<64xf32, #tpu.memory_space<hbm>>
    tpu.enqueue_dma source(%dma_start3A_444 : memref<64xf32, #tpu.memory_space<hbm>>) target(%dma_start3A_441 : memref<64xf32, #tpu.memory_space<vmem>>) target_semaphore(%arg19 : memref<!tpu.dma_semaphore, #tpu.memory_space<semaphore_mem>>)
    %slice3A_445 = vector.extract_strided_slice %get3A_6 {offsets = [10], sizes = [1], strides = [1]} : vector<16xi32> to vector<1xi32>
    %squeeze3A_446 = vector.extract %slice3A_445[0] : i32 from vector<1xi32>
    %shift_right_arithmetic3A_447 = arith.constant 3 : i32
    %shift_right_arithmetic3A_448 = arith.shrsi %squeeze3A_446, %shift_right_arithmetic3A_447 : i32
    %slice3A_449 = vector.extract_strided_slice %get3A_6 {offsets = [10], sizes = [1], strides = [1]} : vector<16xi32> to vector<1xi32>
    %squeeze3A_450 = vector.extract %slice3A_449[0] : i32 from vector<1xi32>
    %and3A_451 = arith.constant 7 : i32
    %and3A_452 = arith.andi %squeeze3A_450, %and3A_451 : i32
    %dma_start3A_453 = arith.constant 0 : i32
    %dma_start3A_454 = arith.constant 10 : i32
    %dma_start3A_455 = arith.constant 0 : i32
    %dma_start3A_456 = tpu.memref_slice %arg12[%dma_start3A_453, %dma_start3A_454, %dma_start3A_455] : memref<2x16x64xf32, #tpu.memory_space<vmem>> -> memref<1x1x64xf32, #tpu.memory_space<vmem>>
    %dma_start3A_457 = tpu.memref_squeeze %dma_start3A_456 : memref<1x1x64xf32, #tpu.memory_space<vmem>> -> memref<64xf32, #tpu.memory_space<vmem>>
    %dma_start3A_458 = arith.constant 0 : i32
    %dma_start3A_459 = tpu.memref_slice %arg4[%shift_right_arithmetic3A_448, %and3A_452, %dma_start3A_458] : memref<125000x8x64xf32, #tpu.memory_space<hbm>> -> memref<1x1x64xf32, #tpu.memory_space<hbm>>
    %dma_start3A_460 = tpu.memref_squeeze %dma_start3A_459 : memref<1x1x64xf32, #tpu.memory_space<hbm>> -> memref<64xf32, #tpu.memory_space<hbm>>
    %dma_start3A_461 = arith.constant 0 : i32
    %dma_start3A_462 = tpu.memref_slice %arg12[%dma_start3A_453, %dma_start3A_454, %dma_start3A_461] : memref<2x16x64xf32, #tpu.memory_space<vmem>> -> memref<1x1x64xf32, #tpu.memory_space<vmem>>
    %dma_start3A_463 = tpu.memref_squeeze %dma_start3A_462 : memref<1x1x64xf32, #tpu.memory_space<vmem>> -> memref<64xf32, #tpu.memory_space<vmem>>
    %dma_start3A_464 = arith.constant 0 : i32
    %dma_start3A_465 = tpu.memref_slice %arg4[%shift_right_arithmetic3A_448, %and3A_452, %dma_start3A_464] : memref<125000x8x64xf32, #tpu.memory_space<hbm>> -> memref<1x1x64xf32, #tpu.memory_space<hbm>>
    %dma_start3A_466 = tpu.memref_squeeze %dma_start3A_465 : memref<1x1x64xf32, #tpu.memory_space<hbm>> -> memref<64xf32, #tpu.memory_space<hbm>>
    tpu.enqueue_dma source(%dma_start3A_466 : memref<64xf32, #tpu.memory_space<hbm>>) target(%dma_start3A_463 : memref<64xf32, #tpu.memory_space<vmem>>) target_semaphore(%arg19 : memref<!tpu.dma_semaphore, #tpu.memory_space<semaphore_mem>>)
    %slice3A_467 = vector.extract_strided_slice %get3A_8 {offsets = [10], sizes = [1], strides = [1]} : vector<16xi32> to vector<1xi32>
    %squeeze3A_468 = vector.extract %slice3A_467[0] : i32 from vector<1xi32>
    %shift_right_arithmetic3A_469 = arith.constant 3 : i32
    %shift_right_arithmetic3A_470 = arith.shrsi %squeeze3A_468, %shift_right_arithmetic3A_469 : i32
    %slice3A_471 = vector.extract_strided_slice %get3A_8 {offsets = [10], sizes = [1], strides = [1]} : vector<16xi32> to vector<1xi32>
    %squeeze3A_472 = vector.extract %slice3A_471[0] : i32 from vector<1xi32>
    %and3A_473 = arith.constant 7 : i32
    %and3A_474 = arith.andi %squeeze3A_472, %and3A_473 : i32
    %dma_start3A_475 = arith.constant 0 : i32
    %dma_start3A_476 = arith.constant 10 : i32
    %dma_start3A_477 = arith.constant 0 : i32
    %dma_start3A_478 = tpu.memref_slice %arg13[%dma_start3A_475, %dma_start3A_476, %dma_start3A_477] : memref<2x16x64xf32, #tpu.memory_space<vmem>> -> memref<1x1x64xf32, #tpu.memory_space<vmem>>
    %dma_start3A_479 = tpu.memref_squeeze %dma_start3A_478 : memref<1x1x64xf32, #tpu.memory_space<vmem>> -> memref<64xf32, #tpu.memory_space<vmem>>
    %dma_start3A_480 = arith.constant 0 : i32
    %dma_start3A_481 = tpu.memref_slice %arg6[%shift_right_arithmetic3A_470, %and3A_474, %dma_start3A_480] : memref<125000x8x64xf32, #tpu.memory_space<hbm>> -> memref<1x1x64xf32, #tpu.memory_space<hbm>>
    %dma_start3A_482 = tpu.memref_squeeze %dma_start3A_481 : memref<1x1x64xf32, #tpu.memory_space<hbm>> -> memref<64xf32, #tpu.memory_space<hbm>>
    %dma_start3A_483 = arith.constant 0 : i32
    %dma_start3A_484 = tpu.memref_slice %arg13[%dma_start3A_475, %dma_start3A_476, %dma_start3A_483] : memref<2x16x64xf32, #tpu.memory_space<vmem>> -> memref<1x1x64xf32, #tpu.memory_space<vmem>>
    %dma_start3A_485 = tpu.memref_squeeze %dma_start3A_484 : memref<1x1x64xf32, #tpu.memory_space<vmem>> -> memref<64xf32, #tpu.memory_space<vmem>>
    %dma_start3A_486 = arith.constant 0 : i32
    %dma_start3A_487 = tpu.memref_slice %arg6[%shift_right_arithmetic3A_470, %and3A_474, %dma_start3A_486] : memref<125000x8x64xf32, #tpu.memory_space<hbm>> -> memref<1x1x64xf32, #tpu.memory_space<hbm>>
    %dma_start3A_488 = tpu.memref_squeeze %dma_start3A_487 : memref<1x1x64xf32, #tpu.memory_space<hbm>> -> memref<64xf32, #tpu.memory_space<hbm>>
    tpu.enqueue_dma source(%dma_start3A_488 : memref<64xf32, #tpu.memory_space<hbm>>) target(%dma_start3A_485 : memref<64xf32, #tpu.memory_space<vmem>>) target_semaphore(%arg19 : memref<!tpu.dma_semaphore, #tpu.memory_space<semaphore_mem>>)
    %slice3A_489 = vector.extract_strided_slice %get3A_6 {offsets = [11], sizes = [1], strides = [1]} : vector<16xi32> to vector<1xi32>
    %squeeze3A_490 = vector.extract %slice3A_489[0] : i32 from vector<1xi32>
    %shift_right_arithmetic3A_491 = arith.constant 3 : i32
    %shift_right_arithmetic3A_492 = arith.shrsi %squeeze3A_490, %shift_right_arithmetic3A_491 : i32
    %slice3A_493 = vector.extract_strided_slice %get3A_6 {offsets = [11], sizes = [1], strides = [1]} : vector<16xi32> to vector<1xi32>
    %squeeze3A_494 = vector.extract %slice3A_493[0] : i32 from vector<1xi32>
    %and3A_495 = arith.constant 7 : i32
    %and3A_496 = arith.andi %squeeze3A_494, %and3A_495 : i32
    %dma_start3A_497 = arith.constant 0 : i32
    %dma_start3A_498 = arith.constant 11 : i32
    %dma_start3A_499 = arith.constant 0 : i32
    %dma_start3A_500 = tpu.memref_slice %arg12[%dma_start3A_497, %dma_start3A_498, %dma_start3A_499] : memref<2x16x64xf32, #tpu.memory_space<vmem>> -> memref<1x1x64xf32, #tpu.memory_space<vmem>>
    %dma_start3A_501 = tpu.memref_squeeze %dma_start3A_500 : memref<1x1x64xf32, #tpu.memory_space<vmem>> -> memref<64xf32, #tpu.memory_space<vmem>>
    %dma_start3A_502 = arith.constant 0 : i32
    %dma_start3A_503 = tpu.memref_slice %arg4[%shift_right_arithmetic3A_492, %and3A_496, %dma_start3A_502] : memref<125000x8x64xf32, #tpu.memory_space<hbm>> -> memref<1x1x64xf32, #tpu.memory_space<hbm>>
    %dma_start3A_504 = tpu.memref_squeeze %dma_start3A_503 : memref<1x1x64xf32, #tpu.memory_space<hbm>> -> memref<64xf32, #tpu.memory_space<hbm>>
    %dma_start3A_505 = arith.constant 0 : i32
    %dma_start3A_506 = tpu.memref_slice %arg12[%dma_start3A_497, %dma_start3A_498, %dma_start3A_505] : memref<2x16x64xf32, #tpu.memory_space<vmem>> -> memref<1x1x64xf32, #tpu.memory_space<vmem>>
    %dma_start3A_507 = tpu.memref_squeeze %dma_start3A_506 : memref<1x1x64xf32, #tpu.memory_space<vmem>> -> memref<64xf32, #tpu.memory_space<vmem>>
    %dma_start3A_508 = arith.constant 0 : i32
    %dma_start3A_509 = tpu.memref_slice %arg4[%shift_right_arithmetic3A_492, %and3A_496, %dma_start3A_508] : memref<125000x8x64xf32, #tpu.memory_space<hbm>> -> memref<1x1x64xf32, #tpu.memory_space<hbm>>
    %dma_start3A_510 = tpu.memref_squeeze %dma_start3A_509 : memref<1x1x64xf32, #tpu.memory_space<hbm>> -> memref<64xf32, #tpu.memory_space<hbm>>
    tpu.enqueue_dma source(%dma_start3A_510 : memref<64xf32, #tpu.memory_space<hbm>>) target(%dma_start3A_507 : memref<64xf32, #tpu.memory_space<vmem>>) target_semaphore(%arg19 : memref<!tpu.dma_semaphore, #tpu.memory_space<semaphore_mem>>)
    %slice3A_511 = vector.extract_strided_slice %get3A_8 {offsets = [11], sizes = [1], strides = [1]} : vector<16xi32> to vector<1xi32>
    %squeeze3A_512 = vector.extract %slice3A_511[0] : i32 from vector<1xi32>
    %shift_right_arithmetic3A_513 = arith.constant 3 : i32
    %shift_right_arithmetic3A_514 = arith.shrsi %squeeze3A_512, %shift_right_arithmetic3A_513 : i32
    %slice3A_515 = vector.extract_strided_slice %get3A_8 {offsets = [11], sizes = [1], strides = [1]} : vector<16xi32> to vector<1xi32>
    %squeeze3A_516 = vector.extract %slice3A_515[0] : i32 from vector<1xi32>
    %and3A_517 = arith.constant 7 : i32
    %and3A_518 = arith.andi %squeeze3A_516, %and3A_517 : i32
    %dma_start3A_519 = arith.constant 0 : i32
    %dma_start3A_520 = arith.constant 11 : i32
    %dma_start3A_521 = arith.constant 0 : i32
    %dma_start3A_522 = tpu.memref_slice %arg13[%dma_start3A_519, %dma_start3A_520, %dma_start3A_521] : memref<2x16x64xf32, #tpu.memory_space<vmem>> -> memref<1x1x64xf32, #tpu.memory_space<vmem>>
    %dma_start3A_523 = tpu.memref_squeeze %dma_start3A_522 : memref<1x1x64xf32, #tpu.memory_space<vmem>> -> memref<64xf32, #tpu.memory_space<vmem>>
    %dma_start3A_524 = arith.constant 0 : i32
    %dma_start3A_525 = tpu.memref_slice %arg6[%shift_right_arithmetic3A_514, %and3A_518, %dma_start3A_524] : memref<125000x8x64xf32, #tpu.memory_space<hbm>> -> memref<1x1x64xf32, #tpu.memory_space<hbm>>
    %dma_start3A_526 = tpu.memref_squeeze %dma_start3A_525 : memref<1x1x64xf32, #tpu.memory_space<hbm>> -> memref<64xf32, #tpu.memory_space<hbm>>
    %dma_start3A_527 = arith.constant 0 : i32
    %dma_start3A_528 = tpu.memref_slice %arg13[%dma_start3A_519, %dma_start3A_520, %dma_start3A_527] : memref<2x16x64xf32, #tpu.memory_space<vmem>> -> memref<1x1x64xf32, #tpu.memory_space<vmem>>
    %dma_start3A_529 = tpu.memref_squeeze %dma_start3A_528 : memref<1x1x64xf32, #tpu.memory_space<vmem>> -> memref<64xf32, #tpu.memory_space<vmem>>
    %dma_start3A_530 = arith.constant 0 : i32
    %dma_start3A_531 = tpu.memref_slice %arg6[%shift_right_arithmetic3A_514, %and3A_518, %dma_start3A_530] : memref<125000x8x64xf32, #tpu.memory_space<hbm>> -> memref<1x1x64xf32, #tpu.memory_space<hbm>>
    %dma_start3A_532 = tpu.memref_squeeze %dma_start3A_531 : memref<1x1x64xf32, #tpu.memory_space<hbm>> -> memref<64xf32, #tpu.memory_space<hbm>>
    tpu.enqueue_dma source(%dma_start3A_532 : memref<64xf32, #tpu.memory_space<hbm>>) target(%dma_start3A_529 : memref<64xf32, #tpu.memory_space<vmem>>) target_semaphore(%arg19 : memref<!tpu.dma_semaphore, #tpu.memory_space<semaphore_mem>>)
    %slice3A_533 = vector.extract_strided_slice %get3A_6 {offsets = [12], sizes = [1], strides = [1]} : vector<16xi32> to vector<1xi32>
    %squeeze3A_534 = vector.extract %slice3A_533[0] : i32 from vector<1xi32>
    %shift_right_arithmetic3A_535 = arith.constant 3 : i32
    %shift_right_arithmetic3A_536 = arith.shrsi %squeeze3A_534, %shift_right_arithmetic3A_535 : i32
    %slice3A_537 = vector.extract_strided_slice %get3A_6 {offsets = [12], sizes = [1], strides = [1]} : vector<16xi32> to vector<1xi32>
    %squeeze3A_538 = vector.extract %slice3A_537[0] : i32 from vector<1xi32>
    %and3A_539 = arith.constant 7 : i32
    %and3A_540 = arith.andi %squeeze3A_538, %and3A_539 : i32
    %dma_start3A_541 = arith.constant 0 : i32
    %dma_start3A_542 = arith.constant 12 : i32
    %dma_start3A_543 = arith.constant 0 : i32
    %dma_start3A_544 = tpu.memref_slice %arg12[%dma_start3A_541, %dma_start3A_542, %dma_start3A_543] : memref<2x16x64xf32, #tpu.memory_space<vmem>> -> memref<1x1x64xf32, #tpu.memory_space<vmem>>
    %dma_start3A_545 = tpu.memref_squeeze %dma_start3A_544 : memref<1x1x64xf32, #tpu.memory_space<vmem>> -> memref<64xf32, #tpu.memory_space<vmem>>
    %dma_start3A_546 = arith.constant 0 : i32
    %dma_start3A_547 = tpu.memref_slice %arg4[%shift_right_arithmetic3A_536, %and3A_540, %dma_start3A_546] : memref<125000x8x64xf32, #tpu.memory_space<hbm>> -> memref<1x1x64xf32, #tpu.memory_space<hbm>>
    %dma_start3A_548 = tpu.memref_squeeze %dma_start3A_547 : memref<1x1x64xf32, #tpu.memory_space<hbm>> -> memref<64xf32, #tpu.memory_space<hbm>>
    %dma_start3A_549 = arith.constant 0 : i32
    %dma_start3A_550 = tpu.memref_slice %arg12[%dma_start3A_541, %dma_start3A_542, %dma_start3A_549] : memref<2x16x64xf32, #tpu.memory_space<vmem>> -> memref<1x1x64xf32, #tpu.memory_space<vmem>>
    %dma_start3A_551 = tpu.memref_squeeze %dma_start3A_550 : memref<1x1x64xf32, #tpu.memory_space<vmem>> -> memref<64xf32, #tpu.memory_space<vmem>>
    %dma_start3A_552 = arith.constant 0 : i32
    %dma_start3A_553 = tpu.memref_slice %arg4[%shift_right_arithmetic3A_536, %and3A_540, %dma_start3A_552] : memref<125000x8x64xf32, #tpu.memory_space<hbm>> -> memref<1x1x64xf32, #tpu.memory_space<hbm>>
    %dma_start3A_554 = tpu.memref_squeeze %dma_start3A_553 : memref<1x1x64xf32, #tpu.memory_space<hbm>> -> memref<64xf32, #tpu.memory_space<hbm>>
    tpu.enqueue_dma source(%dma_start3A_554 : memref<64xf32, #tpu.memory_space<hbm>>) target(%dma_start3A_551 : memref<64xf32, #tpu.memory_space<vmem>>) target_semaphore(%arg19 : memref<!tpu.dma_semaphore, #tpu.memory_space<semaphore_mem>>)
    %slice3A_555 = vector.extract_strided_slice %get3A_8 {offsets = [12], sizes = [1], strides = [1]} : vector<16xi32> to vector<1xi32>
    %squeeze3A_556 = vector.extract %slice3A_555[0] : i32 from vector<1xi32>
    %shift_right_arithmetic3A_557 = arith.constant 3 : i32
    %shift_right_arithmetic3A_558 = arith.shrsi %squeeze3A_556, %shift_right_arithmetic3A_557 : i32
    %slice3A_559 = vector.extract_strided_slice %get3A_8 {offsets = [12], sizes = [1], strides = [1]} : vector<16xi32> to vector<1xi32>
    %squeeze3A_560 = vector.extract %slice3A_559[0] : i32 from vector<1xi32>
    %and3A_561 = arith.constant 7 : i32
    %and3A_562 = arith.andi %squeeze3A_560, %and3A_561 : i32
    %dma_start3A_563 = arith.constant 0 : i32
    %dma_start3A_564 = arith.constant 12 : i32
    %dma_start3A_565 = arith.constant 0 : i32
    %dma_start3A_566 = tpu.memref_slice %arg13[%dma_start3A_563, %dma_start3A_564, %dma_start3A_565] : memref<2x16x64xf32, #tpu.memory_space<vmem>> -> memref<1x1x64xf32, #tpu.memory_space<vmem>>
    %dma_start3A_567 = tpu.memref_squeeze %dma_start3A_566 : memref<1x1x64xf32, #tpu.memory_space<vmem>> -> memref<64xf32, #tpu.memory_space<vmem>>
    %dma_start3A_568 = arith.constant 0 : i32
    %dma_start3A_569 = tpu.memref_slice %arg6[%shift_right_arithmetic3A_558, %and3A_562, %dma_start3A_568] : memref<125000x8x64xf32, #tpu.memory_space<hbm>> -> memref<1x1x64xf32, #tpu.memory_space<hbm>>
    %dma_start3A_570 = tpu.memref_squeeze %dma_start3A_569 : memref<1x1x64xf32, #tpu.memory_space<hbm>> -> memref<64xf32, #tpu.memory_space<hbm>>
    %dma_start3A_571 = arith.constant 0 : i32
    %dma_start3A_572 = tpu.memref_slice %arg13[%dma_start3A_563, %dma_start3A_564, %dma_start3A_571] : memref<2x16x64xf32, #tpu.memory_space<vmem>> -> memref<1x1x64xf32, #tpu.memory_space<vmem>>
    %dma_start3A_573 = tpu.memref_squeeze %dma_start3A_572 : memref<1x1x64xf32, #tpu.memory_space<vmem>> -> memref<64xf32, #tpu.memory_space<vmem>>
    %dma_start3A_574 = arith.constant 0 : i32
    %dma_start3A_575 = tpu.memref_slice %arg6[%shift_right_arithmetic3A_558, %and3A_562, %dma_start3A_574] : memref<125000x8x64xf32, #tpu.memory_space<hbm>> -> memref<1x1x64xf32, #tpu.memory_space<hbm>>
    %dma_start3A_576 = tpu.memref_squeeze %dma_start3A_575 : memref<1x1x64xf32, #tpu.memory_space<hbm>> -> memref<64xf32, #tpu.memory_space<hbm>>
    tpu.enqueue_dma source(%dma_start3A_576 : memref<64xf32, #tpu.memory_space<hbm>>) target(%dma_start3A_573 : memref<64xf32, #tpu.memory_space<vmem>>) target_semaphore(%arg19 : memref<!tpu.dma_semaphore, #tpu.memory_space<semaphore_mem>>)
    %slice3A_577 = vector.extract_strided_slice %get3A_6 {offsets = [13], sizes = [1], strides = [1]} : vector<16xi32> to vector<1xi32>
    %squeeze3A_578 = vector.extract %slice3A_577[0] : i32 from vector<1xi32>
    %shift_right_arithmetic3A_579 = arith.constant 3 : i32
    %shift_right_arithmetic3A_580 = arith.shrsi %squeeze3A_578, %shift_right_arithmetic3A_579 : i32
    %slice3A_581 = vector.extract_strided_slice %get3A_6 {offsets = [13], sizes = [1], strides = [1]} : vector<16xi32> to vector<1xi32>
    %squeeze3A_582 = vector.extract %slice3A_581[0] : i32 from vector<1xi32>
    %and3A_583 = arith.constant 7 : i32
    %and3A_584 = arith.andi %squeeze3A_582, %and3A_583 : i32
    %dma_start3A_585 = arith.constant 0 : i32
    %dma_start3A_586 = arith.constant 13 : i32
    %dma_start3A_587 = arith.constant 0 : i32
    %dma_start3A_588 = tpu.memref_slice %arg12[%dma_start3A_585, %dma_start3A_586, %dma_start3A_587] : memref<2x16x64xf32, #tpu.memory_space<vmem>> -> memref<1x1x64xf32, #tpu.memory_space<vmem>>
    %dma_start3A_589 = tpu.memref_squeeze %dma_start3A_588 : memref<1x1x64xf32, #tpu.memory_space<vmem>> -> memref<64xf32, #tpu.memory_space<vmem>>
    %dma_start3A_590 = arith.constant 0 : i32
    %dma_start3A_591 = tpu.memref_slice %arg4[%shift_right_arithmetic3A_580, %and3A_584, %dma_start3A_590] : memref<125000x8x64xf32, #tpu.memory_space<hbm>> -> memref<1x1x64xf32, #tpu.memory_space<hbm>>
    %dma_start3A_592 = tpu.memref_squeeze %dma_start3A_591 : memref<1x1x64xf32, #tpu.memory_space<hbm>> -> memref<64xf32, #tpu.memory_space<hbm>>
    %dma_start3A_593 = arith.constant 0 : i32
    %dma_start3A_594 = tpu.memref_slice %arg12[%dma_start3A_585, %dma_start3A_586, %dma_start3A_593] : memref<2x16x64xf32, #tpu.memory_space<vmem>> -> memref<1x1x64xf32, #tpu.memory_space<vmem>>
    %dma_start3A_595 = tpu.memref_squeeze %dma_start3A_594 : memref<1x1x64xf32, #tpu.memory_space<vmem>> -> memref<64xf32, #tpu.memory_space<vmem>>
    %dma_start3A_596 = arith.constant 0 : i32
    %dma_start3A_597 = tpu.memref_slice %arg4[%shift_right_arithmetic3A_580, %and3A_584, %dma_start3A_596] : memref<125000x8x64xf32, #tpu.memory_space<hbm>> -> memref<1x1x64xf32, #tpu.memory_space<hbm>>
    %dma_start3A_598 = tpu.memref_squeeze %dma_start3A_597 : memref<1x1x64xf32, #tpu.memory_space<hbm>> -> memref<64xf32, #tpu.memory_space<hbm>>
    tpu.enqueue_dma source(%dma_start3A_598 : memref<64xf32, #tpu.memory_space<hbm>>) target(%dma_start3A_595 : memref<64xf32, #tpu.memory_space<vmem>>) target_semaphore(%arg19 : memref<!tpu.dma_semaphore, #tpu.memory_space<semaphore_mem>>)
    %slice3A_599 = vector.extract_strided_slice %get3A_8 {offsets = [13], sizes = [1], strides = [1]} : vector<16xi32> to vector<1xi32>
    %squeeze3A_600 = vector.extract %slice3A_599[0] : i32 from vector<1xi32>
    %shift_right_arithmetic3A_601 = arith.constant 3 : i32
    %shift_right_arithmetic3A_602 = arith.shrsi %squeeze3A_600, %shift_right_arithmetic3A_601 : i32
    %slice3A_603 = vector.extract_strided_slice %get3A_8 {offsets = [13], sizes = [1], strides = [1]} : vector<16xi32> to vector<1xi32>
    %squeeze3A_604 = vector.extract %slice3A_603[0] : i32 from vector<1xi32>
    %and3A_605 = arith.constant 7 : i32
    %and3A_606 = arith.andi %squeeze3A_604, %and3A_605 : i32
    %dma_start3A_607 = arith.constant 0 : i32
    %dma_start3A_608 = arith.constant 13 : i32
    %dma_start3A_609 = arith.constant 0 : i32
    %dma_start3A_610 = tpu.memref_slice %arg13[%dma_start3A_607, %dma_start3A_608, %dma_start3A_609] : memref<2x16x64xf32, #tpu.memory_space<vmem>> -> memref<1x1x64xf32, #tpu.memory_space<vmem>>
    %dma_start3A_611 = tpu.memref_squeeze %dma_start3A_610 : memref<1x1x64xf32, #tpu.memory_space<vmem>> -> memref<64xf32, #tpu.memory_space<vmem>>
    %dma_start3A_612 = arith.constant 0 : i32
    %dma_start3A_613 = tpu.memref_slice %arg6[%shift_right_arithmetic3A_602, %and3A_606, %dma_start3A_612] : memref<125000x8x64xf32, #tpu.memory_space<hbm>> -> memref<1x1x64xf32, #tpu.memory_space<hbm>>
    %dma_start3A_614 = tpu.memref_squeeze %dma_start3A_613 : memref<1x1x64xf32, #tpu.memory_space<hbm>> -> memref<64xf32, #tpu.memory_space<hbm>>
    %dma_start3A_615 = arith.constant 0 : i32
    %dma_start3A_616 = tpu.memref_slice %arg13[%dma_start3A_607, %dma_start3A_608, %dma_start3A_615] : memref<2x16x64xf32, #tpu.memory_space<vmem>> -> memref<1x1x64xf32, #tpu.memory_space<vmem>>
    %dma_start3A_617 = tpu.memref_squeeze %dma_start3A_616 : memref<1x1x64xf32, #tpu.memory_space<vmem>> -> memref<64xf32, #tpu.memory_space<vmem>>
    %dma_start3A_618 = arith.constant 0 : i32
    %dma_start3A_619 = tpu.memref_slice %arg6[%shift_right_arithmetic3A_602, %and3A_606, %dma_start3A_618] : memref<125000x8x64xf32, #tpu.memory_space<hbm>> -> memref<1x1x64xf32, #tpu.memory_space<hbm>>
    %dma_start3A_620 = tpu.memref_squeeze %dma_start3A_619 : memref<1x1x64xf32, #tpu.memory_space<hbm>> -> memref<64xf32, #tpu.memory_space<hbm>>
    tpu.enqueue_dma source(%dma_start3A_620 : memref<64xf32, #tpu.memory_space<hbm>>) target(%dma_start3A_617 : memref<64xf32, #tpu.memory_space<vmem>>) target_semaphore(%arg19 : memref<!tpu.dma_semaphore, #tpu.memory_space<semaphore_mem>>)
    %slice3A_621 = vector.extract_strided_slice %get3A_6 {offsets = [14], sizes = [1], strides = [1]} : vector<16xi32> to vector<1xi32>
    %squeeze3A_622 = vector.extract %slice3A_621[0] : i32 from vector<1xi32>
    %shift_right_arithmetic3A_623 = arith.constant 3 : i32
    %shift_right_arithmetic3A_624 = arith.shrsi %squeeze3A_622, %shift_right_arithmetic3A_623 : i32
    %slice3A_625 = vector.extract_strided_slice %get3A_6 {offsets = [14], sizes = [1], strides = [1]} : vector<16xi32> to vector<1xi32>
    %squeeze3A_626 = vector.extract %slice3A_625[0] : i32 from vector<1xi32>
    %and3A_627 = arith.constant 7 : i32
    %and3A_628 = arith.andi %squeeze3A_626, %and3A_627 : i32
    %dma_start3A_629 = arith.constant 0 : i32
    %dma_start3A_630 = arith.constant 14 : i32
    %dma_start3A_631 = arith.constant 0 : i32
    %dma_start3A_632 = tpu.memref_slice %arg12[%dma_start3A_629, %dma_start3A_630, %dma_start3A_631] : memref<2x16x64xf32, #tpu.memory_space<vmem>> -> memref<1x1x64xf32, #tpu.memory_space<vmem>>
    %dma_start3A_633 = tpu.memref_squeeze %dma_start3A_632 : memref<1x1x64xf32, #tpu.memory_space<vmem>> -> memref<64xf32, #tpu.memory_space<vmem>>
    %dma_start3A_634 = arith.constant 0 : i32
    %dma_start3A_635 = tpu.memref_slice %arg4[%shift_right_arithmetic3A_624, %and3A_628, %dma_start3A_634] : memref<125000x8x64xf32, #tpu.memory_space<hbm>> -> memref<1x1x64xf32, #tpu.memory_space<hbm>>
    %dma_start3A_636 = tpu.memref_squeeze %dma_start3A_635 : memref<1x1x64xf32, #tpu.memory_space<hbm>> -> memref<64xf32, #tpu.memory_space<hbm>>
    %dma_start3A_637 = arith.constant 0 : i32
    %dma_start3A_638 = tpu.memref_slice %arg12[%dma_start3A_629, %dma_start3A_630, %dma_start3A_637] : memref<2x16x64xf32, #tpu.memory_space<vmem>> -> memref<1x1x64xf32, #tpu.memory_space<vmem>>
    %dma_start3A_639 = tpu.memref_squeeze %dma_start3A_638 : memref<1x1x64xf32, #tpu.memory_space<vmem>> -> memref<64xf32, #tpu.memory_space<vmem>>
    %dma_start3A_640 = arith.constant 0 : i32
    %dma_start3A_641 = tpu.memref_slice %arg4[%shift_right_arithmetic3A_624, %and3A_628, %dma_start3A_640] : memref<125000x8x64xf32, #tpu.memory_space<hbm>> -> memref<1x1x64xf32, #tpu.memory_space<hbm>>
    %dma_start3A_642 = tpu.memref_squeeze %dma_start3A_641 : memref<1x1x64xf32, #tpu.memory_space<hbm>> -> memref<64xf32, #tpu.memory_space<hbm>>
    tpu.enqueue_dma source(%dma_start3A_642 : memref<64xf32, #tpu.memory_space<hbm>>) target(%dma_start3A_639 : memref<64xf32, #tpu.memory_space<vmem>>) target_semaphore(%arg19 : memref<!tpu.dma_semaphore, #tpu.memory_space<semaphore_mem>>)
    %slice3A_643 = vector.extract_strided_slice %get3A_8 {offsets = [14], sizes = [1], strides = [1]} : vector<16xi32> to vector<1xi32>
    %squeeze3A_644 = vector.extract %slice3A_643[0] : i32 from vector<1xi32>
    %shift_right_arithmetic3A_645 = arith.constant 3 : i32
    %shift_right_arithmetic3A_646 = arith.shrsi %squeeze3A_644, %shift_right_arithmetic3A_645 : i32
    %slice3A_647 = vector.extract_strided_slice %get3A_8 {offsets = [14], sizes = [1], strides = [1]} : vector<16xi32> to vector<1xi32>
    %squeeze3A_648 = vector.extract %slice3A_647[0] : i32 from vector<1xi32>
    %and3A_649 = arith.constant 7 : i32
    %and3A_650 = arith.andi %squeeze3A_648, %and3A_649 : i32
    %dma_start3A_651 = arith.constant 0 : i32
    %dma_start3A_652 = arith.constant 14 : i32
    %dma_start3A_653 = arith.constant 0 : i32
    %dma_start3A_654 = tpu.memref_slice %arg13[%dma_start3A_651, %dma_start3A_652, %dma_start3A_653] : memref<2x16x64xf32, #tpu.memory_space<vmem>> -> memref<1x1x64xf32, #tpu.memory_space<vmem>>
    %dma_start3A_655 = tpu.memref_squeeze %dma_start3A_654 : memref<1x1x64xf32, #tpu.memory_space<vmem>> -> memref<64xf32, #tpu.memory_space<vmem>>
    %dma_start3A_656 = arith.constant 0 : i32
    %dma_start3A_657 = tpu.memref_slice %arg6[%shift_right_arithmetic3A_646, %and3A_650, %dma_start3A_656] : memref<125000x8x64xf32, #tpu.memory_space<hbm>> -> memref<1x1x64xf32, #tpu.memory_space<hbm>>
    %dma_start3A_658 = tpu.memref_squeeze %dma_start3A_657 : memref<1x1x64xf32, #tpu.memory_space<hbm>> -> memref<64xf32, #tpu.memory_space<hbm>>
    %dma_start3A_659 = arith.constant 0 : i32
    %dma_start3A_660 = tpu.memref_slice %arg13[%dma_start3A_651, %dma_start3A_652, %dma_start3A_659] : memref<2x16x64xf32, #tpu.memory_space<vmem>> -> memref<1x1x64xf32, #tpu.memory_space<vmem>>
    %dma_start3A_661 = tpu.memref_squeeze %dma_start3A_660 : memref<1x1x64xf32, #tpu.memory_space<vmem>> -> memref<64xf32, #tpu.memory_space<vmem>>
    %dma_start3A_662 = arith.constant 0 : i32
    %dma_start3A_663 = tpu.memref_slice %arg6[%shift_right_arithmetic3A_646, %and3A_650, %dma_start3A_662] : memref<125000x8x64xf32, #tpu.memory_space<hbm>> -> memref<1x1x64xf32, #tpu.memory_space<hbm>>
    %dma_start3A_664 = tpu.memref_squeeze %dma_start3A_663 : memref<1x1x64xf32, #tpu.memory_space<hbm>> -> memref<64xf32, #tpu.memory_space<hbm>>
    tpu.enqueue_dma source(%dma_start3A_664 : memref<64xf32, #tpu.memory_space<hbm>>) target(%dma_start3A_661 : memref<64xf32, #tpu.memory_space<vmem>>) target_semaphore(%arg19 : memref<!tpu.dma_semaphore, #tpu.memory_space<semaphore_mem>>)
    %slice3A_665 = vector.extract_strided_slice %get3A_6 {offsets = [15], sizes = [1], strides = [1]} : vector<16xi32> to vector<1xi32>
    %squeeze3A_666 = vector.extract %slice3A_665[0] : i32 from vector<1xi32>
    %shift_right_arithmetic3A_667 = arith.constant 3 : i32
    %shift_right_arithmetic3A_668 = arith.shrsi %squeeze3A_666, %shift_right_arithmetic3A_667 : i32
    %slice3A_669 = vector.extract_strided_slice %get3A_6 {offsets = [15], sizes = [1], strides = [1]} : vector<16xi32> to vector<1xi32>
    %squeeze3A_670 = vector.extract %slice3A_669[0] : i32 from vector<1xi32>
    %and3A_671 = arith.constant 7 : i32
    %and3A_672 = arith.andi %squeeze3A_670, %and3A_671 : i32
    %dma_start3A_673 = arith.constant 0 : i32
    %dma_start3A_674 = arith.constant 15 : i32
    %dma_start3A_675 = arith.constant 0 : i32
    %dma_start3A_676 = tpu.memref_slice %arg12[%dma_start3A_673, %dma_start3A_674, %dma_start3A_675] : memref<2x16x64xf32, #tpu.memory_space<vmem>> -> memref<1x1x64xf32, #tpu.memory_space<vmem>>
    %dma_start3A_677 = tpu.memref_squeeze %dma_start3A_676 : memref<1x1x64xf32, #tpu.memory_space<vmem>> -> memref<64xf32, #tpu.memory_space<vmem>>
    %dma_start3A_678 = arith.constant 0 : i32
    %dma_start3A_679 = tpu.memref_slice %arg4[%shift_right_arithmetic3A_668, %and3A_672, %dma_start3A_678] : memref<125000x8x64xf32, #tpu.memory_space<hbm>> -> memref<1x1x64xf32, #tpu.memory_space<hbm>>
    %dma_start3A_680 = tpu.memref_squeeze %dma_start3A_679 : memref<1x1x64xf32, #tpu.memory_space<hbm>> -> memref<64xf32, #tpu.memory_space<hbm>>
    %dma_start3A_681 = arith.constant 0 : i32
    %dma_start3A_682 = tpu.memref_slice %arg12[%dma_start3A_673, %dma_start3A_674, %dma_start3A_681] : memref<2x16x64xf32, #tpu.memory_space<vmem>> -> memref<1x1x64xf32, #tpu.memory_space<vmem>>
    %dma_start3A_683 = tpu.memref_squeeze %dma_start3A_682 : memref<1x1x64xf32, #tpu.memory_space<vmem>> -> memref<64xf32, #tpu.memory_space<vmem>>
    %dma_start3A_684 = arith.constant 0 : i32
    %dma_start3A_685 = tpu.memref_slice %arg4[%shift_right_arithmetic3A_668, %and3A_672, %dma_start3A_684] : memref<125000x8x64xf32, #tpu.memory_space<hbm>> -> memref<1x1x64xf32, #tpu.memory_space<hbm>>
    %dma_start3A_686 = tpu.memref_squeeze %dma_start3A_685 : memref<1x1x64xf32, #tpu.memory_space<hbm>> -> memref<64xf32, #tpu.memory_space<hbm>>
    tpu.enqueue_dma source(%dma_start3A_686 : memref<64xf32, #tpu.memory_space<hbm>>) target(%dma_start3A_683 : memref<64xf32, #tpu.memory_space<vmem>>) target_semaphore(%arg19 : memref<!tpu.dma_semaphore, #tpu.memory_space<semaphore_mem>>)
    %slice3A_687 = vector.extract_strided_slice %get3A_8 {offsets = [15], sizes = [1], strides = [1]} : vector<16xi32> to vector<1xi32>
    %squeeze3A_688 = vector.extract %slice3A_687[0] : i32 from vector<1xi32>
    %shift_right_arithmetic3A_689 = arith.constant 3 : i32
    %shift_right_arithmetic3A_690 = arith.shrsi %squeeze3A_688, %shift_right_arithmetic3A_689 : i32
    %slice3A_691 = vector.extract_strided_slice %get3A_8 {offsets = [15], sizes = [1], strides = [1]} : vector<16xi32> to vector<1xi32>
    %squeeze3A_692 = vector.extract %slice3A_691[0] : i32 from vector<1xi32>
    %and3A_693 = arith.constant 7 : i32
    %and3A_694 = arith.andi %squeeze3A_692, %and3A_693 : i32
    %dma_start3A_695 = arith.constant 0 : i32
    %dma_start3A_696 = arith.constant 15 : i32
    %dma_start3A_697 = arith.constant 0 : i32
    %dma_start3A_698 = tpu.memref_slice %arg13[%dma_start3A_695, %dma_start3A_696, %dma_start3A_697] : memref<2x16x64xf32, #tpu.memory_space<vmem>> -> memref<1x1x64xf32, #tpu.memory_space<vmem>>
    %dma_start3A_699 = tpu.memref_squeeze %dma_start3A_698 : memref<1x1x64xf32, #tpu.memory_space<vmem>> -> memref<64xf32, #tpu.memory_space<vmem>>
    %dma_start3A_700 = arith.constant 0 : i32
    %dma_start3A_701 = tpu.memref_slice %arg6[%shift_right_arithmetic3A_690, %and3A_694, %dma_start3A_700] : memref<125000x8x64xf32, #tpu.memory_space<hbm>> -> memref<1x1x64xf32, #tpu.memory_space<hbm>>
    %dma_start3A_702 = tpu.memref_squeeze %dma_start3A_701 : memref<1x1x64xf32, #tpu.memory_space<hbm>> -> memref<64xf32, #tpu.memory_space<hbm>>
    %dma_start3A_703 = arith.constant 0 : i32
    %dma_start3A_704 = tpu.memref_slice %arg13[%dma_start3A_695, %dma_start3A_696, %dma_start3A_703] : memref<2x16x64xf32, #tpu.memory_space<vmem>> -> memref<1x1x64xf32, #tpu.memory_space<vmem>>
    %dma_start3A_705 = tpu.memref_squeeze %dma_start3A_704 : memref<1x1x64xf32, #tpu.memory_space<vmem>> -> memref<64xf32, #tpu.memory_space<vmem>>
    %dma_start3A_706 = arith.constant 0 : i32
    %dma_start3A_707 = tpu.memref_slice %arg6[%shift_right_arithmetic3A_690, %and3A_694, %dma_start3A_706] : memref<125000x8x64xf32, #tpu.memory_space<hbm>> -> memref<1x1x64xf32, #tpu.memory_space<hbm>>
    %dma_start3A_708 = tpu.memref_squeeze %dma_start3A_707 : memref<1x1x64xf32, #tpu.memory_space<hbm>> -> memref<64xf32, #tpu.memory_space<hbm>>
    tpu.enqueue_dma source(%dma_start3A_708 : memref<64xf32, #tpu.memory_space<hbm>>) target(%dma_start3A_705 : memref<64xf32, #tpu.memory_space<vmem>>) target_semaphore(%arg19 : memref<!tpu.dma_semaphore, #tpu.memory_space<semaphore_mem>>)
    %dma_wait3A = arith.constant 0 : i32
    %dma_wait3A_709 = tpu.memref_slice %arg5[%dma_wait3A] : memref<1000000xf32, #tpu.memory_space<hbm>> -> memref<1000000xf32, #tpu.memory_space<hbm>>
    tpu.wait_indirect_dma semaphore(%arg21 : memref<!tpu.dma_semaphore, #tpu.memory_space<semaphore_mem>>) src(%dma_wait3A_709 : memref<1000000xf32, #tpu.memory_space<hbm>>) dst(%arg14 : memref<512xf32, #tpu.memory_space<vmem>>)
    %dma_wait3A_710 = arith.constant 0 : i32
    %dma_wait3A_711 = tpu.memref_slice %arg7[%dma_wait3A_710] : memref<1000000xf32, #tpu.memory_space<hbm>> -> memref<1000000xf32, #tpu.memory_space<hbm>>
    tpu.wait_indirect_dma semaphore(%arg21 : memref<!tpu.dma_semaphore, #tpu.memory_space<semaphore_mem>>) src(%dma_wait3A_711 : memref<1000000xf32, #tpu.memory_space<hbm>>) dst(%arg15 : memref<512xf32, #tpu.memory_space<vmem>>)
    %get3A_712 = arith.constant 0 : index
    %get3A_713 = tpu.vector_load %arg16[%get3A_712] {strides = array<i32>} : memref<16xf32, #tpu.memory_space<vmem>>, vector<16xf32>,
    %iota3A = tpu.iota {dimensions = array<i32: 0>} : vector<16xi32>
    %mul3A_714 = arith.constant 17 : i32
    %mul3A_715 = vector.broadcast %mul3A_714 : i32 to vector<16xi32>
    %mul3A_716 = arith.muli %iota3A, %mul3A_715 : vector<16xi32>
    %scan3A = arith.constant 0 : i32
    %scan3A_717 = arith.constant 0 : i32
    %scan3A_718 = arith.constant 16 : i32
    %scan3A_719 = arith.addi %scan3A_717, %scan3A_718 : i32
    %scan3A_720 = arith.constant 1 : i32
    scf.for %scan3A_722 = %scan3A_717 to %scan3A_719 step %scan3A_720  : i32 {
      %mul3A_723 = arith.constant 2 : i32
      %mul3A_724 = arith.muli %scan3A_722, %mul3A_723 : i32
      %add3A_725 = arith.constant 1 : i32
      %add3A_726 = arith.addi %mul3A_724, %add3A_725 : i32
      %mul3A_727 = arith.constant 16 : i32
      %mul3A_728 = arith.muli %add3A_726, %mul3A_727 : i32
      %add3A_729 = arith.constant 0 : i32
      %add3A_730 = arith.addi %mul3A_728, %add3A_729 : i32
      %get3A_731 = arith.index_cast %add3A_730 : i32 to index
      %get3A_732 = tpu.vector_load %arg10[%get3A_731] {strides = array<i32>} : memref<512xi32, #tpu.memory_space<vmem>>, vector<16xi32>,
      %mul3A_733 = arith.constant 16 : i32
      %mul3A_734 = arith.muli %add3A_726, %mul3A_733 : i32
      %add3A_735 = arith.constant 0 : i32
      %add3A_736 = arith.addi %mul3A_734, %add3A_735 : i32
      %get3A_737 = arith.index_cast %add3A_736 : i32 to index
      %get3A_738 = tpu.vector_load %arg11[%get3A_737] {strides = array<i32>} : memref<512xi32, #tpu.memory_space<vmem>>, vector<16xi32>,
      %slice3A_739 = vector.extract_strided_slice %get3A_732 {offsets = [0], sizes = [1], strides = [1]} : vector<16xi32> to vector<1xi32>
      %squeeze3A_740 = vector.extract %slice3A_739[0] : i32 from vector<1xi32>
      %shift_right_arithmetic3A_741 = arith.constant 3 : i32
      %shift_right_arithmetic3A_742 = arith.shrsi %squeeze3A_740, %shift_right_arithmetic3A_741 : i32
      %slice3A_743 = vector.extract_strided_slice %get3A_732 {offsets = [0], sizes = [1], strides = [1]} : vector<16xi32> to vector<1xi32>
      %squeeze3A_744 = vector.extract %slice3A_743[0] : i32 from vector<1xi32>
      %and3A_745 = arith.constant 7 : i32
      %and3A_746 = arith.andi %squeeze3A_744, %and3A_745 : i32
      %dma_start3A_747 = arith.constant 1 : i32
      %dma_start3A_748 = arith.constant 0 : i32
      %dma_start3A_749 = arith.constant 0 : i32
      %dma_start3A_750 = tpu.memref_slice %arg12[%dma_start3A_747, %dma_start3A_748, %dma_start3A_749] : memref<2x16x64xf32, #tpu.memory_space<vmem>> -> memref<1x1x64xf32, #tpu.memory_space<vmem>>
      %dma_start3A_751 = tpu.memref_squeeze %dma_start3A_750 : memref<1x1x64xf32, #tpu.memory_space<vmem>> -> memref<64xf32, #tpu.memory_space<vmem>>
      %dma_start3A_752 = arith.constant 0 : i32
      %dma_start3A_753 = tpu.memref_slice %arg4[%shift_right_arithmetic3A_742, %and3A_746, %dma_start3A_752] : memref<125000x8x64xf32, #tpu.memory_space<hbm>> -> memref<1x1x64xf32, #tpu.memory_space<hbm>>
      %dma_start3A_754 = tpu.memref_squeeze %dma_start3A_753 : memref<1x1x64xf32, #tpu.memory_space<hbm>> -> memref<64xf32, #tpu.memory_space<hbm>>
      %dma_start3A_755 = arith.constant 0 : i32
      %dma_start3A_756 = tpu.memref_slice %arg12[%dma_start3A_747, %dma_start3A_748, %dma_start3A_755] : memref<2x16x64xf32, #tpu.memory_space<vmem>> -> memref<1x1x64xf32, #tpu.memory_space<vmem>>
      %dma_start3A_757 = tpu.memref_squeeze %dma_start3A_756 : memref<1x1x64xf32, #tpu.memory_space<vmem>> -> memref<64xf32, #tpu.memory_space<vmem>>
      %dma_start3A_758 = arith.constant 0 : i32
      %dma_start3A_759 = tpu.memref_slice %arg4[%shift_right_arithmetic3A_742, %and3A_746, %dma_start3A_758] : memref<125000x8x64xf32, #tpu.memory_space<hbm>> -> memref<1x1x64xf32, #tpu.memory_space<hbm>>
      %dma_start3A_760 = tpu.memref_squeeze %dma_start3A_759 : memref<1x1x64xf32, #tpu.memory_space<hbm>> -> memref<64xf32, #tpu.memory_space<hbm>>
      tpu.enqueue_dma source(%dma_start3A_760 : memref<64xf32, #tpu.memory_space<hbm>>) target(%dma_start3A_757 : memref<64xf32, #tpu.memory_space<vmem>>) target_semaphore(%arg20 : memref<!tpu.dma_semaphore, #tpu.memory_space<semaphore_mem>>)
      %slice3A_761 = vector.extract_strided_slice %get3A_738 {offsets = [0], sizes = [1], strides = [1]} : vector<16xi32> to vector<1xi32>
      %squeeze3A_762 = vector.extract %slice3A_761[0] : i32 from vector<1xi32>
      %shift_right_arithmetic3A_763 = arith.constant 3 : i32
      %shift_right_arithmetic3A_764 = arith.shrsi %squeeze3A_762, %shift_right_arithmetic3A_763 : i32
      %slice3A_765 = vector.extract_strided_slice %get3A_738 {offsets = [0], sizes = [1], strides = [1]} : vector<16xi32> to vector<1xi32>
      %squeeze3A_766 = vector.extract %slice3A_765[0] : i32 from vector<1xi32>
      %and3A_767 = arith.constant 7 : i32
      %and3A_768 = arith.andi %squeeze3A_766, %and3A_767 : i32
      %dma_start3A_769 = arith.constant 1 : i32
      %dma_start3A_770 = arith.constant 0 : i32
      %dma_start3A_771 = arith.constant 0 : i32
      %dma_start3A_772 = tpu.memref_slice %arg13[%dma_start3A_769, %dma_start3A_770, %dma_start3A_771] : memref<2x16x64xf32, #tpu.memory_space<vmem>> -> memref<1x1x64xf32, #tpu.memory_space<vmem>>
      %dma_start3A_773 = tpu.memref_squeeze %dma_start3A_772 : memref<1x1x64xf32, #tpu.memory_space<vmem>> -> memref<64xf32, #tpu.memory_space<vmem>>
      %dma_start3A_774 = arith.constant 0 : i32
      %dma_start3A_775 = tpu.memref_slice %arg6[%shift_right_arithmetic3A_764, %and3A_768, %dma_start3A_774] : memref<125000x8x64xf32, #tpu.memory_space<hbm>> -> memref<1x1x64xf32, #tpu.memory_space<hbm>>
      %dma_start3A_776 = tpu.memref_squeeze %dma_start3A_775 : memref<1x1x64xf32, #tpu.memory_space<hbm>> -> memref<64xf32, #tpu.memory_space<hbm>>
      %dma_start3A_777 = arith.constant 0 : i32
      %dma_start3A_778 = tpu.memref_slice %arg13[%dma_start3A_769, %dma_start3A_770, %dma_start3A_777] : memref<2x16x64xf32, #tpu.memory_space<vmem>> -> memref<1x1x64xf32, #tpu.memory_space<vmem>>
      %dma_start3A_779 = tpu.memref_squeeze %dma_start3A_778 : memref<1x1x64xf32, #tpu.memory_space<vmem>> -> memref<64xf32, #tpu.memory_space<vmem>>
      %dma_start3A_780 = arith.constant 0 : i32
      %dma_start3A_781 = tpu.memref_slice %arg6[%shift_right_arithmetic3A_764, %and3A_768, %dma_start3A_780] : memref<125000x8x64xf32, #tpu.memory_space<hbm>> -> memref<1x1x64xf32, #tpu.memory_space<hbm>>
      %dma_start3A_782 = tpu.memref_squeeze %dma_start3A_781 : memref<1x1x64xf32, #tpu.memory_space<hbm>> -> memref<64xf32, #tpu.memory_space<hbm>>
      tpu.enqueue_dma source(%dma_start3A_782 : memref<64xf32, #tpu.memory_space<hbm>>) target(%dma_start3A_779 : memref<64xf32, #tpu.memory_space<vmem>>) target_semaphore(%arg20 : memref<!tpu.dma_semaphore, #tpu.memory_space<semaphore_mem>>)
      %slice3A_783 = vector.extract_strided_slice %get3A_732 {offsets = [1], sizes = [1], strides = [1]} : vector<16xi32> to vector<1xi32>
      %squeeze3A_784 = vector.extract %slice3A_783[0] : i32 from vector<1xi32>
      %shift_right_arithmetic3A_785 = arith.constant 3 : i32
      %shift_right_arithmetic3A_786 = arith.shrsi %squeeze3A_784, %shift_right_arithmetic3A_785 : i32
      %slice3A_787 = vector.extract_strided_slice %get3A_732 {offsets = [1], sizes = [1], strides = [1]} : vector<16xi32> to vector<1xi32>
      %squeeze3A_788 = vector.extract %slice3A_787[0] : i32 from vector<1xi32>
      %and3A_789 = arith.constant 7 : i32
      %and3A_790 = arith.andi %squeeze3A_788, %and3A_789 : i32
      %dma_start3A_791 = arith.constant 1 : i32
      %dma_start3A_792 = arith.constant 1 : i32
      %dma_start3A_793 = arith.constant 0 : i32
      %dma_start3A_794 = tpu.memref_slice %arg12[%dma_start3A_791, %dma_start3A_792, %dma_start3A_793] : memref<2x16x64xf32, #tpu.memory_space<vmem>> -> memref<1x1x64xf32, #tpu.memory_space<vmem>>
      %dma_start3A_795 = tpu.memref_squeeze %dma_start3A_794 : memref<1x1x64xf32, #tpu.memory_space<vmem>> -> memref<64xf32, #tpu.memory_space<vmem>>
      %dma_start3A_796 = arith.constant 0 : i32
      %dma_start3A_797 = tpu.memref_slice %arg4[%shift_right_arithmetic3A_786, %and3A_790, %dma_start3A_796] : memref<125000x8x64xf32, #tpu.memory_space<hbm>> -> memref<1x1x64xf32, #tpu.memory_space<hbm>>
      %dma_start3A_798 = tpu.memref_squeeze %dma_start3A_797 : memref<1x1x64xf32, #tpu.memory_space<hbm>> -> memref<64xf32, #tpu.memory_space<hbm>>
      %dma_start3A_799 = arith.constant 0 : i32
      %dma_start3A_800 = tpu.memref_slice %arg12[%dma_start3A_791, %dma_start3A_792, %dma_start3A_799] : memref<2x16x64xf32, #tpu.memory_space<vmem>> -> memref<1x1x64xf32, #tpu.memory_space<vmem>>
      %dma_start3A_801 = tpu.memref_squeeze %dma_start3A_800 : memref<1x1x64xf32, #tpu.memory_space<vmem>> -> memref<64xf32, #tpu.memory_space<vmem>>
      %dma_start3A_802 = arith.constant 0 : i32
      %dma_start3A_803 = tpu.memref_slice %arg4[%shift_right_arithmetic3A_786, %and3A_790, %dma_start3A_802] : memref<125000x8x64xf32, #tpu.memory_space<hbm>> -> memref<1x1x64xf32, #tpu.memory_space<hbm>>
      %dma_start3A_804 = tpu.memref_squeeze %dma_start3A_803 : memref<1x1x64xf32, #tpu.memory_space<hbm>> -> memref<64xf32, #tpu.memory_space<hbm>>
      tpu.enqueue_dma source(%dma_start3A_804 : memref<64xf32, #tpu.memory_space<hbm>>) target(%dma_start3A_801 : memref<64xf32, #tpu.memory_space<vmem>>) target_semaphore(%arg20 : memref<!tpu.dma_semaphore, #tpu.memory_space<semaphore_mem>>)
      %slice3A_805 = vector.extract_strided_slice %get3A_738 {offsets = [1], sizes = [1], strides = [1]} : vector<16xi32> to vector<1xi32>
      %squeeze3A_806 = vector.extract %slice3A_805[0] : i32 from vector<1xi32>
      %shift_right_arithmetic3A_807 = arith.constant 3 : i32
      %shift_right_arithmetic3A_808 = arith.shrsi %squeeze3A_806, %shift_right_arithmetic3A_807 : i32
      %slice3A_809 = vector.extract_strided_slice %get3A_738 {offsets = [1], sizes = [1], strides = [1]} : vector<16xi32> to vector<1xi32>
      %squeeze3A_810 = vector.extract %slice3A_809[0] : i32 from vector<1xi32>
      %and3A_811 = arith.constant 7 : i32
      %and3A_812 = arith.andi %squeeze3A_810, %and3A_811 : i32
      %dma_start3A_813 = arith.constant 1 : i32
      %dma_start3A_814 = arith.constant 1 : i32
      %dma_start3A_815 = arith.constant 0 : i32
      %dma_start3A_816 = tpu.memref_slice %arg13[%dma_start3A_813, %dma_start3A_814, %dma_start3A_815] : memref<2x16x64xf32, #tpu.memory_space<vmem>> -> memref<1x1x64xf32, #tpu.memory_space<vmem>>
      %dma_start3A_817 = tpu.memref_squeeze %dma_start3A_816 : memref<1x1x64xf32, #tpu.memory_space<vmem>> -> memref<64xf32, #tpu.memory_space<vmem>>
      %dma_start3A_818 = arith.constant 0 : i32
      %dma_start3A_819 = tpu.memref_slice %arg6[%shift_right_arithmetic3A_808, %and3A_812, %dma_start3A_818] : memref<125000x8x64xf32, #tpu.memory_space<hbm>> -> memref<1x1x64xf32, #tpu.memory_space<hbm>>
      %dma_start3A_820 = tpu.memref_squeeze %dma_start3A_819 : memref<1x1x64xf32, #tpu.memory_space<hbm>> -> memref<64xf32, #tpu.memory_space<hbm>>
      %dma_start3A_821 = arith.constant 0 : i32
      %dma_start3A_822 = tpu.memref_slice %arg13[%dma_start3A_813, %dma_start3A_814, %dma_start3A_821] : memref<2x16x64xf32, #tpu.memory_space<vmem>> -> memref<1x1x64xf32, #tpu.memory_space<vmem>>
      %dma_start3A_823 = tpu.memref_squeeze %dma_start3A_822 : memref<1x1x64xf32, #tpu.memory_space<vmem>> -> memref<64xf32, #tpu.memory_space<vmem>>
      %dma_start3A_824 = arith.constant 0 : i32
      %dma_start3A_825 = tpu.memref_slice %arg6[%shift_right_arithmetic3A_808, %and3A_812, %dma_start3A_824] : memref<125000x8x64xf32, #tpu.memory_space<hbm>> -> memref<1x1x64xf32, #tpu.memory_space<hbm>>
      %dma_start3A_826 = tpu.memref_squeeze %dma_start3A_825 : memref<1x1x64xf32, #tpu.memory_space<hbm>> -> memref<64xf32, #tpu.memory_space<hbm>>
      tpu.enqueue_dma source(%dma_start3A_826 : memref<64xf32, #tpu.memory_space<hbm>>) target(%dma_start3A_823 : memref<64xf32, #tpu.memory_space<vmem>>) target_semaphore(%arg20 : memref<!tpu.dma_semaphore, #tpu.memory_space<semaphore_mem>>)
      %slice3A_827 = vector.extract_strided_slice %get3A_732 {offsets = [2], sizes = [1], strides = [1]} : vector<16xi32> to vector<1xi32>
      %squeeze3A_828 = vector.extract %slice3A_827[0] : i32 from vector<1xi32>
      %shift_right_arithmetic3A_829 = arith.constant 3 : i32
      %shift_right_arithmetic3A_830 = arith.shrsi %squeeze3A_828, %shift_right_arithmetic3A_829 : i32
      %slice3A_831 = vector.extract_strided_slice %get3A_732 {offsets = [2], sizes = [1], strides = [1]} : vector<16xi32> to vector<1xi32>
      %squeeze3A_832 = vector.extract %slice3A_831[0] : i32 from vector<1xi32>
      %and3A_833 = arith.constant 7 : i32
      %and3A_834 = arith.andi %squeeze3A_832, %and3A_833 : i32
      %dma_start3A_835 = arith.constant 1 : i32
      %dma_start3A_836 = arith.constant 2 : i32
      %dma_start3A_837 = arith.constant 0 : i32
      %dma_start3A_838 = tpu.memref_slice %arg12[%dma_start3A_835, %dma_start3A_836, %dma_start3A_837] : memref<2x16x64xf32, #tpu.memory_space<vmem>> -> memref<1x1x64xf32, #tpu.memory_space<vmem>>
      %dma_start3A_839 = tpu.memref_squeeze %dma_start3A_838 : memref<1x1x64xf32, #tpu.memory_space<vmem>> -> memref<64xf32, #tpu.memory_space<vmem>>
      %dma_start3A_840 = arith.constant 0 : i32
      %dma_start3A_841 = tpu.memref_slice %arg4[%shift_right_arithmetic3A_830, %and3A_834, %dma_start3A_840] : memref<125000x8x64xf32, #tpu.memory_space<hbm>> -> memref<1x1x64xf32, #tpu.memory_space<hbm>>
      %dma_start3A_842 = tpu.memref_squeeze %dma_start3A_841 : memref<1x1x64xf32, #tpu.memory_space<hbm>> -> memref<64xf32, #tpu.memory_space<hbm>>
      %dma_start3A_843 = arith.constant 0 : i32
      %dma_start3A_844 = tpu.memref_slice %arg12[%dma_start3A_835, %dma_start3A_836, %dma_start3A_843] : memref<2x16x64xf32, #tpu.memory_space<vmem>> -> memref<1x1x64xf32, #tpu.memory_space<vmem>>
      %dma_start3A_845 = tpu.memref_squeeze %dma_start3A_844 : memref<1x1x64xf32, #tpu.memory_space<vmem>> -> memref<64xf32, #tpu.memory_space<vmem>>
      %dma_start3A_846 = arith.constant 0 : i32
      %dma_start3A_847 = tpu.memref_slice %arg4[%shift_right_arithmetic3A_830, %and3A_834, %dma_start3A_846] : memref<125000x8x64xf32, #tpu.memory_space<hbm>> -> memref<1x1x64xf32, #tpu.memory_space<hbm>>
      %dma_start3A_848 = tpu.memref_squeeze %dma_start3A_847 : memref<1x1x64xf32, #tpu.memory_space<hbm>> -> memref<64xf32, #tpu.memory_space<hbm>>
      tpu.enqueue_dma source(%dma_start3A_848 : memref<64xf32, #tpu.memory_space<hbm>>) target(%dma_start3A_845 : memref<64xf32, #tpu.memory_space<vmem>>) target_semaphore(%arg20 : memref<!tpu.dma_semaphore, #tpu.memory_space<semaphore_mem>>)
      %slice3A_849 = vector.extract_strided_slice %get3A_738 {offsets = [2], sizes = [1], strides = [1]} : vector<16xi32> to vector<1xi32>
      %squeeze3A_850 = vector.extract %slice3A_849[0] : i32 from vector<1xi32>
      %shift_right_arithmetic3A_851 = arith.constant 3 : i32
      %shift_right_arithmetic3A_852 = arith.shrsi %squeeze3A_850, %shift_right_arithmetic3A_851 : i32
      %slice3A_853 = vector.extract_strided_slice %get3A_738 {offsets = [2], sizes = [1], strides = [1]} : vector<16xi32> to vector<1xi32>
      %squeeze3A_854 = vector.extract %slice3A_853[0] : i32 from vector<1xi32>
      %and3A_855 = arith.constant 7 : i32
      %and3A_856 = arith.andi %squeeze3A_854, %and3A_855 : i32
      %dma_start3A_857 = arith.constant 1 : i32
      %dma_start3A_858 = arith.constant 2 : i32
      %dma_start3A_859 = arith.constant 0 : i32
      %dma_start3A_860 = tpu.memref_slice %arg13[%dma_start3A_857, %dma_start3A_858, %dma_start3A_859] : memref<2x16x64xf32, #tpu.memory_space<vmem>> -> memref<1x1x64xf32, #tpu.memory_space<vmem>>
      %dma_start3A_861 = tpu.memref_squeeze %dma_start3A_860 : memref<1x1x64xf32, #tpu.memory_space<vmem>> -> memref<64xf32, #tpu.memory_space<vmem>>
      %dma_start3A_862 = arith.constant 0 : i32
      %dma_start3A_863 = tpu.memref_slice %arg6[%shift_right_arithmetic3A_852, %and3A_856, %dma_start3A_862] : memref<125000x8x64xf32, #tpu.memory_space<hbm>> -> memref<1x1x64xf32, #tpu.memory_space<hbm>>
      %dma_start3A_864 = tpu.memref_squeeze %dma_start3A_863 : memref<1x1x64xf32, #tpu.memory_space<hbm>> -> memref<64xf32, #tpu.memory_space<hbm>>
      %dma_start3A_865 = arith.constant 0 : i32
      %dma_start3A_866 = tpu.memref_slice %arg13[%dma_start3A_857, %dma_start3A_858, %dma_start3A_865] : memref<2x16x64xf32, #tpu.memory_space<vmem>> -> memref<1x1x64xf32, #tpu.memory_space<vmem>>
      %dma_start3A_867 = tpu.memref_squeeze %dma_start3A_866 : memref<1x1x64xf32, #tpu.memory_space<vmem>> -> memref<64xf32, #tpu.memory_space<vmem>>
      %dma_start3A_868 = arith.constant 0 : i32
      %dma_start3A_869 = tpu.memref_slice %arg6[%shift_right_arithmetic3A_852, %and3A_856, %dma_start3A_868] : memref<125000x8x64xf32, #tpu.memory_space<hbm>> -> memref<1x1x64xf32, #tpu.memory_space<hbm>>
      %dma_start3A_870 = tpu.memref_squeeze %dma_start3A_869 : memref<1x1x64xf32, #tpu.memory_space<hbm>> -> memref<64xf32, #tpu.memory_space<hbm>>
      tpu.enqueue_dma source(%dma_start3A_870 : memref<64xf32, #tpu.memory_space<hbm>>) target(%dma_start3A_867 : memref<64xf32, #tpu.memory_space<vmem>>) target_semaphore(%arg20 : memref<!tpu.dma_semaphore, #tpu.memory_space<semaphore_mem>>)
      %slice3A_871 = vector.extract_strided_slice %get3A_732 {offsets = [3], sizes = [1], strides = [1]} : vector<16xi32> to vector<1xi32>
      %squeeze3A_872 = vector.extract %slice3A_871[0] : i32 from vector<1xi32>
      %shift_right_arithmetic3A_873 = arith.constant 3 : i32
      %shift_right_arithmetic3A_874 = arith.shrsi %squeeze3A_872, %shift_right_arithmetic3A_873 : i32
      %slice3A_875 = vector.extract_strided_slice %get3A_732 {offsets = [3], sizes = [1], strides = [1]} : vector<16xi32> to vector<1xi32>
      %squeeze3A_876 = vector.extract %slice3A_875[0] : i32 from vector<1xi32>
      %and3A_877 = arith.constant 7 : i32
      %and3A_878 = arith.andi %squeeze3A_876, %and3A_877 : i32
      %dma_start3A_879 = arith.constant 1 : i32
      %dma_start3A_880 = arith.constant 3 : i32
      %dma_start3A_881 = arith.constant 0 : i32
      %dma_start3A_882 = tpu.memref_slice %arg12[%dma_start3A_879, %dma_start3A_880, %dma_start3A_881] : memref<2x16x64xf32, #tpu.memory_space<vmem>> -> memref<1x1x64xf32, #tpu.memory_space<vmem>>
      %dma_start3A_883 = tpu.memref_squeeze %dma_start3A_882 : memref<1x1x64xf32, #tpu.memory_space<vmem>> -> memref<64xf32, #tpu.memory_space<vmem>>
      %dma_start3A_884 = arith.constant 0 : i32
      %dma_start3A_885 = tpu.memref_slice %arg4[%shift_right_arithmetic3A_874, %and3A_878, %dma_start3A_884] : memref<125000x8x64xf32, #tpu.memory_space<hbm>> -> memref<1x1x64xf32, #tpu.memory_space<hbm>>
      %dma_start3A_886 = tpu.memref_squeeze %dma_start3A_885 : memref<1x1x64xf32, #tpu.memory_space<hbm>> -> memref<64xf32, #tpu.memory_space<hbm>>
      %dma_start3A_887 = arith.constant 0 : i32
      %dma_start3A_888 = tpu.memref_slice %arg12[%dma_start3A_879, %dma_start3A_880, %dma_start3A_887] : memref<2x16x64xf32, #tpu.memory_space<vmem>> -> memref<1x1x64xf32, #tpu.memory_space<vmem>>
      %dma_start3A_889 = tpu.memref_squeeze %dma_start3A_888 : memref<1x1x64xf32, #tpu.memory_space<vmem>> -> memref<64xf32, #tpu.memory_space<vmem>>
      %dma_start3A_890 = arith.constant 0 : i32
      %dma_start3A_891 = tpu.memref_slice %arg4[%shift_right_arithmetic3A_874, %and3A_878, %dma_start3A_890] : memref<125000x8x64xf32, #tpu.memory_space<hbm>> -> memref<1x1x64xf32, #tpu.memory_space<hbm>>
      %dma_start3A_892 = tpu.memref_squeeze %dma_start3A_891 : memref<1x1x64xf32, #tpu.memory_space<hbm>> -> memref<64xf32, #tpu.memory_space<hbm>>
      tpu.enqueue_dma source(%dma_start3A_892 : memref<64xf32, #tpu.memory_space<hbm>>) target(%dma_start3A_889 : memref<64xf32, #tpu.memory_space<vmem>>) target_semaphore(%arg20 : memref<!tpu.dma_semaphore, #tpu.memory_space<semaphore_mem>>)
      %slice3A_893 = vector.extract_strided_slice %get3A_738 {offsets = [3], sizes = [1], strides = [1]} : vector<16xi32> to vector<1xi32>
      %squeeze3A_894 = vector.extract %slice3A_893[0] : i32 from vector<1xi32>
      %shift_right_arithmetic3A_895 = arith.constant 3 : i32
      %shift_right_arithmetic3A_896 = arith.shrsi %squeeze3A_894, %shift_right_arithmetic3A_895 : i32
      %slice3A_897 = vector.extract_strided_slice %get3A_738 {offsets = [3], sizes = [1], strides = [1]} : vector<16xi32> to vector<1xi32>
      %squeeze3A_898 = vector.extract %slice3A_897[0] : i32 from vector<1xi32>
      %and3A_899 = arith.constant 7 : i32
      %and3A_900 = arith.andi %squeeze3A_898, %and3A_899 : i32
      %dma_start3A_901 = arith.constant 1 : i32
      %dma_start3A_902 = arith.constant 3 : i32
      %dma_start3A_903 = arith.constant 0 : i32
      %dma_start3A_904 = tpu.memref_slice %arg13[%dma_start3A_901, %dma_start3A_902, %dma_start3A_903] : memref<2x16x64xf32, #tpu.memory_space<vmem>> -> memref<1x1x64xf32, #tpu.memory_space<vmem>>
      %dma_start3A_905 = tpu.memref_squeeze %dma_start3A_904 : memref<1x1x64xf32, #tpu.memory_space<vmem>> -> memref<64xf32, #tpu.memory_space<vmem>>
      %dma_start3A_906 = arith.constant 0 : i32
      %dma_start3A_907 = tpu.memref_slice %arg6[%shift_right_arithmetic3A_896, %and3A_900, %dma_start3A_906] : memref<125000x8x64xf32, #tpu.memory_space<hbm>> -> memref<1x1x64xf32, #tpu.memory_space<hbm>>
      %dma_start3A_908 = tpu.memref_squeeze %dma_start3A_907 : memref<1x1x64xf32, #tpu.memory_space<hbm>> -> memref<64xf32, #tpu.memory_space<hbm>>
      %dma_start3A_909 = arith.constant 0 : i32
      %dma_start3A_910 = tpu.memref_slice %arg13[%dma_start3A_901, %dma_start3A_902, %dma_start3A_909] : memref<2x16x64xf32, #tpu.memory_space<vmem>> -> memref<1x1x64xf32, #tpu.memory_space<vmem>>
      %dma_start3A_911 = tpu.memref_squeeze %dma_start3A_910 : memref<1x1x64xf32, #tpu.memory_space<vmem>> -> memref<64xf32, #tpu.memory_space<vmem>>
      %dma_start3A_912 = arith.constant 0 : i32
      %dma_start3A_913 = tpu.memref_slice %arg6[%shift_right_arithmetic3A_896, %and3A_900, %dma_start3A_912] : memref<125000x8x64xf32, #tpu.memory_space<hbm>> -> memref<1x1x64xf32, #tpu.memory_space<hbm>>
      %dma_start3A_914 = tpu.memref_squeeze %dma_start3A_913 : memref<1x1x64xf32, #tpu.memory_space<hbm>> -> memref<64xf32, #tpu.memory_space<hbm>>
      tpu.enqueue_dma source(%dma_start3A_914 : memref<64xf32, #tpu.memory_space<hbm>>) target(%dma_start3A_911 : memref<64xf32, #tpu.memory_space<vmem>>) target_semaphore(%arg20 : memref<!tpu.dma_semaphore, #tpu.memory_space<semaphore_mem>>)
      %slice3A_915 = vector.extract_strided_slice %get3A_732 {offsets = [4], sizes = [1], strides = [1]} : vector<16xi32> to vector<1xi32>
      %squeeze3A_916 = vector.extract %slice3A_915[0] : i32 from vector<1xi32>
      %shift_right_arithmetic3A_917 = arith.constant 3 : i32
      %shift_right_arithmetic3A_918 = arith.shrsi %squeeze3A_916, %shift_right_arithmetic3A_917 : i32
      %slice3A_919 = vector.extract_strided_slice %get3A_732 {offsets = [4], sizes = [1], strides = [1]} : vector<16xi32> to vector<1xi32>
      %squeeze3A_920 = vector.extract %slice3A_919[0] : i32 from vector<1xi32>
      %and3A_921 = arith.constant 7 : i32
      %and3A_922 = arith.andi %squeeze3A_920, %and3A_921 : i32
      %dma_start3A_923 = arith.constant 1 : i32
      %dma_start3A_924 = arith.constant 4 : i32
      %dma_start3A_925 = arith.constant 0 : i32
      %dma_start3A_926 = tpu.memref_slice %arg12[%dma_start3A_923, %dma_start3A_924, %dma_start3A_925] : memref<2x16x64xf32, #tpu.memory_space<vmem>> -> memref<1x1x64xf32, #tpu.memory_space<vmem>>
      %dma_start3A_927 = tpu.memref_squeeze %dma_start3A_926 : memref<1x1x64xf32, #tpu.memory_space<vmem>> -> memref<64xf32, #tpu.memory_space<vmem>>
      %dma_start3A_928 = arith.constant 0 : i32
      %dma_start3A_929 = tpu.memref_slice %arg4[%shift_right_arithmetic3A_918, %and3A_922, %dma_start3A_928] : memref<125000x8x64xf32, #tpu.memory_space<hbm>> -> memref<1x1x64xf32, #tpu.memory_space<hbm>>
      %dma_start3A_930 = tpu.memref_squeeze %dma_start3A_929 : memref<1x1x64xf32, #tpu.memory_space<hbm>> -> memref<64xf32, #tpu.memory_space<hbm>>
      %dma_start3A_931 = arith.constant 0 : i32
      %dma_start3A_932 = tpu.memref_slice %arg12[%dma_start3A_923, %dma_start3A_924, %dma_start3A_931] : memref<2x16x64xf32, #tpu.memory_space<vmem>> -> memref<1x1x64xf32, #tpu.memory_space<vmem>>
      %dma_start3A_933 = tpu.memref_squeeze %dma_start3A_932 : memref<1x1x64xf32, #tpu.memory_space<vmem>> -> memref<64xf32, #tpu.memory_space<vmem>>
      %dma_start3A_934 = arith.constant 0 : i32
      %dma_start3A_935 = tpu.memref_slice %arg4[%shift_right_arithmetic3A_918, %and3A_922, %dma_start3A_934] : memref<125000x8x64xf32, #tpu.memory_space<hbm>> -> memref<1x1x64xf32, #tpu.memory_space<hbm>>
      %dma_start3A_936 = tpu.memref_squeeze %dma_start3A_935 : memref<1x1x64xf32, #tpu.memory_space<hbm>> -> memref<64xf32, #tpu.memory_space<hbm>>
      tpu.enqueue_dma source(%dma_start3A_936 : memref<64xf32, #tpu.memory_space<hbm>>) target(%dma_start3A_933 : memref<64xf32, #tpu.memory_space<vmem>>) target_semaphore(%arg20 : memref<!tpu.dma_semaphore, #tpu.memory_space<semaphore_mem>>)
      %slice3A_937 = vector.extract_strided_slice %get3A_738 {offsets = [4], sizes = [1], strides = [1]} : vector<16xi32> to vector<1xi32>
      %squeeze3A_938 = vector.extract %slice3A_937[0] : i32 from vector<1xi32>
      %shift_right_arithmetic3A_939 = arith.constant 3 : i32
      %shift_right_arithmetic3A_940 = arith.shrsi %squeeze3A_938, %shift_right_arithmetic3A_939 : i32
      %slice3A_941 = vector.extract_strided_slice %get3A_738 {offsets = [4], sizes = [1], strides = [1]} : vector<16xi32> to vector<1xi32>
      %squeeze3A_942 = vector.extract %slice3A_941[0] : i32 from vector<1xi32>
      %and3A_943 = arith.constant 7 : i32
      %and3A_944 = arith.andi %squeeze3A_942, %and3A_943 : i32
      %dma_start3A_945 = arith.constant 1 : i32
      %dma_start3A_946 = arith.constant 4 : i32
      %dma_start3A_947 = arith.constant 0 : i32
      %dma_start3A_948 = tpu.memref_slice %arg13[%dma_start3A_945, %dma_start3A_946, %dma_start3A_947] : memref<2x16x64xf32, #tpu.memory_space<vmem>> -> memref<1x1x64xf32, #tpu.memory_space<vmem>>
      %dma_start3A_949 = tpu.memref_squeeze %dma_start3A_948 : memref<1x1x64xf32, #tpu.memory_space<vmem>> -> memref<64xf32, #tpu.memory_space<vmem>>
      %dma_start3A_950 = arith.constant 0 : i32
      %dma_start3A_951 = tpu.memref_slice %arg6[%shift_right_arithmetic3A_940, %and3A_944, %dma_start3A_950] : memref<125000x8x64xf32, #tpu.memory_space<hbm>> -> memref<1x1x64xf32, #tpu.memory_space<hbm>>
      %dma_start3A_952 = tpu.memref_squeeze %dma_start3A_951 : memref<1x1x64xf32, #tpu.memory_space<hbm>> -> memref<64xf32, #tpu.memory_space<hbm>>
      %dma_start3A_953 = arith.constant 0 : i32
      %dma_start3A_954 = tpu.memref_slice %arg13[%dma_start3A_945, %dma_start3A_946, %dma_start3A_953] : memref<2x16x64xf32, #tpu.memory_space<vmem>> -> memref<1x1x64xf32, #tpu.memory_space<vmem>>
      %dma_start3A_955 = tpu.memref_squeeze %dma_start3A_954 : memref<1x1x64xf32, #tpu.memory_space<vmem>> -> memref<64xf32, #tpu.memory_space<vmem>>
      %dma_start3A_956 = arith.constant 0 : i32
      %dma_start3A_957 = tpu.memref_slice %arg6[%shift_right_arithmetic3A_940, %and3A_944, %dma_start3A_956] : memref<125000x8x64xf32, #tpu.memory_space<hbm>> -> memref<1x1x64xf32, #tpu.memory_space<hbm>>
      %dma_start3A_958 = tpu.memref_squeeze %dma_start3A_957 : memref<1x1x64xf32, #tpu.memory_space<hbm>> -> memref<64xf32, #tpu.memory_space<hbm>>
      tpu.enqueue_dma source(%dma_start3A_958 : memref<64xf32, #tpu.memory_space<hbm>>) target(%dma_start3A_955 : memref<64xf32, #tpu.memory_space<vmem>>) target_semaphore(%arg20 : memref<!tpu.dma_semaphore, #tpu.memory_space<semaphore_mem>>)
      %slice3A_959 = vector.extract_strided_slice %get3A_732 {offsets = [5], sizes = [1], strides = [1]} : vector<16xi32> to vector<1xi32>
      %squeeze3A_960 = vector.extract %slice3A_959[0] : i32 from vector<1xi32>
      %shift_right_arithmetic3A_961 = arith.constant 3 : i32
      %shift_right_arithmetic3A_962 = arith.shrsi %squeeze3A_960, %shift_right_arithmetic3A_961 : i32
      %slice3A_963 = vector.extract_strided_slice %get3A_732 {offsets = [5], sizes = [1], strides = [1]} : vector<16xi32> to vector<1xi32>
      %squeeze3A_964 = vector.extract %slice3A_963[0] : i32 from vector<1xi32>
      %and3A_965 = arith.constant 7 : i32
      %and3A_966 = arith.andi %squeeze3A_964, %and3A_965 : i32
      %dma_start3A_967 = arith.constant 1 : i32
      %dma_start3A_968 = arith.constant 5 : i32
      %dma_start3A_969 = arith.constant 0 : i32
      %dma_start3A_970 = tpu.memref_slice %arg12[%dma_start3A_967, %dma_start3A_968, %dma_start3A_969] : memref<2x16x64xf32, #tpu.memory_space<vmem>> -> memref<1x1x64xf32, #tpu.memory_space<vmem>>
      %dma_start3A_971 = tpu.memref_squeeze %dma_start3A_970 : memref<1x1x64xf32, #tpu.memory_space<vmem>> -> memref<64xf32, #tpu.memory_space<vmem>>
      %dma_start3A_972 = arith.constant 0 : i32
      %dma_start3A_973 = tpu.memref_slice %arg4[%shift_right_arithmetic3A_962, %and3A_966, %dma_start3A_972] : memref<125000x8x64xf32, #tpu.memory_space<hbm>> -> memref<1x1x64xf32, #tpu.memory_space<hbm>>
      %dma_start3A_974 = tpu.memref_squeeze %dma_start3A_973 : memref<1x1x64xf32, #tpu.memory_space<hbm>> -> memref<64xf32, #tpu.memory_space<hbm>>
      %dma_start3A_975 = arith.constant 0 : i32
      %dma_start3A_976 = tpu.memref_slice %arg12[%dma_start3A_967, %dma_start3A_968, %dma_start3A_975] : memref<2x16x64xf32, #tpu.memory_space<vmem>> -> memref<1x1x64xf32, #tpu.memory_space<vmem>>
      %dma_start3A_977 = tpu.memref_squeeze %dma_start3A_976 : memref<1x1x64xf32, #tpu.memory_space<vmem>> -> memref<64xf32, #tpu.memory_space<vmem>>
      %dma_start3A_978 = arith.constant 0 : i32
      %dma_start3A_979 = tpu.memref_slice %arg4[%shift_right_arithmetic3A_962, %and3A_966, %dma_start3A_978] : memref<125000x8x64xf32, #tpu.memory_space<hbm>> -> memref<1x1x64xf32, #tpu.memory_space<hbm>>
      %dma_start3A_980 = tpu.memref_squeeze %dma_start3A_979 : memref<1x1x64xf32, #tpu.memory_space<hbm>> -> memref<64xf32, #tpu.memory_space<hbm>>
      tpu.enqueue_dma source(%dma_start3A_980 : memref<64xf32, #tpu.memory_space<hbm>>) target(%dma_start3A_977 : memref<64xf32, #tpu.memory_space<vmem>>) target_semaphore(%arg20 : memref<!tpu.dma_semaphore, #tpu.memory_space<semaphore_mem>>)
      %slice3A_981 = vector.extract_strided_slice %get3A_738 {offsets = [5], sizes = [1], strides = [1]} : vector<16xi32> to vector<1xi32>
      %squeeze3A_982 = vector.extract %slice3A_981[0] : i32 from vector<1xi32>
      %shift_right_arithmetic3A_983 = arith.constant 3 : i32
      %shift_right_arithmetic3A_984 = arith.shrsi %squeeze3A_982, %shift_right_arithmetic3A_983 : i32
      %slice3A_985 = vector.extract_strided_slice %get3A_738 {offsets = [5], sizes = [1], strides = [1]} : vector<16xi32> to vector<1xi32>
      %squeeze3A_986 = vector.extract %slice3A_985[0] : i32 from vector<1xi32>
      %and3A_987 = arith.constant 7 : i32
      %and3A_988 = arith.andi %squeeze3A_986, %and3A_987 : i32
      %dma_start3A_989 = arith.constant 1 : i32
      %dma_start3A_990 = arith.constant 5 : i32
      %dma_start3A_991 = arith.constant 0 : i32
      %dma_start3A_992 = tpu.memref_slice %arg13[%dma_start3A_989, %dma_start3A_990, %dma_start3A_991] : memref<2x16x64xf32, #tpu.memory_space<vmem>> -> memref<1x1x64xf32, #tpu.memory_space<vmem>>
      %dma_start3A_993 = tpu.memref_squeeze %dma_start3A_992 : memref<1x1x64xf32, #tpu.memory_space<vmem>> -> memref<64xf32, #tpu.memory_space<vmem>>
      %dma_start3A_994 = arith.constant 0 : i32
      %dma_start3A_995 = tpu.memref_slice %arg6[%shift_right_arithmetic3A_984, %and3A_988, %dma_start3A_994] : memref<125000x8x64xf32, #tpu.memory_space<hbm>> -> memref<1x1x64xf32, #tpu.memory_space<hbm>>
      %dma_start3A_996 = tpu.memref_squeeze %dma_start3A_995 : memref<1x1x64xf32, #tpu.memory_space<hbm>> -> memref<64xf32, #tpu.memory_space<hbm>>
      %dma_start3A_997 = arith.constant 0 : i32
      %dma_start3A_998 = tpu.memref_slice %arg13[%dma_start3A_989, %dma_start3A_990, %dma_start3A_997] : memref<2x16x64xf32, #tpu.memory_space<vmem>> -> memref<1x1x64xf32, #tpu.memory_space<vmem>>
      %dma_start3A_999 = tpu.memref_squeeze %dma_start3A_998 : memref<1x1x64xf32, #tpu.memory_space<vmem>> -> memref<64xf32, #tpu.memory_space<vmem>>
      %dma_start3A_1000 = arith.constant 0 : i32
      %dma_start3A_1001 = tpu.memref_slice %arg6[%shift_right_arithmetic3A_984, %and3A_988, %dma_start3A_1000] : memref<125000x8x64xf32, #tpu.memory_space<hbm>> -> memref<1x1x64xf32, #tpu.memory_space<hbm>>
      %dma_start3A_1002 = tpu.memref_squeeze %dma_start3A_1001 : memref<1x1x64xf32, #tpu.memory_space<hbm>> -> memref<64xf32, #tpu.memory_space<hbm>>
      tpu.enqueue_dma source(%dma_start3A_1002 : memref<64xf32, #tpu.memory_space<hbm>>) target(%dma_start3A_999 : memref<64xf32, #tpu.memory_space<vmem>>) target_semaphore(%arg20 : memref<!tpu.dma_semaphore, #tpu.memory_space<semaphore_mem>>)
      %slice3A_1003 = vector.extract_strided_slice %get3A_732 {offsets = [6], sizes = [1], strides = [1]} : vector<16xi32> to vector<1xi32>
      %squeeze3A_1004 = vector.extract %slice3A_1003[0] : i32 from vector<1xi32>
      %shift_right_arithmetic3A_1005 = arith.constant 3 : i32
      %shift_right_arithmetic3A_1006 = arith.shrsi %squeeze3A_1004, %shift_right_arithmetic3A_1005 : i32
      %slice3A_1007 = vector.extract_strided_slice %get3A_732 {offsets = [6], sizes = [1], strides = [1]} : vector<16xi32> to vector<1xi32>
      %squeeze3A_1008 = vector.extract %slice3A_1007[0] : i32 from vector<1xi32>
      %and3A_1009 = arith.constant 7 : i32
      %and3A_1010 = arith.andi %squeeze3A_1008, %and3A_1009 : i32
      %dma_start3A_1011 = arith.constant 1 : i32
      %dma_start3A_1012 = arith.constant 6 : i32
      %dma_start3A_1013 = arith.constant 0 : i32
      %dma_start3A_1014 = tpu.memref_slice %arg12[%dma_start3A_1011, %dma_start3A_1012, %dma_start3A_1013] : memref<2x16x64xf32, #tpu.memory_space<vmem>> -> memref<1x1x64xf32, #tpu.memory_space<vmem>>
      %dma_start3A_1015 = tpu.memref_squeeze %dma_start3A_1014 : memref<1x1x64xf32, #tpu.memory_space<vmem>> -> memref<64xf32, #tpu.memory_space<vmem>>
      %dma_start3A_1016 = arith.constant 0 : i32
      %dma_start3A_1017 = tpu.memref_slice %arg4[%shift_right_arithmetic3A_1006, %and3A_1010, %dma_start3A_1016] : memref<125000x8x64xf32, #tpu.memory_space<hbm>> -> memref<1x1x64xf32, #tpu.memory_space<hbm>>
      %dma_start3A_1018 = tpu.memref_squeeze %dma_start3A_1017 : memref<1x1x64xf32, #tpu.memory_space<hbm>> -> memref<64xf32, #tpu.memory_space<hbm>>
      %dma_start3A_1019 = arith.constant 0 : i32
      %dma_start3A_1020 = tpu.memref_slice %arg12[%dma_start3A_1011, %dma_start3A_1012, %dma_start3A_1019] : memref<2x16x64xf32, #tpu.memory_space<vmem>> -> memref<1x1x64xf32, #tpu.memory_space<vmem>>
      %dma_start3A_1021 = tpu.memref_squeeze %dma_start3A_1020 : memref<1x1x64xf32, #tpu.memory_space<vmem>> -> memref<64xf32, #tpu.memory_space<vmem>>
      %dma_start3A_1022 = arith.constant 0 : i32
      %dma_start3A_1023 = tpu.memref_slice %arg4[%shift_right_arithmetic3A_1006, %and3A_1010, %dma_start3A_1022] : memref<125000x8x64xf32, #tpu.memory_space<hbm>> -> memref<1x1x64xf32, #tpu.memory_space<hbm>>
      %dma_start3A_1024 = tpu.memref_squeeze %dma_start3A_1023 : memref<1x1x64xf32, #tpu.memory_space<hbm>> -> memref<64xf32, #tpu.memory_space<hbm>>
      tpu.enqueue_dma source(%dma_start3A_1024 : memref<64xf32, #tpu.memory_space<hbm>>) target(%dma_start3A_1021 : memref<64xf32, #tpu.memory_space<vmem>>) target_semaphore(%arg20 : memref<!tpu.dma_semaphore, #tpu.memory_space<semaphore_mem>>)
      %slice3A_1025 = vector.extract_strided_slice %get3A_738 {offsets = [6], sizes = [1], strides = [1]} : vector<16xi32> to vector<1xi32>
      %squeeze3A_1026 = vector.extract %slice3A_1025[0] : i32 from vector<1xi32>
      %shift_right_arithmetic3A_1027 = arith.constant 3 : i32
      %shift_right_arithmetic3A_1028 = arith.shrsi %squeeze3A_1026, %shift_right_arithmetic3A_1027 : i32
      %slice3A_1029 = vector.extract_strided_slice %get3A_738 {offsets = [6], sizes = [1], strides = [1]} : vector<16xi32> to vector<1xi32>
      %squeeze3A_1030 = vector.extract %slice3A_1029[0] : i32 from vector<1xi32>
      %and3A_1031 = arith.constant 7 : i32
      %and3A_1032 = arith.andi %squeeze3A_1030, %and3A_1031 : i32
      %dma_start3A_1033 = arith.constant 1 : i32
      %dma_start3A_1034 = arith.constant 6 : i32
      %dma_start3A_1035 = arith.constant 0 : i32
      %dma_start3A_1036 = tpu.memref_slice %arg13[%dma_start3A_1033, %dma_start3A_1034, %dma_start3A_1035] : memref<2x16x64xf32, #tpu.memory_space<vmem>> -> memref<1x1x64xf32, #tpu.memory_space<vmem>>
      %dma_start3A_1037 = tpu.memref_squeeze %dma_start3A_1036 : memref<1x1x64xf32, #tpu.memory_space<vmem>> -> memref<64xf32, #tpu.memory_space<vmem>>
      %dma_start3A_1038 = arith.constant 0 : i32
      %dma_start3A_1039 = tpu.memref_slice %arg6[%shift_right_arithmetic3A_1028, %and3A_1032, %dma_start3A_1038] : memref<125000x8x64xf32, #tpu.memory_space<hbm>> -> memref<1x1x64xf32, #tpu.memory_space<hbm>>
      %dma_start3A_1040 = tpu.memref_squeeze %dma_start3A_1039 : memref<1x1x64xf32, #tpu.memory_space<hbm>> -> memref<64xf32, #tpu.memory_space<hbm>>
      %dma_start3A_1041 = arith.constant 0 : i32
      %dma_start3A_1042 = tpu.memref_slice %arg13[%dma_start3A_1033, %dma_start3A_1034, %dma_start3A_1041] : memref<2x16x64xf32, #tpu.memory_space<vmem>> -> memref<1x1x64xf32, #tpu.memory_space<vmem>>
      %dma_start3A_1043 = tpu.memref_squeeze %dma_start3A_1042 : memref<1x1x64xf32, #tpu.memory_space<vmem>> -> memref<64xf32, #tpu.memory_space<vmem>>
      %dma_start3A_1044 = arith.constant 0 : i32
      %dma_start3A_1045 = tpu.memref_slice %arg6[%shift_right_arithmetic3A_1028, %and3A_1032, %dma_start3A_1044] : memref<125000x8x64xf32, #tpu.memory_space<hbm>> -> memref<1x1x64xf32, #tpu.memory_space<hbm>>
      %dma_start3A_1046 = tpu.memref_squeeze %dma_start3A_1045 : memref<1x1x64xf32, #tpu.memory_space<hbm>> -> memref<64xf32, #tpu.memory_space<hbm>>
      tpu.enqueue_dma source(%dma_start3A_1046 : memref<64xf32, #tpu.memory_space<hbm>>) target(%dma_start3A_1043 : memref<64xf32, #tpu.memory_space<vmem>>) target_semaphore(%arg20 : memref<!tpu.dma_semaphore, #tpu.memory_space<semaphore_mem>>)
      %slice3A_1047 = vector.extract_strided_slice %get3A_732 {offsets = [7], sizes = [1], strides = [1]} : vector<16xi32> to vector<1xi32>
      %squeeze3A_1048 = vector.extract %slice3A_1047[0] : i32 from vector<1xi32>
      %shift_right_arithmetic3A_1049 = arith.constant 3 : i32
      %shift_right_arithmetic3A_1050 = arith.shrsi %squeeze3A_1048, %shift_right_arithmetic3A_1049 : i32
      %slice3A_1051 = vector.extract_strided_slice %get3A_732 {offsets = [7], sizes = [1], strides = [1]} : vector<16xi32> to vector<1xi32>
      %squeeze3A_1052 = vector.extract %slice3A_1051[0] : i32 from vector<1xi32>
      %and3A_1053 = arith.constant 7 : i32
      %and3A_1054 = arith.andi %squeeze3A_1052, %and3A_1053 : i32
      %dma_start3A_1055 = arith.constant 1 : i32
      %dma_start3A_1056 = arith.constant 7 : i32
      %dma_start3A_1057 = arith.constant 0 : i32
      %dma_start3A_1058 = tpu.memref_slice %arg12[%dma_start3A_1055, %dma_start3A_1056, %dma_start3A_1057] : memref<2x16x64xf32, #tpu.memory_space<vmem>> -> memref<1x1x64xf32, #tpu.memory_space<vmem>>
      %dma_start3A_1059 = tpu.memref_squeeze %dma_start3A_1058 : memref<1x1x64xf32, #tpu.memory_space<vmem>> -> memref<64xf32, #tpu.memory_space<vmem>>
      %dma_start3A_1060 = arith.constant 0 : i32
      %dma_start3A_1061 = tpu.memref_slice %arg4[%shift_right_arithmetic3A_1050, %and3A_1054, %dma_start3A_1060] : memref<125000x8x64xf32, #tpu.memory_space<hbm>> -> memref<1x1x64xf32, #tpu.memory_space<hbm>>
      %dma_start3A_1062 = tpu.memref_squeeze %dma_start3A_1061 : memref<1x1x64xf32, #tpu.memory_space<hbm>> -> memref<64xf32, #tpu.memory_space<hbm>>
      %dma_start3A_1063 = arith.constant 0 : i32
      %dma_start3A_1064 = tpu.memref_slice %arg12[%dma_start3A_1055, %dma_start3A_1056, %dma_start3A_1063] : memref<2x16x64xf32, #tpu.memory_space<vmem>> -> memref<1x1x64xf32, #tpu.memory_space<vmem>>
      %dma_start3A_1065 = tpu.memref_squeeze %dma_start3A_1064 : memref<1x1x64xf32, #tpu.memory_space<vmem>> -> memref<64xf32, #tpu.memory_space<vmem>>
      %dma_start3A_1066 = arith.constant 0 : i32
      %dma_start3A_1067 = tpu.memref_slice %arg4[%shift_right_arithmetic3A_1050, %and3A_1054, %dma_start3A_1066] : memref<125000x8x64xf32, #tpu.memory_space<hbm>> -> memref<1x1x64xf32, #tpu.memory_space<hbm>>
      %dma_start3A_1068 = tpu.memref_squeeze %dma_start3A_1067 : memref<1x1x64xf32, #tpu.memory_space<hbm>> -> memref<64xf32, #tpu.memory_space<hbm>>
      tpu.enqueue_dma source(%dma_start3A_1068 : memref<64xf32, #tpu.memory_space<hbm>>) target(%dma_start3A_1065 : memref<64xf32, #tpu.memory_space<vmem>>) target_semaphore(%arg20 : memref<!tpu.dma_semaphore, #tpu.memory_space<semaphore_mem>>)
      %slice3A_1069 = vector.extract_strided_slice %get3A_738 {offsets = [7], sizes = [1], strides = [1]} : vector<16xi32> to vector<1xi32>
      %squeeze3A_1070 = vector.extract %slice3A_1069[0] : i32 from vector<1xi32>
      %shift_right_arithmetic3A_1071 = arith.constant 3 : i32
      %shift_right_arithmetic3A_1072 = arith.shrsi %squeeze3A_1070, %shift_right_arithmetic3A_1071 : i32
      %slice3A_1073 = vector.extract_strided_slice %get3A_738 {offsets = [7], sizes = [1], strides = [1]} : vector<16xi32> to vector<1xi32>
      %squeeze3A_1074 = vector.extract %slice3A_1073[0] : i32 from vector<1xi32>
      %and3A_1075 = arith.constant 7 : i32
      %and3A_1076 = arith.andi %squeeze3A_1074, %and3A_1075 : i32
      %dma_start3A_1077 = arith.constant 1 : i32
      %dma_start3A_1078 = arith.constant 7 : i32
      %dma_start3A_1079 = arith.constant 0 : i32
      %dma_start3A_1080 = tpu.memref_slice %arg13[%dma_start3A_1077, %dma_start3A_1078, %dma_start3A_1079] : memref<2x16x64xf32, #tpu.memory_space<vmem>> -> memref<1x1x64xf32, #tpu.memory_space<vmem>>
      %dma_start3A_1081 = tpu.memref_squeeze %dma_start3A_1080 : memref<1x1x64xf32, #tpu.memory_space<vmem>> -> memref<64xf32, #tpu.memory_space<vmem>>
      %dma_start3A_1082 = arith.constant 0 : i32
      %dma_start3A_1083 = tpu.memref_slice %arg6[%shift_right_arithmetic3A_1072, %and3A_1076, %dma_start3A_1082] : memref<125000x8x64xf32, #tpu.memory_space<hbm>> -> memref<1x1x64xf32, #tpu.memory_space<hbm>>
      %dma_start3A_1084 = tpu.memref_squeeze %dma_start3A_1083 : memref<1x1x64xf32, #tpu.memory_space<hbm>> -> memref<64xf32, #tpu.memory_space<hbm>>
      %dma_start3A_1085 = arith.constant 0 : i32
      %dma_start3A_1086 = tpu.memref_slice %arg13[%dma_start3A_1077, %dma_start3A_1078, %dma_start3A_1085] : memref<2x16x64xf32, #tpu.memory_space<vmem>> -> memref<1x1x64xf32, #tpu.memory_space<vmem>>
      %dma_start3A_1087 = tpu.memref_squeeze %dma_start3A_1086 : memref<1x1x64xf32, #tpu.memory_space<vmem>> -> memref<64xf32, #tpu.memory_space<vmem>>
      %dma_start3A_1088 = arith.constant 0 : i32
      %dma_start3A_1089 = tpu.memref_slice %arg6[%shift_right_arithmetic3A_1072, %and3A_1076, %dma_start3A_1088] : memref<125000x8x64xf32, #tpu.memory_space<hbm>> -> memref<1x1x64xf32, #tpu.memory_space<hbm>>
      %dma_start3A_1090 = tpu.memref_squeeze %dma_start3A_1089 : memref<1x1x64xf32, #tpu.memory_space<hbm>> -> memref<64xf32, #tpu.memory_space<hbm>>
      tpu.enqueue_dma source(%dma_start3A_1090 : memref<64xf32, #tpu.memory_space<hbm>>) target(%dma_start3A_1087 : memref<64xf32, #tpu.memory_space<vmem>>) target_semaphore(%arg20 : memref<!tpu.dma_semaphore, #tpu.memory_space<semaphore_mem>>)
      %slice3A_1091 = vector.extract_strided_slice %get3A_732 {offsets = [8], sizes = [1], strides = [1]} : vector<16xi32> to vector<1xi32>
      %squeeze3A_1092 = vector.extract %slice3A_1091[0] : i32 from vector<1xi32>
      %shift_right_arithmetic3A_1093 = arith.constant 3 : i32
      %shift_right_arithmetic3A_1094 = arith.shrsi %squeeze3A_1092, %shift_right_arithmetic3A_1093 : i32
      %slice3A_1095 = vector.extract_strided_slice %get3A_732 {offsets = [8], sizes = [1], strides = [1]} : vector<16xi32> to vector<1xi32>
      %squeeze3A_1096 = vector.extract %slice3A_1095[0] : i32 from vector<1xi32>
      %and3A_1097 = arith.constant 7 : i32
      %and3A_1098 = arith.andi %squeeze3A_1096, %and3A_1097 : i32
      %dma_start3A_1099 = arith.constant 1 : i32
      %dma_start3A_1100 = arith.constant 8 : i32
      %dma_start3A_1101 = arith.constant 0 : i32
      %dma_start3A_1102 = tpu.memref_slice %arg12[%dma_start3A_1099, %dma_start3A_1100, %dma_start3A_1101] : memref<2x16x64xf32, #tpu.memory_space<vmem>> -> memref<1x1x64xf32, #tpu.memory_space<vmem>>
      %dma_start3A_1103 = tpu.memref_squeeze %dma_start3A_1102 : memref<1x1x64xf32, #tpu.memory_space<vmem>> -> memref<64xf32, #tpu.memory_space<vmem>>
      %dma_start3A_1104 = arith.constant 0 : i32
      %dma_start3A_1105 = tpu.memref_slice %arg4[%shift_right_arithmetic3A_1094, %and3A_1098, %dma_start3A_1104] : memref<125000x8x64xf32, #tpu.memory_space<hbm>> -> memref<1x1x64xf32, #tpu.memory_space<hbm>>
      %dma_start3A_1106 = tpu.memref_squeeze %dma_start3A_1105 : memref<1x1x64xf32, #tpu.memory_space<hbm>> -> memref<64xf32, #tpu.memory_space<hbm>>
      %dma_start3A_1107 = arith.constant 0 : i32
      %dma_start3A_1108 = tpu.memref_slice %arg12[%dma_start3A_1099, %dma_start3A_1100, %dma_start3A_1107] : memref<2x16x64xf32, #tpu.memory_space<vmem>> -> memref<1x1x64xf32, #tpu.memory_space<vmem>>
      %dma_start3A_1109 = tpu.memref_squeeze %dma_start3A_1108 : memref<1x1x64xf32, #tpu.memory_space<vmem>> -> memref<64xf32, #tpu.memory_space<vmem>>
      %dma_start3A_1110 = arith.constant 0 : i32
      %dma_start3A_1111 = tpu.memref_slice %arg4[%shift_right_arithmetic3A_1094, %and3A_1098, %dma_start3A_1110] : memref<125000x8x64xf32, #tpu.memory_space<hbm>> -> memref<1x1x64xf32, #tpu.memory_space<hbm>>
      %dma_start3A_1112 = tpu.memref_squeeze %dma_start3A_1111 : memref<1x1x64xf32, #tpu.memory_space<hbm>> -> memref<64xf32, #tpu.memory_space<hbm>>
      tpu.enqueue_dma source(%dma_start3A_1112 : memref<64xf32, #tpu.memory_space<hbm>>) target(%dma_start3A_1109 : memref<64xf32, #tpu.memory_space<vmem>>) target_semaphore(%arg20 : memref<!tpu.dma_semaphore, #tpu.memory_space<semaphore_mem>>)
      %slice3A_1113 = vector.extract_strided_slice %get3A_738 {offsets = [8], sizes = [1], strides = [1]} : vector<16xi32> to vector<1xi32>
      %squeeze3A_1114 = vector.extract %slice3A_1113[0] : i32 from vector<1xi32>
      %shift_right_arithmetic3A_1115 = arith.constant 3 : i32
      %shift_right_arithmetic3A_1116 = arith.shrsi %squeeze3A_1114, %shift_right_arithmetic3A_1115 : i32
      %slice3A_1117 = vector.extract_strided_slice %get3A_738 {offsets = [8], sizes = [1], strides = [1]} : vector<16xi32> to vector<1xi32>
      %squeeze3A_1118 = vector.extract %slice3A_1117[0] : i32 from vector<1xi32>
      %and3A_1119 = arith.constant 7 : i32
      %and3A_1120 = arith.andi %squeeze3A_1118, %and3A_1119 : i32
      %dma_start3A_1121 = arith.constant 1 : i32
      %dma_start3A_1122 = arith.constant 8 : i32
      %dma_start3A_1123 = arith.constant 0 : i32
      %dma_start3A_1124 = tpu.memref_slice %arg13[%dma_start3A_1121, %dma_start3A_1122, %dma_start3A_1123] : memref<2x16x64xf32, #tpu.memory_space<vmem>> -> memref<1x1x64xf32, #tpu.memory_space<vmem>>
      %dma_start3A_1125 = tpu.memref_squeeze %dma_start3A_1124 : memref<1x1x64xf32, #tpu.memory_space<vmem>> -> memref<64xf32, #tpu.memory_space<vmem>>
      %dma_start3A_1126 = arith.constant 0 : i32
      %dma_start3A_1127 = tpu.memref_slice %arg6[%shift_right_arithmetic3A_1116, %and3A_1120, %dma_start3A_1126] : memref<125000x8x64xf32, #tpu.memory_space<hbm>> -> memref<1x1x64xf32, #tpu.memory_space<hbm>>
      %dma_start3A_1128 = tpu.memref_squeeze %dma_start3A_1127 : memref<1x1x64xf32, #tpu.memory_space<hbm>> -> memref<64xf32, #tpu.memory_space<hbm>>
      %dma_start3A_1129 = arith.constant 0 : i32
      %dma_start3A_1130 = tpu.memref_slice %arg13[%dma_start3A_1121, %dma_start3A_1122, %dma_start3A_1129] : memref<2x16x64xf32, #tpu.memory_space<vmem>> -> memref<1x1x64xf32, #tpu.memory_space<vmem>>
      %dma_start3A_1131 = tpu.memref_squeeze %dma_start3A_1130 : memref<1x1x64xf32, #tpu.memory_space<vmem>> -> memref<64xf32, #tpu.memory_space<vmem>>
      %dma_start3A_1132 = arith.constant 0 : i32
      %dma_start3A_1133 = tpu.memref_slice %arg6[%shift_right_arithmetic3A_1116, %and3A_1120, %dma_start3A_1132] : memref<125000x8x64xf32, #tpu.memory_space<hbm>> -> memref<1x1x64xf32, #tpu.memory_space<hbm>>
      %dma_start3A_1134 = tpu.memref_squeeze %dma_start3A_1133 : memref<1x1x64xf32, #tpu.memory_space<hbm>> -> memref<64xf32, #tpu.memory_space<hbm>>
      tpu.enqueue_dma source(%dma_start3A_1134 : memref<64xf32, #tpu.memory_space<hbm>>) target(%dma_start3A_1131 : memref<64xf32, #tpu.memory_space<vmem>>) target_semaphore(%arg20 : memref<!tpu.dma_semaphore, #tpu.memory_space<semaphore_mem>>)
      %slice3A_1135 = vector.extract_strided_slice %get3A_732 {offsets = [9], sizes = [1], strides = [1]} : vector<16xi32> to vector<1xi32>
      %squeeze3A_1136 = vector.extract %slice3A_1135[0] : i32 from vector<1xi32>
      %shift_right_arithmetic3A_1137 = arith.constant 3 : i32
      %shift_right_arithmetic3A_1138 = arith.shrsi %squeeze3A_1136, %shift_right_arithmetic3A_1137 : i32
      %slice3A_1139 = vector.extract_strided_slice %get3A_732 {offsets = [9], sizes = [1], strides = [1]} : vector<16xi32> to vector<1xi32>
      %squeeze3A_1140 = vector.extract %slice3A_1139[0] : i32 from vector<1xi32>
      %and3A_1141 = arith.constant 7 : i32
      %and3A_1142 = arith.andi %squeeze3A_1140, %and3A_1141 : i32
      %dma_start3A_1143 = arith.constant 1 : i32
      %dma_start3A_1144 = arith.constant 9 : i32
      %dma_start3A_1145 = arith.constant 0 : i32
      %dma_start3A_1146 = tpu.memref_slice %arg12[%dma_start3A_1143, %dma_start3A_1144, %dma_start3A_1145] : memref<2x16x64xf32, #tpu.memory_space<vmem>> -> memref<1x1x64xf32, #tpu.memory_space<vmem>>
      %dma_start3A_1147 = tpu.memref_squeeze %dma_start3A_1146 : memref<1x1x64xf32, #tpu.memory_space<vmem>> -> memref<64xf32, #tpu.memory_space<vmem>>
      %dma_start3A_1148 = arith.constant 0 : i32
      %dma_start3A_1149 = tpu.memref_slice %arg4[%shift_right_arithmetic3A_1138, %and3A_1142, %dma_start3A_1148] : memref<125000x8x64xf32, #tpu.memory_space<hbm>> -> memref<1x1x64xf32, #tpu.memory_space<hbm>>
      %dma_start3A_1150 = tpu.memref_squeeze %dma_start3A_1149 : memref<1x1x64xf32, #tpu.memory_space<hbm>> -> memref<64xf32, #tpu.memory_space<hbm>>
      %dma_start3A_1151 = arith.constant 0 : i32
      %dma_start3A_1152 = tpu.memref_slice %arg12[%dma_start3A_1143, %dma_start3A_1144, %dma_start3A_1151] : memref<2x16x64xf32, #tpu.memory_space<vmem>> -> memref<1x1x64xf32, #tpu.memory_space<vmem>>
      %dma_start3A_1153 = tpu.memref_squeeze %dma_start3A_1152 : memref<1x1x64xf32, #tpu.memory_space<vmem>> -> memref<64xf32, #tpu.memory_space<vmem>>
      %dma_start3A_1154 = arith.constant 0 : i32
      %dma_start3A_1155 = tpu.memref_slice %arg4[%shift_right_arithmetic3A_1138, %and3A_1142, %dma_start3A_1154] : memref<125000x8x64xf32, #tpu.memory_space<hbm>> -> memref<1x1x64xf32, #tpu.memory_space<hbm>>
      %dma_start3A_1156 = tpu.memref_squeeze %dma_start3A_1155 : memref<1x1x64xf32, #tpu.memory_space<hbm>> -> memref<64xf32, #tpu.memory_space<hbm>>
      tpu.enqueue_dma source(%dma_start3A_1156 : memref<64xf32, #tpu.memory_space<hbm>>) target(%dma_start3A_1153 : memref<64xf32, #tpu.memory_space<vmem>>) target_semaphore(%arg20 : memref<!tpu.dma_semaphore, #tpu.memory_space<semaphore_mem>>)
      %slice3A_1157 = vector.extract_strided_slice %get3A_738 {offsets = [9], sizes = [1], strides = [1]} : vector<16xi32> to vector<1xi32>
      %squeeze3A_1158 = vector.extract %slice3A_1157[0] : i32 from vector<1xi32>
      %shift_right_arithmetic3A_1159 = arith.constant 3 : i32
      %shift_right_arithmetic3A_1160 = arith.shrsi %squeeze3A_1158, %shift_right_arithmetic3A_1159 : i32
      %slice3A_1161 = vector.extract_strided_slice %get3A_738 {offsets = [9], sizes = [1], strides = [1]} : vector<16xi32> to vector<1xi32>
      %squeeze3A_1162 = vector.extract %slice3A_1161[0] : i32 from vector<1xi32>
      %and3A_1163 = arith.constant 7 : i32
      %and3A_1164 = arith.andi %squeeze3A_1162, %and3A_1163 : i32
      %dma_start3A_1165 = arith.constant 1 : i32
      %dma_start3A_1166 = arith.constant 9 : i32
      %dma_start3A_1167 = arith.constant 0 : i32
      %dma_start3A_1168 = tpu.memref_slice %arg13[%dma_start3A_1165, %dma_start3A_1166, %dma_start3A_1167] : memref<2x16x64xf32, #tpu.memory_space<vmem>> -> memref<1x1x64xf32, #tpu.memory_space<vmem>>
      %dma_start3A_1169 = tpu.memref_squeeze %dma_start3A_1168 : memref<1x1x64xf32, #tpu.memory_space<vmem>> -> memref<64xf32, #tpu.memory_space<vmem>>
      %dma_start3A_1170 = arith.constant 0 : i32
      %dma_start3A_1171 = tpu.memref_slice %arg6[%shift_right_arithmetic3A_1160, %and3A_1164, %dma_start3A_1170] : memref<125000x8x64xf32, #tpu.memory_space<hbm>> -> memref<1x1x64xf32, #tpu.memory_space<hbm>>
      %dma_start3A_1172 = tpu.memref_squeeze %dma_start3A_1171 : memref<1x1x64xf32, #tpu.memory_space<hbm>> -> memref<64xf32, #tpu.memory_space<hbm>>
      %dma_start3A_1173 = arith.constant 0 : i32
      %dma_start3A_1174 = tpu.memref_slice %arg13[%dma_start3A_1165, %dma_start3A_1166, %dma_start3A_1173] : memref<2x16x64xf32, #tpu.memory_space<vmem>> -> memref<1x1x64xf32, #tpu.memory_space<vmem>>
      %dma_start3A_1175 = tpu.memref_squeeze %dma_start3A_1174 : memref<1x1x64xf32, #tpu.memory_space<vmem>> -> memref<64xf32, #tpu.memory_space<vmem>>
      %dma_start3A_1176 = arith.constant 0 : i32
      %dma_start3A_1177 = tpu.memref_slice %arg6[%shift_right_arithmetic3A_1160, %and3A_1164, %dma_start3A_1176] : memref<125000x8x64xf32, #tpu.memory_space<hbm>> -> memref<1x1x64xf32, #tpu.memory_space<hbm>>
      %dma_start3A_1178 = tpu.memref_squeeze %dma_start3A_1177 : memref<1x1x64xf32, #tpu.memory_space<hbm>> -> memref<64xf32, #tpu.memory_space<hbm>>
      tpu.enqueue_dma source(%dma_start3A_1178 : memref<64xf32, #tpu.memory_space<hbm>>) target(%dma_start3A_1175 : memref<64xf32, #tpu.memory_space<vmem>>) target_semaphore(%arg20 : memref<!tpu.dma_semaphore, #tpu.memory_space<semaphore_mem>>)
      %slice3A_1179 = vector.extract_strided_slice %get3A_732 {offsets = [10], sizes = [1], strides = [1]} : vector<16xi32> to vector<1xi32>
      %squeeze3A_1180 = vector.extract %slice3A_1179[0] : i32 from vector<1xi32>
      %shift_right_arithmetic3A_1181 = arith.constant 3 : i32
      %shift_right_arithmetic3A_1182 = arith.shrsi %squeeze3A_1180, %shift_right_arithmetic3A_1181 : i32
      %slice3A_1183 = vector.extract_strided_slice %get3A_732 {offsets = [10], sizes = [1], strides = [1]} : vector<16xi32> to vector<1xi32>
      %squeeze3A_1184 = vector.extract %slice3A_1183[0] : i32 from vector<1xi32>
      %and3A_1185 = arith.constant 7 : i32
      %and3A_1186 = arith.andi %squeeze3A_1184, %and3A_1185 : i32
      %dma_start3A_1187 = arith.constant 1 : i32
      %dma_start3A_1188 = arith.constant 10 : i32
      %dma_start3A_1189 = arith.constant 0 : i32
      %dma_start3A_1190 = tpu.memref_slice %arg12[%dma_start3A_1187, %dma_start3A_1188, %dma_start3A_1189] : memref<2x16x64xf32, #tpu.memory_space<vmem>> -> memref<1x1x64xf32, #tpu.memory_space<vmem>>
      %dma_start3A_1191 = tpu.memref_squeeze %dma_start3A_1190 : memref<1x1x64xf32, #tpu.memory_space<vmem>> -> memref<64xf32, #tpu.memory_space<vmem>>
      %dma_start3A_1192 = arith.constant 0 : i32
      %dma_start3A_1193 = tpu.memref_slice %arg4[%shift_right_arithmetic3A_1182, %and3A_1186, %dma_start3A_1192] : memref<125000x8x64xf32, #tpu.memory_space<hbm>> -> memref<1x1x64xf32, #tpu.memory_space<hbm>>
      %dma_start3A_1194 = tpu.memref_squeeze %dma_start3A_1193 : memref<1x1x64xf32, #tpu.memory_space<hbm>> -> memref<64xf32, #tpu.memory_space<hbm>>
      %dma_start3A_1195 = arith.constant 0 : i32
      %dma_start3A_1196 = tpu.memref_slice %arg12[%dma_start3A_1187, %dma_start3A_1188, %dma_start3A_1195] : memref<2x16x64xf32, #tpu.memory_space<vmem>> -> memref<1x1x64xf32, #tpu.memory_space<vmem>>
      %dma_start3A_1197 = tpu.memref_squeeze %dma_start3A_1196 : memref<1x1x64xf32, #tpu.memory_space<vmem>> -> memref<64xf32, #tpu.memory_space<vmem>>
      %dma_start3A_1198 = arith.constant 0 : i32
      %dma_start3A_1199 = tpu.memref_slice %arg4[%shift_right_arithmetic3A_1182, %and3A_1186, %dma_start3A_1198] : memref<125000x8x64xf32, #tpu.memory_space<hbm>> -> memref<1x1x64xf32, #tpu.memory_space<hbm>>
      %dma_start3A_1200 = tpu.memref_squeeze %dma_start3A_1199 : memref<1x1x64xf32, #tpu.memory_space<hbm>> -> memref<64xf32, #tpu.memory_space<hbm>>
      tpu.enqueue_dma source(%dma_start3A_1200 : memref<64xf32, #tpu.memory_space<hbm>>) target(%dma_start3A_1197 : memref<64xf32, #tpu.memory_space<vmem>>) target_semaphore(%arg20 : memref<!tpu.dma_semaphore, #tpu.memory_space<semaphore_mem>>)
      %slice3A_1201 = vector.extract_strided_slice %get3A_738 {offsets = [10], sizes = [1], strides = [1]} : vector<16xi32> to vector<1xi32>
      %squeeze3A_1202 = vector.extract %slice3A_1201[0] : i32 from vector<1xi32>
      %shift_right_arithmetic3A_1203 = arith.constant 3 : i32
      %shift_right_arithmetic3A_1204 = arith.shrsi %squeeze3A_1202, %shift_right_arithmetic3A_1203 : i32
      %slice3A_1205 = vector.extract_strided_slice %get3A_738 {offsets = [10], sizes = [1], strides = [1]} : vector<16xi32> to vector<1xi32>
      %squeeze3A_1206 = vector.extract %slice3A_1205[0] : i32 from vector<1xi32>
      %and3A_1207 = arith.constant 7 : i32
      %and3A_1208 = arith.andi %squeeze3A_1206, %and3A_1207 : i32
      %dma_start3A_1209 = arith.constant 1 : i32
      %dma_start3A_1210 = arith.constant 10 : i32
      %dma_start3A_1211 = arith.constant 0 : i32
      %dma_start3A_1212 = tpu.memref_slice %arg13[%dma_start3A_1209, %dma_start3A_1210, %dma_start3A_1211] : memref<2x16x64xf32, #tpu.memory_space<vmem>> -> memref<1x1x64xf32, #tpu.memory_space<vmem>>
      %dma_start3A_1213 = tpu.memref_squeeze %dma_start3A_1212 : memref<1x1x64xf32, #tpu.memory_space<vmem>> -> memref<64xf32, #tpu.memory_space<vmem>>
      %dma_start3A_1214 = arith.constant 0 : i32
      %dma_start3A_1215 = tpu.memref_slice %arg6[%shift_right_arithmetic3A_1204, %and3A_1208, %dma_start3A_1214] : memref<125000x8x64xf32, #tpu.memory_space<hbm>> -> memref<1x1x64xf32, #tpu.memory_space<hbm>>
      %dma_start3A_1216 = tpu.memref_squeeze %dma_start3A_1215 : memref<1x1x64xf32, #tpu.memory_space<hbm>> -> memref<64xf32, #tpu.memory_space<hbm>>
      %dma_start3A_1217 = arith.constant 0 : i32
      %dma_start3A_1218 = tpu.memref_slice %arg13[%dma_start3A_1209, %dma_start3A_1210, %dma_start3A_1217] : memref<2x16x64xf32, #tpu.memory_space<vmem>> -> memref<1x1x64xf32, #tpu.memory_space<vmem>>
      %dma_start3A_1219 = tpu.memref_squeeze %dma_start3A_1218 : memref<1x1x64xf32, #tpu.memory_space<vmem>> -> memref<64xf32, #tpu.memory_space<vmem>>
      %dma_start3A_1220 = arith.constant 0 : i32
      %dma_start3A_1221 = tpu.memref_slice %arg6[%shift_right_arithmetic3A_1204, %and3A_1208, %dma_start3A_1220] : memref<125000x8x64xf32, #tpu.memory_space<hbm>> -> memref<1x1x64xf32, #tpu.memory_space<hbm>>
      %dma_start3A_1222 = tpu.memref_squeeze %dma_start3A_1221 : memref<1x1x64xf32, #tpu.memory_space<hbm>> -> memref<64xf32, #tpu.memory_space<hbm>>
      tpu.enqueue_dma source(%dma_start3A_1222 : memref<64xf32, #tpu.memory_space<hbm>>) target(%dma_start3A_1219 : memref<64xf32, #tpu.memory_space<vmem>>) target_semaphore(%arg20 : memref<!tpu.dma_semaphore, #tpu.memory_space<semaphore_mem>>)
      %slice3A_1223 = vector.extract_strided_slice %get3A_732 {offsets = [11], sizes = [1], strides = [1]} : vector<16xi32> to vector<1xi32>
      %squeeze3A_1224 = vector.extract %slice3A_1223[0] : i32 from vector<1xi32>
      %shift_right_arithmetic3A_1225 = arith.constant 3 : i32
      %shift_right_arithmetic3A_1226 = arith.shrsi %squeeze3A_1224, %shift_right_arithmetic3A_1225 : i32
      %slice3A_1227 = vector.extract_strided_slice %get3A_732 {offsets = [11], sizes = [1], strides = [1]} : vector<16xi32> to vector<1xi32>
      %squeeze3A_1228 = vector.extract %slice3A_1227[0] : i32 from vector<1xi32>
      %and3A_1229 = arith.constant 7 : i32
      %and3A_1230 = arith.andi %squeeze3A_1228, %and3A_1229 : i32
      %dma_start3A_1231 = arith.constant 1 : i32
      %dma_start3A_1232 = arith.constant 11 : i32
      %dma_start3A_1233 = arith.constant 0 : i32
      %dma_start3A_1234 = tpu.memref_slice %arg12[%dma_start3A_1231, %dma_start3A_1232, %dma_start3A_1233] : memref<2x16x64xf32, #tpu.memory_space<vmem>> -> memref<1x1x64xf32, #tpu.memory_space<vmem>>
      %dma_start3A_1235 = tpu.memref_squeeze %dma_start3A_1234 : memref<1x1x64xf32, #tpu.memory_space<vmem>> -> memref<64xf32, #tpu.memory_space<vmem>>
      %dma_start3A_1236 = arith.constant 0 : i32
      %dma_start3A_1237 = tpu.memref_slice %arg4[%shift_right_arithmetic3A_1226, %and3A_1230, %dma_start3A_1236] : memref<125000x8x64xf32, #tpu.memory_space<hbm>> -> memref<1x1x64xf32, #tpu.memory_space<hbm>>
      %dma_start3A_1238 = tpu.memref_squeeze %dma_start3A_1237 : memref<1x1x64xf32, #tpu.memory_space<hbm>> -> memref<64xf32, #tpu.memory_space<hbm>>
      %dma_start3A_1239 = arith.constant 0 : i32
      %dma_start3A_1240 = tpu.memref_slice %arg12[%dma_start3A_1231, %dma_start3A_1232, %dma_start3A_1239] : memref<2x16x64xf32, #tpu.memory_space<vmem>> -> memref<1x1x64xf32, #tpu.memory_space<vmem>>
      %dma_start3A_1241 = tpu.memref_squeeze %dma_start3A_1240 : memref<1x1x64xf32, #tpu.memory_space<vmem>> -> memref<64xf32, #tpu.memory_space<vmem>>
      %dma_start3A_1242 = arith.constant 0 : i32
      %dma_start3A_1243 = tpu.memref_slice %arg4[%shift_right_arithmetic3A_1226, %and3A_1230, %dma_start3A_1242] : memref<125000x8x64xf32, #tpu.memory_space<hbm>> -> memref<1x1x64xf32, #tpu.memory_space<hbm>>
      %dma_start3A_1244 = tpu.memref_squeeze %dma_start3A_1243 : memref<1x1x64xf32, #tpu.memory_space<hbm>> -> memref<64xf32, #tpu.memory_space<hbm>>
      tpu.enqueue_dma source(%dma_start3A_1244 : memref<64xf32, #tpu.memory_space<hbm>>) target(%dma_start3A_1241 : memref<64xf32, #tpu.memory_space<vmem>>) target_semaphore(%arg20 : memref<!tpu.dma_semaphore, #tpu.memory_space<semaphore_mem>>)
      %slice3A_1245 = vector.extract_strided_slice %get3A_738 {offsets = [11], sizes = [1], strides = [1]} : vector<16xi32> to vector<1xi32>
      %squeeze3A_1246 = vector.extract %slice3A_1245[0] : i32 from vector<1xi32>
      %shift_right_arithmetic3A_1247 = arith.constant 3 : i32
      %shift_right_arithmetic3A_1248 = arith.shrsi %squeeze3A_1246, %shift_right_arithmetic3A_1247 : i32
      %slice3A_1249 = vector.extract_strided_slice %get3A_738 {offsets = [11], sizes = [1], strides = [1]} : vector<16xi32> to vector<1xi32>
      %squeeze3A_1250 = vector.extract %slice3A_1249[0] : i32 from vector<1xi32>
      %and3A_1251 = arith.constant 7 : i32
      %and3A_1252 = arith.andi %squeeze3A_1250, %and3A_1251 : i32
      %dma_start3A_1253 = arith.constant 1 : i32
      %dma_start3A_1254 = arith.constant 11 : i32
      %dma_start3A_1255 = arith.constant 0 : i32
      %dma_start3A_1256 = tpu.memref_slice %arg13[%dma_start3A_1253, %dma_start3A_1254, %dma_start3A_1255] : memref<2x16x64xf32, #tpu.memory_space<vmem>> -> memref<1x1x64xf32, #tpu.memory_space<vmem>>
      %dma_start3A_1257 = tpu.memref_squeeze %dma_start3A_1256 : memref<1x1x64xf32, #tpu.memory_space<vmem>> -> memref<64xf32, #tpu.memory_space<vmem>>
      %dma_start3A_1258 = arith.constant 0 : i32
      %dma_start3A_1259 = tpu.memref_slice %arg6[%shift_right_arithmetic3A_1248, %and3A_1252, %dma_start3A_1258] : memref<125000x8x64xf32, #tpu.memory_space<hbm>> -> memref<1x1x64xf32, #tpu.memory_space<hbm>>
      %dma_start3A_1260 = tpu.memref_squeeze %dma_start3A_1259 : memref<1x1x64xf32, #tpu.memory_space<hbm>> -> memref<64xf32, #tpu.memory_space<hbm>>
      %dma_start3A_1261 = arith.constant 0 : i32
      %dma_start3A_1262 = tpu.memref_slice %arg13[%dma_start3A_1253, %dma_start3A_1254, %dma_start3A_1261] : memref<2x16x64xf32, #tpu.memory_space<vmem>> -> memref<1x1x64xf32, #tpu.memory_space<vmem>>
      %dma_start3A_1263 = tpu.memref_squeeze %dma_start3A_1262 : memref<1x1x64xf32, #tpu.memory_space<vmem>> -> memref<64xf32, #tpu.memory_space<vmem>>
      %dma_start3A_1264 = arith.constant 0 : i32
      %dma_start3A_1265 = tpu.memref_slice %arg6[%shift_right_arithmetic3A_1248, %and3A_1252, %dma_start3A_1264] : memref<125000x8x64xf32, #tpu.memory_space<hbm>> -> memref<1x1x64xf32, #tpu.memory_space<hbm>>
      %dma_start3A_1266 = tpu.memref_squeeze %dma_start3A_1265 : memref<1x1x64xf32, #tpu.memory_space<hbm>> -> memref<64xf32, #tpu.memory_space<hbm>>
      tpu.enqueue_dma source(%dma_start3A_1266 : memref<64xf32, #tpu.memory_space<hbm>>) target(%dma_start3A_1263 : memref<64xf32, #tpu.memory_space<vmem>>) target_semaphore(%arg20 : memref<!tpu.dma_semaphore, #tpu.memory_space<semaphore_mem>>)
      %slice3A_1267 = vector.extract_strided_slice %get3A_732 {offsets = [12], sizes = [1], strides = [1]} : vector<16xi32> to vector<1xi32>
      %squeeze3A_1268 = vector.extract %slice3A_1267[0] : i32 from vector<1xi32>
      %shift_right_arithmetic3A_1269 = arith.constant 3 : i32
      %shift_right_arithmetic3A_1270 = arith.shrsi %squeeze3A_1268, %shift_right_arithmetic3A_1269 : i32
      %slice3A_1271 = vector.extract_strided_slice %get3A_732 {offsets = [12], sizes = [1], strides = [1]} : vector<16xi32> to vector<1xi32>
      %squeeze3A_1272 = vector.extract %slice3A_1271[0] : i32 from vector<1xi32>
      %and3A_1273 = arith.constant 7 : i32
      %and3A_1274 = arith.andi %squeeze3A_1272, %and3A_1273 : i32
      %dma_start3A_1275 = arith.constant 1 : i32
      %dma_start3A_1276 = arith.constant 12 : i32
      %dma_start3A_1277 = arith.constant 0 : i32
      %dma_start3A_1278 = tpu.memref_slice %arg12[%dma_start3A_1275, %dma_start3A_1276, %dma_start3A_1277] : memref<2x16x64xf32, #tpu.memory_space<vmem>> -> memref<1x1x64xf32, #tpu.memory_space<vmem>>
      %dma_start3A_1279 = tpu.memref_squeeze %dma_start3A_1278 : memref<1x1x64xf32, #tpu.memory_space<vmem>> -> memref<64xf32, #tpu.memory_space<vmem>>
      %dma_start3A_1280 = arith.constant 0 : i32
      %dma_start3A_1281 = tpu.memref_slice %arg4[%shift_right_arithmetic3A_1270, %and3A_1274, %dma_start3A_1280] : memref<125000x8x64xf32, #tpu.memory_space<hbm>> -> memref<1x1x64xf32, #tpu.memory_space<hbm>>
      %dma_start3A_1282 = tpu.memref_squeeze %dma_start3A_1281 : memref<1x1x64xf32, #tpu.memory_space<hbm>> -> memref<64xf32, #tpu.memory_space<hbm>>
      %dma_start3A_1283 = arith.constant 0 : i32
      %dma_start3A_1284 = tpu.memref_slice %arg12[%dma_start3A_1275, %dma_start3A_1276, %dma_start3A_1283] : memref<2x16x64xf32, #tpu.memory_space<vmem>> -> memref<1x1x64xf32, #tpu.memory_space<vmem>>
      %dma_start3A_1285 = tpu.memref_squeeze %dma_start3A_1284 : memref<1x1x64xf32, #tpu.memory_space<vmem>> -> memref<64xf32, #tpu.memory_space<vmem>>
      %dma_start3A_1286 = arith.constant 0 : i32
      %dma_start3A_1287 = tpu.memref_slice %arg4[%shift_right_arithmetic3A_1270, %and3A_1274, %dma_start3A_1286] : memref<125000x8x64xf32, #tpu.memory_space<hbm>> -> memref<1x1x64xf32, #tpu.memory_space<hbm>>
      %dma_start3A_1288 = tpu.memref_squeeze %dma_start3A_1287 : memref<1x1x64xf32, #tpu.memory_space<hbm>> -> memref<64xf32, #tpu.memory_space<hbm>>
      tpu.enqueue_dma source(%dma_start3A_1288 : memref<64xf32, #tpu.memory_space<hbm>>) target(%dma_start3A_1285 : memref<64xf32, #tpu.memory_space<vmem>>) target_semaphore(%arg20 : memref<!tpu.dma_semaphore, #tpu.memory_space<semaphore_mem>>)
      %slice3A_1289 = vector.extract_strided_slice %get3A_738 {offsets = [12], sizes = [1], strides = [1]} : vector<16xi32> to vector<1xi32>
      %squeeze3A_1290 = vector.extract %slice3A_1289[0] : i32 from vector<1xi32>
      %shift_right_arithmetic3A_1291 = arith.constant 3 : i32
      %shift_right_arithmetic3A_1292 = arith.shrsi %squeeze3A_1290, %shift_right_arithmetic3A_1291 : i32
      %slice3A_1293 = vector.extract_strided_slice %get3A_738 {offsets = [12], sizes = [1], strides = [1]} : vector<16xi32> to vector<1xi32>
      %squeeze3A_1294 = vector.extract %slice3A_1293[0] : i32 from vector<1xi32>
      %and3A_1295 = arith.constant 7 : i32
      %and3A_1296 = arith.andi %squeeze3A_1294, %and3A_1295 : i32
      %dma_start3A_1297 = arith.constant 1 : i32
      %dma_start3A_1298 = arith.constant 12 : i32
      %dma_start3A_1299 = arith.constant 0 : i32
      %dma_start3A_1300 = tpu.memref_slice %arg13[%dma_start3A_1297, %dma_start3A_1298, %dma_start3A_1299] : memref<2x16x64xf32, #tpu.memory_space<vmem>> -> memref<1x1x64xf32, #tpu.memory_space<vmem>>
      %dma_start3A_1301 = tpu.memref_squeeze %dma_start3A_1300 : memref<1x1x64xf32, #tpu.memory_space<vmem>> -> memref<64xf32, #tpu.memory_space<vmem>>
      %dma_start3A_1302 = arith.constant 0 : i32
      %dma_start3A_1303 = tpu.memref_slice %arg6[%shift_right_arithmetic3A_1292, %and3A_1296, %dma_start3A_1302] : memref<125000x8x64xf32, #tpu.memory_space<hbm>> -> memref<1x1x64xf32, #tpu.memory_space<hbm>>
      %dma_start3A_1304 = tpu.memref_squeeze %dma_start3A_1303 : memref<1x1x64xf32, #tpu.memory_space<hbm>> -> memref<64xf32, #tpu.memory_space<hbm>>
      %dma_start3A_1305 = arith.constant 0 : i32
      %dma_start3A_1306 = tpu.memref_slice %arg13[%dma_start3A_1297, %dma_start3A_1298, %dma_start3A_1305] : memref<2x16x64xf32, #tpu.memory_space<vmem>> -> memref<1x1x64xf32, #tpu.memory_space<vmem>>
      %dma_start3A_1307 = tpu.memref_squeeze %dma_start3A_1306 : memref<1x1x64xf32, #tpu.memory_space<vmem>> -> memref<64xf32, #tpu.memory_space<vmem>>
      %dma_start3A_1308 = arith.constant 0 : i32
      %dma_start3A_1309 = tpu.memref_slice %arg6[%shift_right_arithmetic3A_1292, %and3A_1296, %dma_start3A_1308] : memref<125000x8x64xf32, #tpu.memory_space<hbm>> -> memref<1x1x64xf32, #tpu.memory_space<hbm>>
      %dma_start3A_1310 = tpu.memref_squeeze %dma_start3A_1309 : memref<1x1x64xf32, #tpu.memory_space<hbm>> -> memref<64xf32, #tpu.memory_space<hbm>>
      tpu.enqueue_dma source(%dma_start3A_1310 : memref<64xf32, #tpu.memory_space<hbm>>) target(%dma_start3A_1307 : memref<64xf32, #tpu.memory_space<vmem>>) target_semaphore(%arg20 : memref<!tpu.dma_semaphore, #tpu.memory_space<semaphore_mem>>)
      %slice3A_1311 = vector.extract_strided_slice %get3A_732 {offsets = [13], sizes = [1], strides = [1]} : vector<16xi32> to vector<1xi32>
      %squeeze3A_1312 = vector.extract %slice3A_1311[0] : i32 from vector<1xi32>
      %shift_right_arithmetic3A_1313 = arith.constant 3 : i32
      %shift_right_arithmetic3A_1314 = arith.shrsi %squeeze3A_1312, %shift_right_arithmetic3A_1313 : i32
      %slice3A_1315 = vector.extract_strided_slice %get3A_732 {offsets = [13], sizes = [1], strides = [1]} : vector<16xi32> to vector<1xi32>
      %squeeze3A_1316 = vector.extract %slice3A_1315[0] : i32 from vector<1xi32>
      %and3A_1317 = arith.constant 7 : i32
      %and3A_1318 = arith.andi %squeeze3A_1316, %and3A_1317 : i32
      %dma_start3A_1319 = arith.constant 1 : i32
      %dma_start3A_1320 = arith.constant 13 : i32
      %dma_start3A_1321 = arith.constant 0 : i32
      %dma_start3A_1322 = tpu.memref_slice %arg12[%dma_start3A_1319, %dma_start3A_1320, %dma_start3A_1321] : memref<2x16x64xf32, #tpu.memory_space<vmem>> -> memref<1x1x64xf32, #tpu.memory_space<vmem>>
      %dma_start3A_1323 = tpu.memref_squeeze %dma_start3A_1322 : memref<1x1x64xf32, #tpu.memory_space<vmem>> -> memref<64xf32, #tpu.memory_space<vmem>>
      %dma_start3A_1324 = arith.constant 0 : i32
      %dma_start3A_1325 = tpu.memref_slice %arg4[%shift_right_arithmetic3A_1314, %and3A_1318, %dma_start3A_1324] : memref<125000x8x64xf32, #tpu.memory_space<hbm>> -> memref<1x1x64xf32, #tpu.memory_space<hbm>>
      %dma_start3A_1326 = tpu.memref_squeeze %dma_start3A_1325 : memref<1x1x64xf32, #tpu.memory_space<hbm>> -> memref<64xf32, #tpu.memory_space<hbm>>
      %dma_start3A_1327 = arith.constant 0 : i32
      %dma_start3A_1328 = tpu.memref_slice %arg12[%dma_start3A_1319, %dma_start3A_1320, %dma_start3A_1327] : memref<2x16x64xf32, #tpu.memory_space<vmem>> -> memref<1x1x64xf32, #tpu.memory_space<vmem>>
      %dma_start3A_1329 = tpu.memref_squeeze %dma_start3A_1328 : memref<1x1x64xf32, #tpu.memory_space<vmem>> -> memref<64xf32, #tpu.memory_space<vmem>>
      %dma_start3A_1330 = arith.constant 0 : i32
      %dma_start3A_1331 = tpu.memref_slice %arg4[%shift_right_arithmetic3A_1314, %and3A_1318, %dma_start3A_1330] : memref<125000x8x64xf32, #tpu.memory_space<hbm>> -> memref<1x1x64xf32, #tpu.memory_space<hbm>>
      %dma_start3A_1332 = tpu.memref_squeeze %dma_start3A_1331 : memref<1x1x64xf32, #tpu.memory_space<hbm>> -> memref<64xf32, #tpu.memory_space<hbm>>
      tpu.enqueue_dma source(%dma_start3A_1332 : memref<64xf32, #tpu.memory_space<hbm>>) target(%dma_start3A_1329 : memref<64xf32, #tpu.memory_space<vmem>>) target_semaphore(%arg20 : memref<!tpu.dma_semaphore, #tpu.memory_space<semaphore_mem>>)
      %slice3A_1333 = vector.extract_strided_slice %get3A_738 {offsets = [13], sizes = [1], strides = [1]} : vector<16xi32> to vector<1xi32>
      %squeeze3A_1334 = vector.extract %slice3A_1333[0] : i32 from vector<1xi32>
      %shift_right_arithmetic3A_1335 = arith.constant 3 : i32
      %shift_right_arithmetic3A_1336 = arith.shrsi %squeeze3A_1334, %shift_right_arithmetic3A_1335 : i32
      %slice3A_1337 = vector.extract_strided_slice %get3A_738 {offsets = [13], sizes = [1], strides = [1]} : vector<16xi32> to vector<1xi32>
      %squeeze3A_1338 = vector.extract %slice3A_1337[0] : i32 from vector<1xi32>
      %and3A_1339 = arith.constant 7 : i32
      %and3A_1340 = arith.andi %squeeze3A_1338, %and3A_1339 : i32
      %dma_start3A_1341 = arith.constant 1 : i32
      %dma_start3A_1342 = arith.constant 13 : i32
      %dma_start3A_1343 = arith.constant 0 : i32
      %dma_start3A_1344 = tpu.memref_slice %arg13[%dma_start3A_1341, %dma_start3A_1342, %dma_start3A_1343] : memref<2x16x64xf32, #tpu.memory_space<vmem>> -> memref<1x1x64xf32, #tpu.memory_space<vmem>>
      %dma_start3A_1345 = tpu.memref_squeeze %dma_start3A_1344 : memref<1x1x64xf32, #tpu.memory_space<vmem>> -> memref<64xf32, #tpu.memory_space<vmem>>
      %dma_start3A_1346 = arith.constant 0 : i32
      %dma_start3A_1347 = tpu.memref_slice %arg6[%shift_right_arithmetic3A_1336, %and3A_1340, %dma_start3A_1346] : memref<125000x8x64xf32, #tpu.memory_space<hbm>> -> memref<1x1x64xf32, #tpu.memory_space<hbm>>
      %dma_start3A_1348 = tpu.memref_squeeze %dma_start3A_1347 : memref<1x1x64xf32, #tpu.memory_space<hbm>> -> memref<64xf32, #tpu.memory_space<hbm>>
      %dma_start3A_1349 = arith.constant 0 : i32
      %dma_start3A_1350 = tpu.memref_slice %arg13[%dma_start3A_1341, %dma_start3A_1342, %dma_start3A_1349] : memref<2x16x64xf32, #tpu.memory_space<vmem>> -> memref<1x1x64xf32, #tpu.memory_space<vmem>>
      %dma_start3A_1351 = tpu.memref_squeeze %dma_start3A_1350 : memref<1x1x64xf32, #tpu.memory_space<vmem>> -> memref<64xf32, #tpu.memory_space<vmem>>
      %dma_start3A_1352 = arith.constant 0 : i32
      %dma_start3A_1353 = tpu.memref_slice %arg6[%shift_right_arithmetic3A_1336, %and3A_1340, %dma_start3A_1352] : memref<125000x8x64xf32, #tpu.memory_space<hbm>> -> memref<1x1x64xf32, #tpu.memory_space<hbm>>
      %dma_start3A_1354 = tpu.memref_squeeze %dma_start3A_1353 : memref<1x1x64xf32, #tpu.memory_space<hbm>> -> memref<64xf32, #tpu.memory_space<hbm>>
      tpu.enqueue_dma source(%dma_start3A_1354 : memref<64xf32, #tpu.memory_space<hbm>>) target(%dma_start3A_1351 : memref<64xf32, #tpu.memory_space<vmem>>) target_semaphore(%arg20 : memref<!tpu.dma_semaphore, #tpu.memory_space<semaphore_mem>>)
      %slice3A_1355 = vector.extract_strided_slice %get3A_732 {offsets = [14], sizes = [1], strides = [1]} : vector<16xi32> to vector<1xi32>
      %squeeze3A_1356 = vector.extract %slice3A_1355[0] : i32 from vector<1xi32>
      %shift_right_arithmetic3A_1357 = arith.constant 3 : i32
      %shift_right_arithmetic3A_1358 = arith.shrsi %squeeze3A_1356, %shift_right_arithmetic3A_1357 : i32
      %slice3A_1359 = vector.extract_strided_slice %get3A_732 {offsets = [14], sizes = [1], strides = [1]} : vector<16xi32> to vector<1xi32>
      %squeeze3A_1360 = vector.extract %slice3A_1359[0] : i32 from vector<1xi32>
      %and3A_1361 = arith.constant 7 : i32
      %and3A_1362 = arith.andi %squeeze3A_1360, %and3A_1361 : i32
      %dma_start3A_1363 = arith.constant 1 : i32
      %dma_start3A_1364 = arith.constant 14 : i32
      %dma_start3A_1365 = arith.constant 0 : i32
      %dma_start3A_1366 = tpu.memref_slice %arg12[%dma_start3A_1363, %dma_start3A_1364, %dma_start3A_1365] : memref<2x16x64xf32, #tpu.memory_space<vmem>> -> memref<1x1x64xf32, #tpu.memory_space<vmem>>
      %dma_start3A_1367 = tpu.memref_squeeze %dma_start3A_1366 : memref<1x1x64xf32, #tpu.memory_space<vmem>> -> memref<64xf32, #tpu.memory_space<vmem>>
      %dma_start3A_1368 = arith.constant 0 : i32
      %dma_start3A_1369 = tpu.memref_slice %arg4[%shift_right_arithmetic3A_1358, %and3A_1362, %dma_start3A_1368] : memref<125000x8x64xf32, #tpu.memory_space<hbm>> -> memref<1x1x64xf32, #tpu.memory_space<hbm>>
      %dma_start3A_1370 = tpu.memref_squeeze %dma_start3A_1369 : memref<1x1x64xf32, #tpu.memory_space<hbm>> -> memref<64xf32, #tpu.memory_space<hbm>>
      %dma_start3A_1371 = arith.constant 0 : i32
      %dma_start3A_1372 = tpu.memref_slice %arg12[%dma_start3A_1363, %dma_start3A_1364, %dma_start3A_1371] : memref<2x16x64xf32, #tpu.memory_space<vmem>> -> memref<1x1x64xf32, #tpu.memory_space<vmem>>
      %dma_start3A_1373 = tpu.memref_squeeze %dma_start3A_1372 : memref<1x1x64xf32, #tpu.memory_space<vmem>> -> memref<64xf32, #tpu.memory_space<vmem>>
      %dma_start3A_1374 = arith.constant 0 : i32
      %dma_start3A_1375 = tpu.memref_slice %arg4[%shift_right_arithmetic3A_1358, %and3A_1362, %dma_start3A_1374] : memref<125000x8x64xf32, #tpu.memory_space<hbm>> -> memref<1x1x64xf32, #tpu.memory_space<hbm>>
      %dma_start3A_1376 = tpu.memref_squeeze %dma_start3A_1375 : memref<1x1x64xf32, #tpu.memory_space<hbm>> -> memref<64xf32, #tpu.memory_space<hbm>>
      tpu.enqueue_dma source(%dma_start3A_1376 : memref<64xf32, #tpu.memory_space<hbm>>) target(%dma_start3A_1373 : memref<64xf32, #tpu.memory_space<vmem>>) target_semaphore(%arg20 : memref<!tpu.dma_semaphore, #tpu.memory_space<semaphore_mem>>)
      %slice3A_1377 = vector.extract_strided_slice %get3A_738 {offsets = [14], sizes = [1], strides = [1]} : vector<16xi32> to vector<1xi32>
      %squeeze3A_1378 = vector.extract %slice3A_1377[0] : i32 from vector<1xi32>
      %shift_right_arithmetic3A_1379 = arith.constant 3 : i32
      %shift_right_arithmetic3A_1380 = arith.shrsi %squeeze3A_1378, %shift_right_arithmetic3A_1379 : i32
      %slice3A_1381 = vector.extract_strided_slice %get3A_738 {offsets = [14], sizes = [1], strides = [1]} : vector<16xi32> to vector<1xi32>
      %squeeze3A_1382 = vector.extract %slice3A_1381[0] : i32 from vector<1xi32>
      %and3A_1383 = arith.constant 7 : i32
      %and3A_1384 = arith.andi %squeeze3A_1382, %and3A_1383 : i32
      %dma_start3A_1385 = arith.constant 1 : i32
      %dma_start3A_1386 = arith.constant 14 : i32
      %dma_start3A_1387 = arith.constant 0 : i32
      %dma_start3A_1388 = tpu.memref_slice %arg13[%dma_start3A_1385, %dma_start3A_1386, %dma_start3A_1387] : memref<2x16x64xf32, #tpu.memory_space<vmem>> -> memref<1x1x64xf32, #tpu.memory_space<vmem>>
      %dma_start3A_1389 = tpu.memref_squeeze %dma_start3A_1388 : memref<1x1x64xf32, #tpu.memory_space<vmem>> -> memref<64xf32, #tpu.memory_space<vmem>>
      %dma_start3A_1390 = arith.constant 0 : i32
      %dma_start3A_1391 = tpu.memref_slice %arg6[%shift_right_arithmetic3A_1380, %and3A_1384, %dma_start3A_1390] : memref<125000x8x64xf32, #tpu.memory_space<hbm>> -> memref<1x1x64xf32, #tpu.memory_space<hbm>>
      %dma_start3A_1392 = tpu.memref_squeeze %dma_start3A_1391 : memref<1x1x64xf32, #tpu.memory_space<hbm>> -> memref<64xf32, #tpu.memory_space<hbm>>
      %dma_start3A_1393 = arith.constant 0 : i32
      %dma_start3A_1394 = tpu.memref_slice %arg13[%dma_start3A_1385, %dma_start3A_1386, %dma_start3A_1393] : memref<2x16x64xf32, #tpu.memory_space<vmem>> -> memref<1x1x64xf32, #tpu.memory_space<vmem>>
      %dma_start3A_1395 = tpu.memref_squeeze %dma_start3A_1394 : memref<1x1x64xf32, #tpu.memory_space<vmem>> -> memref<64xf32, #tpu.memory_space<vmem>>
      %dma_start3A_1396 = arith.constant 0 : i32
      %dma_start3A_1397 = tpu.memref_slice %arg6[%shift_right_arithmetic3A_1380, %and3A_1384, %dma_start3A_1396] : memref<125000x8x64xf32, #tpu.memory_space<hbm>> -> memref<1x1x64xf32, #tpu.memory_space<hbm>>
      %dma_start3A_1398 = tpu.memref_squeeze %dma_start3A_1397 : memref<1x1x64xf32, #tpu.memory_space<hbm>> -> memref<64xf32, #tpu.memory_space<hbm>>
      tpu.enqueue_dma source(%dma_start3A_1398 : memref<64xf32, #tpu.memory_space<hbm>>) target(%dma_start3A_1395 : memref<64xf32, #tpu.memory_space<vmem>>) target_semaphore(%arg20 : memref<!tpu.dma_semaphore, #tpu.memory_space<semaphore_mem>>)
      %slice3A_1399 = vector.extract_strided_slice %get3A_732 {offsets = [15], sizes = [1], strides = [1]} : vector<16xi32> to vector<1xi32>
      %squeeze3A_1400 = vector.extract %slice3A_1399[0] : i32 from vector<1xi32>
      %shift_right_arithmetic3A_1401 = arith.constant 3 : i32
      %shift_right_arithmetic3A_1402 = arith.shrsi %squeeze3A_1400, %shift_right_arithmetic3A_1401 : i32
      %slice3A_1403 = vector.extract_strided_slice %get3A_732 {offsets = [15], sizes = [1], strides = [1]} : vector<16xi32> to vector<1xi32>
      %squeeze3A_1404 = vector.extract %slice3A_1403[0] : i32 from vector<1xi32>
      %and3A_1405 = arith.constant 7 : i32
      %and3A_1406 = arith.andi %squeeze3A_1404, %and3A_1405 : i32
      %dma_start3A_1407 = arith.constant 1 : i32
      %dma_start3A_1408 = arith.constant 15 : i32
      %dma_start3A_1409 = arith.constant 0 : i32
      %dma_start3A_1410 = tpu.memref_slice %arg12[%dma_start3A_1407, %dma_start3A_1408, %dma_start3A_1409] : memref<2x16x64xf32, #tpu.memory_space<vmem>> -> memref<1x1x64xf32, #tpu.memory_space<vmem>>
      %dma_start3A_1411 = tpu.memref_squeeze %dma_start3A_1410 : memref<1x1x64xf32, #tpu.memory_space<vmem>> -> memref<64xf32, #tpu.memory_space<vmem>>
      %dma_start3A_1412 = arith.constant 0 : i32
      %dma_start3A_1413 = tpu.memref_slice %arg4[%shift_right_arithmetic3A_1402, %and3A_1406, %dma_start3A_1412] : memref<125000x8x64xf32, #tpu.memory_space<hbm>> -> memref<1x1x64xf32, #tpu.memory_space<hbm>>
      %dma_start3A_1414 = tpu.memref_squeeze %dma_start3A_1413 : memref<1x1x64xf32, #tpu.memory_space<hbm>> -> memref<64xf32, #tpu.memory_space<hbm>>
      %dma_start3A_1415 = arith.constant 0 : i32
      %dma_start3A_1416 = tpu.memref_slice %arg12[%dma_start3A_1407, %dma_start3A_1408, %dma_start3A_1415] : memref<2x16x64xf32, #tpu.memory_space<vmem>> -> memref<1x1x64xf32, #tpu.memory_space<vmem>>
      %dma_start3A_1417 = tpu.memref_squeeze %dma_start3A_1416 : memref<1x1x64xf32, #tpu.memory_space<vmem>> -> memref<64xf32, #tpu.memory_space<vmem>>
      %dma_start3A_1418 = arith.constant 0 : i32
      %dma_start3A_1419 = tpu.memref_slice %arg4[%shift_right_arithmetic3A_1402, %and3A_1406, %dma_start3A_1418] : memref<125000x8x64xf32, #tpu.memory_space<hbm>> -> memref<1x1x64xf32, #tpu.memory_space<hbm>>
      %dma_start3A_1420 = tpu.memref_squeeze %dma_start3A_1419 : memref<1x1x64xf32, #tpu.memory_space<hbm>> -> memref<64xf32, #tpu.memory_space<hbm>>
      tpu.enqueue_dma source(%dma_start3A_1420 : memref<64xf32, #tpu.memory_space<hbm>>) target(%dma_start3A_1417 : memref<64xf32, #tpu.memory_space<vmem>>) target_semaphore(%arg20 : memref<!tpu.dma_semaphore, #tpu.memory_space<semaphore_mem>>)
      %slice3A_1421 = vector.extract_strided_slice %get3A_738 {offsets = [15], sizes = [1], strides = [1]} : vector<16xi32> to vector<1xi32>
      %squeeze3A_1422 = vector.extract %slice3A_1421[0] : i32 from vector<1xi32>
      %shift_right_arithmetic3A_1423 = arith.constant 3 : i32
      %shift_right_arithmetic3A_1424 = arith.shrsi %squeeze3A_1422, %shift_right_arithmetic3A_1423 : i32
      %slice3A_1425 = vector.extract_strided_slice %get3A_738 {offsets = [15], sizes = [1], strides = [1]} : vector<16xi32> to vector<1xi32>
      %squeeze3A_1426 = vector.extract %slice3A_1425[0] : i32 from vector<1xi32>
      %and3A_1427 = arith.constant 7 : i32
      %and3A_1428 = arith.andi %squeeze3A_1426, %and3A_1427 : i32
      %dma_start3A_1429 = arith.constant 1 : i32
      %dma_start3A_1430 = arith.constant 15 : i32
      %dma_start3A_1431 = arith.constant 0 : i32
      %dma_start3A_1432 = tpu.memref_slice %arg13[%dma_start3A_1429, %dma_start3A_1430, %dma_start3A_1431] : memref<2x16x64xf32, #tpu.memory_space<vmem>> -> memref<1x1x64xf32, #tpu.memory_space<vmem>>
      %dma_start3A_1433 = tpu.memref_squeeze %dma_start3A_1432 : memref<1x1x64xf32, #tpu.memory_space<vmem>> -> memref<64xf32, #tpu.memory_space<vmem>>
      %dma_start3A_1434 = arith.constant 0 : i32
      %dma_start3A_1435 = tpu.memref_slice %arg6[%shift_right_arithmetic3A_1424, %and3A_1428, %dma_start3A_1434] : memref<125000x8x64xf32, #tpu.memory_space<hbm>> -> memref<1x1x64xf32, #tpu.memory_space<hbm>>
      %dma_start3A_1436 = tpu.memref_squeeze %dma_start3A_1435 : memref<1x1x64xf32, #tpu.memory_space<hbm>> -> memref<64xf32, #tpu.memory_space<hbm>>
      %dma_start3A_1437 = arith.constant 0 : i32
      %dma_start3A_1438 = tpu.memref_slice %arg13[%dma_start3A_1429, %dma_start3A_1430, %dma_start3A_1437] : memref<2x16x64xf32, #tpu.memory_space<vmem>> -> memref<1x1x64xf32, #tpu.memory_space<vmem>>
      %dma_start3A_1439 = tpu.memref_squeeze %dma_start3A_1438 : memref<1x1x64xf32, #tpu.memory_space<vmem>> -> memref<64xf32, #tpu.memory_space<vmem>>
      %dma_start3A_1440 = arith.constant 0 : i32
      %dma_start3A_1441 = tpu.memref_slice %arg6[%shift_right_arithmetic3A_1424, %and3A_1428, %dma_start3A_1440] : memref<125000x8x64xf32, #tpu.memory_space<hbm>> -> memref<1x1x64xf32, #tpu.memory_space<hbm>>
      %dma_start3A_1442 = tpu.memref_squeeze %dma_start3A_1441 : memref<1x1x64xf32, #tpu.memory_space<hbm>> -> memref<64xf32, #tpu.memory_space<hbm>>
      tpu.enqueue_dma source(%dma_start3A_1442 : memref<64xf32, #tpu.memory_space<hbm>>) target(%dma_start3A_1439 : memref<64xf32, #tpu.memory_space<vmem>>) target_semaphore(%arg20 : memref<!tpu.dma_semaphore, #tpu.memory_space<semaphore_mem>>)
      %dma_wait3A_1443 = arith.constant 0 : i32
      %dma_wait3A_1444 = arith.constant 0 : i32
      %dma_wait3A_1445 = arith.constant 0 : i32
      %dma_wait3A_1446 = arith.constant 0 : i32
      %dma_wait3A_1447 = tpu.memref_slice %arg12[%dma_wait3A_1444, %dma_wait3A_1445, %dma_wait3A_1446] : memref<2x16x64xf32, #tpu.memory_space<vmem>> -> memref<1x8x64xf32, #tpu.memory_space<vmem>>
      %dma_wait3A_1448 = tpu.memref_squeeze %dma_wait3A_1447 : memref<1x8x64xf32, #tpu.memory_space<vmem>> -> memref<8x64xf32, #tpu.memory_space<vmem>>
      %dma_wait3A_1449 = arith.constant 0 : i32
      %dma_wait3A_1450 = arith.constant 0 : i32
      %dma_wait3A_1451 = tpu.memref_slice %arg4[%dma_wait3A_1443, %dma_wait3A_1449, %dma_wait3A_1450] : memref<125000x8x64xf32, #tpu.memory_space<hbm>> -> memref<1x8x64xf32, #tpu.memory_space<hbm>>
      %dma_wait3A_1452 = tpu.memref_squeeze %dma_wait3A_1451 : memref<1x8x64xf32, #tpu.memory_space<hbm>> -> memref<8x64xf32, #tpu.memory_space<hbm>>
      %dma_wait3A_1453 = arith.constant 0 : i32
      %dma_wait3A_1454 = arith.constant 0 : i32
      %dma_wait3A_1455 = tpu.memref_slice %arg12[%dma_wait3A_1444, %dma_wait3A_1453, %dma_wait3A_1454] : memref<2x16x64xf32, #tpu.memory_space<vmem>> -> memref<1x8x64xf32, #tpu.memory_space<vmem>>
      %dma_wait3A_1456 = tpu.memref_squeeze %dma_wait3A_1455 : memref<1x8x64xf32, #tpu.memory_space<vmem>> -> memref<8x64xf32, #tpu.memory_space<vmem>>
      %dma_wait3A_1457 = arith.constant 0 : i32
      %dma_wait3A_1458 = arith.constant 0 : i32
      %dma_wait3A_1459 = tpu.memref_slice %arg4[%dma_wait3A_1443, %dma_wait3A_1457, %dma_wait3A_1458] : memref<125000x8x64xf32, #tpu.memory_space<hbm>> -> memref<1x8x64xf32, #tpu.memory_space<hbm>>
      %dma_wait3A_1460 = tpu.memref_squeeze %dma_wait3A_1459 : memref<1x8x64xf32, #tpu.memory_space<hbm>> -> memref<8x64xf32, #tpu.memory_space<hbm>>
      tpu.wait_dma2 semaphore(%arg19 : memref<!tpu.dma_semaphore, #tpu.memory_space<semaphore_mem>>) src(%dma_wait3A_1460 : memref<8x64xf32, #tpu.memory_space<hbm>>) dst(%dma_wait3A_1456 : memref<8x64xf32, #tpu.memory_space<vmem>>)
      %dma_wait3A_1461 = arith.constant 0 : i32
      %dma_wait3A_1462 = arith.constant 0 : i32
      %dma_wait3A_1463 = arith.constant 0 : i32
      %dma_wait3A_1464 = arith.constant 0 : i32
      %dma_wait3A_1465 = tpu.memref_slice %arg13[%dma_wait3A_1462, %dma_wait3A_1463, %dma_wait3A_1464] : memref<2x16x64xf32, #tpu.memory_space<vmem>> -> memref<1x8x64xf32, #tpu.memory_space<vmem>>
      %dma_wait3A_1466 = tpu.memref_squeeze %dma_wait3A_1465 : memref<1x8x64xf32, #tpu.memory_space<vmem>> -> memref<8x64xf32, #tpu.memory_space<vmem>>
      %dma_wait3A_1467 = arith.constant 0 : i32
      %dma_wait3A_1468 = arith.constant 0 : i32
      %dma_wait3A_1469 = tpu.memref_slice %arg6[%dma_wait3A_1461, %dma_wait3A_1467, %dma_wait3A_1468] : memref<125000x8x64xf32, #tpu.memory_space<hbm>> -> memref<1x8x64xf32, #tpu.memory_space<hbm>>
      %dma_wait3A_1470 = tpu.memref_squeeze %dma_wait3A_1469 : memref<1x8x64xf32, #tpu.memory_space<hbm>> -> memref<8x64xf32, #tpu.memory_space<hbm>>
      %dma_wait3A_1471 = arith.constant 0 : i32
      %dma_wait3A_1472 = arith.constant 0 : i32
      %dma_wait3A_1473 = tpu.memref_slice %arg13[%dma_wait3A_1462, %dma_wait3A_1471, %dma_wait3A_1472] : memref<2x16x64xf32, #tpu.memory_space<vmem>> -> memref<1x8x64xf32, #tpu.memory_space<vmem>>
      %dma_wait3A_1474 = tpu.memref_squeeze %dma_wait3A_1473 : memref<1x8x64xf32, #tpu.memory_space<vmem>> -> memref<8x64xf32, #tpu.memory_space<vmem>>
      %dma_wait3A_1475 = arith.constant 0 : i32
      %dma_wait3A_1476 = arith.constant 0 : i32
      %dma_wait3A_1477 = tpu.memref_slice %arg6[%dma_wait3A_1461, %dma_wait3A_1475, %dma_wait3A_1476] : memref<125000x8x64xf32, #tpu.memory_space<hbm>> -> memref<1x8x64xf32, #tpu.memory_space<hbm>>
      %dma_wait3A_1478 = tpu.memref_squeeze %dma_wait3A_1477 : memref<1x8x64xf32, #tpu.memory_space<hbm>> -> memref<8x64xf32, #tpu.memory_space<hbm>>
      tpu.wait_dma2 semaphore(%arg19 : memref<!tpu.dma_semaphore, #tpu.memory_space<semaphore_mem>>) src(%dma_wait3A_1478 : memref<8x64xf32, #tpu.memory_space<hbm>>) dst(%dma_wait3A_1474 : memref<8x64xf32, #tpu.memory_space<vmem>>)
      %dma_wait3A_1479 = arith.constant 0 : i32
      %dma_wait3A_1480 = arith.constant 0 : i32
      %dma_wait3A_1481 = arith.constant 8 : i32
      %dma_wait3A_1482 = arith.constant 0 : i32
      %dma_wait3A_1483 = tpu.memref_slice %arg12[%dma_wait3A_1480, %dma_wait3A_1481, %dma_wait3A_1482] : memref<2x16x64xf32, #tpu.memory_space<vmem>> -> memref<1x8x64xf32, #tpu.memory_space<vmem>>
      %dma_wait3A_1484 = tpu.memref_squeeze %dma_wait3A_1483 : memref<1x8x64xf32, #tpu.memory_space<vmem>> -> memref<8x64xf32, #tpu.memory_space<vmem>>
      %dma_wait3A_1485 = arith.constant 0 : i32
      %dma_wait3A_1486 = arith.constant 0 : i32
      %dma_wait3A_1487 = tpu.memref_slice %arg4[%dma_wait3A_1479, %dma_wait3A_1485, %dma_wait3A_1486] : memref<125000x8x64xf32, #tpu.memory_space<hbm>> -> memref<1x8x64xf32, #tpu.memory_space<hbm>>
      %dma_wait3A_1488 = tpu.memref_squeeze %dma_wait3A_1487 : memref<1x8x64xf32, #tpu.memory_space<hbm>> -> memref<8x64xf32, #tpu.memory_space<hbm>>
      %dma_wait3A_1489 = arith.constant 8 : i32
      %dma_wait3A_1490 = arith.constant 0 : i32
      %dma_wait3A_1491 = tpu.memref_slice %arg12[%dma_wait3A_1480, %dma_wait3A_1489, %dma_wait3A_1490] : memref<2x16x64xf32, #tpu.memory_space<vmem>> -> memref<1x8x64xf32, #tpu.memory_space<vmem>>
      %dma_wait3A_1492 = tpu.memref_squeeze %dma_wait3A_1491 : memref<1x8x64xf32, #tpu.memory_space<vmem>> -> memref<8x64xf32, #tpu.memory_space<vmem>>
      %dma_wait3A_1493 = arith.constant 0 : i32
      %dma_wait3A_1494 = arith.constant 0 : i32
      %dma_wait3A_1495 = tpu.memref_slice %arg4[%dma_wait3A_1479, %dma_wait3A_1493, %dma_wait3A_1494] : memref<125000x8x64xf32, #tpu.memory_space<hbm>> -> memref<1x8x64xf32, #tpu.memory_space<hbm>>
      %dma_wait3A_1496 = tpu.memref_squeeze %dma_wait3A_1495 : memref<1x8x64xf32, #tpu.memory_space<hbm>> -> memref<8x64xf32, #tpu.memory_space<hbm>>
      tpu.wait_dma2 semaphore(%arg19 : memref<!tpu.dma_semaphore, #tpu.memory_space<semaphore_mem>>) src(%dma_wait3A_1496 : memref<8x64xf32, #tpu.memory_space<hbm>>) dst(%dma_wait3A_1492 : memref<8x64xf32, #tpu.memory_space<vmem>>)
      %dma_wait3A_1497 = arith.constant 0 : i32
      %dma_wait3A_1498 = arith.constant 0 : i32
      %dma_wait3A_1499 = arith.constant 8 : i32
      %dma_wait3A_1500 = arith.constant 0 : i32
      %dma_wait3A_1501 = tpu.memref_slice %arg13[%dma_wait3A_1498, %dma_wait3A_1499, %dma_wait3A_1500] : memref<2x16x64xf32, #tpu.memory_space<vmem>> -> memref<1x8x64xf32, #tpu.memory_space<vmem>>
      %dma_wait3A_1502 = tpu.memref_squeeze %dma_wait3A_1501 : memref<1x8x64xf32, #tpu.memory_space<vmem>> -> memref<8x64xf32, #tpu.memory_space<vmem>>
      %dma_wait3A_1503 = arith.constant 0 : i32
      %dma_wait3A_1504 = arith.constant 0 : i32
      %dma_wait3A_1505 = tpu.memref_slice %arg6[%dma_wait3A_1497, %dma_wait3A_1503, %dma_wait3A_1504] : memref<125000x8x64xf32, #tpu.memory_space<hbm>> -> memref<1x8x64xf32, #tpu.memory_space<hbm>>
      %dma_wait3A_1506 = tpu.memref_squeeze %dma_wait3A_1505 : memref<1x8x64xf32, #tpu.memory_space<hbm>> -> memref<8x64xf32, #tpu.memory_space<hbm>>
      %dma_wait3A_1507 = arith.constant 8 : i32
      %dma_wait3A_1508 = arith.constant 0 : i32
      %dma_wait3A_1509 = tpu.memref_slice %arg13[%dma_wait3A_1498, %dma_wait3A_1507, %dma_wait3A_1508] : memref<2x16x64xf32, #tpu.memory_space<vmem>> -> memref<1x8x64xf32, #tpu.memory_space<vmem>>
      %dma_wait3A_1510 = tpu.memref_squeeze %dma_wait3A_1509 : memref<1x8x64xf32, #tpu.memory_space<vmem>> -> memref<8x64xf32, #tpu.memory_space<vmem>>
      %dma_wait3A_1511 = arith.constant 0 : i32
      %dma_wait3A_1512 = arith.constant 0 : i32
      %dma_wait3A_1513 = tpu.memref_slice %arg6[%dma_wait3A_1497, %dma_wait3A_1511, %dma_wait3A_1512] : memref<125000x8x64xf32, #tpu.memory_space<hbm>> -> memref<1x8x64xf32, #tpu.memory_space<hbm>>
      %dma_wait3A_1514 = tpu.memref_squeeze %dma_wait3A_1513 : memref<1x8x64xf32, #tpu.memory_space<hbm>> -> memref<8x64xf32, #tpu.memory_space<hbm>>
      tpu.wait_dma2 semaphore(%arg19 : memref<!tpu.dma_semaphore, #tpu.memory_space<semaphore_mem>>) src(%dma_wait3A_1514 : memref<8x64xf32, #tpu.memory_space<hbm>>) dst(%dma_wait3A_1510 : memref<8x64xf32, #tpu.memory_space<vmem>>)
      %mul3A_1515 = arith.constant 16 : i32
      %mul3A_1516 = arith.muli %mul3A_724, %mul3A_1515 : i32
      %add3A_1517 = arith.constant 0 : i32
      %add3A_1518 = arith.addi %mul3A_1516, %add3A_1517 : i32
      %get3A_1519 = arith.index_cast %add3A_1518 : i32 to index
      %get3A_1520 = tpu.vector_load %arg10[%get3A_1519] {strides = array<i32>} : memref<512xi32, #tpu.memory_space<vmem>>, vector<16xi32>,
      %mul3A_1521 = arith.constant 16 : i32
      %mul3A_1522 = arith.muli %mul3A_724, %mul3A_1521 : i32
      %add3A_1523 = arith.constant 0 : i32
      %add3A_1524 = arith.addi %mul3A_1522, %add3A_1523 : i32
      %get3A_1525 = arith.index_cast %add3A_1524 : i32 to index
      %get3A_1526 = tpu.vector_load %arg11[%get3A_1525] {strides = array<i32>} : memref<512xi32, #tpu.memory_space<vmem>>, vector<16xi32>,
      %get3A_1527 = arith.constant 0 : i32
      %get3A_1528 = arith.constant 0 : i32
      %get3A_1529 = arith.index_cast %get3A_1527 : i32 to index
      %get3A_1530 = arith.index_cast %get3A_1528 : i32 to index
      %get3A_1531 = arith.constant 0 : index
      %get3A_1532 = tpu.vector_load %arg12[%get3A_1529, %get3A_1530, %get3A_1531] {strides = array<i32>} : memref<2x16x64xf32, #tpu.memory_space<vmem>>, vector<16xf32>,
      %get3A_1533 = arith.constant 0 : i32
      %get3A_1534 = arith.constant 0 : i32
      %get3A_1535 = arith.index_cast %get3A_1533 : i32 to index
      %get3A_1536 = arith.index_cast %get3A_1534 : i32 to index
      %get3A_1537 = arith.constant 0 : index
      %get3A_1538 = tpu.vector_load %arg13[%get3A_1535, %get3A_1536, %get3A_1537] {strides = array<i32>} : memref<2x16x64xf32, #tpu.memory_space<vmem>>, vector<16xf32>,
      %mul3A_1539 = arith.mulf %get3A_1532, %get3A_1538 : vector<16xf32>
      %get3A_1540 = arith.constant 0 : i32
      %get3A_1541 = arith.constant 0 : i32
      %get3A_1542 = arith.index_cast %get3A_1540 : i32 to index
      %get3A_1543 = arith.index_cast %get3A_1541 : i32 to index
      %get3A_1544 = arith.constant 16 : index
      %get3A_1545 = tpu.vector_load %arg12[%get3A_1542, %get3A_1543, %get3A_1544] {strides = array<i32>} : memref<2x16x64xf32, #tpu.memory_space<vmem>>, vector<16xf32>,
      %get3A_1546 = arith.constant 0 : i32
      %get3A_1547 = arith.constant 0 : i32
      %get3A_1548 = arith.index_cast %get3A_1546 : i32 to index
      %get3A_1549 = arith.index_cast %get3A_1547 : i32 to index
      %get3A_1550 = arith.constant 16 : index
      %get3A_1551 = tpu.vector_load %arg13[%get3A_1548, %get3A_1549, %get3A_1550] {strides = array<i32>} : memref<2x16x64xf32, #tpu.memory_space<vmem>>, vector<16xf32>,
      %mul3A_1552 = arith.mulf %get3A_1545, %get3A_1551 : vector<16xf32>
      %add3A_1553 = arith.addf %mul3A_1539, %mul3A_1552 : vector<16xf32>
      %get3A_1554 = arith.constant 0 : i32
      %get3A_1555 = arith.constant 0 : i32
      %get3A_1556 = arith.index_cast %get3A_1554 : i32 to index
      %get3A_1557 = arith.index_cast %get3A_1555 : i32 to index
      %get3A_1558 = arith.constant 32 : index
      %get3A_1559 = tpu.vector_load %arg12[%get3A_1556, %get3A_1557, %get3A_1558] {strides = array<i32>} : memref<2x16x64xf32, #tpu.memory_space<vmem>>, vector<16xf32>,
      %get3A_1560 = arith.constant 0 : i32
      %get3A_1561 = arith.constant 0 : i32
      %get3A_1562 = arith.index_cast %get3A_1560 : i32 to index
      %get3A_1563 = arith.index_cast %get3A_1561 : i32 to index
      %get3A_1564 = arith.constant 32 : index
      %get3A_1565 = tpu.vector_load %arg13[%get3A_1562, %get3A_1563, %get3A_1564] {strides = array<i32>} : memref<2x16x64xf32, #tpu.memory_space<vmem>>, vector<16xf32>,
      %mul3A_1566 = arith.mulf %get3A_1559, %get3A_1565 : vector<16xf32>
      %add3A_1567 = arith.addf %add3A_1553, %mul3A_1566 : vector<16xf32>
      %get3A_1568 = arith.constant 0 : i32
      %get3A_1569 = arith.constant 0 : i32
      %get3A_1570 = arith.index_cast %get3A_1568 : i32 to index
      %get3A_1571 = arith.index_cast %get3A_1569 : i32 to index
      %get3A_1572 = arith.constant 48 : index
      %get3A_1573 = tpu.vector_load %arg12[%get3A_1570, %get3A_1571, %get3A_1572] {strides = array<i32>} : memref<2x16x64xf32, #tpu.memory_space<vmem>>, vector<16xf32>,
      %get3A_1574 = arith.constant 0 : i32
      %get3A_1575 = arith.constant 0 : i32
      %get3A_1576 = arith.index_cast %get3A_1574 : i32 to index
      %get3A_1577 = arith.index_cast %get3A_1575 : i32 to index
      %get3A_1578 = arith.constant 48 : index
      %get3A_1579 = tpu.vector_load %arg13[%get3A_1576, %get3A_1577, %get3A_1578] {strides = array<i32>} : memref<2x16x64xf32, #tpu.memory_space<vmem>>, vector<16xf32>,
      %mul3A_1580 = arith.mulf %get3A_1573, %get3A_1579 : vector<16xf32>
      %add3A_1581 = arith.addf %add3A_1567, %mul3A_1580 : vector<16xf32>
      %swap3A = arith.constant 0 : index
      %swap3A_1582 = tpu.vector_load %arg18[%swap3A] {strides = array<i32>} : memref<272xf32, #tpu.memory_space<vmem>>, vector<16xf32>,
      tpu.vector_store %arg18[%swap3A], %add3A_1581 {strides = array<i32>} : memref<272xf32, #tpu.memory_space<vmem>>, vector<16xf32>,
      %get3A_1583 = arith.constant 0 : i32
      %get3A_1584 = arith.constant 1 : i32
      %get3A_1585 = arith.index_cast %get3A_1583 : i32 to index
      %get3A_1586 = arith.index_cast %get3A_1584 : i32 to index
      %get3A_1587 = arith.constant 0 : index
      %get3A_1588 = tpu.vector_load %arg12[%get3A_1585, %get3A_1586, %get3A_1587] {strides = array<i32>} : memref<2x16x64xf32, #tpu.memory_space<vmem>>, vector<16xf32>,
      %get3A_1589 = arith.constant 0 : i32
      %get3A_1590 = arith.constant 1 : i32
      %get3A_1591 = arith.index_cast %get3A_1589 : i32 to index
      %get3A_1592 = arith.index_cast %get3A_1590 : i32 to index
      %get3A_1593 = arith.constant 0 : index
      %get3A_1594 = tpu.vector_load %arg13[%get3A_1591, %get3A_1592, %get3A_1593] {strides = array<i32>} : memref<2x16x64xf32, #tpu.memory_space<vmem>>, vector<16xf32>,
      %mul3A_1595 = arith.mulf %get3A_1588, %get3A_1594 : vector<16xf32>
      %get3A_1596 = arith.constant 0 : i32
      %get3A_1597 = arith.constant 1 : i32
      %get3A_1598 = arith.index_cast %get3A_1596 : i32 to index
      %get3A_1599 = arith.index_cast %get3A_1597 : i32 to index
      %get3A_1600 = arith.constant 16 : index
      %get3A_1601 = tpu.vector_load %arg12[%get3A_1598, %get3A_1599, %get3A_1600] {strides = array<i32>} : memref<2x16x64xf32, #tpu.memory_space<vmem>>, vector<16xf32>,
      %get3A_1602 = arith.constant 0 : i32
      %get3A_1603 = arith.constant 1 : i32
      %get3A_1604 = arith.index_cast %get3A_1602 : i32 to index
      %get3A_1605 = arith.index_cast %get3A_1603 : i32 to index
      %get3A_1606 = arith.constant 16 : index
      %get3A_1607 = tpu.vector_load %arg13[%get3A_1604, %get3A_1605, %get3A_1606] {strides = array<i32>} : memref<2x16x64xf32, #tpu.memory_space<vmem>>, vector<16xf32>,
      %mul3A_1608 = arith.mulf %get3A_1601, %get3A_1607 : vector<16xf32>
      %add3A_1609 = arith.addf %mul3A_1595, %mul3A_1608 : vector<16xf32>
      %get3A_1610 = arith.constant 0 : i32
      %get3A_1611 = arith.constant 1 : i32
      %get3A_1612 = arith.index_cast %get3A_1610 : i32 to index
      %get3A_1613 = arith.index_cast %get3A_1611 : i32 to index
      %get3A_1614 = arith.constant 32 : index
      %get3A_1615 = tpu.vector_load %arg12[%get3A_1612, %get3A_1613, %get3A_1614] {strides = array<i32>} : memref<2x16x64xf32, #tpu.memory_space<vmem>>, vector<16xf32>,
      %get3A_1616 = arith.constant 0 : i32
      %get3A_1617 = arith.constant 1 : i32
      %get3A_1618 = arith.index_cast %get3A_1616 : i32 to index
      %get3A_1619 = arith.index_cast %get3A_1617 : i32 to index
      %get3A_1620 = arith.constant 32 : index
      %get3A_1621 = tpu.vector_load %arg13[%get3A_1618, %get3A_1619, %get3A_1620] {strides = array<i32>} : memref<2x16x64xf32, #tpu.memory_space<vmem>>, vector<16xf32>,
      %mul3A_1622 = arith.mulf %get3A_1615, %get3A_1621 : vector<16xf32>
      %add3A_1623 = arith.addf %add3A_1609, %mul3A_1622 : vector<16xf32>
      %get3A_1624 = arith.constant 0 : i32
      %get3A_1625 = arith.constant 1 : i32
      %get3A_1626 = arith.index_cast %get3A_1624 : i32 to index
      %get3A_1627 = arith.index_cast %get3A_1625 : i32 to index
      %get3A_1628 = arith.constant 48 : index
      %get3A_1629 = tpu.vector_load %arg12[%get3A_1626, %get3A_1627, %get3A_1628] {strides = array<i32>} : memref<2x16x64xf32, #tpu.memory_space<vmem>>, vector<16xf32>,
      %get3A_1630 = arith.constant 0 : i32
      %get3A_1631 = arith.constant 1 : i32
      %get3A_1632 = arith.index_cast %get3A_1630 : i32 to index
      %get3A_1633 = arith.index_cast %get3A_1631 : i32 to index
      %get3A_1634 = arith.constant 48 : index
      %get3A_1635 = tpu.vector_load %arg13[%get3A_1632, %get3A_1633, %get3A_1634] {strides = array<i32>} : memref<2x16x64xf32, #tpu.memory_space<vmem>>, vector<16xf32>,
      %mul3A_1636 = arith.mulf %get3A_1629, %get3A_1635 : vector<16xf32>
      %add3A_1637 = arith.addf %add3A_1623, %mul3A_1636 : vector<16xf32>
      %swap3A_1638 = arith.constant 17 : index
      %swap3A_1639 = tpu.vector_load %arg18[%swap3A_1638] {strides = array<i32>} : memref<272xf32, #tpu.memory_space<vmem>>, vector<16xf32>,
      tpu.vector_store %arg18[%swap3A_1638], %add3A_1637 {strides = array<i32>} : memref<272xf32, #tpu.memory_space<vmem>>, vector<16xf32>,
      %get3A_1640 = arith.constant 0 : i32
      %get3A_1641 = arith.constant 2 : i32
      %get3A_1642 = arith.index_cast %get3A_1640 : i32 to index
      %get3A_1643 = arith.index_cast %get3A_1641 : i32 to index
      %get3A_1644 = arith.constant 0 : index
      %get3A_1645 = tpu.vector_load %arg12[%get3A_1642, %get3A_1643, %get3A_1644] {strides = array<i32>} : memref<2x16x64xf32, #tpu.memory_space<vmem>>, vector<16xf32>,
      %get3A_1646 = arith.constant 0 : i32
      %get3A_1647 = arith.constant 2 : i32
      %get3A_1648 = arith.index_cast %get3A_1646 : i32 to index
      %get3A_1649 = arith.index_cast %get3A_1647 : i32 to index
      %get3A_1650 = arith.constant 0 : index
      %get3A_1651 = tpu.vector_load %arg13[%get3A_1648, %get3A_1649, %get3A_1650] {strides = array<i32>} : memref<2x16x64xf32, #tpu.memory_space<vmem>>, vector<16xf32>,
      %mul3A_1652 = arith.mulf %get3A_1645, %get3A_1651 : vector<16xf32>
      %get3A_1653 = arith.constant 0 : i32
      %get3A_1654 = arith.constant 2 : i32
      %get3A_1655 = arith.index_cast %get3A_1653 : i32 to index
      %get3A_1656 = arith.index_cast %get3A_1654 : i32 to index
      %get3A_1657 = arith.constant 16 : index
      %get3A_1658 = tpu.vector_load %arg12[%get3A_1655, %get3A_1656, %get3A_1657] {strides = array<i32>} : memref<2x16x64xf32, #tpu.memory_space<vmem>>, vector<16xf32>,
      %get3A_1659 = arith.constant 0 : i32
      %get3A_1660 = arith.constant 2 : i32
      %get3A_1661 = arith.index_cast %get3A_1659 : i32 to index
      %get3A_1662 = arith.index_cast %get3A_1660 : i32 to index
      %get3A_1663 = arith.constant 16 : index
      %get3A_1664 = tpu.vector_load %arg13[%get3A_1661, %get3A_1662, %get3A_1663] {strides = array<i32>} : memref<2x16x64xf32, #tpu.memory_space<vmem>>, vector<16xf32>,
      %mul3A_1665 = arith.mulf %get3A_1658, %get3A_1664 : vector<16xf32>
      %add3A_1666 = arith.addf %mul3A_1652, %mul3A_1665 : vector<16xf32>
      %get3A_1667 = arith.constant 0 : i32
      %get3A_1668 = arith.constant 2 : i32
      %get3A_1669 = arith.index_cast %get3A_1667 : i32 to index
      %get3A_1670 = arith.index_cast %get3A_1668 : i32 to index
      %get3A_1671 = arith.constant 32 : index
      %get3A_1672 = tpu.vector_load %arg12[%get3A_1669, %get3A_1670, %get3A_1671] {strides = array<i32>} : memref<2x16x64xf32, #tpu.memory_space<vmem>>, vector<16xf32>,
      %get3A_1673 = arith.constant 0 : i32
      %get3A_1674 = arith.constant 2 : i32
      %get3A_1675 = arith.index_cast %get3A_1673 : i32 to index
      %get3A_1676 = arith.index_cast %get3A_1674 : i32 to index
      %get3A_1677 = arith.constant 32 : index
      %get3A_1678 = tpu.vector_load %arg13[%get3A_1675, %get3A_1676, %get3A_1677] {strides = array<i32>} : memref<2x16x64xf32, #tpu.memory_space<vmem>>, vector<16xf32>,
      %mul3A_1679 = arith.mulf %get3A_1672, %get3A_1678 : vector<16xf32>
      %add3A_1680 = arith.addf %add3A_1666, %mul3A_1679 : vector<16xf32>
      %get3A_1681 = arith.constant 0 : i32
      %get3A_1682 = arith.constant 2 : i32
      %get3A_1683 = arith.index_cast %get3A_1681 : i32 to index
      %get3A_1684 = arith.index_cast %get3A_1682 : i32 to index
      %get3A_1685 = arith.constant 48 : index
      %get3A_1686 = tpu.vector_load %arg12[%get3A_1683, %get3A_1684, %get3A_1685] {strides = array<i32>} : memref<2x16x64xf32, #tpu.memory_space<vmem>>, vector<16xf32>,
      %get3A_1687 = arith.constant 0 : i32
      %get3A_1688 = arith.constant 2 : i32
      %get3A_1689 = arith.index_cast %get3A_1687 : i32 to index
      %get3A_1690 = arith.index_cast %get3A_1688 : i32 to index
      %get3A_1691 = arith.constant 48 : index
      %get3A_1692 = tpu.vector_load %arg13[%get3A_1689, %get3A_1690, %get3A_1691] {strides = array<i32>} : memref<2x16x64xf32, #tpu.memory_space<vmem>>, vector<16xf32>,
      %mul3A_1693 = arith.mulf %get3A_1686, %get3A_1692 : vector<16xf32>
      %add3A_1694 = arith.addf %add3A_1680, %mul3A_1693 : vector<16xf32>
      %swap3A_1695 = arith.constant 34 : index
      %swap3A_1696 = tpu.vector_load %arg18[%swap3A_1695] {strides = array<i32>} : memref<272xf32, #tpu.memory_space<vmem>>, vector<16xf32>,
      tpu.vector_store %arg18[%swap3A_1695], %add3A_1694 {strides = array<i32>} : memref<272xf32, #tpu.memory_space<vmem>>, vector<16xf32>,
      %get3A_1697 = arith.constant 0 : i32
      %get3A_1698 = arith.constant 3 : i32
      %get3A_1699 = arith.index_cast %get3A_1697 : i32 to index
      %get3A_1700 = arith.index_cast %get3A_1698 : i32 to index
      %get3A_1701 = arith.constant 0 : index
      %get3A_1702 = tpu.vector_load %arg12[%get3A_1699, %get3A_1700, %get3A_1701] {strides = array<i32>} : memref<2x16x64xf32, #tpu.memory_space<vmem>>, vector<16xf32>,
      %get3A_1703 = arith.constant 0 : i32
      %get3A_1704 = arith.constant 3 : i32
      %get3A_1705 = arith.index_cast %get3A_1703 : i32 to index
      %get3A_1706 = arith.index_cast %get3A_1704 : i32 to index
      %get3A_1707 = arith.constant 0 : index
      %get3A_1708 = tpu.vector_load %arg13[%get3A_1705, %get3A_1706, %get3A_1707] {strides = array<i32>} : memref<2x16x64xf32, #tpu.memory_space<vmem>>, vector<16xf32>,
      %mul3A_1709 = arith.mulf %get3A_1702, %get3A_1708 : vector<16xf32>
      %get3A_1710 = arith.constant 0 : i32
      %get3A_1711 = arith.constant 3 : i32
      %get3A_1712 = arith.index_cast %get3A_1710 : i32 to index
      %get3A_1713 = arith.index_cast %get3A_1711 : i32 to index
      %get3A_1714 = arith.constant 16 : index
      %get3A_1715 = tpu.vector_load %arg12[%get3A_1712, %get3A_1713, %get3A_1714] {strides = array<i32>} : memref<2x16x64xf32, #tpu.memory_space<vmem>>, vector<16xf32>,
      %get3A_1716 = arith.constant 0 : i32
      %get3A_1717 = arith.constant 3 : i32
      %get3A_1718 = arith.index_cast %get3A_1716 : i32 to index
      %get3A_1719 = arith.index_cast %get3A_1717 : i32 to index
      %get3A_1720 = arith.constant 16 : index
      %get3A_1721 = tpu.vector_load %arg13[%get3A_1718, %get3A_1719, %get3A_1720] {strides = array<i32>} : memref<2x16x64xf32, #tpu.memory_space<vmem>>, vector<16xf32>,
      %mul3A_1722 = arith.mulf %get3A_1715, %get3A_1721 : vector<16xf32>
      %add3A_1723 = arith.addf %mul3A_1709, %mul3A_1722 : vector<16xf32>
      %get3A_1724 = arith.constant 0 : i32
      %get3A_1725 = arith.constant 3 : i32
      %get3A_1726 = arith.index_cast %get3A_1724 : i32 to index
      %get3A_1727 = arith.index_cast %get3A_1725 : i32 to index
      %get3A_1728 = arith.constant 32 : index
      %get3A_1729 = tpu.vector_load %arg12[%get3A_1726, %get3A_1727, %get3A_1728] {strides = array<i32>} : memref<2x16x64xf32, #tpu.memory_space<vmem>>, vector<16xf32>,
      %get3A_1730 = arith.constant 0 : i32
      %get3A_1731 = arith.constant 3 : i32
      %get3A_1732 = arith.index_cast %get3A_1730 : i32 to index
      %get3A_1733 = arith.index_cast %get3A_1731 : i32 to index
      %get3A_1734 = arith.constant 32 : index
      %get3A_1735 = tpu.vector_load %arg13[%get3A_1732, %get3A_1733, %get3A_1734] {strides = array<i32>} : memref<2x16x64xf32, #tpu.memory_space<vmem>>, vector<16xf32>,
      %mul3A_1736 = arith.mulf %get3A_1729, %get3A_1735 : vector<16xf32>
      %add3A_1737 = arith.addf %add3A_1723, %mul3A_1736 : vector<16xf32>
      %get3A_1738 = arith.constant 0 : i32
      %get3A_1739 = arith.constant 3 : i32
      %get3A_1740 = arith.index_cast %get3A_1738 : i32 to index
      %get3A_1741 = arith.index_cast %get3A_1739 : i32 to index
      %get3A_1742 = arith.constant 48 : index
      %get3A_1743 = tpu.vector_load %arg12[%get3A_1740, %get3A_1741, %get3A_1742] {strides = array<i32>} : memref<2x16x64xf32, #tpu.memory_space<vmem>>, vector<16xf32>,
      %get3A_1744 = arith.constant 0 : i32
      %get3A_1745 = arith.constant 3 : i32
      %get3A_1746 = arith.index_cast %get3A_1744 : i32 to index
      %get3A_1747 = arith.index_cast %get3A_1745 : i32 to index
      %get3A_1748 = arith.constant 48 : index
      %get3A_1749 = tpu.vector_load %arg13[%get3A_1746, %get3A_1747, %get3A_1748] {strides = array<i32>} : memref<2x16x64xf32, #tpu.memory_space<vmem>>, vector<16xf32>,
      %mul3A_1750 = arith.mulf %get3A_1743, %get3A_1749 : vector<16xf32>
      %add3A_1751 = arith.addf %add3A_1737, %mul3A_1750 : vector<16xf32>
      %swap3A_1752 = arith.constant 51 : index
      %swap3A_1753 = tpu.vector_load %arg18[%swap3A_1752] {strides = array<i32>} : memref<272xf32, #tpu.memory_space<vmem>>, vector<16xf32>,
      tpu.vector_store %arg18[%swap3A_1752], %add3A_1751 {strides = array<i32>} : memref<272xf32, #tpu.memory_space<vmem>>, vector<16xf32>,
      %get3A_1754 = arith.constant 0 : i32
      %get3A_1755 = arith.constant 4 : i32
      %get3A_1756 = arith.index_cast %get3A_1754 : i32 to index
      %get3A_1757 = arith.index_cast %get3A_1755 : i32 to index
      %get3A_1758 = arith.constant 0 : index
      %get3A_1759 = tpu.vector_load %arg12[%get3A_1756, %get3A_1757, %get3A_1758] {strides = array<i32>} : memref<2x16x64xf32, #tpu.memory_space<vmem>>, vector<16xf32>,
      %get3A_1760 = arith.constant 0 : i32
      %get3A_1761 = arith.constant 4 : i32
      %get3A_1762 = arith.index_cast %get3A_1760 : i32 to index
      %get3A_1763 = arith.index_cast %get3A_1761 : i32 to index
      %get3A_1764 = arith.constant 0 : index
      %get3A_1765 = tpu.vector_load %arg13[%get3A_1762, %get3A_1763, %get3A_1764] {strides = array<i32>} : memref<2x16x64xf32, #tpu.memory_space<vmem>>, vector<16xf32>,
      %mul3A_1766 = arith.mulf %get3A_1759, %get3A_1765 : vector<16xf32>
      %get3A_1767 = arith.constant 0 : i32
      %get3A_1768 = arith.constant 4 : i32
      %get3A_1769 = arith.index_cast %get3A_1767 : i32 to index
      %get3A_1770 = arith.index_cast %get3A_1768 : i32 to index
      %get3A_1771 = arith.constant 16 : index
      %get3A_1772 = tpu.vector_load %arg12[%get3A_1769, %get3A_1770, %get3A_1771] {strides = array<i32>} : memref<2x16x64xf32, #tpu.memory_space<vmem>>, vector<16xf32>,
      %get3A_1773 = arith.constant 0 : i32
      %get3A_1774 = arith.constant 4 : i32
      %get3A_1775 = arith.index_cast %get3A_1773 : i32 to index
      %get3A_1776 = arith.index_cast %get3A_1774 : i32 to index
      %get3A_1777 = arith.constant 16 : index
      %get3A_1778 = tpu.vector_load %arg13[%get3A_1775, %get3A_1776, %get3A_1777] {strides = array<i32>} : memref<2x16x64xf32, #tpu.memory_space<vmem>>, vector<16xf32>,
      %mul3A_1779 = arith.mulf %get3A_1772, %get3A_1778 : vector<16xf32>
      %add3A_1780 = arith.addf %mul3A_1766, %mul3A_1779 : vector<16xf32>
      %get3A_1781 = arith.constant 0 : i32
      %get3A_1782 = arith.constant 4 : i32
      %get3A_1783 = arith.index_cast %get3A_1781 : i32 to index
      %get3A_1784 = arith.index_cast %get3A_1782 : i32 to index
      %get3A_1785 = arith.constant 32 : index
      %get3A_1786 = tpu.vector_load %arg12[%get3A_1783, %get3A_1784, %get3A_1785] {strides = array<i32>} : memref<2x16x64xf32, #tpu.memory_space<vmem>>, vector<16xf32>,
      %get3A_1787 = arith.constant 0 : i32
      %get3A_1788 = arith.constant 4 : i32
      %get3A_1789 = arith.index_cast %get3A_1787 : i32 to index
      %get3A_1790 = arith.index_cast %get3A_1788 : i32 to index
      %get3A_1791 = arith.constant 32 : index
      %get3A_1792 = tpu.vector_load %arg13[%get3A_1789, %get3A_1790, %get3A_1791] {strides = array<i32>} : memref<2x16x64xf32, #tpu.memory_space<vmem>>, vector<16xf32>,
      %mul3A_1793 = arith.mulf %get3A_1786, %get3A_1792 : vector<16xf32>
      %add3A_1794 = arith.addf %add3A_1780, %mul3A_1793 : vector<16xf32>
      %get3A_1795 = arith.constant 0 : i32
      %get3A_1796 = arith.constant 4 : i32
      %get3A_1797 = arith.index_cast %get3A_1795 : i32 to index
      %get3A_1798 = arith.index_cast %get3A_1796 : i32 to index
      %get3A_1799 = arith.constant 48 : index
      %get3A_1800 = tpu.vector_load %arg12[%get3A_1797, %get3A_1798, %get3A_1799] {strides = array<i32>} : memref<2x16x64xf32, #tpu.memory_space<vmem>>, vector<16xf32>,
      %get3A_1801 = arith.constant 0 : i32
      %get3A_1802 = arith.constant 4 : i32
      %get3A_1803 = arith.index_cast %get3A_1801 : i32 to index
      %get3A_1804 = arith.index_cast %get3A_1802 : i32 to index
      %get3A_1805 = arith.constant 48 : index
      %get3A_1806 = tpu.vector_load %arg13[%get3A_1803, %get3A_1804, %get3A_1805] {strides = array<i32>} : memref<2x16x64xf32, #tpu.memory_space<vmem>>, vector<16xf32>,
      %mul3A_1807 = arith.mulf %get3A_1800, %get3A_1806 : vector<16xf32>
      %add3A_1808 = arith.addf %add3A_1794, %mul3A_1807 : vector<16xf32>
      %swap3A_1809 = arith.constant 68 : index
      %swap3A_1810 = tpu.vector_load %arg18[%swap3A_1809] {strides = array<i32>} : memref<272xf32, #tpu.memory_space<vmem>>, vector<16xf32>,
      tpu.vector_store %arg18[%swap3A_1809], %add3A_1808 {strides = array<i32>} : memref<272xf32, #tpu.memory_space<vmem>>, vector<16xf32>,
      %get3A_1811 = arith.constant 0 : i32
      %get3A_1812 = arith.constant 5 : i32
      %get3A_1813 = arith.index_cast %get3A_1811 : i32 to index
      %get3A_1814 = arith.index_cast %get3A_1812 : i32 to index
      %get3A_1815 = arith.constant 0 : index
      %get3A_1816 = tpu.vector_load %arg12[%get3A_1813, %get3A_1814, %get3A_1815] {strides = array<i32>} : memref<2x16x64xf32, #tpu.memory_space<vmem>>, vector<16xf32>,
      %get3A_1817 = arith.constant 0 : i32
      %get3A_1818 = arith.constant 5 : i32
      %get3A_1819 = arith.index_cast %get3A_1817 : i32 to index
      %get3A_1820 = arith.index_cast %get3A_1818 : i32 to index
      %get3A_1821 = arith.constant 0 : index
      %get3A_1822 = tpu.vector_load %arg13[%get3A_1819, %get3A_1820, %get3A_1821] {strides = array<i32>} : memref<2x16x64xf32, #tpu.memory_space<vmem>>, vector<16xf32>,
      %mul3A_1823 = arith.mulf %get3A_1816, %get3A_1822 : vector<16xf32>
      %get3A_1824 = arith.constant 0 : i32
      %get3A_1825 = arith.constant 5 : i32
      %get3A_1826 = arith.index_cast %get3A_1824 : i32 to index
      %get3A_1827 = arith.index_cast %get3A_1825 : i32 to index
      %get3A_1828 = arith.constant 16 : index
      %get3A_1829 = tpu.vector_load %arg12[%get3A_1826, %get3A_1827, %get3A_1828] {strides = array<i32>} : memref<2x16x64xf32, #tpu.memory_space<vmem>>, vector<16xf32>,
      %get3A_1830 = arith.constant 0 : i32
      %get3A_1831 = arith.constant 5 : i32
      %get3A_1832 = arith.index_cast %get3A_1830 : i32 to index
      %get3A_1833 = arith.index_cast %get3A_1831 : i32 to index
      %get3A_1834 = arith.constant 16 : index
      %get3A_1835 = tpu.vector_load %arg13[%get3A_1832, %get3A_1833, %get3A_1834] {strides = array<i32>} : memref<2x16x64xf32, #tpu.memory_space<vmem>>, vector<16xf32>,
      %mul3A_1836 = arith.mulf %get3A_1829, %get3A_1835 : vector<16xf32>
      %add3A_1837 = arith.addf %mul3A_1823, %mul3A_1836 : vector<16xf32>
      %get3A_1838 = arith.constant 0 : i32
      %get3A_1839 = arith.constant 5 : i32
      %get3A_1840 = arith.index_cast %get3A_1838 : i32 to index
      %get3A_1841 = arith.index_cast %get3A_1839 : i32 to index
      %get3A_1842 = arith.constant 32 : index
      %get3A_1843 = tpu.vector_load %arg12[%get3A_1840, %get3A_1841, %get3A_1842] {strides = array<i32>} : memref<2x16x64xf32, #tpu.memory_space<vmem>>, vector<16xf32>,
      %get3A_1844 = arith.constant 0 : i32
      %get3A_1845 = arith.constant 5 : i32
      %get3A_1846 = arith.index_cast %get3A_1844 : i32 to index
      %get3A_1847 = arith.index_cast %get3A_1845 : i32 to index
      %get3A_1848 = arith.constant 32 : index
      %get3A_1849 = tpu.vector_load %arg13[%get3A_1846, %get3A_1847, %get3A_1848] {strides = array<i32>} : memref<2x16x64xf32, #tpu.memory_space<vmem>>, vector<16xf32>,
      %mul3A_1850 = arith.mulf %get3A_1843, %get3A_1849 : vector<16xf32>
      %add3A_1851 = arith.addf %add3A_1837, %mul3A_1850 : vector<16xf32>
      %get3A_1852 = arith.constant 0 : i32
      %get3A_1853 = arith.constant 5 : i32
      %get3A_1854 = arith.index_cast %get3A_1852 : i32 to index
      %get3A_1855 = arith.index_cast %get3A_1853 : i32 to index
      %get3A_1856 = arith.constant 48 : index
      %get3A_1857 = tpu.vector_load %arg12[%get3A_1854, %get3A_1855, %get3A_1856] {strides = array<i32>} : memref<2x16x64xf32, #tpu.memory_space<vmem>>, vector<16xf32>,
      %get3A_1858 = arith.constant 0 : i32
      %get3A_1859 = arith.constant 5 : i32
      %get3A_1860 = arith.index_cast %get3A_1858 : i32 to index
      %get3A_1861 = arith.index_cast %get3A_1859 : i32 to index
      %get3A_1862 = arith.constant 48 : index
      %get3A_1863 = tpu.vector_load %arg13[%get3A_1860, %get3A_1861, %get3A_1862] {strides = array<i32>} : memref<2x16x64xf32, #tpu.memory_space<vmem>>, vector<16xf32>,
      %mul3A_1864 = arith.mulf %get3A_1857, %get3A_1863 : vector<16xf32>
      %add3A_1865 = arith.addf %add3A_1851, %mul3A_1864 : vector<16xf32>
      %swap3A_1866 = arith.constant 85 : index
      %swap3A_1867 = tpu.vector_load %arg18[%swap3A_1866] {strides = array<i32>} : memref<272xf32, #tpu.memory_space<vmem>>, vector<16xf32>,
      tpu.vector_store %arg18[%swap3A_1866], %add3A_1865 {strides = array<i32>} : memref<272xf32, #tpu.memory_space<vmem>>, vector<16xf32>,
      %get3A_1868 = arith.constant 0 : i32
      %get3A_1869 = arith.constant 6 : i32
      %get3A_1870 = arith.index_cast %get3A_1868 : i32 to index
      %get3A_1871 = arith.index_cast %get3A_1869 : i32 to index
      %get3A_1872 = arith.constant 0 : index
      %get3A_1873 = tpu.vector_load %arg12[%get3A_1870, %get3A_1871, %get3A_1872] {strides = array<i32>} : memref<2x16x64xf32, #tpu.memory_space<vmem>>, vector<16xf32>,
      %get3A_1874 = arith.constant 0 : i32
      %get3A_1875 = arith.constant 6 : i32
      %get3A_1876 = arith.index_cast %get3A_1874 : i32 to index
      %get3A_1877 = arith.index_cast %get3A_1875 : i32 to index
      %get3A_1878 = arith.constant 0 : index
      %get3A_1879 = tpu.vector_load %arg13[%get3A_1876, %get3A_1877, %get3A_1878] {strides = array<i32>} : memref<2x16x64xf32, #tpu.memory_space<vmem>>, vector<16xf32>,
      %mul3A_1880 = arith.mulf %get3A_1873, %get3A_1879 : vector<16xf32>
      %get3A_1881 = arith.constant 0 : i32
      %get3A_1882 = arith.constant 6 : i32
      %get3A_1883 = arith.index_cast %get3A_1881 : i32 to index
      %get3A_1884 = arith.index_cast %get3A_1882 : i32 to index
      %get3A_1885 = arith.constant 16 : index
      %get3A_1886 = tpu.vector_load %arg12[%get3A_1883, %get3A_1884, %get3A_1885] {strides = array<i32>} : memref<2x16x64xf32, #tpu.memory_space<vmem>>, vector<16xf32>,
      %get3A_1887 = arith.constant 0 : i32
      %get3A_1888 = arith.constant 6 : i32
      %get3A_1889 = arith.index_cast %get3A_1887 : i32 to index
      %get3A_1890 = arith.index_cast %get3A_1888 : i32 to index
      %get3A_1891 = arith.constant 16 : index
      %get3A_1892 = tpu.vector_load %arg13[%get3A_1889, %get3A_1890, %get3A_1891] {strides = array<i32>} : memref<2x16x64xf32, #tpu.memory_space<vmem>>, vector<16xf32>,
      %mul3A_1893 = arith.mulf %get3A_1886, %get3A_1892 : vector<16xf32>
      %add3A_1894 = arith.addf %mul3A_1880, %mul3A_1893 : vector<16xf32>
      %get3A_1895 = arith.constant 0 : i32
      %get3A_1896 = arith.constant 6 : i32
      %get3A_1897 = arith.index_cast %get3A_1895 : i32 to index
      %get3A_1898 = arith.index_cast %get3A_1896 : i32 to index
      %get3A_1899 = arith.constant 32 : index
      %get3A_1900 = tpu.vector_load %arg12[%get3A_1897, %get3A_1898, %get3A_1899] {strides = array<i32>} : memref<2x16x64xf32, #tpu.memory_space<vmem>>, vector<16xf32>,
      %get3A_1901 = arith.constant 0 : i32
      %get3A_1902 = arith.constant 6 : i32
      %get3A_1903 = arith.index_cast %get3A_1901 : i32 to index
      %get3A_1904 = arith.index_cast %get3A_1902 : i32 to index
      %get3A_1905 = arith.constant 32 : index
      %get3A_1906 = tpu.vector_load %arg13[%get3A_1903, %get3A_1904, %get3A_1905] {strides = array<i32>} : memref<2x16x64xf32, #tpu.memory_space<vmem>>, vector<16xf32>,
      %mul3A_1907 = arith.mulf %get3A_1900, %get3A_1906 : vector<16xf32>
      %add3A_1908 = arith.addf %add3A_1894, %mul3A_1907 : vector<16xf32>
      %get3A_1909 = arith.constant 0 : i32
      %get3A_1910 = arith.constant 6 : i32
      %get3A_1911 = arith.index_cast %get3A_1909 : i32 to index
      %get3A_1912 = arith.index_cast %get3A_1910 : i32 to index
      %get3A_1913 = arith.constant 48 : index
      %get3A_1914 = tpu.vector_load %arg12[%get3A_1911, %get3A_1912, %get3A_1913] {strides = array<i32>} : memref<2x16x64xf32, #tpu.memory_space<vmem>>, vector<16xf32>,
      %get3A_1915 = arith.constant 0 : i32
      %get3A_1916 = arith.constant 6 : i32
      %get3A_1917 = arith.index_cast %get3A_1915 : i32 to index
      %get3A_1918 = arith.index_cast %get3A_1916 : i32 to index
      %get3A_1919 = arith.constant 48 : index
      %get3A_1920 = tpu.vector_load %arg13[%get3A_1917, %get3A_1918, %get3A_1919] {strides = array<i32>} : memref<2x16x64xf32, #tpu.memory_space<vmem>>, vector<16xf32>,
      %mul3A_1921 = arith.mulf %get3A_1914, %get3A_1920 : vector<16xf32>
      %add3A_1922 = arith.addf %add3A_1908, %mul3A_1921 : vector<16xf32>
      %swap3A_1923 = arith.constant 102 : index
      %swap3A_1924 = tpu.vector_load %arg18[%swap3A_1923] {strides = array<i32>} : memref<272xf32, #tpu.memory_space<vmem>>, vector<16xf32>,
      tpu.vector_store %arg18[%swap3A_1923], %add3A_1922 {strides = array<i32>} : memref<272xf32, #tpu.memory_space<vmem>>, vector<16xf32>,
      %get3A_1925 = arith.constant 0 : i32
      %get3A_1926 = arith.constant 7 : i32
      %get3A_1927 = arith.index_cast %get3A_1925 : i32 to index
      %get3A_1928 = arith.index_cast %get3A_1926 : i32 to index
      %get3A_1929 = arith.constant 0 : index
      %get3A_1930 = tpu.vector_load %arg12[%get3A_1927, %get3A_1928, %get3A_1929] {strides = array<i32>} : memref<2x16x64xf32, #tpu.memory_space<vmem>>, vector<16xf32>,
      %get3A_1931 = arith.constant 0 : i32
      %get3A_1932 = arith.constant 7 : i32
      %get3A_1933 = arith.index_cast %get3A_1931 : i32 to index
      %get3A_1934 = arith.index_cast %get3A_1932 : i32 to index
      %get3A_1935 = arith.constant 0 : index
      %get3A_1936 = tpu.vector_load %arg13[%get3A_1933, %get3A_1934, %get3A_1935] {strides = array<i32>} : memref<2x16x64xf32, #tpu.memory_space<vmem>>, vector<16xf32>,
      %mul3A_1937 = arith.mulf %get3A_1930, %get3A_1936 : vector<16xf32>
      %get3A_1938 = arith.constant 0 : i32
      %get3A_1939 = arith.constant 7 : i32
      %get3A_1940 = arith.index_cast %get3A_1938 : i32 to index
      %get3A_1941 = arith.index_cast %get3A_1939 : i32 to index
      %get3A_1942 = arith.constant 16 : index
      %get3A_1943 = tpu.vector_load %arg12[%get3A_1940, %get3A_1941, %get3A_1942] {strides = array<i32>} : memref<2x16x64xf32, #tpu.memory_space<vmem>>, vector<16xf32>,
      %get3A_1944 = arith.constant 0 : i32
      %get3A_1945 = arith.constant 7 : i32
      %get3A_1946 = arith.index_cast %get3A_1944 : i32 to index
      %get3A_1947 = arith.index_cast %get3A_1945 : i32 to index
      %get3A_1948 = arith.constant 16 : index
      %get3A_1949 = tpu.vector_load %arg13[%get3A_1946, %get3A_1947, %get3A_1948] {strides = array<i32>} : memref<2x16x64xf32, #tpu.memory_space<vmem>>, vector<16xf32>,
      %mul3A_1950 = arith.mulf %get3A_1943, %get3A_1949 : vector<16xf32>
      %add3A_1951 = arith.addf %mul3A_1937, %mul3A_1950 : vector<16xf32>
      %get3A_1952 = arith.constant 0 : i32
      %get3A_1953 = arith.constant 7 : i32
      %get3A_1954 = arith.index_cast %get3A_1952 : i32 to index
      %get3A_1955 = arith.index_cast %get3A_1953 : i32 to index
      %get3A_1956 = arith.constant 32 : index
      %get3A_1957 = tpu.vector_load %arg12[%get3A_1954, %get3A_1955, %get3A_1956] {strides = array<i32>} : memref<2x16x64xf32, #tpu.memory_space<vmem>>, vector<16xf32>,
      %get3A_1958 = arith.constant 0 : i32
      %get3A_1959 = arith.constant 7 : i32
      %get3A_1960 = arith.index_cast %get3A_1958 : i32 to index
      %get3A_1961 = arith.index_cast %get3A_1959 : i32 to index
      %get3A_1962 = arith.constant 32 : index
      %get3A_1963 = tpu.vector_load %arg13[%get3A_1960, %get3A_1961, %get3A_1962] {strides = array<i32>} : memref<2x16x64xf32, #tpu.memory_space<vmem>>, vector<16xf32>,
      %mul3A_1964 = arith.mulf %get3A_1957, %get3A_1963 : vector<16xf32>
      %add3A_1965 = arith.addf %add3A_1951, %mul3A_1964 : vector<16xf32>
      %get3A_1966 = arith.constant 0 : i32
      %get3A_1967 = arith.constant 7 : i32
      %get3A_1968 = arith.index_cast %get3A_1966 : i32 to index
      %get3A_1969 = arith.index_cast %get3A_1967 : i32 to index
      %get3A_1970 = arith.constant 48 : index
      %get3A_1971 = tpu.vector_load %arg12[%get3A_1968, %get3A_1969, %get3A_1970] {strides = array<i32>} : memref<2x16x64xf32, #tpu.memory_space<vmem>>, vector<16xf32>,
      %get3A_1972 = arith.constant 0 : i32
      %get3A_1973 = arith.constant 7 : i32
      %get3A_1974 = arith.index_cast %get3A_1972 : i32 to index
      %get3A_1975 = arith.index_cast %get3A_1973 : i32 to index
      %get3A_1976 = arith.constant 48 : index
      %get3A_1977 = tpu.vector_load %arg13[%get3A_1974, %get3A_1975, %get3A_1976] {strides = array<i32>} : memref<2x16x64xf32, #tpu.memory_space<vmem>>, vector<16xf32>,
      %mul3A_1978 = arith.mulf %get3A_1971, %get3A_1977 : vector<16xf32>
      %add3A_1979 = arith.addf %add3A_1965, %mul3A_1978 : vector<16xf32>
      %swap3A_1980 = arith.constant 119 : index
      %swap3A_1981 = tpu.vector_load %arg18[%swap3A_1980] {strides = array<i32>} : memref<272xf32, #tpu.memory_space<vmem>>, vector<16xf32>,
      tpu.vector_store %arg18[%swap3A_1980], %add3A_1979 {strides = array<i32>} : memref<272xf32, #tpu.memory_space<vmem>>, vector<16xf32>,
      %get3A_1982 = arith.constant 0 : i32
      %get3A_1983 = arith.constant 8 : i32
      %get3A_1984 = arith.index_cast %get3A_1982 : i32 to index
      %get3A_1985 = arith.index_cast %get3A_1983 : i32 to index
      %get3A_1986 = arith.constant 0 : index
      %get3A_1987 = tpu.vector_load %arg12[%get3A_1984, %get3A_1985, %get3A_1986] {strides = array<i32>} : memref<2x16x64xf32, #tpu.memory_space<vmem>>, vector<16xf32>,
      %get3A_1988 = arith.constant 0 : i32
      %get3A_1989 = arith.constant 8 : i32
      %get3A_1990 = arith.index_cast %get3A_1988 : i32 to index
      %get3A_1991 = arith.index_cast %get3A_1989 : i32 to index
      %get3A_1992 = arith.constant 0 : index
      %get3A_1993 = tpu.vector_load %arg13[%get3A_1990, %get3A_1991, %get3A_1992] {strides = array<i32>} : memref<2x16x64xf32, #tpu.memory_space<vmem>>, vector<16xf32>,
      %mul3A_1994 = arith.mulf %get3A_1987, %get3A_1993 : vector<16xf32>
      %get3A_1995 = arith.constant 0 : i32
      %get3A_1996 = arith.constant 8 : i32
      %get3A_1997 = arith.index_cast %get3A_1995 : i32 to index
      %get3A_1998 = arith.index_cast %get3A_1996 : i32 to index
      %get3A_1999 = arith.constant 16 : index
      %get3A_2000 = tpu.vector_load %arg12[%get3A_1997, %get3A_1998, %get3A_1999] {strides = array<i32>} : memref<2x16x64xf32, #tpu.memory_space<vmem>>, vector<16xf32>,
      %get3A_2001 = arith.constant 0 : i32
      %get3A_2002 = arith.constant 8 : i32
      %get3A_2003 = arith.index_cast %get3A_2001 : i32 to index
      %get3A_2004 = arith.index_cast %get3A_2002 : i32 to index
      %get3A_2005 = arith.constant 16 : index
      %get3A_2006 = tpu.vector_load %arg13[%get3A_2003, %get3A_2004, %get3A_2005] {strides = array<i32>} : memref<2x16x64xf32, #tpu.memory_space<vmem>>, vector<16xf32>,
      %mul3A_2007 = arith.mulf %get3A_2000, %get3A_2006 : vector<16xf32>
      %add3A_2008 = arith.addf %mul3A_1994, %mul3A_2007 : vector<16xf32>
      %get3A_2009 = arith.constant 0 : i32
      %get3A_2010 = arith.constant 8 : i32
      %get3A_2011 = arith.index_cast %get3A_2009 : i32 to index
      %get3A_2012 = arith.index_cast %get3A_2010 : i32 to index
      %get3A_2013 = arith.constant 32 : index
      %get3A_2014 = tpu.vector_load %arg12[%get3A_2011, %get3A_2012, %get3A_2013] {strides = array<i32>} : memref<2x16x64xf32, #tpu.memory_space<vmem>>, vector<16xf32>,
      %get3A_2015 = arith.constant 0 : i32
      %get3A_2016 = arith.constant 8 : i32
      %get3A_2017 = arith.index_cast %get3A_2015 : i32 to index
      %get3A_2018 = arith.index_cast %get3A_2016 : i32 to index
      %get3A_2019 = arith.constant 32 : index
      %get3A_2020 = tpu.vector_load %arg13[%get3A_2017, %get3A_2018, %get3A_2019] {strides = array<i32>} : memref<2x16x64xf32, #tpu.memory_space<vmem>>, vector<16xf32>,
      %mul3A_2021 = arith.mulf %get3A_2014, %get3A_2020 : vector<16xf32>
      %add3A_2022 = arith.addf %add3A_2008, %mul3A_2021 : vector<16xf32>
      %get3A_2023 = arith.constant 0 : i32
      %get3A_2024 = arith.constant 8 : i32
      %get3A_2025 = arith.index_cast %get3A_2023 : i32 to index
      %get3A_2026 = arith.index_cast %get3A_2024 : i32 to index
      %get3A_2027 = arith.constant 48 : index
      %get3A_2028 = tpu.vector_load %arg12[%get3A_2025, %get3A_2026, %get3A_2027] {strides = array<i32>} : memref<2x16x64xf32, #tpu.memory_space<vmem>>, vector<16xf32>,
      %get3A_2029 = arith.constant 0 : i32
      %get3A_2030 = arith.constant 8 : i32
      %get3A_2031 = arith.index_cast %get3A_2029 : i32 to index
      %get3A_2032 = arith.index_cast %get3A_2030 : i32 to index
      %get3A_2033 = arith.constant 48 : index
      %get3A_2034 = tpu.vector_load %arg13[%get3A_2031, %get3A_2032, %get3A_2033] {strides = array<i32>} : memref<2x16x64xf32, #tpu.memory_space<vmem>>, vector<16xf32>,
      %mul3A_2035 = arith.mulf %get3A_2028, %get3A_2034 : vector<16xf32>
      %add3A_2036 = arith.addf %add3A_2022, %mul3A_2035 : vector<16xf32>
      %swap3A_2037 = arith.constant 136 : index
      %swap3A_2038 = tpu.vector_load %arg18[%swap3A_2037] {strides = array<i32>} : memref<272xf32, #tpu.memory_space<vmem>>, vector<16xf32>,
      tpu.vector_store %arg18[%swap3A_2037], %add3A_2036 {strides = array<i32>} : memref<272xf32, #tpu.memory_space<vmem>>, vector<16xf32>,
      %get3A_2039 = arith.constant 0 : i32
      %get3A_2040 = arith.constant 9 : i32
      %get3A_2041 = arith.index_cast %get3A_2039 : i32 to index
      %get3A_2042 = arith.index_cast %get3A_2040 : i32 to index
      %get3A_2043 = arith.constant 0 : index
      %get3A_2044 = tpu.vector_load %arg12[%get3A_2041, %get3A_2042, %get3A_2043] {strides = array<i32>} : memref<2x16x64xf32, #tpu.memory_space<vmem>>, vector<16xf32>,
      %get3A_2045 = arith.constant 0 : i32
      %get3A_2046 = arith.constant 9 : i32
      %get3A_2047 = arith.index_cast %get3A_2045 : i32 to index
      %get3A_2048 = arith.index_cast %get3A_2046 : i32 to index
      %get3A_2049 = arith.constant 0 : index
      %get3A_2050 = tpu.vector_load %arg13[%get3A_2047, %get3A_2048, %get3A_2049] {strides = array<i32>} : memref<2x16x64xf32, #tpu.memory_space<vmem>>, vector<16xf32>,
      %mul3A_2051 = arith.mulf %get3A_2044, %get3A_2050 : vector<16xf32>
      %get3A_2052 = arith.constant 0 : i32
      %get3A_2053 = arith.constant 9 : i32
      %get3A_2054 = arith.index_cast %get3A_2052 : i32 to index
      %get3A_2055 = arith.index_cast %get3A_2053 : i32 to index
      %get3A_2056 = arith.constant 16 : index
      %get3A_2057 = tpu.vector_load %arg12[%get3A_2054, %get3A_2055, %get3A_2056] {strides = array<i32>} : memref<2x16x64xf32, #tpu.memory_space<vmem>>, vector<16xf32>,
      %get3A_2058 = arith.constant 0 : i32
      %get3A_2059 = arith.constant 9 : i32
      %get3A_2060 = arith.index_cast %get3A_2058 : i32 to index
      %get3A_2061 = arith.index_cast %get3A_2059 : i32 to index
      %get3A_2062 = arith.constant 16 : index
      %get3A_2063 = tpu.vector_load %arg13[%get3A_2060, %get3A_2061, %get3A_2062] {strides = array<i32>} : memref<2x16x64xf32, #tpu.memory_space<vmem>>, vector<16xf32>,
      %mul3A_2064 = arith.mulf %get3A_2057, %get3A_2063 : vector<16xf32>
      %add3A_2065 = arith.addf %mul3A_2051, %mul3A_2064 : vector<16xf32>
      %get3A_2066 = arith.constant 0 : i32
      %get3A_2067 = arith.constant 9 : i32
      %get3A_2068 = arith.index_cast %get3A_2066 : i32 to index
      %get3A_2069 = arith.index_cast %get3A_2067 : i32 to index
      %get3A_2070 = arith.constant 32 : index
      %get3A_2071 = tpu.vector_load %arg12[%get3A_2068, %get3A_2069, %get3A_2070] {strides = array<i32>} : memref<2x16x64xf32, #tpu.memory_space<vmem>>, vector<16xf32>,
      %get3A_2072 = arith.constant 0 : i32
      %get3A_2073 = arith.constant 9 : i32
      %get3A_2074 = arith.index_cast %get3A_2072 : i32 to index
      %get3A_2075 = arith.index_cast %get3A_2073 : i32 to index
      %get3A_2076 = arith.constant 32 : index
      %get3A_2077 = tpu.vector_load %arg13[%get3A_2074, %get3A_2075, %get3A_2076] {strides = array<i32>} : memref<2x16x64xf32, #tpu.memory_space<vmem>>, vector<16xf32>,
      %mul3A_2078 = arith.mulf %get3A_2071, %get3A_2077 : vector<16xf32>
      %add3A_2079 = arith.addf %add3A_2065, %mul3A_2078 : vector<16xf32>
      %get3A_2080 = arith.constant 0 : i32
      %get3A_2081 = arith.constant 9 : i32
      %get3A_2082 = arith.index_cast %get3A_2080 : i32 to index
      %get3A_2083 = arith.index_cast %get3A_2081 : i32 to index
      %get3A_2084 = arith.constant 48 : index
      %get3A_2085 = tpu.vector_load %arg12[%get3A_2082, %get3A_2083, %get3A_2084] {strides = array<i32>} : memref<2x16x64xf32, #tpu.memory_space<vmem>>, vector<16xf32>,
      %get3A_2086 = arith.constant 0 : i32
      %get3A_2087 = arith.constant 9 : i32
      %get3A_2088 = arith.index_cast %get3A_2086 : i32 to index
      %get3A_2089 = arith.index_cast %get3A_2087 : i32 to index
      %get3A_2090 = arith.constant 48 : index
      %get3A_2091 = tpu.vector_load %arg13[%get3A_2088, %get3A_2089, %get3A_2090] {strides = array<i32>} : memref<2x16x64xf32, #tpu.memory_space<vmem>>, vector<16xf32>,
      %mul3A_2092 = arith.mulf %get3A_2085, %get3A_2091 : vector<16xf32>
      %add3A_2093 = arith.addf %add3A_2079, %mul3A_2092 : vector<16xf32>
      %swap3A_2094 = arith.constant 153 : index
      %swap3A_2095 = tpu.vector_load %arg18[%swap3A_2094] {strides = array<i32>} : memref<272xf32, #tpu.memory_space<vmem>>, vector<16xf32>,
      tpu.vector_store %arg18[%swap3A_2094], %add3A_2093 {strides = array<i32>} : memref<272xf32, #tpu.memory_space<vmem>>, vector<16xf32>,
      %get3A_2096 = arith.constant 0 : i32
      %get3A_2097 = arith.constant 10 : i32
      %get3A_2098 = arith.index_cast %get3A_2096 : i32 to index
      %get3A_2099 = arith.index_cast %get3A_2097 : i32 to index
      %get3A_2100 = arith.constant 0 : index
      %get3A_2101 = tpu.vector_load %arg12[%get3A_2098, %get3A_2099, %get3A_2100] {strides = array<i32>} : memref<2x16x64xf32, #tpu.memory_space<vmem>>, vector<16xf32>,
      %get3A_2102 = arith.constant 0 : i32
      %get3A_2103 = arith.constant 10 : i32
      %get3A_2104 = arith.index_cast %get3A_2102 : i32 to index
      %get3A_2105 = arith.index_cast %get3A_2103 : i32 to index
      %get3A_2106 = arith.constant 0 : index
      %get3A_2107 = tpu.vector_load %arg13[%get3A_2104, %get3A_2105, %get3A_2106] {strides = array<i32>} : memref<2x16x64xf32, #tpu.memory_space<vmem>>, vector<16xf32>,
      %mul3A_2108 = arith.mulf %get3A_2101, %get3A_2107 : vector<16xf32>
      %get3A_2109 = arith.constant 0 : i32
      %get3A_2110 = arith.constant 10 : i32
      %get3A_2111 = arith.index_cast %get3A_2109 : i32 to index
      %get3A_2112 = arith.index_cast %get3A_2110 : i32 to index
      %get3A_2113 = arith.constant 16 : index
      %get3A_2114 = tpu.vector_load %arg12[%get3A_2111, %get3A_2112, %get3A_2113] {strides = array<i32>} : memref<2x16x64xf32, #tpu.memory_space<vmem>>, vector<16xf32>,
      %get3A_2115 = arith.constant 0 : i32
      %get3A_2116 = arith.constant 10 : i32
      %get3A_2117 = arith.index_cast %get3A_2115 : i32 to index
      %get3A_2118 = arith.index_cast %get3A_2116 : i32 to index
      %get3A_2119 = arith.constant 16 : index
      %get3A_2120 = tpu.vector_load %arg13[%get3A_2117, %get3A_2118, %get3A_2119] {strides = array<i32>} : memref<2x16x64xf32, #tpu.memory_space<vmem>>, vector<16xf32>,
      %mul3A_2121 = arith.mulf %get3A_2114, %get3A_2120 : vector<16xf32>
      %add3A_2122 = arith.addf %mul3A_2108, %mul3A_2121 : vector<16xf32>
      %get3A_2123 = arith.constant 0 : i32
      %get3A_2124 = arith.constant 10 : i32
      %get3A_2125 = arith.index_cast %get3A_2123 : i32 to index
      %get3A_2126 = arith.index_cast %get3A_2124 : i32 to index
      %get3A_2127 = arith.constant 32 : index
      %get3A_2128 = tpu.vector_load %arg12[%get3A_2125, %get3A_2126, %get3A_2127] {strides = array<i32>} : memref<2x16x64xf32, #tpu.memory_space<vmem>>, vector<16xf32>,
      %get3A_2129 = arith.constant 0 : i32
      %get3A_2130 = arith.constant 10 : i32
      %get3A_2131 = arith.index_cast %get3A_2129 : i32 to index
      %get3A_2132 = arith.index_cast %get3A_2130 : i32 to index
      %get3A_2133 = arith.constant 32 : index
      %get3A_2134 = tpu.vector_load %arg13[%get3A_2131, %get3A_2132, %get3A_2133] {strides = array<i32>} : memref<2x16x64xf32, #tpu.memory_space<vmem>>, vector<16xf32>,
      %mul3A_2135 = arith.mulf %get3A_2128, %get3A_2134 : vector<16xf32>
      %add3A_2136 = arith.addf %add3A_2122, %mul3A_2135 : vector<16xf32>
      %get3A_2137 = arith.constant 0 : i32
      %get3A_2138 = arith.constant 10 : i32
      %get3A_2139 = arith.index_cast %get3A_2137 : i32 to index
      %get3A_2140 = arith.index_cast %get3A_2138 : i32 to index
      %get3A_2141 = arith.constant 48 : index
      %get3A_2142 = tpu.vector_load %arg12[%get3A_2139, %get3A_2140, %get3A_2141] {strides = array<i32>} : memref<2x16x64xf32, #tpu.memory_space<vmem>>, vector<16xf32>,
      %get3A_2143 = arith.constant 0 : i32
      %get3A_2144 = arith.constant 10 : i32
      %get3A_2145 = arith.index_cast %get3A_2143 : i32 to index
      %get3A_2146 = arith.index_cast %get3A_2144 : i32 to index
      %get3A_2147 = arith.constant 48 : index
      %get3A_2148 = tpu.vector_load %arg13[%get3A_2145, %get3A_2146, %get3A_2147] {strides = array<i32>} : memref<2x16x64xf32, #tpu.memory_space<vmem>>, vector<16xf32>,
      %mul3A_2149 = arith.mulf %get3A_2142, %get3A_2148 : vector<16xf32>
      %add3A_2150 = arith.addf %add3A_2136, %mul3A_2149 : vector<16xf32>
      %swap3A_2151 = arith.constant 170 : index
      %swap3A_2152 = tpu.vector_load %arg18[%swap3A_2151] {strides = array<i32>} : memref<272xf32, #tpu.memory_space<vmem>>, vector<16xf32>,
      tpu.vector_store %arg18[%swap3A_2151], %add3A_2150 {strides = array<i32>} : memref<272xf32, #tpu.memory_space<vmem>>, vector<16xf32>,
      %get3A_2153 = arith.constant 0 : i32
      %get3A_2154 = arith.constant 11 : i32
      %get3A_2155 = arith.index_cast %get3A_2153 : i32 to index
      %get3A_2156 = arith.index_cast %get3A_2154 : i32 to index
      %get3A_2157 = arith.constant 0 : index
      %get3A_2158 = tpu.vector_load %arg12[%get3A_2155, %get3A_2156, %get3A_2157] {strides = array<i32>} : memref<2x16x64xf32, #tpu.memory_space<vmem>>, vector<16xf32>,
      %get3A_2159 = arith.constant 0 : i32
      %get3A_2160 = arith.constant 11 : i32
      %get3A_2161 = arith.index_cast %get3A_2159 : i32 to index
      %get3A_2162 = arith.index_cast %get3A_2160 : i32 to index
      %get3A_2163 = arith.constant 0 : index
      %get3A_2164 = tpu.vector_load %arg13[%get3A_2161, %get3A_2162, %get3A_2163] {strides = array<i32>} : memref<2x16x64xf32, #tpu.memory_space<vmem>>, vector<16xf32>,
      %mul3A_2165 = arith.mulf %get3A_2158, %get3A_2164 : vector<16xf32>
      %get3A_2166 = arith.constant 0 : i32
      %get3A_2167 = arith.constant 11 : i32
      %get3A_2168 = arith.index_cast %get3A_2166 : i32 to index
      %get3A_2169 = arith.index_cast %get3A_2167 : i32 to index
      %get3A_2170 = arith.constant 16 : index
      %get3A_2171 = tpu.vector_load %arg12[%get3A_2168, %get3A_2169, %get3A_2170] {strides = array<i32>} : memref<2x16x64xf32, #tpu.memory_space<vmem>>, vector<16xf32>,
      %get3A_2172 = arith.constant 0 : i32
      %get3A_2173 = arith.constant 11 : i32
      %get3A_2174 = arith.index_cast %get3A_2172 : i32 to index
      %get3A_2175 = arith.index_cast %get3A_2173 : i32 to index
      %get3A_2176 = arith.constant 16 : index
      %get3A_2177 = tpu.vector_load %arg13[%get3A_2174, %get3A_2175, %get3A_2176] {strides = array<i32>} : memref<2x16x64xf32, #tpu.memory_space<vmem>>, vector<16xf32>,
      %mul3A_2178 = arith.mulf %get3A_2171, %get3A_2177 : vector<16xf32>
      %add3A_2179 = arith.addf %mul3A_2165, %mul3A_2178 : vector<16xf32>
      %get3A_2180 = arith.constant 0 : i32
      %get3A_2181 = arith.constant 11 : i32
      %get3A_2182 = arith.index_cast %get3A_2180 : i32 to index
      %get3A_2183 = arith.index_cast %get3A_2181 : i32 to index
      %get3A_2184 = arith.constant 32 : index
      %get3A_2185 = tpu.vector_load %arg12[%get3A_2182, %get3A_2183, %get3A_2184] {strides = array<i32>} : memref<2x16x64xf32, #tpu.memory_space<vmem>>, vector<16xf32>,
      %get3A_2186 = arith.constant 0 : i32
      %get3A_2187 = arith.constant 11 : i32
      %get3A_2188 = arith.index_cast %get3A_2186 : i32 to index
      %get3A_2189 = arith.index_cast %get3A_2187 : i32 to index
      %get3A_2190 = arith.constant 32 : index
      %get3A_2191 = tpu.vector_load %arg13[%get3A_2188, %get3A_2189, %get3A_2190] {strides = array<i32>} : memref<2x16x64xf32, #tpu.memory_space<vmem>>, vector<16xf32>,
      %mul3A_2192 = arith.mulf %get3A_2185, %get3A_2191 : vector<16xf32>
      %add3A_2193 = arith.addf %add3A_2179, %mul3A_2192 : vector<16xf32>
      %get3A_2194 = arith.constant 0 : i32
      %get3A_2195 = arith.constant 11 : i32
      %get3A_2196 = arith.index_cast %get3A_2194 : i32 to index
      %get3A_2197 = arith.index_cast %get3A_2195 : i32 to index
      %get3A_2198 = arith.constant 48 : index
      %get3A_2199 = tpu.vector_load %arg12[%get3A_2196, %get3A_2197, %get3A_2198] {strides = array<i32>} : memref<2x16x64xf32, #tpu.memory_space<vmem>>, vector<16xf32>,
      %get3A_2200 = arith.constant 0 : i32
      %get3A_2201 = arith.constant 11 : i32
      %get3A_2202 = arith.index_cast %get3A_2200 : i32 to index
      %get3A_2203 = arith.index_cast %get3A_2201 : i32 to index
      %get3A_2204 = arith.constant 48 : index
      %get3A_2205 = tpu.vector_load %arg13[%get3A_2202, %get3A_2203, %get3A_2204] {strides = array<i32>} : memref<2x16x64xf32, #tpu.memory_space<vmem>>, vector<16xf32>,
      %mul3A_2206 = arith.mulf %get3A_2199, %get3A_2205 : vector<16xf32>
      %add3A_2207 = arith.addf %add3A_2193, %mul3A_2206 : vector<16xf32>
      %swap3A_2208 = arith.constant 187 : index
      %swap3A_2209 = tpu.vector_load %arg18[%swap3A_2208] {strides = array<i32>} : memref<272xf32, #tpu.memory_space<vmem>>, vector<16xf32>,
      tpu.vector_store %arg18[%swap3A_2208], %add3A_2207 {strides = array<i32>} : memref<272xf32, #tpu.memory_space<vmem>>, vector<16xf32>,
      %get3A_2210 = arith.constant 0 : i32
      %get3A_2211 = arith.constant 12 : i32
      %get3A_2212 = arith.index_cast %get3A_2210 : i32 to index
      %get3A_2213 = arith.index_cast %get3A_2211 : i32 to index
      %get3A_2214 = arith.constant 0 : index
      %get3A_2215 = tpu.vector_load %arg12[%get3A_2212, %get3A_2213, %get3A_2214] {strides = array<i32>} : memref<2x16x64xf32, #tpu.memory_space<vmem>>, vector<16xf32>,
      %get3A_2216 = arith.constant 0 : i32
      %get3A_2217 = arith.constant 12 : i32
      %get3A_2218 = arith.index_cast %get3A_2216 : i32 to index
      %get3A_2219 = arith.index_cast %get3A_2217 : i32 to index
      %get3A_2220 = arith.constant 0 : index
      %get3A_2221 = tpu.vector_load %arg13[%get3A_2218, %get3A_2219, %get3A_2220] {strides = array<i32>} : memref<2x16x64xf32, #tpu.memory_space<vmem>>, vector<16xf32>,
      %mul3A_2222 = arith.mulf %get3A_2215, %get3A_2221 : vector<16xf32>
      %get3A_2223 = arith.constant 0 : i32
      %get3A_2224 = arith.constant 12 : i32
      %get3A_2225 = arith.index_cast %get3A_2223 : i32 to index
      %get3A_2226 = arith.index_cast %get3A_2224 : i32 to index
      %get3A_2227 = arith.constant 16 : index
      %get3A_2228 = tpu.vector_load %arg12[%get3A_2225, %get3A_2226, %get3A_2227] {strides = array<i32>} : memref<2x16x64xf32, #tpu.memory_space<vmem>>, vector<16xf32>,
      %get3A_2229 = arith.constant 0 : i32
      %get3A_2230 = arith.constant 12 : i32
      %get3A_2231 = arith.index_cast %get3A_2229 : i32 to index
      %get3A_2232 = arith.index_cast %get3A_2230 : i32 to index
      %get3A_2233 = arith.constant 16 : index
      %get3A_2234 = tpu.vector_load %arg13[%get3A_2231, %get3A_2232, %get3A_2233] {strides = array<i32>} : memref<2x16x64xf32, #tpu.memory_space<vmem>>, vector<16xf32>,
      %mul3A_2235 = arith.mulf %get3A_2228, %get3A_2234 : vector<16xf32>
      %add3A_2236 = arith.addf %mul3A_2222, %mul3A_2235 : vector<16xf32>
      %get3A_2237 = arith.constant 0 : i32
      %get3A_2238 = arith.constant 12 : i32
      %get3A_2239 = arith.index_cast %get3A_2237 : i32 to index
      %get3A_2240 = arith.index_cast %get3A_2238 : i32 to index
      %get3A_2241 = arith.constant 32 : index
      %get3A_2242 = tpu.vector_load %arg12[%get3A_2239, %get3A_2240, %get3A_2241] {strides = array<i32>} : memref<2x16x64xf32, #tpu.memory_space<vmem>>, vector<16xf32>,
      %get3A_2243 = arith.constant 0 : i32
      %get3A_2244 = arith.constant 12 : i32
      %get3A_2245 = arith.index_cast %get3A_2243 : i32 to index
      %get3A_2246 = arith.index_cast %get3A_2244 : i32 to index
      %get3A_2247 = arith.constant 32 : index
      %get3A_2248 = tpu.vector_load %arg13[%get3A_2245, %get3A_2246, %get3A_2247] {strides = array<i32>} : memref<2x16x64xf32, #tpu.memory_space<vmem>>, vector<16xf32>,
      %mul3A_2249 = arith.mulf %get3A_2242, %get3A_2248 : vector<16xf32>
      %add3A_2250 = arith.addf %add3A_2236, %mul3A_2249 : vector<16xf32>
      %get3A_2251 = arith.constant 0 : i32
      %get3A_2252 = arith.constant 12 : i32
      %get3A_2253 = arith.index_cast %get3A_2251 : i32 to index
      %get3A_2254 = arith.index_cast %get3A_2252 : i32 to index
      %get3A_2255 = arith.constant 48 : index
      %get3A_2256 = tpu.vector_load %arg12[%get3A_2253, %get3A_2254, %get3A_2255] {strides = array<i32>} : memref<2x16x64xf32, #tpu.memory_space<vmem>>, vector<16xf32>,
      %get3A_2257 = arith.constant 0 : i32
      %get3A_2258 = arith.constant 12 : i32
      %get3A_2259 = arith.index_cast %get3A_2257 : i32 to index
      %get3A_2260 = arith.index_cast %get3A_2258 : i32 to index
      %get3A_2261 = arith.constant 48 : index
      %get3A_2262 = tpu.vector_load %arg13[%get3A_2259, %get3A_2260, %get3A_2261] {strides = array<i32>} : memref<2x16x64xf32, #tpu.memory_space<vmem>>, vector<16xf32>,
      %mul3A_2263 = arith.mulf %get3A_2256, %get3A_2262 : vector<16xf32>
      %add3A_2264 = arith.addf %add3A_2250, %mul3A_2263 : vector<16xf32>
      %swap3A_2265 = arith.constant 204 : index
      %swap3A_2266 = tpu.vector_load %arg18[%swap3A_2265] {strides = array<i32>} : memref<272xf32, #tpu.memory_space<vmem>>, vector<16xf32>,
      tpu.vector_store %arg18[%swap3A_2265], %add3A_2264 {strides = array<i32>} : memref<272xf32, #tpu.memory_space<vmem>>, vector<16xf32>,
      %get3A_2267 = arith.constant 0 : i32
      %get3A_2268 = arith.constant 13 : i32
      %get3A_2269 = arith.index_cast %get3A_2267 : i32 to index
      %get3A_2270 = arith.index_cast %get3A_2268 : i32 to index
      %get3A_2271 = arith.constant 0 : index
      %get3A_2272 = tpu.vector_load %arg12[%get3A_2269, %get3A_2270, %get3A_2271] {strides = array<i32>} : memref<2x16x64xf32, #tpu.memory_space<vmem>>, vector<16xf32>,
      %get3A_2273 = arith.constant 0 : i32
      %get3A_2274 = arith.constant 13 : i32
      %get3A_2275 = arith.index_cast %get3A_2273 : i32 to index
      %get3A_2276 = arith.index_cast %get3A_2274 : i32 to index
      %get3A_2277 = arith.constant 0 : index
      %get3A_2278 = tpu.vector_load %arg13[%get3A_2275, %get3A_2276, %get3A_2277] {strides = array<i32>} : memref<2x16x64xf32, #tpu.memory_space<vmem>>, vector<16xf32>,
      %mul3A_2279 = arith.mulf %get3A_2272, %get3A_2278 : vector<16xf32>
      %get3A_2280 = arith.constant 0 : i32
      %get3A_2281 = arith.constant 13 : i32
      %get3A_2282 = arith.index_cast %get3A_2280 : i32 to index
      %get3A_2283 = arith.index_cast %get3A_2281 : i32 to index
      %get3A_2284 = arith.constant 16 : index
      %get3A_2285 = tpu.vector_load %arg12[%get3A_2282, %get3A_2283, %get3A_2284] {strides = array<i32>} : memref<2x16x64xf32, #tpu.memory_space<vmem>>, vector<16xf32>,
      %get3A_2286 = arith.constant 0 : i32
      %get3A_2287 = arith.constant 13 : i32
      %get3A_2288 = arith.index_cast %get3A_2286 : i32 to index
      %get3A_2289 = arith.index_cast %get3A_2287 : i32 to index
      %get3A_2290 = arith.constant 16 : index
      %get3A_2291 = tpu.vector_load %arg13[%get3A_2288, %get3A_2289, %get3A_2290] {strides = array<i32>} : memref<2x16x64xf32, #tpu.memory_space<vmem>>, vector<16xf32>,
      %mul3A_2292 = arith.mulf %get3A_2285, %get3A_2291 : vector<16xf32>
      %add3A_2293 = arith.addf %mul3A_2279, %mul3A_2292 : vector<16xf32>
      %get3A_2294 = arith.constant 0 : i32
      %get3A_2295 = arith.constant 13 : i32
      %get3A_2296 = arith.index_cast %get3A_2294 : i32 to index
      %get3A_2297 = arith.index_cast %get3A_2295 : i32 to index
      %get3A_2298 = arith.constant 32 : index
      %get3A_2299 = tpu.vector_load %arg12[%get3A_2296, %get3A_2297, %get3A_2298] {strides = array<i32>} : memref<2x16x64xf32, #tpu.memory_space<vmem>>, vector<16xf32>,
      %get3A_2300 = arith.constant 0 : i32
      %get3A_2301 = arith.constant 13 : i32
      %get3A_2302 = arith.index_cast %get3A_2300 : i32 to index
      %get3A_2303 = arith.index_cast %get3A_2301 : i32 to index
      %get3A_2304 = arith.constant 32 : index
      %get3A_2305 = tpu.vector_load %arg13[%get3A_2302, %get3A_2303, %get3A_2304] {strides = array<i32>} : memref<2x16x64xf32, #tpu.memory_space<vmem>>, vector<16xf32>,
      %mul3A_2306 = arith.mulf %get3A_2299, %get3A_2305 : vector<16xf32>
      %add3A_2307 = arith.addf %add3A_2293, %mul3A_2306 : vector<16xf32>
      %get3A_2308 = arith.constant 0 : i32
      %get3A_2309 = arith.constant 13 : i32
      %get3A_2310 = arith.index_cast %get3A_2308 : i32 to index
      %get3A_2311 = arith.index_cast %get3A_2309 : i32 to index
      %get3A_2312 = arith.constant 48 : index
      %get3A_2313 = tpu.vector_load %arg12[%get3A_2310, %get3A_2311, %get3A_2312] {strides = array<i32>} : memref<2x16x64xf32, #tpu.memory_space<vmem>>, vector<16xf32>,
      %get3A_2314 = arith.constant 0 : i32
      %get3A_2315 = arith.constant 13 : i32
      %get3A_2316 = arith.index_cast %get3A_2314 : i32 to index
      %get3A_2317 = arith.index_cast %get3A_2315 : i32 to index
      %get3A_2318 = arith.constant 48 : index
      %get3A_2319 = tpu.vector_load %arg13[%get3A_2316, %get3A_2317, %get3A_2318] {strides = array<i32>} : memref<2x16x64xf32, #tpu.memory_space<vmem>>, vector<16xf32>,
      %mul3A_2320 = arith.mulf %get3A_2313, %get3A_2319 : vector<16xf32>
      %add3A_2321 = arith.addf %add3A_2307, %mul3A_2320 : vector<16xf32>
      %swap3A_2322 = arith.constant 221 : index
      %swap3A_2323 = tpu.vector_load %arg18[%swap3A_2322] {strides = array<i32>} : memref<272xf32, #tpu.memory_space<vmem>>, vector<16xf32>,
      tpu.vector_store %arg18[%swap3A_2322], %add3A_2321 {strides = array<i32>} : memref<272xf32, #tpu.memory_space<vmem>>, vector<16xf32>,
      %get3A_2324 = arith.constant 0 : i32
      %get3A_2325 = arith.constant 14 : i32
      %get3A_2326 = arith.index_cast %get3A_2324 : i32 to index
      %get3A_2327 = arith.index_cast %get3A_2325 : i32 to index
      %get3A_2328 = arith.constant 0 : index
      %get3A_2329 = tpu.vector_load %arg12[%get3A_2326, %get3A_2327, %get3A_2328] {strides = array<i32>} : memref<2x16x64xf32, #tpu.memory_space<vmem>>, vector<16xf32>,
      %get3A_2330 = arith.constant 0 : i32
      %get3A_2331 = arith.constant 14 : i32
      %get3A_2332 = arith.index_cast %get3A_2330 : i32 to index
      %get3A_2333 = arith.index_cast %get3A_2331 : i32 to index
      %get3A_2334 = arith.constant 0 : index
      %get3A_2335 = tpu.vector_load %arg13[%get3A_2332, %get3A_2333, %get3A_2334] {strides = array<i32>} : memref<2x16x64xf32, #tpu.memory_space<vmem>>, vector<16xf32>,
      %mul3A_2336 = arith.mulf %get3A_2329, %get3A_2335 : vector<16xf32>
      %get3A_2337 = arith.constant 0 : i32
      %get3A_2338 = arith.constant 14 : i32
      %get3A_2339 = arith.index_cast %get3A_2337 : i32 to index
      %get3A_2340 = arith.index_cast %get3A_2338 : i32 to index
      %get3A_2341 = arith.constant 16 : index
      %get3A_2342 = tpu.vector_load %arg12[%get3A_2339, %get3A_2340, %get3A_2341] {strides = array<i32>} : memref<2x16x64xf32, #tpu.memory_space<vmem>>, vector<16xf32>,
      %get3A_2343 = arith.constant 0 : i32
      %get3A_2344 = arith.constant 14 : i32
      %get3A_2345 = arith.index_cast %get3A_2343 : i32 to index
      %get3A_2346 = arith.index_cast %get3A_2344 : i32 to index
      %get3A_2347 = arith.constant 16 : index
      %get3A_2348 = tpu.vector_load %arg13[%get3A_2345, %get3A_2346, %get3A_2347] {strides = array<i32>} : memref<2x16x64xf32, #tpu.memory_space<vmem>>, vector<16xf32>,
      %mul3A_2349 = arith.mulf %get3A_2342, %get3A_2348 : vector<16xf32>
      %add3A_2350 = arith.addf %mul3A_2336, %mul3A_2349 : vector<16xf32>
      %get3A_2351 = arith.constant 0 : i32
      %get3A_2352 = arith.constant 14 : i32
      %get3A_2353 = arith.index_cast %get3A_2351 : i32 to index
      %get3A_2354 = arith.index_cast %get3A_2352 : i32 to index
      %get3A_2355 = arith.constant 32 : index
      %get3A_2356 = tpu.vector_load %arg12[%get3A_2353, %get3A_2354, %get3A_2355] {strides = array<i32>} : memref<2x16x64xf32, #tpu.memory_space<vmem>>, vector<16xf32>,
      %get3A_2357 = arith.constant 0 : i32
      %get3A_2358 = arith.constant 14 : i32
      %get3A_2359 = arith.index_cast %get3A_2357 : i32 to index
      %get3A_2360 = arith.index_cast %get3A_2358 : i32 to index
      %get3A_2361 = arith.constant 32 : index
      %get3A_2362 = tpu.vector_load %arg13[%get3A_2359, %get3A_2360, %get3A_2361] {strides = array<i32>} : memref<2x16x64xf32, #tpu.memory_space<vmem>>, vector<16xf32>,
      %mul3A_2363 = arith.mulf %get3A_2356, %get3A_2362 : vector<16xf32>
      %add3A_2364 = arith.addf %add3A_2350, %mul3A_2363 : vector<16xf32>
      %get3A_2365 = arith.constant 0 : i32
      %get3A_2366 = arith.constant 14 : i32
      %get3A_2367 = arith.index_cast %get3A_2365 : i32 to index
      %get3A_2368 = arith.index_cast %get3A_2366 : i32 to index
      %get3A_2369 = arith.constant 48 : index
      %get3A_2370 = tpu.vector_load %arg12[%get3A_2367, %get3A_2368, %get3A_2369] {strides = array<i32>} : memref<2x16x64xf32, #tpu.memory_space<vmem>>, vector<16xf32>,
      %get3A_2371 = arith.constant 0 : i32
      %get3A_2372 = arith.constant 14 : i32
      %get3A_2373 = arith.index_cast %get3A_2371 : i32 to index
      %get3A_2374 = arith.index_cast %get3A_2372 : i32 to index
      %get3A_2375 = arith.constant 48 : index
      %get3A_2376 = tpu.vector_load %arg13[%get3A_2373, %get3A_2374, %get3A_2375] {strides = array<i32>} : memref<2x16x64xf32, #tpu.memory_space<vmem>>, vector<16xf32>,
      %mul3A_2377 = arith.mulf %get3A_2370, %get3A_2376 : vector<16xf32>
      %add3A_2378 = arith.addf %add3A_2364, %mul3A_2377 : vector<16xf32>
      %swap3A_2379 = arith.constant 238 : index
      %swap3A_2380 = tpu.vector_load %arg18[%swap3A_2379] {strides = array<i32>} : memref<272xf32, #tpu.memory_space<vmem>>, vector<16xf32>,
      tpu.vector_store %arg18[%swap3A_2379], %add3A_2378 {strides = array<i32>} : memref<272xf32, #tpu.memory_space<vmem>>, vector<16xf32>,
      %get3A_2381 = arith.constant 0 : i32
      %get3A_2382 = arith.constant 15 : i32
      %get3A_2383 = arith.index_cast %get3A_2381 : i32 to index
      %get3A_2384 = arith.index_cast %get3A_2382 : i32 to index
      %get3A_2385 = arith.constant 0 : index
      %get3A_2386 = tpu.vector_load %arg12[%get3A_2383, %get3A_2384, %get3A_2385] {strides = array<i32>} : memref<2x16x64xf32, #tpu.memory_space<vmem>>, vector<16xf32>,
      %get3A_2387 = arith.constant 0 : i32
      %get3A_2388 = arith.constant 15 : i32
      %get3A_2389 = arith.index_cast %get3A_2387 : i32 to index
      %get3A_2390 = arith.index_cast %get3A_2388 : i32 to index
      %get3A_2391 = arith.constant 0 : index
      %get3A_2392 = tpu.vector_load %arg13[%get3A_2389, %get3A_2390, %get3A_2391] {strides = array<i32>} : memref<2x16x64xf32, #tpu.memory_space<vmem>>, vector<16xf32>,
      %mul3A_2393 = arith.mulf %get3A_2386, %get3A_2392 : vector<16xf32>
      %get3A_2394 = arith.constant 0 : i32
      %get3A_2395 = arith.constant 15 : i32
      %get3A_2396 = arith.index_cast %get3A_2394 : i32 to index
      %get3A_2397 = arith.index_cast %get3A_2395 : i32 to index
      %get3A_2398 = arith.constant 16 : index
      %get3A_2399 = tpu.vector_load %arg12[%get3A_2396, %get3A_2397, %get3A_2398] {strides = array<i32>} : memref<2x16x64xf32, #tpu.memory_space<vmem>>, vector<16xf32>,
      %get3A_2400 = arith.constant 0 : i32
      %get3A_2401 = arith.constant 15 : i32
      %get3A_2402 = arith.index_cast %get3A_2400 : i32 to index
      %get3A_2403 = arith.index_cast %get3A_2401 : i32 to index
      %get3A_2404 = arith.constant 16 : index
      %get3A_2405 = tpu.vector_load %arg13[%get3A_2402, %get3A_2403, %get3A_2404] {strides = array<i32>} : memref<2x16x64xf32, #tpu.memory_space<vmem>>, vector<16xf32>,
      %mul3A_2406 = arith.mulf %get3A_2399, %get3A_2405 : vector<16xf32>
      %add3A_2407 = arith.addf %mul3A_2393, %mul3A_2406 : vector<16xf32>
      %get3A_2408 = arith.constant 0 : i32
      %get3A_2409 = arith.constant 15 : i32
      %get3A_2410 = arith.index_cast %get3A_2408 : i32 to index
      %get3A_2411 = arith.index_cast %get3A_2409 : i32 to index
      %get3A_2412 = arith.constant 32 : index
      %get3A_2413 = tpu.vector_load %arg12[%get3A_2410, %get3A_2411, %get3A_2412] {strides = array<i32>} : memref<2x16x64xf32, #tpu.memory_space<vmem>>, vector<16xf32>,
      %get3A_2414 = arith.constant 0 : i32
      %get3A_2415 = arith.constant 15 : i32
      %get3A_2416 = arith.index_cast %get3A_2414 : i32 to index
      %get3A_2417 = arith.index_cast %get3A_2415 : i32 to index
      %get3A_2418 = arith.constant 32 : index
      %get3A_2419 = tpu.vector_load %arg13[%get3A_2416, %get3A_2417, %get3A_2418] {strides = array<i32>} : memref<2x16x64xf32, #tpu.memory_space<vmem>>, vector<16xf32>,
      %mul3A_2420 = arith.mulf %get3A_2413, %get3A_2419 : vector<16xf32>
      %add3A_2421 = arith.addf %add3A_2407, %mul3A_2420 : vector<16xf32>
      %get3A_2422 = arith.constant 0 : i32
      %get3A_2423 = arith.constant 15 : i32
      %get3A_2424 = arith.index_cast %get3A_2422 : i32 to index
      %get3A_2425 = arith.index_cast %get3A_2423 : i32 to index
      %get3A_2426 = arith.constant 48 : index
      %get3A_2427 = tpu.vector_load %arg12[%get3A_2424, %get3A_2425, %get3A_2426] {strides = array<i32>} : memref<2x16x64xf32, #tpu.memory_space<vmem>>, vector<16xf32>,
      %get3A_2428 = arith.constant 0 : i32
      %get3A_2429 = arith.constant 15 : i32
      %get3A_2430 = arith.index_cast %get3A_2428 : i32 to index
      %get3A_2431 = arith.index_cast %get3A_2429 : i32 to index
      %get3A_2432 = arith.constant 48 : index
      %get3A_2433 = tpu.vector_load %arg13[%get3A_2430, %get3A_2431, %get3A_2432] {strides = array<i32>} : memref<2x16x64xf32, #tpu.memory_space<vmem>>, vector<16xf32>,
      %mul3A_2434 = arith.mulf %get3A_2427, %get3A_2433 : vector<16xf32>
      %add3A_2435 = arith.addf %add3A_2421, %mul3A_2434 : vector<16xf32>
      %swap3A_2436 = arith.constant 255 : index
      %swap3A_2437 = tpu.vector_load %arg18[%swap3A_2436] {strides = array<i32>} : memref<272xf32, #tpu.memory_space<vmem>>, vector<16xf32>,
      tpu.vector_store %arg18[%swap3A_2436], %add3A_2435 {strides = array<i32>} : memref<272xf32, #tpu.memory_space<vmem>>, vector<16xf32>,
      %add3A_2438 = arith.constant 0 : i32
      %add3A_2439 = vector.broadcast %add3A_2438 : i32 to vector<16xi32>
      %add3A_2440 = arith.addi %mul3A_716, %add3A_2439 : vector<16xi32>
      %gather3A = tpu.vector_load_idx %arg18[%add3A_2440] : memref<272xf32, #tpu.memory_space<vmem>>[vector<16xi32>], vector<16xf32>,
      %add3A_2441 = arith.addf %get3A_713, %gather3A : vector<16xf32>
      %add3A_2442 = arith.constant 1 : i32
      %add3A_2443 = vector.broadcast %add3A_2442 : i32 to vector<16xi32>
      %add3A_2444 = arith.addi %mul3A_716, %add3A_2443 : vector<16xi32>
      %gather3A_2445 = tpu.vector_load_idx %arg18[%add3A_2444] : memref<272xf32, #tpu.memory_space<vmem>>[vector<16xi32>], vector<16xf32>,
      %add3A_2446 = arith.addf %add3A_2441, %gather3A_2445 : vector<16xf32>
      %add3A_2447 = arith.constant 2 : i32
      %add3A_2448 = vector.broadcast %add3A_2447 : i32 to vector<16xi32>
      %add3A_2449 = arith.addi %mul3A_716, %add3A_2448 : vector<16xi32>
      %gather3A_2450 = tpu.vector_load_idx %arg18[%add3A_2449] : memref<272xf32, #tpu.memory_space<vmem>>[vector<16xi32>], vector<16xf32>,
      %add3A_2451 = arith.addf %add3A_2446, %gather3A_2450 : vector<16xf32>
      %add3A_2452 = arith.constant 3 : i32
      %add3A_2453 = vector.broadcast %add3A_2452 : i32 to vector<16xi32>
      %add3A_2454 = arith.addi %mul3A_716, %add3A_2453 : vector<16xi32>
      %gather3A_2455 = tpu.vector_load_idx %arg18[%add3A_2454] : memref<272xf32, #tpu.memory_space<vmem>>[vector<16xi32>], vector<16xf32>,
      %add3A_2456 = arith.addf %add3A_2451, %gather3A_2455 : vector<16xf32>
      %add3A_2457 = arith.constant 4 : i32
      %add3A_2458 = vector.broadcast %add3A_2457 : i32 to vector<16xi32>
      %add3A_2459 = arith.addi %mul3A_716, %add3A_2458 : vector<16xi32>
      %gather3A_2460 = tpu.vector_load_idx %arg18[%add3A_2459] : memref<272xf32, #tpu.memory_space<vmem>>[vector<16xi32>], vector<16xf32>,
      %add3A_2461 = arith.addf %add3A_2456, %gather3A_2460 : vector<16xf32>
      %add3A_2462 = arith.constant 5 : i32
      %add3A_2463 = vector.broadcast %add3A_2462 : i32 to vector<16xi32>
      %add3A_2464 = arith.addi %mul3A_716, %add3A_2463 : vector<16xi32>
      %gather3A_2465 = tpu.vector_load_idx %arg18[%add3A_2464] : memref<272xf32, #tpu.memory_space<vmem>>[vector<16xi32>], vector<16xf32>,
      %add3A_2466 = arith.addf %add3A_2461, %gather3A_2465 : vector<16xf32>
      %add3A_2467 = arith.constant 6 : i32
      %add3A_2468 = vector.broadcast %add3A_2467 : i32 to vector<16xi32>
      %add3A_2469 = arith.addi %mul3A_716, %add3A_2468 : vector<16xi32>
      %gather3A_2470 = tpu.vector_load_idx %arg18[%add3A_2469] : memref<272xf32, #tpu.memory_space<vmem>>[vector<16xi32>], vector<16xf32>,
      %add3A_2471 = arith.addf %add3A_2466, %gather3A_2470 : vector<16xf32>
      %add3A_2472 = arith.constant 7 : i32
      %add3A_2473 = vector.broadcast %add3A_2472 : i32 to vector<16xi32>
      %add3A_2474 = arith.addi %mul3A_716, %add3A_2473 : vector<16xi32>
      %gather3A_2475 = tpu.vector_load_idx %arg18[%add3A_2474] : memref<272xf32, #tpu.memory_space<vmem>>[vector<16xi32>], vector<16xf32>,
      %add3A_2476 = arith.addf %add3A_2471, %gather3A_2475 : vector<16xf32>
      %add3A_2477 = arith.constant 8 : i32
      %add3A_2478 = vector.broadcast %add3A_2477 : i32 to vector<16xi32>
      %add3A_2479 = arith.addi %mul3A_716, %add3A_2478 : vector<16xi32>
      %gather3A_2480 = tpu.vector_load_idx %arg18[%add3A_2479] : memref<272xf32, #tpu.memory_space<vmem>>[vector<16xi32>], vector<16xf32>,
      %add3A_2481 = arith.addf %add3A_2476, %gather3A_2480 : vector<16xf32>
      %add3A_2482 = arith.constant 9 : i32
      %add3A_2483 = vector.broadcast %add3A_2482 : i32 to vector<16xi32>
      %add3A_2484 = arith.addi %mul3A_716, %add3A_2483 : vector<16xi32>
      %gather3A_2485 = tpu.vector_load_idx %arg18[%add3A_2484] : memref<272xf32, #tpu.memory_space<vmem>>[vector<16xi32>], vector<16xf32>,
      %add3A_2486 = arith.addf %add3A_2481, %gather3A_2485 : vector<16xf32>
      %add3A_2487 = arith.constant 10 : i32
      %add3A_2488 = vector.broadcast %add3A_2487 : i32 to vector<16xi32>
      %add3A_2489 = arith.addi %mul3A_716, %add3A_2488 : vector<16xi32>
      %gather3A_2490 = tpu.vector_load_idx %arg18[%add3A_2489] : memref<272xf32, #tpu.memory_space<vmem>>[vector<16xi32>], vector<16xf32>,
      %add3A_2491 = arith.addf %add3A_2486, %gather3A_2490 : vector<16xf32>
      %add3A_2492 = arith.constant 11 : i32
      %add3A_2493 = vector.broadcast %add3A_2492 : i32 to vector<16xi32>
      %add3A_2494 = arith.addi %mul3A_716, %add3A_2493 : vector<16xi32>
      %gather3A_2495 = tpu.vector_load_idx %arg18[%add3A_2494] : memref<272xf32, #tpu.memory_space<vmem>>[vector<16xi32>], vector<16xf32>,
      %add3A_2496 = arith.addf %add3A_2491, %gather3A_2495 : vector<16xf32>
      %add3A_2497 = arith.constant 12 : i32
      %add3A_2498 = vector.broadcast %add3A_2497 : i32 to vector<16xi32>
      %add3A_2499 = arith.addi %mul3A_716, %add3A_2498 : vector<16xi32>
      %gather3A_2500 = tpu.vector_load_idx %arg18[%add3A_2499] : memref<272xf32, #tpu.memory_space<vmem>>[vector<16xi32>], vector<16xf32>,
      %add3A_2501 = arith.addf %add3A_2496, %gather3A_2500 : vector<16xf32>
      %add3A_2502 = arith.constant 13 : i32
      %add3A_2503 = vector.broadcast %add3A_2502 : i32 to vector<16xi32>
      %add3A_2504 = arith.addi %mul3A_716, %add3A_2503 : vector<16xi32>
      %gather3A_2505 = tpu.vector_load_idx %arg18[%add3A_2504] : memref<272xf32, #tpu.memory_space<vmem>>[vector<16xi32>], vector<16xf32>,
      %add3A_2506 = arith.addf %add3A_2501, %gather3A_2505 : vector<16xf32>
      %add3A_2507 = arith.constant 14 : i32
      %add3A_2508 = vector.broadcast %add3A_2507 : i32 to vector<16xi32>
      %add3A_2509 = arith.addi %mul3A_716, %add3A_2508 : vector<16xi32>
      %gather3A_2510 = tpu.vector_load_idx %arg18[%add3A_2509] : memref<272xf32, #tpu.memory_space<vmem>>[vector<16xi32>], vector<16xf32>,
      %add3A_2511 = arith.addf %add3A_2506, %gather3A_2510 : vector<16xf32>
      %add3A_2512 = arith.constant 15 : i32
      %add3A_2513 = vector.broadcast %add3A_2512 : i32 to vector<16xi32>
      %add3A_2514 = arith.addi %mul3A_716, %add3A_2513 : vector<16xi32>
      %gather3A_2515 = tpu.vector_load_idx %arg18[%add3A_2514] : memref<272xf32, #tpu.memory_space<vmem>>[vector<16xi32>], vector<16xf32>,
      %add3A_2516 = arith.addf %add3A_2511, %gather3A_2515 : vector<16xf32>
      %mul3A_2517 = arith.constant 16 : i32
      %mul3A_2518 = arith.muli %mul3A_724, %mul3A_2517 : i32
      %add3A_2519 = arith.constant 0 : i32
      %add3A_2520 = arith.addi %mul3A_2518, %add3A_2519 : i32
      %get3A_2521 = arith.index_cast %add3A_2520 : i32 to index
      %get3A_2522 = tpu.vector_load %arg14[%get3A_2521] {strides = array<i32>} : memref<512xf32, #tpu.memory_space<vmem>>, vector<16xf32>,
      %add3A_2523 = arith.addf %add3A_2516, %get3A_2522 : vector<16xf32>
      %get3A_2524 = arith.index_cast %add3A_2520 : i32 to index
      %get3A_2525 = tpu.vector_load %arg15[%get3A_2524] {strides = array<i32>} : memref<512xf32, #tpu.memory_space<vmem>>, vector<16xf32>,
      %add3A_2526 = arith.addf %add3A_2523, %get3A_2525 : vector<16xf32>
      %swap3A_2527 = arith.index_cast %add3A_2520 : i32 to index
      %swap3A_2528 = tpu.vector_load %arg17[%swap3A_2527] {strides = array<i32>} : memref<512xf32, #tpu.memory_space<vmem>>, vector<16xf32>,
      tpu.vector_store %arg17[%swap3A_2527], %add3A_2526 {strides = array<i32>} : memref<512xf32, #tpu.memory_space<vmem>>, vector<16xf32>,
      %add3A_2529 = arith.constant 2 : i32
      %add3A_2530 = arith.addi %mul3A_724, %add3A_2529 : i32
      %lt3A = arith.constant 32 : i32
      %lt3A_2531 = arith.cmpi slt, %add3A_2530, %lt3A : i32
      %convert_element_type3A = arith.extui %lt3A_2531 : i1 to i32
      %cond3A = arith.constant 0 : i32
      %cond3A_2532 = arith.cmpi ne, %convert_element_type3A, %cond3A : i32
      scf.if %cond3A_2532 {
        %add3A_3623 = arith.constant 2 : i32
        %add3A_3624 = arith.addi %mul3A_724, %add3A_3623 : i32
        %mul3A_3625 = arith.constant 16 : i32
        %mul3A_3626 = arith.muli %add3A_3624, %mul3A_3625 : i32
        %add3A_3627 = arith.constant 0 : i32
        %add3A_3628 = arith.addi %mul3A_3626, %add3A_3627 : i32
        %get3A_3629 = arith.index_cast %add3A_3628 : i32 to index
        %get3A_3630 = tpu.vector_load %arg10[%get3A_3629] {strides = array<i32>} : memref<512xi32, #tpu.memory_space<vmem>>, vector<16xi32>,
        %mul3A_3631 = arith.constant 16 : i32
        %mul3A_3632 = arith.muli %add3A_3624, %mul3A_3631 : i32
        %add3A_3633 = arith.constant 0 : i32
        %add3A_3634 = arith.addi %mul3A_3632, %add3A_3633 : i32
        %get3A_3635 = arith.index_cast %add3A_3634 : i32 to index
        %get3A_3636 = tpu.vector_load %arg11[%get3A_3635] {strides = array<i32>} : memref<512xi32, #tpu.memory_space<vmem>>, vector<16xi32>,
        %slice3A_3637 = vector.extract_strided_slice %get3A_3630 {offsets = [0], sizes = [1], strides = [1]} : vector<16xi32> to vector<1xi32>
        %squeeze3A_3638 = vector.extract %slice3A_3637[0] : i32 from vector<1xi32>
        %shift_right_arithmetic3A_3639 = arith.constant 3 : i32
        %shift_right_arithmetic3A_3640 = arith.shrsi %squeeze3A_3638, %shift_right_arithmetic3A_3639 : i32
        %slice3A_3641 = vector.extract_strided_slice %get3A_3630 {offsets = [0], sizes = [1], strides = [1]} : vector<16xi32> to vector<1xi32>
        %squeeze3A_3642 = vector.extract %slice3A_3641[0] : i32 from vector<1xi32>
        %and3A_3643 = arith.constant 7 : i32
        %and3A_3644 = arith.andi %squeeze3A_3642, %and3A_3643 : i32
        %dma_start3A_3645 = arith.constant 0 : i32
        %dma_start3A_3646 = arith.constant 0 : i32
        %dma_start3A_3647 = arith.constant 0 : i32
        %dma_start3A_3648 = tpu.memref_slice %arg12[%dma_start3A_3645, %dma_start3A_3646, %dma_start3A_3647] : memref<2x16x64xf32, #tpu.memory_space<vmem>> -> memref<1x1x64xf32, #tpu.memory_space<vmem>>
        %dma_start3A_3649 = tpu.memref_squeeze %dma_start3A_3648 : memref<1x1x64xf32, #tpu.memory_space<vmem>> -> memref<64xf32, #tpu.memory_space<vmem>>
        %dma_start3A_3650 = arith.constant 0 : i32
        %dma_start3A_3651 = tpu.memref_slice %arg4[%shift_right_arithmetic3A_3640, %and3A_3644, %dma_start3A_3650] : memref<125000x8x64xf32, #tpu.memory_space<hbm>> -> memref<1x1x64xf32, #tpu.memory_space<hbm>>
        %dma_start3A_3652 = tpu.memref_squeeze %dma_start3A_3651 : memref<1x1x64xf32, #tpu.memory_space<hbm>> -> memref<64xf32, #tpu.memory_space<hbm>>
        %dma_start3A_3653 = arith.constant 0 : i32
        %dma_start3A_3654 = tpu.memref_slice %arg12[%dma_start3A_3645, %dma_start3A_3646, %dma_start3A_3653] : memref<2x16x64xf32, #tpu.memory_space<vmem>> -> memref<1x1x64xf32, #tpu.memory_space<vmem>>
        %dma_start3A_3655 = tpu.memref_squeeze %dma_start3A_3654 : memref<1x1x64xf32, #tpu.memory_space<vmem>> -> memref<64xf32, #tpu.memory_space<vmem>>
        %dma_start3A_3656 = arith.constant 0 : i32
        %dma_start3A_3657 = tpu.memref_slice %arg4[%shift_right_arithmetic3A_3640, %and3A_3644, %dma_start3A_3656] : memref<125000x8x64xf32, #tpu.memory_space<hbm>> -> memref<1x1x64xf32, #tpu.memory_space<hbm>>
        %dma_start3A_3658 = tpu.memref_squeeze %dma_start3A_3657 : memref<1x1x64xf32, #tpu.memory_space<hbm>> -> memref<64xf32, #tpu.memory_space<hbm>>
        tpu.enqueue_dma source(%dma_start3A_3658 : memref<64xf32, #tpu.memory_space<hbm>>) target(%dma_start3A_3655 : memref<64xf32, #tpu.memory_space<vmem>>) target_semaphore(%arg19 : memref<!tpu.dma_semaphore, #tpu.memory_space<semaphore_mem>>)
        %slice3A_3659 = vector.extract_strided_slice %get3A_3636 {offsets = [0], sizes = [1], strides = [1]} : vector<16xi32> to vector<1xi32>
        %squeeze3A_3660 = vector.extract %slice3A_3659[0] : i32 from vector<1xi32>
        %shift_right_arithmetic3A_3661 = arith.constant 3 : i32
        %shift_right_arithmetic3A_3662 = arith.shrsi %squeeze3A_3660, %shift_right_arithmetic3A_3661 : i32
        %slice3A_3663 = vector.extract_strided_slice %get3A_3636 {offsets = [0], sizes = [1], strides = [1]} : vector<16xi32> to vector<1xi32>
        %squeeze3A_3664 = vector.extract %slice3A_3663[0] : i32 from vector<1xi32>
        %and3A_3665 = arith.constant 7 : i32
        %and3A_3666 = arith.andi %squeeze3A_3664, %and3A_3665 : i32
        %dma_start3A_3667 = arith.constant 0 : i32
        %dma_start3A_3668 = arith.constant 0 : i32
        %dma_start3A_3669 = arith.constant 0 : i32
        %dma_start3A_3670 = tpu.memref_slice %arg13[%dma_start3A_3667, %dma_start3A_3668, %dma_start3A_3669] : memref<2x16x64xf32, #tpu.memory_space<vmem>> -> memref<1x1x64xf32, #tpu.memory_space<vmem>>
        %dma_start3A_3671 = tpu.memref_squeeze %dma_start3A_3670 : memref<1x1x64xf32, #tpu.memory_space<vmem>> -> memref<64xf32, #tpu.memory_space<vmem>>
        %dma_start3A_3672 = arith.constant 0 : i32
        %dma_start3A_3673 = tpu.memref_slice %arg6[%shift_right_arithmetic3A_3662, %and3A_3666, %dma_start3A_3672] : memref<125000x8x64xf32, #tpu.memory_space<hbm>> -> memref<1x1x64xf32, #tpu.memory_space<hbm>>
        %dma_start3A_3674 = tpu.memref_squeeze %dma_start3A_3673 : memref<1x1x64xf32, #tpu.memory_space<hbm>> -> memref<64xf32, #tpu.memory_space<hbm>>
        %dma_start3A_3675 = arith.constant 0 : i32
        %dma_start3A_3676 = tpu.memref_slice %arg13[%dma_start3A_3667, %dma_start3A_3668, %dma_start3A_3675] : memref<2x16x64xf32, #tpu.memory_space<vmem>> -> memref<1x1x64xf32, #tpu.memory_space<vmem>>
        %dma_start3A_3677 = tpu.memref_squeeze %dma_start3A_3676 : memref<1x1x64xf32, #tpu.memory_space<vmem>> -> memref<64xf32, #tpu.memory_space<vmem>>
        %dma_start3A_3678 = arith.constant 0 : i32
        %dma_start3A_3679 = tpu.memref_slice %arg6[%shift_right_arithmetic3A_3662, %and3A_3666, %dma_start3A_3678] : memref<125000x8x64xf32, #tpu.memory_space<hbm>> -> memref<1x1x64xf32, #tpu.memory_space<hbm>>
        %dma_start3A_3680 = tpu.memref_squeeze %dma_start3A_3679 : memref<1x1x64xf32, #tpu.memory_space<hbm>> -> memref<64xf32, #tpu.memory_space<hbm>>
        tpu.enqueue_dma source(%dma_start3A_3680 : memref<64xf32, #tpu.memory_space<hbm>>) target(%dma_start3A_3677 : memref<64xf32, #tpu.memory_space<vmem>>) target_semaphore(%arg19 : memref<!tpu.dma_semaphore, #tpu.memory_space<semaphore_mem>>)
        %slice3A_3681 = vector.extract_strided_slice %get3A_3630 {offsets = [1], sizes = [1], strides = [1]} : vector<16xi32> to vector<1xi32>
        %squeeze3A_3682 = vector.extract %slice3A_3681[0] : i32 from vector<1xi32>
        %shift_right_arithmetic3A_3683 = arith.constant 3 : i32
        %shift_right_arithmetic3A_3684 = arith.shrsi %squeeze3A_3682, %shift_right_arithmetic3A_3683 : i32
        %slice3A_3685 = vector.extract_strided_slice %get3A_3630 {offsets = [1], sizes = [1], strides = [1]} : vector<16xi32> to vector<1xi32>
        %squeeze3A_3686 = vector.extract %slice3A_3685[0] : i32 from vector<1xi32>
        %and3A_3687 = arith.constant 7 : i32
        %and3A_3688 = arith.andi %squeeze3A_3686, %and3A_3687 : i32
        %dma_start3A_3689 = arith.constant 0 : i32
        %dma_start3A_3690 = arith.constant 1 : i32
        %dma_start3A_3691 = arith.constant 0 : i32
        %dma_start3A_3692 = tpu.memref_slice %arg12[%dma_start3A_3689, %dma_start3A_3690, %dma_start3A_3691] : memref<2x16x64xf32, #tpu.memory_space<vmem>> -> memref<1x1x64xf32, #tpu.memory_space<vmem>>
        %dma_start3A_3693 = tpu.memref_squeeze %dma_start3A_3692 : memref<1x1x64xf32, #tpu.memory_space<vmem>> -> memref<64xf32, #tpu.memory_space<vmem>>
        %dma_start3A_3694 = arith.constant 0 : i32
        %dma_start3A_3695 = tpu.memref_slice %arg4[%shift_right_arithmetic3A_3684, %and3A_3688, %dma_start3A_3694] : memref<125000x8x64xf32, #tpu.memory_space<hbm>> -> memref<1x1x64xf32, #tpu.memory_space<hbm>>
        %dma_start3A_3696 = tpu.memref_squeeze %dma_start3A_3695 : memref<1x1x64xf32, #tpu.memory_space<hbm>> -> memref<64xf32, #tpu.memory_space<hbm>>
        %dma_start3A_3697 = arith.constant 0 : i32
        %dma_start3A_3698 = tpu.memref_slice %arg12[%dma_start3A_3689, %dma_start3A_3690, %dma_start3A_3697] : memref<2x16x64xf32, #tpu.memory_space<vmem>> -> memref<1x1x64xf32, #tpu.memory_space<vmem>>
        %dma_start3A_3699 = tpu.memref_squeeze %dma_start3A_3698 : memref<1x1x64xf32, #tpu.memory_space<vmem>> -> memref<64xf32, #tpu.memory_space<vmem>>
        %dma_start3A_3700 = arith.constant 0 : i32
        %dma_start3A_3701 = tpu.memref_slice %arg4[%shift_right_arithmetic3A_3684, %and3A_3688, %dma_start3A_3700] : memref<125000x8x64xf32, #tpu.memory_space<hbm>> -> memref<1x1x64xf32, #tpu.memory_space<hbm>>
        %dma_start3A_3702 = tpu.memref_squeeze %dma_start3A_3701 : memref<1x1x64xf32, #tpu.memory_space<hbm>> -> memref<64xf32, #tpu.memory_space<hbm>>
        tpu.enqueue_dma source(%dma_start3A_3702 : memref<64xf32, #tpu.memory_space<hbm>>) target(%dma_start3A_3699 : memref<64xf32, #tpu.memory_space<vmem>>) target_semaphore(%arg19 : memref<!tpu.dma_semaphore, #tpu.memory_space<semaphore_mem>>)
        %slice3A_3703 = vector.extract_strided_slice %get3A_3636 {offsets = [1], sizes = [1], strides = [1]} : vector<16xi32> to vector<1xi32>
        %squeeze3A_3704 = vector.extract %slice3A_3703[0] : i32 from vector<1xi32>
        %shift_right_arithmetic3A_3705 = arith.constant 3 : i32
        %shift_right_arithmetic3A_3706 = arith.shrsi %squeeze3A_3704, %shift_right_arithmetic3A_3705 : i32
        %slice3A_3707 = vector.extract_strided_slice %get3A_3636 {offsets = [1], sizes = [1], strides = [1]} : vector<16xi32> to vector<1xi32>
        %squeeze3A_3708 = vector.extract %slice3A_3707[0] : i32 from vector<1xi32>
        %and3A_3709 = arith.constant 7 : i32
        %and3A_3710 = arith.andi %squeeze3A_3708, %and3A_3709 : i32
        %dma_start3A_3711 = arith.constant 0 : i32
        %dma_start3A_3712 = arith.constant 1 : i32
        %dma_start3A_3713 = arith.constant 0 : i32
        %dma_start3A_3714 = tpu.memref_slice %arg13[%dma_start3A_3711, %dma_start3A_3712, %dma_start3A_3713] : memref<2x16x64xf32, #tpu.memory_space<vmem>> -> memref<1x1x64xf32, #tpu.memory_space<vmem>>
        %dma_start3A_3715 = tpu.memref_squeeze %dma_start3A_3714 : memref<1x1x64xf32, #tpu.memory_space<vmem>> -> memref<64xf32, #tpu.memory_space<vmem>>
        %dma_start3A_3716 = arith.constant 0 : i32
        %dma_start3A_3717 = tpu.memref_slice %arg6[%shift_right_arithmetic3A_3706, %and3A_3710, %dma_start3A_3716] : memref<125000x8x64xf32, #tpu.memory_space<hbm>> -> memref<1x1x64xf32, #tpu.memory_space<hbm>>
        %dma_start3A_3718 = tpu.memref_squeeze %dma_start3A_3717 : memref<1x1x64xf32, #tpu.memory_space<hbm>> -> memref<64xf32, #tpu.memory_space<hbm>>
        %dma_start3A_3719 = arith.constant 0 : i32
        %dma_start3A_3720 = tpu.memref_slice %arg13[%dma_start3A_3711, %dma_start3A_3712, %dma_start3A_3719] : memref<2x16x64xf32, #tpu.memory_space<vmem>> -> memref<1x1x64xf32, #tpu.memory_space<vmem>>
        %dma_start3A_3721 = tpu.memref_squeeze %dma_start3A_3720 : memref<1x1x64xf32, #tpu.memory_space<vmem>> -> memref<64xf32, #tpu.memory_space<vmem>>
        %dma_start3A_3722 = arith.constant 0 : i32
        %dma_start3A_3723 = tpu.memref_slice %arg6[%shift_right_arithmetic3A_3706, %and3A_3710, %dma_start3A_3722] : memref<125000x8x64xf32, #tpu.memory_space<hbm>> -> memref<1x1x64xf32, #tpu.memory_space<hbm>>
        %dma_start3A_3724 = tpu.memref_squeeze %dma_start3A_3723 : memref<1x1x64xf32, #tpu.memory_space<hbm>> -> memref<64xf32, #tpu.memory_space<hbm>>
        tpu.enqueue_dma source(%dma_start3A_3724 : memref<64xf32, #tpu.memory_space<hbm>>) target(%dma_start3A_3721 : memref<64xf32, #tpu.memory_space<vmem>>) target_semaphore(%arg19 : memref<!tpu.dma_semaphore, #tpu.memory_space<semaphore_mem>>)
        %slice3A_3725 = vector.extract_strided_slice %get3A_3630 {offsets = [2], sizes = [1], strides = [1]} : vector<16xi32> to vector<1xi32>
        %squeeze3A_3726 = vector.extract %slice3A_3725[0] : i32 from vector<1xi32>
        %shift_right_arithmetic3A_3727 = arith.constant 3 : i32
        %shift_right_arithmetic3A_3728 = arith.shrsi %squeeze3A_3726, %shift_right_arithmetic3A_3727 : i32
        %slice3A_3729 = vector.extract_strided_slice %get3A_3630 {offsets = [2], sizes = [1], strides = [1]} : vector<16xi32> to vector<1xi32>
        %squeeze3A_3730 = vector.extract %slice3A_3729[0] : i32 from vector<1xi32>
        %and3A_3731 = arith.constant 7 : i32
        %and3A_3732 = arith.andi %squeeze3A_3730, %and3A_3731 : i32
        %dma_start3A_3733 = arith.constant 0 : i32
        %dma_start3A_3734 = arith.constant 2 : i32
        %dma_start3A_3735 = arith.constant 0 : i32
        %dma_start3A_3736 = tpu.memref_slice %arg12[%dma_start3A_3733, %dma_start3A_3734, %dma_start3A_3735] : memref<2x16x64xf32, #tpu.memory_space<vmem>> -> memref<1x1x64xf32, #tpu.memory_space<vmem>>
        %dma_start3A_3737 = tpu.memref_squeeze %dma_start3A_3736 : memref<1x1x64xf32, #tpu.memory_space<vmem>> -> memref<64xf32, #tpu.memory_space<vmem>>
        %dma_start3A_3738 = arith.constant 0 : i32
        %dma_start3A_3739 = tpu.memref_slice %arg4[%shift_right_arithmetic3A_3728, %and3A_3732, %dma_start3A_3738] : memref<125000x8x64xf32, #tpu.memory_space<hbm>> -> memref<1x1x64xf32, #tpu.memory_space<hbm>>
        %dma_start3A_3740 = tpu.memref_squeeze %dma_start3A_3739 : memref<1x1x64xf32, #tpu.memory_space<hbm>> -> memref<64xf32, #tpu.memory_space<hbm>>
        %dma_start3A_3741 = arith.constant 0 : i32
        %dma_start3A_3742 = tpu.memref_slice %arg12[%dma_start3A_3733, %dma_start3A_3734, %dma_start3A_3741] : memref<2x16x64xf32, #tpu.memory_space<vmem>> -> memref<1x1x64xf32, #tpu.memory_space<vmem>>
        %dma_start3A_3743 = tpu.memref_squeeze %dma_start3A_3742 : memref<1x1x64xf32, #tpu.memory_space<vmem>> -> memref<64xf32, #tpu.memory_space<vmem>>
        %dma_start3A_3744 = arith.constant 0 : i32
        %dma_start3A_3745 = tpu.memref_slice %arg4[%shift_right_arithmetic3A_3728, %and3A_3732, %dma_start3A_3744] : memref<125000x8x64xf32, #tpu.memory_space<hbm>> -> memref<1x1x64xf32, #tpu.memory_space<hbm>>
        %dma_start3A_3746 = tpu.memref_squeeze %dma_start3A_3745 : memref<1x1x64xf32, #tpu.memory_space<hbm>> -> memref<64xf32, #tpu.memory_space<hbm>>
        tpu.enqueue_dma source(%dma_start3A_3746 : memref<64xf32, #tpu.memory_space<hbm>>) target(%dma_start3A_3743 : memref<64xf32, #tpu.memory_space<vmem>>) target_semaphore(%arg19 : memref<!tpu.dma_semaphore, #tpu.memory_space<semaphore_mem>>)
        %slice3A_3747 = vector.extract_strided_slice %get3A_3636 {offsets = [2], sizes = [1], strides = [1]} : vector<16xi32> to vector<1xi32>
        %squeeze3A_3748 = vector.extract %slice3A_3747[0] : i32 from vector<1xi32>
        %shift_right_arithmetic3A_3749 = arith.constant 3 : i32
        %shift_right_arithmetic3A_3750 = arith.shrsi %squeeze3A_3748, %shift_right_arithmetic3A_3749 : i32
        %slice3A_3751 = vector.extract_strided_slice %get3A_3636 {offsets = [2], sizes = [1], strides = [1]} : vector<16xi32> to vector<1xi32>
        %squeeze3A_3752 = vector.extract %slice3A_3751[0] : i32 from vector<1xi32>
        %and3A_3753 = arith.constant 7 : i32
        %and3A_3754 = arith.andi %squeeze3A_3752, %and3A_3753 : i32
        %dma_start3A_3755 = arith.constant 0 : i32
        %dma_start3A_3756 = arith.constant 2 : i32
        %dma_start3A_3757 = arith.constant 0 : i32
        %dma_start3A_3758 = tpu.memref_slice %arg13[%dma_start3A_3755, %dma_start3A_3756, %dma_start3A_3757] : memref<2x16x64xf32, #tpu.memory_space<vmem>> -> memref<1x1x64xf32, #tpu.memory_space<vmem>>
        %dma_start3A_3759 = tpu.memref_squeeze %dma_start3A_3758 : memref<1x1x64xf32, #tpu.memory_space<vmem>> -> memref<64xf32, #tpu.memory_space<vmem>>
        %dma_start3A_3760 = arith.constant 0 : i32
        %dma_start3A_3761 = tpu.memref_slice %arg6[%shift_right_arithmetic3A_3750, %and3A_3754, %dma_start3A_3760] : memref<125000x8x64xf32, #tpu.memory_space<hbm>> -> memref<1x1x64xf32, #tpu.memory_space<hbm>>
        %dma_start3A_3762 = tpu.memref_squeeze %dma_start3A_3761 : memref<1x1x64xf32, #tpu.memory_space<hbm>> -> memref<64xf32, #tpu.memory_space<hbm>>
        %dma_start3A_3763 = arith.constant 0 : i32
        %dma_start3A_3764 = tpu.memref_slice %arg13[%dma_start3A_3755, %dma_start3A_3756, %dma_start3A_3763] : memref<2x16x64xf32, #tpu.memory_space<vmem>> -> memref<1x1x64xf32, #tpu.memory_space<vmem>>
        %dma_start3A_3765 = tpu.memref_squeeze %dma_start3A_3764 : memref<1x1x64xf32, #tpu.memory_space<vmem>> -> memref<64xf32, #tpu.memory_space<vmem>>
        %dma_start3A_3766 = arith.constant 0 : i32
        %dma_start3A_3767 = tpu.memref_slice %arg6[%shift_right_arithmetic3A_3750, %and3A_3754, %dma_start3A_3766] : memref<125000x8x64xf32, #tpu.memory_space<hbm>> -> memref<1x1x64xf32, #tpu.memory_space<hbm>>
        %dma_start3A_3768 = tpu.memref_squeeze %dma_start3A_3767 : memref<1x1x64xf32, #tpu.memory_space<hbm>> -> memref<64xf32, #tpu.memory_space<hbm>>
        tpu.enqueue_dma source(%dma_start3A_3768 : memref<64xf32, #tpu.memory_space<hbm>>) target(%dma_start3A_3765 : memref<64xf32, #tpu.memory_space<vmem>>) target_semaphore(%arg19 : memref<!tpu.dma_semaphore, #tpu.memory_space<semaphore_mem>>)
        %slice3A_3769 = vector.extract_strided_slice %get3A_3630 {offsets = [3], sizes = [1], strides = [1]} : vector<16xi32> to vector<1xi32>
        %squeeze3A_3770 = vector.extract %slice3A_3769[0] : i32 from vector<1xi32>
        %shift_right_arithmetic3A_3771 = arith.constant 3 : i32
        %shift_right_arithmetic3A_3772 = arith.shrsi %squeeze3A_3770, %shift_right_arithmetic3A_3771 : i32
        %slice3A_3773 = vector.extract_strided_slice %get3A_3630 {offsets = [3], sizes = [1], strides = [1]} : vector<16xi32> to vector<1xi32>
        %squeeze3A_3774 = vector.extract %slice3A_3773[0] : i32 from vector<1xi32>
        %and3A_3775 = arith.constant 7 : i32
        %and3A_3776 = arith.andi %squeeze3A_3774, %and3A_3775 : i32
        %dma_start3A_3777 = arith.constant 0 : i32
        %dma_start3A_3778 = arith.constant 3 : i32
        %dma_start3A_3779 = arith.constant 0 : i32
        %dma_start3A_3780 = tpu.memref_slice %arg12[%dma_start3A_3777, %dma_start3A_3778, %dma_start3A_3779] : memref<2x16x64xf32, #tpu.memory_space<vmem>> -> memref<1x1x64xf32, #tpu.memory_space<vmem>>
        %dma_start3A_3781 = tpu.memref_squeeze %dma_start3A_3780 : memref<1x1x64xf32, #tpu.memory_space<vmem>> -> memref<64xf32, #tpu.memory_space<vmem>>
        %dma_start3A_3782 = arith.constant 0 : i32
        %dma_start3A_3783 = tpu.memref_slice %arg4[%shift_right_arithmetic3A_3772, %and3A_3776, %dma_start3A_3782] : memref<125000x8x64xf32, #tpu.memory_space<hbm>> -> memref<1x1x64xf32, #tpu.memory_space<hbm>>
        %dma_start3A_3784 = tpu.memref_squeeze %dma_start3A_3783 : memref<1x1x64xf32, #tpu.memory_space<hbm>> -> memref<64xf32, #tpu.memory_space<hbm>>
        %dma_start3A_3785 = arith.constant 0 : i32
        %dma_start3A_3786 = tpu.memref_slice %arg12[%dma_start3A_3777, %dma_start3A_3778, %dma_start3A_3785] : memref<2x16x64xf32, #tpu.memory_space<vmem>> -> memref<1x1x64xf32, #tpu.memory_space<vmem>>
        %dma_start3A_3787 = tpu.memref_squeeze %dma_start3A_3786 : memref<1x1x64xf32, #tpu.memory_space<vmem>> -> memref<64xf32, #tpu.memory_space<vmem>>
        %dma_start3A_3788 = arith.constant 0 : i32
        %dma_start3A_3789 = tpu.memref_slice %arg4[%shift_right_arithmetic3A_3772, %and3A_3776, %dma_start3A_3788] : memref<125000x8x64xf32, #tpu.memory_space<hbm>> -> memref<1x1x64xf32, #tpu.memory_space<hbm>>
        %dma_start3A_3790 = tpu.memref_squeeze %dma_start3A_3789 : memref<1x1x64xf32, #tpu.memory_space<hbm>> -> memref<64xf32, #tpu.memory_space<hbm>>
        tpu.enqueue_dma source(%dma_start3A_3790 : memref<64xf32, #tpu.memory_space<hbm>>) target(%dma_start3A_3787 : memref<64xf32, #tpu.memory_space<vmem>>) target_semaphore(%arg19 : memref<!tpu.dma_semaphore, #tpu.memory_space<semaphore_mem>>)
        %slice3A_3791 = vector.extract_strided_slice %get3A_3636 {offsets = [3], sizes = [1], strides = [1]} : vector<16xi32> to vector<1xi32>
        %squeeze3A_3792 = vector.extract %slice3A_3791[0] : i32 from vector<1xi32>
        %shift_right_arithmetic3A_3793 = arith.constant 3 : i32
        %shift_right_arithmetic3A_3794 = arith.shrsi %squeeze3A_3792, %shift_right_arithmetic3A_3793 : i32
        %slice3A_3795 = vector.extract_strided_slice %get3A_3636 {offsets = [3], sizes = [1], strides = [1]} : vector<16xi32> to vector<1xi32>
        %squeeze3A_3796 = vector.extract %slice3A_3795[0] : i32 from vector<1xi32>
        %and3A_3797 = arith.constant 7 : i32
        %and3A_3798 = arith.andi %squeeze3A_3796, %and3A_3797 : i32
        %dma_start3A_3799 = arith.constant 0 : i32
        %dma_start3A_3800 = arith.constant 3 : i32
        %dma_start3A_3801 = arith.constant 0 : i32
        %dma_start3A_3802 = tpu.memref_slice %arg13[%dma_start3A_3799, %dma_start3A_3800, %dma_start3A_3801] : memref<2x16x64xf32, #tpu.memory_space<vmem>> -> memref<1x1x64xf32, #tpu.memory_space<vmem>>
        %dma_start3A_3803 = tpu.memref_squeeze %dma_start3A_3802 : memref<1x1x64xf32, #tpu.memory_space<vmem>> -> memref<64xf32, #tpu.memory_space<vmem>>
        %dma_start3A_3804 = arith.constant 0 : i32
        %dma_start3A_3805 = tpu.memref_slice %arg6[%shift_right_arithmetic3A_3794, %and3A_3798, %dma_start3A_3804] : memref<125000x8x64xf32, #tpu.memory_space<hbm>> -> memref<1x1x64xf32, #tpu.memory_space<hbm>>
        %dma_start3A_3806 = tpu.memref_squeeze %dma_start3A_3805 : memref<1x1x64xf32, #tpu.memory_space<hbm>> -> memref<64xf32, #tpu.memory_space<hbm>>
        %dma_start3A_3807 = arith.constant 0 : i32
        %dma_start3A_3808 = tpu.memref_slice %arg13[%dma_start3A_3799, %dma_start3A_3800, %dma_start3A_3807] : memref<2x16x64xf32, #tpu.memory_space<vmem>> -> memref<1x1x64xf32, #tpu.memory_space<vmem>>
        %dma_start3A_3809 = tpu.memref_squeeze %dma_start3A_3808 : memref<1x1x64xf32, #tpu.memory_space<vmem>> -> memref<64xf32, #tpu.memory_space<vmem>>
        %dma_start3A_3810 = arith.constant 0 : i32
        %dma_start3A_3811 = tpu.memref_slice %arg6[%shift_right_arithmetic3A_3794, %and3A_3798, %dma_start3A_3810] : memref<125000x8x64xf32, #tpu.memory_space<hbm>> -> memref<1x1x64xf32, #tpu.memory_space<hbm>>
        %dma_start3A_3812 = tpu.memref_squeeze %dma_start3A_3811 : memref<1x1x64xf32, #tpu.memory_space<hbm>> -> memref<64xf32, #tpu.memory_space<hbm>>
        tpu.enqueue_dma source(%dma_start3A_3812 : memref<64xf32, #tpu.memory_space<hbm>>) target(%dma_start3A_3809 : memref<64xf32, #tpu.memory_space<vmem>>) target_semaphore(%arg19 : memref<!tpu.dma_semaphore, #tpu.memory_space<semaphore_mem>>)
        %slice3A_3813 = vector.extract_strided_slice %get3A_3630 {offsets = [4], sizes = [1], strides = [1]} : vector<16xi32> to vector<1xi32>
        %squeeze3A_3814 = vector.extract %slice3A_3813[0] : i32 from vector<1xi32>
        %shift_right_arithmetic3A_3815 = arith.constant 3 : i32
        %shift_right_arithmetic3A_3816 = arith.shrsi %squeeze3A_3814, %shift_right_arithmetic3A_3815 : i32
        %slice3A_3817 = vector.extract_strided_slice %get3A_3630 {offsets = [4], sizes = [1], strides = [1]} : vector<16xi32> to vector<1xi32>
        %squeeze3A_3818 = vector.extract %slice3A_3817[0] : i32 from vector<1xi32>
        %and3A_3819 = arith.constant 7 : i32
        %and3A_3820 = arith.andi %squeeze3A_3818, %and3A_3819 : i32
        %dma_start3A_3821 = arith.constant 0 : i32
        %dma_start3A_3822 = arith.constant 4 : i32
        %dma_start3A_3823 = arith.constant 0 : i32
        %dma_start3A_3824 = tpu.memref_slice %arg12[%dma_start3A_3821, %dma_start3A_3822, %dma_start3A_3823] : memref<2x16x64xf32, #tpu.memory_space<vmem>> -> memref<1x1x64xf32, #tpu.memory_space<vmem>>
        %dma_start3A_3825 = tpu.memref_squeeze %dma_start3A_3824 : memref<1x1x64xf32, #tpu.memory_space<vmem>> -> memref<64xf32, #tpu.memory_space<vmem>>
        %dma_start3A_3826 = arith.constant 0 : i32
        %dma_start3A_3827 = tpu.memref_slice %arg4[%shift_right_arithmetic3A_3816, %and3A_3820, %dma_start3A_3826] : memref<125000x8x64xf32, #tpu.memory_space<hbm>> -> memref<1x1x64xf32, #tpu.memory_space<hbm>>
        %dma_start3A_3828 = tpu.memref_squeeze %dma_start3A_3827 : memref<1x1x64xf32, #tpu.memory_space<hbm>> -> memref<64xf32, #tpu.memory_space<hbm>>
        %dma_start3A_3829 = arith.constant 0 : i32
        %dma_start3A_3830 = tpu.memref_slice %arg12[%dma_start3A_3821, %dma_start3A_3822, %dma_start3A_3829] : memref<2x16x64xf32, #tpu.memory_space<vmem>> -> memref<1x1x64xf32, #tpu.memory_space<vmem>>
        %dma_start3A_3831 = tpu.memref_squeeze %dma_start3A_3830 : memref<1x1x64xf32, #tpu.memory_space<vmem>> -> memref<64xf32, #tpu.memory_space<vmem>>
        %dma_start3A_3832 = arith.constant 0 : i32
        %dma_start3A_3833 = tpu.memref_slice %arg4[%shift_right_arithmetic3A_3816, %and3A_3820, %dma_start3A_3832] : memref<125000x8x64xf32, #tpu.memory_space<hbm>> -> memref<1x1x64xf32, #tpu.memory_space<hbm>>
        %dma_start3A_3834 = tpu.memref_squeeze %dma_start3A_3833 : memref<1x1x64xf32, #tpu.memory_space<hbm>> -> memref<64xf32, #tpu.memory_space<hbm>>
        tpu.enqueue_dma source(%dma_start3A_3834 : memref<64xf32, #tpu.memory_space<hbm>>) target(%dma_start3A_3831 : memref<64xf32, #tpu.memory_space<vmem>>) target_semaphore(%arg19 : memref<!tpu.dma_semaphore, #tpu.memory_space<semaphore_mem>>)
        %slice3A_3835 = vector.extract_strided_slice %get3A_3636 {offsets = [4], sizes = [1], strides = [1]} : vector<16xi32> to vector<1xi32>
        %squeeze3A_3836 = vector.extract %slice3A_3835[0] : i32 from vector<1xi32>
        %shift_right_arithmetic3A_3837 = arith.constant 3 : i32
        %shift_right_arithmetic3A_3838 = arith.shrsi %squeeze3A_3836, %shift_right_arithmetic3A_3837 : i32
        %slice3A_3839 = vector.extract_strided_slice %get3A_3636 {offsets = [4], sizes = [1], strides = [1]} : vector<16xi32> to vector<1xi32>
        %squeeze3A_3840 = vector.extract %slice3A_3839[0] : i32 from vector<1xi32>
        %and3A_3841 = arith.constant 7 : i32
        %and3A_3842 = arith.andi %squeeze3A_3840, %and3A_3841 : i32
        %dma_start3A_3843 = arith.constant 0 : i32
        %dma_start3A_3844 = arith.constant 4 : i32
        %dma_start3A_3845 = arith.constant 0 : i32
        %dma_start3A_3846 = tpu.memref_slice %arg13[%dma_start3A_3843, %dma_start3A_3844, %dma_start3A_3845] : memref<2x16x64xf32, #tpu.memory_space<vmem>> -> memref<1x1x64xf32, #tpu.memory_space<vmem>>
        %dma_start3A_3847 = tpu.memref_squeeze %dma_start3A_3846 : memref<1x1x64xf32, #tpu.memory_space<vmem>> -> memref<64xf32, #tpu.memory_space<vmem>>
        %dma_start3A_3848 = arith.constant 0 : i32
        %dma_start3A_3849 = tpu.memref_slice %arg6[%shift_right_arithmetic3A_3838, %and3A_3842, %dma_start3A_3848] : memref<125000x8x64xf32, #tpu.memory_space<hbm>> -> memref<1x1x64xf32, #tpu.memory_space<hbm>>
        %dma_start3A_3850 = tpu.memref_squeeze %dma_start3A_3849 : memref<1x1x64xf32, #tpu.memory_space<hbm>> -> memref<64xf32, #tpu.memory_space<hbm>>
        %dma_start3A_3851 = arith.constant 0 : i32
        %dma_start3A_3852 = tpu.memref_slice %arg13[%dma_start3A_3843, %dma_start3A_3844, %dma_start3A_3851] : memref<2x16x64xf32, #tpu.memory_space<vmem>> -> memref<1x1x64xf32, #tpu.memory_space<vmem>>
        %dma_start3A_3853 = tpu.memref_squeeze %dma_start3A_3852 : memref<1x1x64xf32, #tpu.memory_space<vmem>> -> memref<64xf32, #tpu.memory_space<vmem>>
        %dma_start3A_3854 = arith.constant 0 : i32
        %dma_start3A_3855 = tpu.memref_slice %arg6[%shift_right_arithmetic3A_3838, %and3A_3842, %dma_start3A_3854] : memref<125000x8x64xf32, #tpu.memory_space<hbm>> -> memref<1x1x64xf32, #tpu.memory_space<hbm>>
        %dma_start3A_3856 = tpu.memref_squeeze %dma_start3A_3855 : memref<1x1x64xf32, #tpu.memory_space<hbm>> -> memref<64xf32, #tpu.memory_space<hbm>>
        tpu.enqueue_dma source(%dma_start3A_3856 : memref<64xf32, #tpu.memory_space<hbm>>) target(%dma_start3A_3853 : memref<64xf32, #tpu.memory_space<vmem>>) target_semaphore(%arg19 : memref<!tpu.dma_semaphore, #tpu.memory_space<semaphore_mem>>)
        %slice3A_3857 = vector.extract_strided_slice %get3A_3630 {offsets = [5], sizes = [1], strides = [1]} : vector<16xi32> to vector<1xi32>
        %squeeze3A_3858 = vector.extract %slice3A_3857[0] : i32 from vector<1xi32>
        %shift_right_arithmetic3A_3859 = arith.constant 3 : i32
        %shift_right_arithmetic3A_3860 = arith.shrsi %squeeze3A_3858, %shift_right_arithmetic3A_3859 : i32
        %slice3A_3861 = vector.extract_strided_slice %get3A_3630 {offsets = [5], sizes = [1], strides = [1]} : vector<16xi32> to vector<1xi32>
        %squeeze3A_3862 = vector.extract %slice3A_3861[0] : i32 from vector<1xi32>
        %and3A_3863 = arith.constant 7 : i32
        %and3A_3864 = arith.andi %squeeze3A_3862, %and3A_3863 : i32
        %dma_start3A_3865 = arith.constant 0 : i32
        %dma_start3A_3866 = arith.constant 5 : i32
        %dma_start3A_3867 = arith.constant 0 : i32
        %dma_start3A_3868 = tpu.memref_slice %arg12[%dma_start3A_3865, %dma_start3A_3866, %dma_start3A_3867] : memref<2x16x64xf32, #tpu.memory_space<vmem>> -> memref<1x1x64xf32, #tpu.memory_space<vmem>>
        %dma_start3A_3869 = tpu.memref_squeeze %dma_start3A_3868 : memref<1x1x64xf32, #tpu.memory_space<vmem>> -> memref<64xf32, #tpu.memory_space<vmem>>
        %dma_start3A_3870 = arith.constant 0 : i32
        %dma_start3A_3871 = tpu.memref_slice %arg4[%shift_right_arithmetic3A_3860, %and3A_3864, %dma_start3A_3870] : memref<125000x8x64xf32, #tpu.memory_space<hbm>> -> memref<1x1x64xf32, #tpu.memory_space<hbm>>
        %dma_start3A_3872 = tpu.memref_squeeze %dma_start3A_3871 : memref<1x1x64xf32, #tpu.memory_space<hbm>> -> memref<64xf32, #tpu.memory_space<hbm>>
        %dma_start3A_3873 = arith.constant 0 : i32
        %dma_start3A_3874 = tpu.memref_slice %arg12[%dma_start3A_3865, %dma_start3A_3866, %dma_start3A_3873] : memref<2x16x64xf32, #tpu.memory_space<vmem>> -> memref<1x1x64xf32, #tpu.memory_space<vmem>>
        %dma_start3A_3875 = tpu.memref_squeeze %dma_start3A_3874 : memref<1x1x64xf32, #tpu.memory_space<vmem>> -> memref<64xf32, #tpu.memory_space<vmem>>
        %dma_start3A_3876 = arith.constant 0 : i32
        %dma_start3A_3877 = tpu.memref_slice %arg4[%shift_right_arithmetic3A_3860, %and3A_3864, %dma_start3A_3876] : memref<125000x8x64xf32, #tpu.memory_space<hbm>> -> memref<1x1x64xf32, #tpu.memory_space<hbm>>
        %dma_start3A_3878 = tpu.memref_squeeze %dma_start3A_3877 : memref<1x1x64xf32, #tpu.memory_space<hbm>> -> memref<64xf32, #tpu.memory_space<hbm>>
        tpu.enqueue_dma source(%dma_start3A_3878 : memref<64xf32, #tpu.memory_space<hbm>>) target(%dma_start3A_3875 : memref<64xf32, #tpu.memory_space<vmem>>) target_semaphore(%arg19 : memref<!tpu.dma_semaphore, #tpu.memory_space<semaphore_mem>>)
        %slice3A_3879 = vector.extract_strided_slice %get3A_3636 {offsets = [5], sizes = [1], strides = [1]} : vector<16xi32> to vector<1xi32>
        %squeeze3A_3880 = vector.extract %slice3A_3879[0] : i32 from vector<1xi32>
        %shift_right_arithmetic3A_3881 = arith.constant 3 : i32
        %shift_right_arithmetic3A_3882 = arith.shrsi %squeeze3A_3880, %shift_right_arithmetic3A_3881 : i32
        %slice3A_3883 = vector.extract_strided_slice %get3A_3636 {offsets = [5], sizes = [1], strides = [1]} : vector<16xi32> to vector<1xi32>
        %squeeze3A_3884 = vector.extract %slice3A_3883[0] : i32 from vector<1xi32>
        %and3A_3885 = arith.constant 7 : i32
        %and3A_3886 = arith.andi %squeeze3A_3884, %and3A_3885 : i32
        %dma_start3A_3887 = arith.constant 0 : i32
        %dma_start3A_3888 = arith.constant 5 : i32
        %dma_start3A_3889 = arith.constant 0 : i32
        %dma_start3A_3890 = tpu.memref_slice %arg13[%dma_start3A_3887, %dma_start3A_3888, %dma_start3A_3889] : memref<2x16x64xf32, #tpu.memory_space<vmem>> -> memref<1x1x64xf32, #tpu.memory_space<vmem>>
        %dma_start3A_3891 = tpu.memref_squeeze %dma_start3A_3890 : memref<1x1x64xf32, #tpu.memory_space<vmem>> -> memref<64xf32, #tpu.memory_space<vmem>>
        %dma_start3A_3892 = arith.constant 0 : i32
        %dma_start3A_3893 = tpu.memref_slice %arg6[%shift_right_arithmetic3A_3882, %and3A_3886, %dma_start3A_3892] : memref<125000x8x64xf32, #tpu.memory_space<hbm>> -> memref<1x1x64xf32, #tpu.memory_space<hbm>>
        %dma_start3A_3894 = tpu.memref_squeeze %dma_start3A_3893 : memref<1x1x64xf32, #tpu.memory_space<hbm>> -> memref<64xf32, #tpu.memory_space<hbm>>
        %dma_start3A_3895 = arith.constant 0 : i32
        %dma_start3A_3896 = tpu.memref_slice %arg13[%dma_start3A_3887, %dma_start3A_3888, %dma_start3A_3895] : memref<2x16x64xf32, #tpu.memory_space<vmem>> -> memref<1x1x64xf32, #tpu.memory_space<vmem>>
        %dma_start3A_3897 = tpu.memref_squeeze %dma_start3A_3896 : memref<1x1x64xf32, #tpu.memory_space<vmem>> -> memref<64xf32, #tpu.memory_space<vmem>>
        %dma_start3A_3898 = arith.constant 0 : i32
        %dma_start3A_3899 = tpu.memref_slice %arg6[%shift_right_arithmetic3A_3882, %and3A_3886, %dma_start3A_3898] : memref<125000x8x64xf32, #tpu.memory_space<hbm>> -> memref<1x1x64xf32, #tpu.memory_space<hbm>>
        %dma_start3A_3900 = tpu.memref_squeeze %dma_start3A_3899 : memref<1x1x64xf32, #tpu.memory_space<hbm>> -> memref<64xf32, #tpu.memory_space<hbm>>
        tpu.enqueue_dma source(%dma_start3A_3900 : memref<64xf32, #tpu.memory_space<hbm>>) target(%dma_start3A_3897 : memref<64xf32, #tpu.memory_space<vmem>>) target_semaphore(%arg19 : memref<!tpu.dma_semaphore, #tpu.memory_space<semaphore_mem>>)
        %slice3A_3901 = vector.extract_strided_slice %get3A_3630 {offsets = [6], sizes = [1], strides = [1]} : vector<16xi32> to vector<1xi32>
        %squeeze3A_3902 = vector.extract %slice3A_3901[0] : i32 from vector<1xi32>
        %shift_right_arithmetic3A_3903 = arith.constant 3 : i32
        %shift_right_arithmetic3A_3904 = arith.shrsi %squeeze3A_3902, %shift_right_arithmetic3A_3903 : i32
        %slice3A_3905 = vector.extract_strided_slice %get3A_3630 {offsets = [6], sizes = [1], strides = [1]} : vector<16xi32> to vector<1xi32>
        %squeeze3A_3906 = vector.extract %slice3A_3905[0] : i32 from vector<1xi32>
        %and3A_3907 = arith.constant 7 : i32
        %and3A_3908 = arith.andi %squeeze3A_3906, %and3A_3907 : i32
        %dma_start3A_3909 = arith.constant 0 : i32
        %dma_start3A_3910 = arith.constant 6 : i32
        %dma_start3A_3911 = arith.constant 0 : i32
        %dma_start3A_3912 = tpu.memref_slice %arg12[%dma_start3A_3909, %dma_start3A_3910, %dma_start3A_3911] : memref<2x16x64xf32, #tpu.memory_space<vmem>> -> memref<1x1x64xf32, #tpu.memory_space<vmem>>
        %dma_start3A_3913 = tpu.memref_squeeze %dma_start3A_3912 : memref<1x1x64xf32, #tpu.memory_space<vmem>> -> memref<64xf32, #tpu.memory_space<vmem>>
        %dma_start3A_3914 = arith.constant 0 : i32
        %dma_start3A_3915 = tpu.memref_slice %arg4[%shift_right_arithmetic3A_3904, %and3A_3908, %dma_start3A_3914] : memref<125000x8x64xf32, #tpu.memory_space<hbm>> -> memref<1x1x64xf32, #tpu.memory_space<hbm>>
        %dma_start3A_3916 = tpu.memref_squeeze %dma_start3A_3915 : memref<1x1x64xf32, #tpu.memory_space<hbm>> -> memref<64xf32, #tpu.memory_space<hbm>>
        %dma_start3A_3917 = arith.constant 0 : i32
        %dma_start3A_3918 = tpu.memref_slice %arg12[%dma_start3A_3909, %dma_start3A_3910, %dma_start3A_3917] : memref<2x16x64xf32, #tpu.memory_space<vmem>> -> memref<1x1x64xf32, #tpu.memory_space<vmem>>
        %dma_start3A_3919 = tpu.memref_squeeze %dma_start3A_3918 : memref<1x1x64xf32, #tpu.memory_space<vmem>> -> memref<64xf32, #tpu.memory_space<vmem>>
        %dma_start3A_3920 = arith.constant 0 : i32
        %dma_start3A_3921 = tpu.memref_slice %arg4[%shift_right_arithmetic3A_3904, %and3A_3908, %dma_start3A_3920] : memref<125000x8x64xf32, #tpu.memory_space<hbm>> -> memref<1x1x64xf32, #tpu.memory_space<hbm>>
        %dma_start3A_3922 = tpu.memref_squeeze %dma_start3A_3921 : memref<1x1x64xf32, #tpu.memory_space<hbm>> -> memref<64xf32, #tpu.memory_space<hbm>>
        tpu.enqueue_dma source(%dma_start3A_3922 : memref<64xf32, #tpu.memory_space<hbm>>) target(%dma_start3A_3919 : memref<64xf32, #tpu.memory_space<vmem>>) target_semaphore(%arg19 : memref<!tpu.dma_semaphore, #tpu.memory_space<semaphore_mem>>)
        %slice3A_3923 = vector.extract_strided_slice %get3A_3636 {offsets = [6], sizes = [1], strides = [1]} : vector<16xi32> to vector<1xi32>
        %squeeze3A_3924 = vector.extract %slice3A_3923[0] : i32 from vector<1xi32>
        %shift_right_arithmetic3A_3925 = arith.constant 3 : i32
        %shift_right_arithmetic3A_3926 = arith.shrsi %squeeze3A_3924, %shift_right_arithmetic3A_3925 : i32
        %slice3A_3927 = vector.extract_strided_slice %get3A_3636 {offsets = [6], sizes = [1], strides = [1]} : vector<16xi32> to vector<1xi32>
        %squeeze3A_3928 = vector.extract %slice3A_3927[0] : i32 from vector<1xi32>
        %and3A_3929 = arith.constant 7 : i32
        %and3A_3930 = arith.andi %squeeze3A_3928, %and3A_3929 : i32
        %dma_start3A_3931 = arith.constant 0 : i32
        %dma_start3A_3932 = arith.constant 6 : i32
        %dma_start3A_3933 = arith.constant 0 : i32
        %dma_start3A_3934 = tpu.memref_slice %arg13[%dma_start3A_3931, %dma_start3A_3932, %dma_start3A_3933] : memref<2x16x64xf32, #tpu.memory_space<vmem>> -> memref<1x1x64xf32, #tpu.memory_space<vmem>>
        %dma_start3A_3935 = tpu.memref_squeeze %dma_start3A_3934 : memref<1x1x64xf32, #tpu.memory_space<vmem>> -> memref<64xf32, #tpu.memory_space<vmem>>
        %dma_start3A_3936 = arith.constant 0 : i32
        %dma_start3A_3937 = tpu.memref_slice %arg6[%shift_right_arithmetic3A_3926, %and3A_3930, %dma_start3A_3936] : memref<125000x8x64xf32, #tpu.memory_space<hbm>> -> memref<1x1x64xf32, #tpu.memory_space<hbm>>
        %dma_start3A_3938 = tpu.memref_squeeze %dma_start3A_3937 : memref<1x1x64xf32, #tpu.memory_space<hbm>> -> memref<64xf32, #tpu.memory_space<hbm>>
        %dma_start3A_3939 = arith.constant 0 : i32
        %dma_start3A_3940 = tpu.memref_slice %arg13[%dma_start3A_3931, %dma_start3A_3932, %dma_start3A_3939] : memref<2x16x64xf32, #tpu.memory_space<vmem>> -> memref<1x1x64xf32, #tpu.memory_space<vmem>>
        %dma_start3A_3941 = tpu.memref_squeeze %dma_start3A_3940 : memref<1x1x64xf32, #tpu.memory_space<vmem>> -> memref<64xf32, #tpu.memory_space<vmem>>
        %dma_start3A_3942 = arith.constant 0 : i32
        %dma_start3A_3943 = tpu.memref_slice %arg6[%shift_right_arithmetic3A_3926, %and3A_3930, %dma_start3A_3942] : memref<125000x8x64xf32, #tpu.memory_space<hbm>> -> memref<1x1x64xf32, #tpu.memory_space<hbm>>
        %dma_start3A_3944 = tpu.memref_squeeze %dma_start3A_3943 : memref<1x1x64xf32, #tpu.memory_space<hbm>> -> memref<64xf32, #tpu.memory_space<hbm>>
        tpu.enqueue_dma source(%dma_start3A_3944 : memref<64xf32, #tpu.memory_space<hbm>>) target(%dma_start3A_3941 : memref<64xf32, #tpu.memory_space<vmem>>) target_semaphore(%arg19 : memref<!tpu.dma_semaphore, #tpu.memory_space<semaphore_mem>>)
        %slice3A_3945 = vector.extract_strided_slice %get3A_3630 {offsets = [7], sizes = [1], strides = [1]} : vector<16xi32> to vector<1xi32>
        %squeeze3A_3946 = vector.extract %slice3A_3945[0] : i32 from vector<1xi32>
        %shift_right_arithmetic3A_3947 = arith.constant 3 : i32
        %shift_right_arithmetic3A_3948 = arith.shrsi %squeeze3A_3946, %shift_right_arithmetic3A_3947 : i32
        %slice3A_3949 = vector.extract_strided_slice %get3A_3630 {offsets = [7], sizes = [1], strides = [1]} : vector<16xi32> to vector<1xi32>
        %squeeze3A_3950 = vector.extract %slice3A_3949[0] : i32 from vector<1xi32>
        %and3A_3951 = arith.constant 7 : i32
        %and3A_3952 = arith.andi %squeeze3A_3950, %and3A_3951 : i32
        %dma_start3A_3953 = arith.constant 0 : i32
        %dma_start3A_3954 = arith.constant 7 : i32
        %dma_start3A_3955 = arith.constant 0 : i32
        %dma_start3A_3956 = tpu.memref_slice %arg12[%dma_start3A_3953, %dma_start3A_3954, %dma_start3A_3955] : memref<2x16x64xf32, #tpu.memory_space<vmem>> -> memref<1x1x64xf32, #tpu.memory_space<vmem>>
        %dma_start3A_3957 = tpu.memref_squeeze %dma_start3A_3956 : memref<1x1x64xf32, #tpu.memory_space<vmem>> -> memref<64xf32, #tpu.memory_space<vmem>>
        %dma_start3A_3958 = arith.constant 0 : i32
        %dma_start3A_3959 = tpu.memref_slice %arg4[%shift_right_arithmetic3A_3948, %and3A_3952, %dma_start3A_3958] : memref<125000x8x64xf32, #tpu.memory_space<hbm>> -> memref<1x1x64xf32, #tpu.memory_space<hbm>>
        %dma_start3A_3960 = tpu.memref_squeeze %dma_start3A_3959 : memref<1x1x64xf32, #tpu.memory_space<hbm>> -> memref<64xf32, #tpu.memory_space<hbm>>
        %dma_start3A_3961 = arith.constant 0 : i32
        %dma_start3A_3962 = tpu.memref_slice %arg12[%dma_start3A_3953, %dma_start3A_3954, %dma_start3A_3961] : memref<2x16x64xf32, #tpu.memory_space<vmem>> -> memref<1x1x64xf32, #tpu.memory_space<vmem>>
        %dma_start3A_3963 = tpu.memref_squeeze %dma_start3A_3962 : memref<1x1x64xf32, #tpu.memory_space<vmem>> -> memref<64xf32, #tpu.memory_space<vmem>>
        %dma_start3A_3964 = arith.constant 0 : i32
        %dma_start3A_3965 = tpu.memref_slice %arg4[%shift_right_arithmetic3A_3948, %and3A_3952, %dma_start3A_3964] : memref<125000x8x64xf32, #tpu.memory_space<hbm>> -> memref<1x1x64xf32, #tpu.memory_space<hbm>>
        %dma_start3A_3966 = tpu.memref_squeeze %dma_start3A_3965 : memref<1x1x64xf32, #tpu.memory_space<hbm>> -> memref<64xf32, #tpu.memory_space<hbm>>
        tpu.enqueue_dma source(%dma_start3A_3966 : memref<64xf32, #tpu.memory_space<hbm>>) target(%dma_start3A_3963 : memref<64xf32, #tpu.memory_space<vmem>>) target_semaphore(%arg19 : memref<!tpu.dma_semaphore, #tpu.memory_space<semaphore_mem>>)
        %slice3A_3967 = vector.extract_strided_slice %get3A_3636 {offsets = [7], sizes = [1], strides = [1]} : vector<16xi32> to vector<1xi32>
        %squeeze3A_3968 = vector.extract %slice3A_3967[0] : i32 from vector<1xi32>
        %shift_right_arithmetic3A_3969 = arith.constant 3 : i32
        %shift_right_arithmetic3A_3970 = arith.shrsi %squeeze3A_3968, %shift_right_arithmetic3A_3969 : i32
        %slice3A_3971 = vector.extract_strided_slice %get3A_3636 {offsets = [7], sizes = [1], strides = [1]} : vector<16xi32> to vector<1xi32>
        %squeeze3A_3972 = vector.extract %slice3A_3971[0] : i32 from vector<1xi32>
        %and3A_3973 = arith.constant 7 : i32
        %and3A_3974 = arith.andi %squeeze3A_3972, %and3A_3973 : i32
        %dma_start3A_3975 = arith.constant 0 : i32
        %dma_start3A_3976 = arith.constant 7 : i32
        %dma_start3A_3977 = arith.constant 0 : i32
        %dma_start3A_3978 = tpu.memref_slice %arg13[%dma_start3A_3975, %dma_start3A_3976, %dma_start3A_3977] : memref<2x16x64xf32, #tpu.memory_space<vmem>> -> memref<1x1x64xf32, #tpu.memory_space<vmem>>
        %dma_start3A_3979 = tpu.memref_squeeze %dma_start3A_3978 : memref<1x1x64xf32, #tpu.memory_space<vmem>> -> memref<64xf32, #tpu.memory_space<vmem>>
        %dma_start3A_3980 = arith.constant 0 : i32
        %dma_start3A_3981 = tpu.memref_slice %arg6[%shift_right_arithmetic3A_3970, %and3A_3974, %dma_start3A_3980] : memref<125000x8x64xf32, #tpu.memory_space<hbm>> -> memref<1x1x64xf32, #tpu.memory_space<hbm>>
        %dma_start3A_3982 = tpu.memref_squeeze %dma_start3A_3981 : memref<1x1x64xf32, #tpu.memory_space<hbm>> -> memref<64xf32, #tpu.memory_space<hbm>>
        %dma_start3A_3983 = arith.constant 0 : i32
        %dma_start3A_3984 = tpu.memref_slice %arg13[%dma_start3A_3975, %dma_start3A_3976, %dma_start3A_3983] : memref<2x16x64xf32, #tpu.memory_space<vmem>> -> memref<1x1x64xf32, #tpu.memory_space<vmem>>
        %dma_start3A_3985 = tpu.memref_squeeze %dma_start3A_3984 : memref<1x1x64xf32, #tpu.memory_space<vmem>> -> memref<64xf32, #tpu.memory_space<vmem>>
        %dma_start3A_3986 = arith.constant 0 : i32
        %dma_start3A_3987 = tpu.memref_slice %arg6[%shift_right_arithmetic3A_3970, %and3A_3974, %dma_start3A_3986] : memref<125000x8x64xf32, #tpu.memory_space<hbm>> -> memref<1x1x64xf32, #tpu.memory_space<hbm>>
        %dma_start3A_3988 = tpu.memref_squeeze %dma_start3A_3987 : memref<1x1x64xf32, #tpu.memory_space<hbm>> -> memref<64xf32, #tpu.memory_space<hbm>>
        tpu.enqueue_dma source(%dma_start3A_3988 : memref<64xf32, #tpu.memory_space<hbm>>) target(%dma_start3A_3985 : memref<64xf32, #tpu.memory_space<vmem>>) target_semaphore(%arg19 : memref<!tpu.dma_semaphore, #tpu.memory_space<semaphore_mem>>)
        %slice3A_3989 = vector.extract_strided_slice %get3A_3630 {offsets = [8], sizes = [1], strides = [1]} : vector<16xi32> to vector<1xi32>
        %squeeze3A_3990 = vector.extract %slice3A_3989[0] : i32 from vector<1xi32>
        %shift_right_arithmetic3A_3991 = arith.constant 3 : i32
        %shift_right_arithmetic3A_3992 = arith.shrsi %squeeze3A_3990, %shift_right_arithmetic3A_3991 : i32
        %slice3A_3993 = vector.extract_strided_slice %get3A_3630 {offsets = [8], sizes = [1], strides = [1]} : vector<16xi32> to vector<1xi32>
        %squeeze3A_3994 = vector.extract %slice3A_3993[0] : i32 from vector<1xi32>
        %and3A_3995 = arith.constant 7 : i32
        %and3A_3996 = arith.andi %squeeze3A_3994, %and3A_3995 : i32
        %dma_start3A_3997 = arith.constant 0 : i32
        %dma_start3A_3998 = arith.constant 8 : i32
        %dma_start3A_3999 = arith.constant 0 : i32
        %dma_start3A_4000 = tpu.memref_slice %arg12[%dma_start3A_3997, %dma_start3A_3998, %dma_start3A_3999] : memref<2x16x64xf32, #tpu.memory_space<vmem>> -> memref<1x1x64xf32, #tpu.memory_space<vmem>>
        %dma_start3A_4001 = tpu.memref_squeeze %dma_start3A_4000 : memref<1x1x64xf32, #tpu.memory_space<vmem>> -> memref<64xf32, #tpu.memory_space<vmem>>
        %dma_start3A_4002 = arith.constant 0 : i32
        %dma_start3A_4003 = tpu.memref_slice %arg4[%shift_right_arithmetic3A_3992, %and3A_3996, %dma_start3A_4002] : memref<125000x8x64xf32, #tpu.memory_space<hbm>> -> memref<1x1x64xf32, #tpu.memory_space<hbm>>
        %dma_start3A_4004 = tpu.memref_squeeze %dma_start3A_4003 : memref<1x1x64xf32, #tpu.memory_space<hbm>> -> memref<64xf32, #tpu.memory_space<hbm>>
        %dma_start3A_4005 = arith.constant 0 : i32
        %dma_start3A_4006 = tpu.memref_slice %arg12[%dma_start3A_3997, %dma_start3A_3998, %dma_start3A_4005] : memref<2x16x64xf32, #tpu.memory_space<vmem>> -> memref<1x1x64xf32, #tpu.memory_space<vmem>>
        %dma_start3A_4007 = tpu.memref_squeeze %dma_start3A_4006 : memref<1x1x64xf32, #tpu.memory_space<vmem>> -> memref<64xf32, #tpu.memory_space<vmem>>
        %dma_start3A_4008 = arith.constant 0 : i32
        %dma_start3A_4009 = tpu.memref_slice %arg4[%shift_right_arithmetic3A_3992, %and3A_3996, %dma_start3A_4008] : memref<125000x8x64xf32, #tpu.memory_space<hbm>> -> memref<1x1x64xf32, #tpu.memory_space<hbm>>
        %dma_start3A_4010 = tpu.memref_squeeze %dma_start3A_4009 : memref<1x1x64xf32, #tpu.memory_space<hbm>> -> memref<64xf32, #tpu.memory_space<hbm>>
        tpu.enqueue_dma source(%dma_start3A_4010 : memref<64xf32, #tpu.memory_space<hbm>>) target(%dma_start3A_4007 : memref<64xf32, #tpu.memory_space<vmem>>) target_semaphore(%arg19 : memref<!tpu.dma_semaphore, #tpu.memory_space<semaphore_mem>>)
        %slice3A_4011 = vector.extract_strided_slice %get3A_3636 {offsets = [8], sizes = [1], strides = [1]} : vector<16xi32> to vector<1xi32>
        %squeeze3A_4012 = vector.extract %slice3A_4011[0] : i32 from vector<1xi32>
        %shift_right_arithmetic3A_4013 = arith.constant 3 : i32
        %shift_right_arithmetic3A_4014 = arith.shrsi %squeeze3A_4012, %shift_right_arithmetic3A_4013 : i32
        %slice3A_4015 = vector.extract_strided_slice %get3A_3636 {offsets = [8], sizes = [1], strides = [1]} : vector<16xi32> to vector<1xi32>
        %squeeze3A_4016 = vector.extract %slice3A_4015[0] : i32 from vector<1xi32>
        %and3A_4017 = arith.constant 7 : i32
        %and3A_4018 = arith.andi %squeeze3A_4016, %and3A_4017 : i32
        %dma_start3A_4019 = arith.constant 0 : i32
        %dma_start3A_4020 = arith.constant 8 : i32
        %dma_start3A_4021 = arith.constant 0 : i32
        %dma_start3A_4022 = tpu.memref_slice %arg13[%dma_start3A_4019, %dma_start3A_4020, %dma_start3A_4021] : memref<2x16x64xf32, #tpu.memory_space<vmem>> -> memref<1x1x64xf32, #tpu.memory_space<vmem>>
        %dma_start3A_4023 = tpu.memref_squeeze %dma_start3A_4022 : memref<1x1x64xf32, #tpu.memory_space<vmem>> -> memref<64xf32, #tpu.memory_space<vmem>>
        %dma_start3A_4024 = arith.constant 0 : i32
        %dma_start3A_4025 = tpu.memref_slice %arg6[%shift_right_arithmetic3A_4014, %and3A_4018, %dma_start3A_4024] : memref<125000x8x64xf32, #tpu.memory_space<hbm>> -> memref<1x1x64xf32, #tpu.memory_space<hbm>>
        %dma_start3A_4026 = tpu.memref_squeeze %dma_start3A_4025 : memref<1x1x64xf32, #tpu.memory_space<hbm>> -> memref<64xf32, #tpu.memory_space<hbm>>
        %dma_start3A_4027 = arith.constant 0 : i32
        %dma_start3A_4028 = tpu.memref_slice %arg13[%dma_start3A_4019, %dma_start3A_4020, %dma_start3A_4027] : memref<2x16x64xf32, #tpu.memory_space<vmem>> -> memref<1x1x64xf32, #tpu.memory_space<vmem>>
        %dma_start3A_4029 = tpu.memref_squeeze %dma_start3A_4028 : memref<1x1x64xf32, #tpu.memory_space<vmem>> -> memref<64xf32, #tpu.memory_space<vmem>>
        %dma_start3A_4030 = arith.constant 0 : i32
        %dma_start3A_4031 = tpu.memref_slice %arg6[%shift_right_arithmetic3A_4014, %and3A_4018, %dma_start3A_4030] : memref<125000x8x64xf32, #tpu.memory_space<hbm>> -> memref<1x1x64xf32, #tpu.memory_space<hbm>>
        %dma_start3A_4032 = tpu.memref_squeeze %dma_start3A_4031 : memref<1x1x64xf32, #tpu.memory_space<hbm>> -> memref<64xf32, #tpu.memory_space<hbm>>
        tpu.enqueue_dma source(%dma_start3A_4032 : memref<64xf32, #tpu.memory_space<hbm>>) target(%dma_start3A_4029 : memref<64xf32, #tpu.memory_space<vmem>>) target_semaphore(%arg19 : memref<!tpu.dma_semaphore, #tpu.memory_space<semaphore_mem>>)
        %slice3A_4033 = vector.extract_strided_slice %get3A_3630 {offsets = [9], sizes = [1], strides = [1]} : vector<16xi32> to vector<1xi32>
        %squeeze3A_4034 = vector.extract %slice3A_4033[0] : i32 from vector<1xi32>
        %shift_right_arithmetic3A_4035 = arith.constant 3 : i32
        %shift_right_arithmetic3A_4036 = arith.shrsi %squeeze3A_4034, %shift_right_arithmetic3A_4035 : i32
        %slice3A_4037 = vector.extract_strided_slice %get3A_3630 {offsets = [9], sizes = [1], strides = [1]} : vector<16xi32> to vector<1xi32>
        %squeeze3A_4038 = vector.extract %slice3A_4037[0] : i32 from vector<1xi32>
        %and3A_4039 = arith.constant 7 : i32
        %and3A_4040 = arith.andi %squeeze3A_4038, %and3A_4039 : i32
        %dma_start3A_4041 = arith.constant 0 : i32
        %dma_start3A_4042 = arith.constant 9 : i32
        %dma_start3A_4043 = arith.constant 0 : i32
        %dma_start3A_4044 = tpu.memref_slice %arg12[%dma_start3A_4041, %dma_start3A_4042, %dma_start3A_4043] : memref<2x16x64xf32, #tpu.memory_space<vmem>> -> memref<1x1x64xf32, #tpu.memory_space<vmem>>
        %dma_start3A_4045 = tpu.memref_squeeze %dma_start3A_4044 : memref<1x1x64xf32, #tpu.memory_space<vmem>> -> memref<64xf32, #tpu.memory_space<vmem>>
        %dma_start3A_4046 = arith.constant 0 : i32
        %dma_start3A_4047 = tpu.memref_slice %arg4[%shift_right_arithmetic3A_4036, %and3A_4040, %dma_start3A_4046] : memref<125000x8x64xf32, #tpu.memory_space<hbm>> -> memref<1x1x64xf32, #tpu.memory_space<hbm>>
        %dma_start3A_4048 = tpu.memref_squeeze %dma_start3A_4047 : memref<1x1x64xf32, #tpu.memory_space<hbm>> -> memref<64xf32, #tpu.memory_space<hbm>>
        %dma_start3A_4049 = arith.constant 0 : i32
        %dma_start3A_4050 = tpu.memref_slice %arg12[%dma_start3A_4041, %dma_start3A_4042, %dma_start3A_4049] : memref<2x16x64xf32, #tpu.memory_space<vmem>> -> memref<1x1x64xf32, #tpu.memory_space<vmem>>
        %dma_start3A_4051 = tpu.memref_squeeze %dma_start3A_4050 : memref<1x1x64xf32, #tpu.memory_space<vmem>> -> memref<64xf32, #tpu.memory_space<vmem>>
        %dma_start3A_4052 = arith.constant 0 : i32
        %dma_start3A_4053 = tpu.memref_slice %arg4[%shift_right_arithmetic3A_4036, %and3A_4040, %dma_start3A_4052] : memref<125000x8x64xf32, #tpu.memory_space<hbm>> -> memref<1x1x64xf32, #tpu.memory_space<hbm>>
        %dma_start3A_4054 = tpu.memref_squeeze %dma_start3A_4053 : memref<1x1x64xf32, #tpu.memory_space<hbm>> -> memref<64xf32, #tpu.memory_space<hbm>>
        tpu.enqueue_dma source(%dma_start3A_4054 : memref<64xf32, #tpu.memory_space<hbm>>) target(%dma_start3A_4051 : memref<64xf32, #tpu.memory_space<vmem>>) target_semaphore(%arg19 : memref<!tpu.dma_semaphore, #tpu.memory_space<semaphore_mem>>)
        %slice3A_4055 = vector.extract_strided_slice %get3A_3636 {offsets = [9], sizes = [1], strides = [1]} : vector<16xi32> to vector<1xi32>
        %squeeze3A_4056 = vector.extract %slice3A_4055[0] : i32 from vector<1xi32>
        %shift_right_arithmetic3A_4057 = arith.constant 3 : i32
        %shift_right_arithmetic3A_4058 = arith.shrsi %squeeze3A_4056, %shift_right_arithmetic3A_4057 : i32
        %slice3A_4059 = vector.extract_strided_slice %get3A_3636 {offsets = [9], sizes = [1], strides = [1]} : vector<16xi32> to vector<1xi32>
        %squeeze3A_4060 = vector.extract %slice3A_4059[0] : i32 from vector<1xi32>
        %and3A_4061 = arith.constant 7 : i32
        %and3A_4062 = arith.andi %squeeze3A_4060, %and3A_4061 : i32
        %dma_start3A_4063 = arith.constant 0 : i32
        %dma_start3A_4064 = arith.constant 9 : i32
        %dma_start3A_4065 = arith.constant 0 : i32
        %dma_start3A_4066 = tpu.memref_slice %arg13[%dma_start3A_4063, %dma_start3A_4064, %dma_start3A_4065] : memref<2x16x64xf32, #tpu.memory_space<vmem>> -> memref<1x1x64xf32, #tpu.memory_space<vmem>>
        %dma_start3A_4067 = tpu.memref_squeeze %dma_start3A_4066 : memref<1x1x64xf32, #tpu.memory_space<vmem>> -> memref<64xf32, #tpu.memory_space<vmem>>
        %dma_start3A_4068 = arith.constant 0 : i32
        %dma_start3A_4069 = tpu.memref_slice %arg6[%shift_right_arithmetic3A_4058, %and3A_4062, %dma_start3A_4068] : memref<125000x8x64xf32, #tpu.memory_space<hbm>> -> memref<1x1x64xf32, #tpu.memory_space<hbm>>
        %dma_start3A_4070 = tpu.memref_squeeze %dma_start3A_4069 : memref<1x1x64xf32, #tpu.memory_space<hbm>> -> memref<64xf32, #tpu.memory_space<hbm>>
        %dma_start3A_4071 = arith.constant 0 : i32
        %dma_start3A_4072 = tpu.memref_slice %arg13[%dma_start3A_4063, %dma_start3A_4064, %dma_start3A_4071] : memref<2x16x64xf32, #tpu.memory_space<vmem>> -> memref<1x1x64xf32, #tpu.memory_space<vmem>>
        %dma_start3A_4073 = tpu.memref_squeeze %dma_start3A_4072 : memref<1x1x64xf32, #tpu.memory_space<vmem>> -> memref<64xf32, #tpu.memory_space<vmem>>
        %dma_start3A_4074 = arith.constant 0 : i32
        %dma_start3A_4075 = tpu.memref_slice %arg6[%shift_right_arithmetic3A_4058, %and3A_4062, %dma_start3A_4074] : memref<125000x8x64xf32, #tpu.memory_space<hbm>> -> memref<1x1x64xf32, #tpu.memory_space<hbm>>
        %dma_start3A_4076 = tpu.memref_squeeze %dma_start3A_4075 : memref<1x1x64xf32, #tpu.memory_space<hbm>> -> memref<64xf32, #tpu.memory_space<hbm>>
        tpu.enqueue_dma source(%dma_start3A_4076 : memref<64xf32, #tpu.memory_space<hbm>>) target(%dma_start3A_4073 : memref<64xf32, #tpu.memory_space<vmem>>) target_semaphore(%arg19 : memref<!tpu.dma_semaphore, #tpu.memory_space<semaphore_mem>>)
        %slice3A_4077 = vector.extract_strided_slice %get3A_3630 {offsets = [10], sizes = [1], strides = [1]} : vector<16xi32> to vector<1xi32>
        %squeeze3A_4078 = vector.extract %slice3A_4077[0] : i32 from vector<1xi32>
        %shift_right_arithmetic3A_4079 = arith.constant 3 : i32
        %shift_right_arithmetic3A_4080 = arith.shrsi %squeeze3A_4078, %shift_right_arithmetic3A_4079 : i32
        %slice3A_4081 = vector.extract_strided_slice %get3A_3630 {offsets = [10], sizes = [1], strides = [1]} : vector<16xi32> to vector<1xi32>
        %squeeze3A_4082 = vector.extract %slice3A_4081[0] : i32 from vector<1xi32>
        %and3A_4083 = arith.constant 7 : i32
        %and3A_4084 = arith.andi %squeeze3A_4082, %and3A_4083 : i32
        %dma_start3A_4085 = arith.constant 0 : i32
        %dma_start3A_4086 = arith.constant 10 : i32
        %dma_start3A_4087 = arith.constant 0 : i32
        %dma_start3A_4088 = tpu.memref_slice %arg12[%dma_start3A_4085, %dma_start3A_4086, %dma_start3A_4087] : memref<2x16x64xf32, #tpu.memory_space<vmem>> -> memref<1x1x64xf32, #tpu.memory_space<vmem>>
        %dma_start3A_4089 = tpu.memref_squeeze %dma_start3A_4088 : memref<1x1x64xf32, #tpu.memory_space<vmem>> -> memref<64xf32, #tpu.memory_space<vmem>>
        %dma_start3A_4090 = arith.constant 0 : i32
        %dma_start3A_4091 = tpu.memref_slice %arg4[%shift_right_arithmetic3A_4080, %and3A_4084, %dma_start3A_4090] : memref<125000x8x64xf32, #tpu.memory_space<hbm>> -> memref<1x1x64xf32, #tpu.memory_space<hbm>>
        %dma_start3A_4092 = tpu.memref_squeeze %dma_start3A_4091 : memref<1x1x64xf32, #tpu.memory_space<hbm>> -> memref<64xf32, #tpu.memory_space<hbm>>
        %dma_start3A_4093 = arith.constant 0 : i32
        %dma_start3A_4094 = tpu.memref_slice %arg12[%dma_start3A_4085, %dma_start3A_4086, %dma_start3A_4093] : memref<2x16x64xf32, #tpu.memory_space<vmem>> -> memref<1x1x64xf32, #tpu.memory_space<vmem>>
        %dma_start3A_4095 = tpu.memref_squeeze %dma_start3A_4094 : memref<1x1x64xf32, #tpu.memory_space<vmem>> -> memref<64xf32, #tpu.memory_space<vmem>>
        %dma_start3A_4096 = arith.constant 0 : i32
        %dma_start3A_4097 = tpu.memref_slice %arg4[%shift_right_arithmetic3A_4080, %and3A_4084, %dma_start3A_4096] : memref<125000x8x64xf32, #tpu.memory_space<hbm>> -> memref<1x1x64xf32, #tpu.memory_space<hbm>>
        %dma_start3A_4098 = tpu.memref_squeeze %dma_start3A_4097 : memref<1x1x64xf32, #tpu.memory_space<hbm>> -> memref<64xf32, #tpu.memory_space<hbm>>
        tpu.enqueue_dma source(%dma_start3A_4098 : memref<64xf32, #tpu.memory_space<hbm>>) target(%dma_start3A_4095 : memref<64xf32, #tpu.memory_space<vmem>>) target_semaphore(%arg19 : memref<!tpu.dma_semaphore, #tpu.memory_space<semaphore_mem>>)
        %slice3A_4099 = vector.extract_strided_slice %get3A_3636 {offsets = [10], sizes = [1], strides = [1]} : vector<16xi32> to vector<1xi32>
        %squeeze3A_4100 = vector.extract %slice3A_4099[0] : i32 from vector<1xi32>
        %shift_right_arithmetic3A_4101 = arith.constant 3 : i32
        %shift_right_arithmetic3A_4102 = arith.shrsi %squeeze3A_4100, %shift_right_arithmetic3A_4101 : i32
        %slice3A_4103 = vector.extract_strided_slice %get3A_3636 {offsets = [10], sizes = [1], strides = [1]} : vector<16xi32> to vector<1xi32>
        %squeeze3A_4104 = vector.extract %slice3A_4103[0] : i32 from vector<1xi32>
        %and3A_4105 = arith.constant 7 : i32
        %and3A_4106 = arith.andi %squeeze3A_4104, %and3A_4105 : i32
        %dma_start3A_4107 = arith.constant 0 : i32
        %dma_start3A_4108 = arith.constant 10 : i32
        %dma_start3A_4109 = arith.constant 0 : i32
        %dma_start3A_4110 = tpu.memref_slice %arg13[%dma_start3A_4107, %dma_start3A_4108, %dma_start3A_4109] : memref<2x16x64xf32, #tpu.memory_space<vmem>> -> memref<1x1x64xf32, #tpu.memory_space<vmem>>
        %dma_start3A_4111 = tpu.memref_squeeze %dma_start3A_4110 : memref<1x1x64xf32, #tpu.memory_space<vmem>> -> memref<64xf32, #tpu.memory_space<vmem>>
        %dma_start3A_4112 = arith.constant 0 : i32
        %dma_start3A_4113 = tpu.memref_slice %arg6[%shift_right_arithmetic3A_4102, %and3A_4106, %dma_start3A_4112] : memref<125000x8x64xf32, #tpu.memory_space<hbm>> -> memref<1x1x64xf32, #tpu.memory_space<hbm>>
        %dma_start3A_4114 = tpu.memref_squeeze %dma_start3A_4113 : memref<1x1x64xf32, #tpu.memory_space<hbm>> -> memref<64xf32, #tpu.memory_space<hbm>>
        %dma_start3A_4115 = arith.constant 0 : i32
        %dma_start3A_4116 = tpu.memref_slice %arg13[%dma_start3A_4107, %dma_start3A_4108, %dma_start3A_4115] : memref<2x16x64xf32, #tpu.memory_space<vmem>> -> memref<1x1x64xf32, #tpu.memory_space<vmem>>
        %dma_start3A_4117 = tpu.memref_squeeze %dma_start3A_4116 : memref<1x1x64xf32, #tpu.memory_space<vmem>> -> memref<64xf32, #tpu.memory_space<vmem>>
        %dma_start3A_4118 = arith.constant 0 : i32
        %dma_start3A_4119 = tpu.memref_slice %arg6[%shift_right_arithmetic3A_4102, %and3A_4106, %dma_start3A_4118] : memref<125000x8x64xf32, #tpu.memory_space<hbm>> -> memref<1x1x64xf32, #tpu.memory_space<hbm>>
        %dma_start3A_4120 = tpu.memref_squeeze %dma_start3A_4119 : memref<1x1x64xf32, #tpu.memory_space<hbm>> -> memref<64xf32, #tpu.memory_space<hbm>>
        tpu.enqueue_dma source(%dma_start3A_4120 : memref<64xf32, #tpu.memory_space<hbm>>) target(%dma_start3A_4117 : memref<64xf32, #tpu.memory_space<vmem>>) target_semaphore(%arg19 : memref<!tpu.dma_semaphore, #tpu.memory_space<semaphore_mem>>)
        %slice3A_4121 = vector.extract_strided_slice %get3A_3630 {offsets = [11], sizes = [1], strides = [1]} : vector<16xi32> to vector<1xi32>
        %squeeze3A_4122 = vector.extract %slice3A_4121[0] : i32 from vector<1xi32>
        %shift_right_arithmetic3A_4123 = arith.constant 3 : i32
        %shift_right_arithmetic3A_4124 = arith.shrsi %squeeze3A_4122, %shift_right_arithmetic3A_4123 : i32
        %slice3A_4125 = vector.extract_strided_slice %get3A_3630 {offsets = [11], sizes = [1], strides = [1]} : vector<16xi32> to vector<1xi32>
        %squeeze3A_4126 = vector.extract %slice3A_4125[0] : i32 from vector<1xi32>
        %and3A_4127 = arith.constant 7 : i32
        %and3A_4128 = arith.andi %squeeze3A_4126, %and3A_4127 : i32
        %dma_start3A_4129 = arith.constant 0 : i32
        %dma_start3A_4130 = arith.constant 11 : i32
        %dma_start3A_4131 = arith.constant 0 : i32
        %dma_start3A_4132 = tpu.memref_slice %arg12[%dma_start3A_4129, %dma_start3A_4130, %dma_start3A_4131] : memref<2x16x64xf32, #tpu.memory_space<vmem>> -> memref<1x1x64xf32, #tpu.memory_space<vmem>>
        %dma_start3A_4133 = tpu.memref_squeeze %dma_start3A_4132 : memref<1x1x64xf32, #tpu.memory_space<vmem>> -> memref<64xf32, #tpu.memory_space<vmem>>
        %dma_start3A_4134 = arith.constant 0 : i32
        %dma_start3A_4135 = tpu.memref_slice %arg4[%shift_right_arithmetic3A_4124, %and3A_4128, %dma_start3A_4134] : memref<125000x8x64xf32, #tpu.memory_space<hbm>> -> memref<1x1x64xf32, #tpu.memory_space<hbm>>
        %dma_start3A_4136 = tpu.memref_squeeze %dma_start3A_4135 : memref<1x1x64xf32, #tpu.memory_space<hbm>> -> memref<64xf32, #tpu.memory_space<hbm>>
        %dma_start3A_4137 = arith.constant 0 : i32
        %dma_start3A_4138 = tpu.memref_slice %arg12[%dma_start3A_4129, %dma_start3A_4130, %dma_start3A_4137] : memref<2x16x64xf32, #tpu.memory_space<vmem>> -> memref<1x1x64xf32, #tpu.memory_space<vmem>>
        %dma_start3A_4139 = tpu.memref_squeeze %dma_start3A_4138 : memref<1x1x64xf32, #tpu.memory_space<vmem>> -> memref<64xf32, #tpu.memory_space<vmem>>
        %dma_start3A_4140 = arith.constant 0 : i32
        %dma_start3A_4141 = tpu.memref_slice %arg4[%shift_right_arithmetic3A_4124, %and3A_4128, %dma_start3A_4140] : memref<125000x8x64xf32, #tpu.memory_space<hbm>> -> memref<1x1x64xf32, #tpu.memory_space<hbm>>
        %dma_start3A_4142 = tpu.memref_squeeze %dma_start3A_4141 : memref<1x1x64xf32, #tpu.memory_space<hbm>> -> memref<64xf32, #tpu.memory_space<hbm>>
        tpu.enqueue_dma source(%dma_start3A_4142 : memref<64xf32, #tpu.memory_space<hbm>>) target(%dma_start3A_4139 : memref<64xf32, #tpu.memory_space<vmem>>) target_semaphore(%arg19 : memref<!tpu.dma_semaphore, #tpu.memory_space<semaphore_mem>>)
        %slice3A_4143 = vector.extract_strided_slice %get3A_3636 {offsets = [11], sizes = [1], strides = [1]} : vector<16xi32> to vector<1xi32>
        %squeeze3A_4144 = vector.extract %slice3A_4143[0] : i32 from vector<1xi32>
        %shift_right_arithmetic3A_4145 = arith.constant 3 : i32
        %shift_right_arithmetic3A_4146 = arith.shrsi %squeeze3A_4144, %shift_right_arithmetic3A_4145 : i32
        %slice3A_4147 = vector.extract_strided_slice %get3A_3636 {offsets = [11], sizes = [1], strides = [1]} : vector<16xi32> to vector<1xi32>
        %squeeze3A_4148 = vector.extract %slice3A_4147[0] : i32 from vector<1xi32>
        %and3A_4149 = arith.constant 7 : i32
        %and3A_4150 = arith.andi %squeeze3A_4148, %and3A_4149 : i32
        %dma_start3A_4151 = arith.constant 0 : i32
        %dma_start3A_4152 = arith.constant 11 : i32
        %dma_start3A_4153 = arith.constant 0 : i32
        %dma_start3A_4154 = tpu.memref_slice %arg13[%dma_start3A_4151, %dma_start3A_4152, %dma_start3A_4153] : memref<2x16x64xf32, #tpu.memory_space<vmem>> -> memref<1x1x64xf32, #tpu.memory_space<vmem>>
        %dma_start3A_4155 = tpu.memref_squeeze %dma_start3A_4154 : memref<1x1x64xf32, #tpu.memory_space<vmem>> -> memref<64xf32, #tpu.memory_space<vmem>>
        %dma_start3A_4156 = arith.constant 0 : i32
        %dma_start3A_4157 = tpu.memref_slice %arg6[%shift_right_arithmetic3A_4146, %and3A_4150, %dma_start3A_4156] : memref<125000x8x64xf32, #tpu.memory_space<hbm>> -> memref<1x1x64xf32, #tpu.memory_space<hbm>>
        %dma_start3A_4158 = tpu.memref_squeeze %dma_start3A_4157 : memref<1x1x64xf32, #tpu.memory_space<hbm>> -> memref<64xf32, #tpu.memory_space<hbm>>
        %dma_start3A_4159 = arith.constant 0 : i32
        %dma_start3A_4160 = tpu.memref_slice %arg13[%dma_start3A_4151, %dma_start3A_4152, %dma_start3A_4159] : memref<2x16x64xf32, #tpu.memory_space<vmem>> -> memref<1x1x64xf32, #tpu.memory_space<vmem>>
        %dma_start3A_4161 = tpu.memref_squeeze %dma_start3A_4160 : memref<1x1x64xf32, #tpu.memory_space<vmem>> -> memref<64xf32, #tpu.memory_space<vmem>>
        %dma_start3A_4162 = arith.constant 0 : i32
        %dma_start3A_4163 = tpu.memref_slice %arg6[%shift_right_arithmetic3A_4146, %and3A_4150, %dma_start3A_4162] : memref<125000x8x64xf32, #tpu.memory_space<hbm>> -> memref<1x1x64xf32, #tpu.memory_space<hbm>>
        %dma_start3A_4164 = tpu.memref_squeeze %dma_start3A_4163 : memref<1x1x64xf32, #tpu.memory_space<hbm>> -> memref<64xf32, #tpu.memory_space<hbm>>
        tpu.enqueue_dma source(%dma_start3A_4164 : memref<64xf32, #tpu.memory_space<hbm>>) target(%dma_start3A_4161 : memref<64xf32, #tpu.memory_space<vmem>>) target_semaphore(%arg19 : memref<!tpu.dma_semaphore, #tpu.memory_space<semaphore_mem>>)
        %slice3A_4165 = vector.extract_strided_slice %get3A_3630 {offsets = [12], sizes = [1], strides = [1]} : vector<16xi32> to vector<1xi32>
        %squeeze3A_4166 = vector.extract %slice3A_4165[0] : i32 from vector<1xi32>
        %shift_right_arithmetic3A_4167 = arith.constant 3 : i32
        %shift_right_arithmetic3A_4168 = arith.shrsi %squeeze3A_4166, %shift_right_arithmetic3A_4167 : i32
        %slice3A_4169 = vector.extract_strided_slice %get3A_3630 {offsets = [12], sizes = [1], strides = [1]} : vector<16xi32> to vector<1xi32>
        %squeeze3A_4170 = vector.extract %slice3A_4169[0] : i32 from vector<1xi32>
        %and3A_4171 = arith.constant 7 : i32
        %and3A_4172 = arith.andi %squeeze3A_4170, %and3A_4171 : i32
        %dma_start3A_4173 = arith.constant 0 : i32
        %dma_start3A_4174 = arith.constant 12 : i32
        %dma_start3A_4175 = arith.constant 0 : i32
        %dma_start3A_4176 = tpu.memref_slice %arg12[%dma_start3A_4173, %dma_start3A_4174, %dma_start3A_4175] : memref<2x16x64xf32, #tpu.memory_space<vmem>> -> memref<1x1x64xf32, #tpu.memory_space<vmem>>
        %dma_start3A_4177 = tpu.memref_squeeze %dma_start3A_4176 : memref<1x1x64xf32, #tpu.memory_space<vmem>> -> memref<64xf32, #tpu.memory_space<vmem>>
        %dma_start3A_4178 = arith.constant 0 : i32
        %dma_start3A_4179 = tpu.memref_slice %arg4[%shift_right_arithmetic3A_4168, %and3A_4172, %dma_start3A_4178] : memref<125000x8x64xf32, #tpu.memory_space<hbm>> -> memref<1x1x64xf32, #tpu.memory_space<hbm>>
        %dma_start3A_4180 = tpu.memref_squeeze %dma_start3A_4179 : memref<1x1x64xf32, #tpu.memory_space<hbm>> -> memref<64xf32, #tpu.memory_space<hbm>>
        %dma_start3A_4181 = arith.constant 0 : i32
        %dma_start3A_4182 = tpu.memref_slice %arg12[%dma_start3A_4173, %dma_start3A_4174, %dma_start3A_4181] : memref<2x16x64xf32, #tpu.memory_space<vmem>> -> memref<1x1x64xf32, #tpu.memory_space<vmem>>
        %dma_start3A_4183 = tpu.memref_squeeze %dma_start3A_4182 : memref<1x1x64xf32, #tpu.memory_space<vmem>> -> memref<64xf32, #tpu.memory_space<vmem>>
        %dma_start3A_4184 = arith.constant 0 : i32
        %dma_start3A_4185 = tpu.memref_slice %arg4[%shift_right_arithmetic3A_4168, %and3A_4172, %dma_start3A_4184] : memref<125000x8x64xf32, #tpu.memory_space<hbm>> -> memref<1x1x64xf32, #tpu.memory_space<hbm>>
        %dma_start3A_4186 = tpu.memref_squeeze %dma_start3A_4185 : memref<1x1x64xf32, #tpu.memory_space<hbm>> -> memref<64xf32, #tpu.memory_space<hbm>>
        tpu.enqueue_dma source(%dma_start3A_4186 : memref<64xf32, #tpu.memory_space<hbm>>) target(%dma_start3A_4183 : memref<64xf32, #tpu.memory_space<vmem>>) target_semaphore(%arg19 : memref<!tpu.dma_semaphore, #tpu.memory_space<semaphore_mem>>)
        %slice3A_4187 = vector.extract_strided_slice %get3A_3636 {offsets = [12], sizes = [1], strides = [1]} : vector<16xi32> to vector<1xi32>
        %squeeze3A_4188 = vector.extract %slice3A_4187[0] : i32 from vector<1xi32>
        %shift_right_arithmetic3A_4189 = arith.constant 3 : i32
        %shift_right_arithmetic3A_4190 = arith.shrsi %squeeze3A_4188, %shift_right_arithmetic3A_4189 : i32
        %slice3A_4191 = vector.extract_strided_slice %get3A_3636 {offsets = [12], sizes = [1], strides = [1]} : vector<16xi32> to vector<1xi32>
        %squeeze3A_4192 = vector.extract %slice3A_4191[0] : i32 from vector<1xi32>
        %and3A_4193 = arith.constant 7 : i32
        %and3A_4194 = arith.andi %squeeze3A_4192, %and3A_4193 : i32
        %dma_start3A_4195 = arith.constant 0 : i32
        %dma_start3A_4196 = arith.constant 12 : i32
        %dma_start3A_4197 = arith.constant 0 : i32
        %dma_start3A_4198 = tpu.memref_slice %arg13[%dma_start3A_4195, %dma_start3A_4196, %dma_start3A_4197] : memref<2x16x64xf32, #tpu.memory_space<vmem>> -> memref<1x1x64xf32, #tpu.memory_space<vmem>>
        %dma_start3A_4199 = tpu.memref_squeeze %dma_start3A_4198 : memref<1x1x64xf32, #tpu.memory_space<vmem>> -> memref<64xf32, #tpu.memory_space<vmem>>
        %dma_start3A_4200 = arith.constant 0 : i32
        %dma_start3A_4201 = tpu.memref_slice %arg6[%shift_right_arithmetic3A_4190, %and3A_4194, %dma_start3A_4200] : memref<125000x8x64xf32, #tpu.memory_space<hbm>> -> memref<1x1x64xf32, #tpu.memory_space<hbm>>
        %dma_start3A_4202 = tpu.memref_squeeze %dma_start3A_4201 : memref<1x1x64xf32, #tpu.memory_space<hbm>> -> memref<64xf32, #tpu.memory_space<hbm>>
        %dma_start3A_4203 = arith.constant 0 : i32
        %dma_start3A_4204 = tpu.memref_slice %arg13[%dma_start3A_4195, %dma_start3A_4196, %dma_start3A_4203] : memref<2x16x64xf32, #tpu.memory_space<vmem>> -> memref<1x1x64xf32, #tpu.memory_space<vmem>>
        %dma_start3A_4205 = tpu.memref_squeeze %dma_start3A_4204 : memref<1x1x64xf32, #tpu.memory_space<vmem>> -> memref<64xf32, #tpu.memory_space<vmem>>
        %dma_start3A_4206 = arith.constant 0 : i32
        %dma_start3A_4207 = tpu.memref_slice %arg6[%shift_right_arithmetic3A_4190, %and3A_4194, %dma_start3A_4206] : memref<125000x8x64xf32, #tpu.memory_space<hbm>> -> memref<1x1x64xf32, #tpu.memory_space<hbm>>
        %dma_start3A_4208 = tpu.memref_squeeze %dma_start3A_4207 : memref<1x1x64xf32, #tpu.memory_space<hbm>> -> memref<64xf32, #tpu.memory_space<hbm>>
        tpu.enqueue_dma source(%dma_start3A_4208 : memref<64xf32, #tpu.memory_space<hbm>>) target(%dma_start3A_4205 : memref<64xf32, #tpu.memory_space<vmem>>) target_semaphore(%arg19 : memref<!tpu.dma_semaphore, #tpu.memory_space<semaphore_mem>>)
        %slice3A_4209 = vector.extract_strided_slice %get3A_3630 {offsets = [13], sizes = [1], strides = [1]} : vector<16xi32> to vector<1xi32>
        %squeeze3A_4210 = vector.extract %slice3A_4209[0] : i32 from vector<1xi32>
        %shift_right_arithmetic3A_4211 = arith.constant 3 : i32
        %shift_right_arithmetic3A_4212 = arith.shrsi %squeeze3A_4210, %shift_right_arithmetic3A_4211 : i32
        %slice3A_4213 = vector.extract_strided_slice %get3A_3630 {offsets = [13], sizes = [1], strides = [1]} : vector<16xi32> to vector<1xi32>
        %squeeze3A_4214 = vector.extract %slice3A_4213[0] : i32 from vector<1xi32>
        %and3A_4215 = arith.constant 7 : i32
        %and3A_4216 = arith.andi %squeeze3A_4214, %and3A_4215 : i32
        %dma_start3A_4217 = arith.constant 0 : i32
        %dma_start3A_4218 = arith.constant 13 : i32
        %dma_start3A_4219 = arith.constant 0 : i32
        %dma_start3A_4220 = tpu.memref_slice %arg12[%dma_start3A_4217, %dma_start3A_4218, %dma_start3A_4219] : memref<2x16x64xf32, #tpu.memory_space<vmem>> -> memref<1x1x64xf32, #tpu.memory_space<vmem>>
        %dma_start3A_4221 = tpu.memref_squeeze %dma_start3A_4220 : memref<1x1x64xf32, #tpu.memory_space<vmem>> -> memref<64xf32, #tpu.memory_space<vmem>>
        %dma_start3A_4222 = arith.constant 0 : i32
        %dma_start3A_4223 = tpu.memref_slice %arg4[%shift_right_arithmetic3A_4212, %and3A_4216, %dma_start3A_4222] : memref<125000x8x64xf32, #tpu.memory_space<hbm>> -> memref<1x1x64xf32, #tpu.memory_space<hbm>>
        %dma_start3A_4224 = tpu.memref_squeeze %dma_start3A_4223 : memref<1x1x64xf32, #tpu.memory_space<hbm>> -> memref<64xf32, #tpu.memory_space<hbm>>
        %dma_start3A_4225 = arith.constant 0 : i32
        %dma_start3A_4226 = tpu.memref_slice %arg12[%dma_start3A_4217, %dma_start3A_4218, %dma_start3A_4225] : memref<2x16x64xf32, #tpu.memory_space<vmem>> -> memref<1x1x64xf32, #tpu.memory_space<vmem>>
        %dma_start3A_4227 = tpu.memref_squeeze %dma_start3A_4226 : memref<1x1x64xf32, #tpu.memory_space<vmem>> -> memref<64xf32, #tpu.memory_space<vmem>>
        %dma_start3A_4228 = arith.constant 0 : i32
        %dma_start3A_4229 = tpu.memref_slice %arg4[%shift_right_arithmetic3A_4212, %and3A_4216, %dma_start3A_4228] : memref<125000x8x64xf32, #tpu.memory_space<hbm>> -> memref<1x1x64xf32, #tpu.memory_space<hbm>>
        %dma_start3A_4230 = tpu.memref_squeeze %dma_start3A_4229 : memref<1x1x64xf32, #tpu.memory_space<hbm>> -> memref<64xf32, #tpu.memory_space<hbm>>
        tpu.enqueue_dma source(%dma_start3A_4230 : memref<64xf32, #tpu.memory_space<hbm>>) target(%dma_start3A_4227 : memref<64xf32, #tpu.memory_space<vmem>>) target_semaphore(%arg19 : memref<!tpu.dma_semaphore, #tpu.memory_space<semaphore_mem>>)
        %slice3A_4231 = vector.extract_strided_slice %get3A_3636 {offsets = [13], sizes = [1], strides = [1]} : vector<16xi32> to vector<1xi32>
        %squeeze3A_4232 = vector.extract %slice3A_4231[0] : i32 from vector<1xi32>
        %shift_right_arithmetic3A_4233 = arith.constant 3 : i32
        %shift_right_arithmetic3A_4234 = arith.shrsi %squeeze3A_4232, %shift_right_arithmetic3A_4233 : i32
        %slice3A_4235 = vector.extract_strided_slice %get3A_3636 {offsets = [13], sizes = [1], strides = [1]} : vector<16xi32> to vector<1xi32>
        %squeeze3A_4236 = vector.extract %slice3A_4235[0] : i32 from vector<1xi32>
        %and3A_4237 = arith.constant 7 : i32
        %and3A_4238 = arith.andi %squeeze3A_4236, %and3A_4237 : i32
        %dma_start3A_4239 = arith.constant 0 : i32
        %dma_start3A_4240 = arith.constant 13 : i32
        %dma_start3A_4241 = arith.constant 0 : i32
        %dma_start3A_4242 = tpu.memref_slice %arg13[%dma_start3A_4239, %dma_start3A_4240, %dma_start3A_4241] : memref<2x16x64xf32, #tpu.memory_space<vmem>> -> memref<1x1x64xf32, #tpu.memory_space<vmem>>
        %dma_start3A_4243 = tpu.memref_squeeze %dma_start3A_4242 : memref<1x1x64xf32, #tpu.memory_space<vmem>> -> memref<64xf32, #tpu.memory_space<vmem>>
        %dma_start3A_4244 = arith.constant 0 : i32
        %dma_start3A_4245 = tpu.memref_slice %arg6[%shift_right_arithmetic3A_4234, %and3A_4238, %dma_start3A_4244] : memref<125000x8x64xf32, #tpu.memory_space<hbm>> -> memref<1x1x64xf32, #tpu.memory_space<hbm>>
        %dma_start3A_4246 = tpu.memref_squeeze %dma_start3A_4245 : memref<1x1x64xf32, #tpu.memory_space<hbm>> -> memref<64xf32, #tpu.memory_space<hbm>>
        %dma_start3A_4247 = arith.constant 0 : i32
        %dma_start3A_4248 = tpu.memref_slice %arg13[%dma_start3A_4239, %dma_start3A_4240, %dma_start3A_4247] : memref<2x16x64xf32, #tpu.memory_space<vmem>> -> memref<1x1x64xf32, #tpu.memory_space<vmem>>
        %dma_start3A_4249 = tpu.memref_squeeze %dma_start3A_4248 : memref<1x1x64xf32, #tpu.memory_space<vmem>> -> memref<64xf32, #tpu.memory_space<vmem>>
        %dma_start3A_4250 = arith.constant 0 : i32
        %dma_start3A_4251 = tpu.memref_slice %arg6[%shift_right_arithmetic3A_4234, %and3A_4238, %dma_start3A_4250] : memref<125000x8x64xf32, #tpu.memory_space<hbm>> -> memref<1x1x64xf32, #tpu.memory_space<hbm>>
        %dma_start3A_4252 = tpu.memref_squeeze %dma_start3A_4251 : memref<1x1x64xf32, #tpu.memory_space<hbm>> -> memref<64xf32, #tpu.memory_space<hbm>>
        tpu.enqueue_dma source(%dma_start3A_4252 : memref<64xf32, #tpu.memory_space<hbm>>) target(%dma_start3A_4249 : memref<64xf32, #tpu.memory_space<vmem>>) target_semaphore(%arg19 : memref<!tpu.dma_semaphore, #tpu.memory_space<semaphore_mem>>)
        %slice3A_4253 = vector.extract_strided_slice %get3A_3630 {offsets = [14], sizes = [1], strides = [1]} : vector<16xi32> to vector<1xi32>
        %squeeze3A_4254 = vector.extract %slice3A_4253[0] : i32 from vector<1xi32>
        %shift_right_arithmetic3A_4255 = arith.constant 3 : i32
        %shift_right_arithmetic3A_4256 = arith.shrsi %squeeze3A_4254, %shift_right_arithmetic3A_4255 : i32
        %slice3A_4257 = vector.extract_strided_slice %get3A_3630 {offsets = [14], sizes = [1], strides = [1]} : vector<16xi32> to vector<1xi32>
        %squeeze3A_4258 = vector.extract %slice3A_4257[0] : i32 from vector<1xi32>
        %and3A_4259 = arith.constant 7 : i32
        %and3A_4260 = arith.andi %squeeze3A_4258, %and3A_4259 : i32
        %dma_start3A_4261 = arith.constant 0 : i32
        %dma_start3A_4262 = arith.constant 14 : i32
        %dma_start3A_4263 = arith.constant 0 : i32
        %dma_start3A_4264 = tpu.memref_slice %arg12[%dma_start3A_4261, %dma_start3A_4262, %dma_start3A_4263] : memref<2x16x64xf32, #tpu.memory_space<vmem>> -> memref<1x1x64xf32, #tpu.memory_space<vmem>>
        %dma_start3A_4265 = tpu.memref_squeeze %dma_start3A_4264 : memref<1x1x64xf32, #tpu.memory_space<vmem>> -> memref<64xf32, #tpu.memory_space<vmem>>
        %dma_start3A_4266 = arith.constant 0 : i32
        %dma_start3A_4267 = tpu.memref_slice %arg4[%shift_right_arithmetic3A_4256, %and3A_4260, %dma_start3A_4266] : memref<125000x8x64xf32, #tpu.memory_space<hbm>> -> memref<1x1x64xf32, #tpu.memory_space<hbm>>
        %dma_start3A_4268 = tpu.memref_squeeze %dma_start3A_4267 : memref<1x1x64xf32, #tpu.memory_space<hbm>> -> memref<64xf32, #tpu.memory_space<hbm>>
        %dma_start3A_4269 = arith.constant 0 : i32
        %dma_start3A_4270 = tpu.memref_slice %arg12[%dma_start3A_4261, %dma_start3A_4262, %dma_start3A_4269] : memref<2x16x64xf32, #tpu.memory_space<vmem>> -> memref<1x1x64xf32, #tpu.memory_space<vmem>>
        %dma_start3A_4271 = tpu.memref_squeeze %dma_start3A_4270 : memref<1x1x64xf32, #tpu.memory_space<vmem>> -> memref<64xf32, #tpu.memory_space<vmem>>
        %dma_start3A_4272 = arith.constant 0 : i32
        %dma_start3A_4273 = tpu.memref_slice %arg4[%shift_right_arithmetic3A_4256, %and3A_4260, %dma_start3A_4272] : memref<125000x8x64xf32, #tpu.memory_space<hbm>> -> memref<1x1x64xf32, #tpu.memory_space<hbm>>
        %dma_start3A_4274 = tpu.memref_squeeze %dma_start3A_4273 : memref<1x1x64xf32, #tpu.memory_space<hbm>> -> memref<64xf32, #tpu.memory_space<hbm>>
        tpu.enqueue_dma source(%dma_start3A_4274 : memref<64xf32, #tpu.memory_space<hbm>>) target(%dma_start3A_4271 : memref<64xf32, #tpu.memory_space<vmem>>) target_semaphore(%arg19 : memref<!tpu.dma_semaphore, #tpu.memory_space<semaphore_mem>>)
        %slice3A_4275 = vector.extract_strided_slice %get3A_3636 {offsets = [14], sizes = [1], strides = [1]} : vector<16xi32> to vector<1xi32>
        %squeeze3A_4276 = vector.extract %slice3A_4275[0] : i32 from vector<1xi32>
        %shift_right_arithmetic3A_4277 = arith.constant 3 : i32
        %shift_right_arithmetic3A_4278 = arith.shrsi %squeeze3A_4276, %shift_right_arithmetic3A_4277 : i32
        %slice3A_4279 = vector.extract_strided_slice %get3A_3636 {offsets = [14], sizes = [1], strides = [1]} : vector<16xi32> to vector<1xi32>
        %squeeze3A_4280 = vector.extract %slice3A_4279[0] : i32 from vector<1xi32>
        %and3A_4281 = arith.constant 7 : i32
        %and3A_4282 = arith.andi %squeeze3A_4280, %and3A_4281 : i32
        %dma_start3A_4283 = arith.constant 0 : i32
        %dma_start3A_4284 = arith.constant 14 : i32
        %dma_start3A_4285 = arith.constant 0 : i32
        %dma_start3A_4286 = tpu.memref_slice %arg13[%dma_start3A_4283, %dma_start3A_4284, %dma_start3A_4285] : memref<2x16x64xf32, #tpu.memory_space<vmem>> -> memref<1x1x64xf32, #tpu.memory_space<vmem>>
        %dma_start3A_4287 = tpu.memref_squeeze %dma_start3A_4286 : memref<1x1x64xf32, #tpu.memory_space<vmem>> -> memref<64xf32, #tpu.memory_space<vmem>>
        %dma_start3A_4288 = arith.constant 0 : i32
        %dma_start3A_4289 = tpu.memref_slice %arg6[%shift_right_arithmetic3A_4278, %and3A_4282, %dma_start3A_4288] : memref<125000x8x64xf32, #tpu.memory_space<hbm>> -> memref<1x1x64xf32, #tpu.memory_space<hbm>>
        %dma_start3A_4290 = tpu.memref_squeeze %dma_start3A_4289 : memref<1x1x64xf32, #tpu.memory_space<hbm>> -> memref<64xf32, #tpu.memory_space<hbm>>
        %dma_start3A_4291 = arith.constant 0 : i32
        %dma_start3A_4292 = tpu.memref_slice %arg13[%dma_start3A_4283, %dma_start3A_4284, %dma_start3A_4291] : memref<2x16x64xf32, #tpu.memory_space<vmem>> -> memref<1x1x64xf32, #tpu.memory_space<vmem>>
        %dma_start3A_4293 = tpu.memref_squeeze %dma_start3A_4292 : memref<1x1x64xf32, #tpu.memory_space<vmem>> -> memref<64xf32, #tpu.memory_space<vmem>>
        %dma_start3A_4294 = arith.constant 0 : i32
        %dma_start3A_4295 = tpu.memref_slice %arg6[%shift_right_arithmetic3A_4278, %and3A_4282, %dma_start3A_4294] : memref<125000x8x64xf32, #tpu.memory_space<hbm>> -> memref<1x1x64xf32, #tpu.memory_space<hbm>>
        %dma_start3A_4296 = tpu.memref_squeeze %dma_start3A_4295 : memref<1x1x64xf32, #tpu.memory_space<hbm>> -> memref<64xf32, #tpu.memory_space<hbm>>
        tpu.enqueue_dma source(%dma_start3A_4296 : memref<64xf32, #tpu.memory_space<hbm>>) target(%dma_start3A_4293 : memref<64xf32, #tpu.memory_space<vmem>>) target_semaphore(%arg19 : memref<!tpu.dma_semaphore, #tpu.memory_space<semaphore_mem>>)
        %slice3A_4297 = vector.extract_strided_slice %get3A_3630 {offsets = [15], sizes = [1], strides = [1]} : vector<16xi32> to vector<1xi32>
        %squeeze3A_4298 = vector.extract %slice3A_4297[0] : i32 from vector<1xi32>
        %shift_right_arithmetic3A_4299 = arith.constant 3 : i32
        %shift_right_arithmetic3A_4300 = arith.shrsi %squeeze3A_4298, %shift_right_arithmetic3A_4299 : i32
        %slice3A_4301 = vector.extract_strided_slice %get3A_3630 {offsets = [15], sizes = [1], strides = [1]} : vector<16xi32> to vector<1xi32>
        %squeeze3A_4302 = vector.extract %slice3A_4301[0] : i32 from vector<1xi32>
        %and3A_4303 = arith.constant 7 : i32
        %and3A_4304 = arith.andi %squeeze3A_4302, %and3A_4303 : i32
        %dma_start3A_4305 = arith.constant 0 : i32
        %dma_start3A_4306 = arith.constant 15 : i32
        %dma_start3A_4307 = arith.constant 0 : i32
        %dma_start3A_4308 = tpu.memref_slice %arg12[%dma_start3A_4305, %dma_start3A_4306, %dma_start3A_4307] : memref<2x16x64xf32, #tpu.memory_space<vmem>> -> memref<1x1x64xf32, #tpu.memory_space<vmem>>
        %dma_start3A_4309 = tpu.memref_squeeze %dma_start3A_4308 : memref<1x1x64xf32, #tpu.memory_space<vmem>> -> memref<64xf32, #tpu.memory_space<vmem>>
        %dma_start3A_4310 = arith.constant 0 : i32
        %dma_start3A_4311 = tpu.memref_slice %arg4[%shift_right_arithmetic3A_4300, %and3A_4304, %dma_start3A_4310] : memref<125000x8x64xf32, #tpu.memory_space<hbm>> -> memref<1x1x64xf32, #tpu.memory_space<hbm>>
        %dma_start3A_4312 = tpu.memref_squeeze %dma_start3A_4311 : memref<1x1x64xf32, #tpu.memory_space<hbm>> -> memref<64xf32, #tpu.memory_space<hbm>>
        %dma_start3A_4313 = arith.constant 0 : i32
        %dma_start3A_4314 = tpu.memref_slice %arg12[%dma_start3A_4305, %dma_start3A_4306, %dma_start3A_4313] : memref<2x16x64xf32, #tpu.memory_space<vmem>> -> memref<1x1x64xf32, #tpu.memory_space<vmem>>
        %dma_start3A_4315 = tpu.memref_squeeze %dma_start3A_4314 : memref<1x1x64xf32, #tpu.memory_space<vmem>> -> memref<64xf32, #tpu.memory_space<vmem>>
        %dma_start3A_4316 = arith.constant 0 : i32
        %dma_start3A_4317 = tpu.memref_slice %arg4[%shift_right_arithmetic3A_4300, %and3A_4304, %dma_start3A_4316] : memref<125000x8x64xf32, #tpu.memory_space<hbm>> -> memref<1x1x64xf32, #tpu.memory_space<hbm>>
        %dma_start3A_4318 = tpu.memref_squeeze %dma_start3A_4317 : memref<1x1x64xf32, #tpu.memory_space<hbm>> -> memref<64xf32, #tpu.memory_space<hbm>>
        tpu.enqueue_dma source(%dma_start3A_4318 : memref<64xf32, #tpu.memory_space<hbm>>) target(%dma_start3A_4315 : memref<64xf32, #tpu.memory_space<vmem>>) target_semaphore(%arg19 : memref<!tpu.dma_semaphore, #tpu.memory_space<semaphore_mem>>)
        %slice3A_4319 = vector.extract_strided_slice %get3A_3636 {offsets = [15], sizes = [1], strides = [1]} : vector<16xi32> to vector<1xi32>
        %squeeze3A_4320 = vector.extract %slice3A_4319[0] : i32 from vector<1xi32>
        %shift_right_arithmetic3A_4321 = arith.constant 3 : i32
        %shift_right_arithmetic3A_4322 = arith.shrsi %squeeze3A_4320, %shift_right_arithmetic3A_4321 : i32
        %slice3A_4323 = vector.extract_strided_slice %get3A_3636 {offsets = [15], sizes = [1], strides = [1]} : vector<16xi32> to vector<1xi32>
        %squeeze3A_4324 = vector.extract %slice3A_4323[0] : i32 from vector<1xi32>
        %and3A_4325 = arith.constant 7 : i32
        %and3A_4326 = arith.andi %squeeze3A_4324, %and3A_4325 : i32
        %dma_start3A_4327 = arith.constant 0 : i32
        %dma_start3A_4328 = arith.constant 15 : i32
        %dma_start3A_4329 = arith.constant 0 : i32
        %dma_start3A_4330 = tpu.memref_slice %arg13[%dma_start3A_4327, %dma_start3A_4328, %dma_start3A_4329] : memref<2x16x64xf32, #tpu.memory_space<vmem>> -> memref<1x1x64xf32, #tpu.memory_space<vmem>>
        %dma_start3A_4331 = tpu.memref_squeeze %dma_start3A_4330 : memref<1x1x64xf32, #tpu.memory_space<vmem>> -> memref<64xf32, #tpu.memory_space<vmem>>
        %dma_start3A_4332 = arith.constant 0 : i32
        %dma_start3A_4333 = tpu.memref_slice %arg6[%shift_right_arithmetic3A_4322, %and3A_4326, %dma_start3A_4332] : memref<125000x8x64xf32, #tpu.memory_space<hbm>> -> memref<1x1x64xf32, #tpu.memory_space<hbm>>
        %dma_start3A_4334 = tpu.memref_squeeze %dma_start3A_4333 : memref<1x1x64xf32, #tpu.memory_space<hbm>> -> memref<64xf32, #tpu.memory_space<hbm>>
        %dma_start3A_4335 = arith.constant 0 : i32
        %dma_start3A_4336 = tpu.memref_slice %arg13[%dma_start3A_4327, %dma_start3A_4328, %dma_start3A_4335] : memref<2x16x64xf32, #tpu.memory_space<vmem>> -> memref<1x1x64xf32, #tpu.memory_space<vmem>>
        %dma_start3A_4337 = tpu.memref_squeeze %dma_start3A_4336 : memref<1x1x64xf32, #tpu.memory_space<vmem>> -> memref<64xf32, #tpu.memory_space<vmem>>
        %dma_start3A_4338 = arith.constant 0 : i32
        %dma_start3A_4339 = tpu.memref_slice %arg6[%shift_right_arithmetic3A_4322, %and3A_4326, %dma_start3A_4338] : memref<125000x8x64xf32, #tpu.memory_space<hbm>> -> memref<1x1x64xf32, #tpu.memory_space<hbm>>
        %dma_start3A_4340 = tpu.memref_squeeze %dma_start3A_4339 : memref<1x1x64xf32, #tpu.memory_space<hbm>> -> memref<64xf32, #tpu.memory_space<hbm>>
        tpu.enqueue_dma source(%dma_start3A_4340 : memref<64xf32, #tpu.memory_space<hbm>>) target(%dma_start3A_4337 : memref<64xf32, #tpu.memory_space<vmem>>) target_semaphore(%arg19 : memref<!tpu.dma_semaphore, #tpu.memory_space<semaphore_mem>>)
      } else {
      }
      %dma_wait3A_2533 = arith.constant 0 : i32
      %dma_wait3A_2534 = arith.constant 1 : i32
      %dma_wait3A_2535 = arith.constant 0 : i32
      %dma_wait3A_2536 = arith.constant 0 : i32
      %dma_wait3A_2537 = tpu.memref_slice %arg12[%dma_wait3A_2534, %dma_wait3A_2535, %dma_wait3A_2536] : memref<2x16x64xf32, #tpu.memory_space<vmem>> -> memref<1x8x64xf32, #tpu.memory_space<vmem>>
      %dma_wait3A_2538 = tpu.memref_squeeze %dma_wait3A_2537 : memref<1x8x64xf32, #tpu.memory_space<vmem>> -> memref<8x64xf32, #tpu.memory_space<vmem>>
      %dma_wait3A_2539 = arith.constant 0 : i32
      %dma_wait3A_2540 = arith.constant 0 : i32
      %dma_wait3A_2541 = tpu.memref_slice %arg4[%dma_wait3A_2533, %dma_wait3A_2539, %dma_wait3A_2540] : memref<125000x8x64xf32, #tpu.memory_space<hbm>> -> memref<1x8x64xf32, #tpu.memory_space<hbm>>
      %dma_wait3A_2542 = tpu.memref_squeeze %dma_wait3A_2541 : memref<1x8x64xf32, #tpu.memory_space<hbm>> -> memref<8x64xf32, #tpu.memory_space<hbm>>
      %dma_wait3A_2543 = arith.constant 0 : i32
      %dma_wait3A_2544 = arith.constant 0 : i32
      %dma_wait3A_2545 = tpu.memref_slice %arg12[%dma_wait3A_2534, %dma_wait3A_2543, %dma_wait3A_2544] : memref<2x16x64xf32, #tpu.memory_space<vmem>> -> memref<1x8x64xf32, #tpu.memory_space<vmem>>
      %dma_wait3A_2546 = tpu.memref_squeeze %dma_wait3A_2545 : memref<1x8x64xf32, #tpu.memory_space<vmem>> -> memref<8x64xf32, #tpu.memory_space<vmem>>
      %dma_wait3A_2547 = arith.constant 0 : i32
      %dma_wait3A_2548 = arith.constant 0 : i32
      %dma_wait3A_2549 = tpu.memref_slice %arg4[%dma_wait3A_2533, %dma_wait3A_2547, %dma_wait3A_2548] : memref<125000x8x64xf32, #tpu.memory_space<hbm>> -> memref<1x8x64xf32, #tpu.memory_space<hbm>>
      %dma_wait3A_2550 = tpu.memref_squeeze %dma_wait3A_2549 : memref<1x8x64xf32, #tpu.memory_space<hbm>> -> memref<8x64xf32, #tpu.memory_space<hbm>>
      tpu.wait_dma2 semaphore(%arg20 : memref<!tpu.dma_semaphore, #tpu.memory_space<semaphore_mem>>) src(%dma_wait3A_2550 : memref<8x64xf32, #tpu.memory_space<hbm>>) dst(%dma_wait3A_2546 : memref<8x64xf32, #tpu.memory_space<vmem>>)
      %dma_wait3A_2551 = arith.constant 0 : i32
      %dma_wait3A_2552 = arith.constant 1 : i32
      %dma_wait3A_2553 = arith.constant 0 : i32
      %dma_wait3A_2554 = arith.constant 0 : i32
      %dma_wait3A_2555 = tpu.memref_slice %arg13[%dma_wait3A_2552, %dma_wait3A_2553, %dma_wait3A_2554] : memref<2x16x64xf32, #tpu.memory_space<vmem>> -> memref<1x8x64xf32, #tpu.memory_space<vmem>>
      %dma_wait3A_2556 = tpu.memref_squeeze %dma_wait3A_2555 : memref<1x8x64xf32, #tpu.memory_space<vmem>> -> memref<8x64xf32, #tpu.memory_space<vmem>>
      %dma_wait3A_2557 = arith.constant 0 : i32
      %dma_wait3A_2558 = arith.constant 0 : i32
      %dma_wait3A_2559 = tpu.memref_slice %arg6[%dma_wait3A_2551, %dma_wait3A_2557, %dma_wait3A_2558] : memref<125000x8x64xf32, #tpu.memory_space<hbm>> -> memref<1x8x64xf32, #tpu.memory_space<hbm>>
      %dma_wait3A_2560 = tpu.memref_squeeze %dma_wait3A_2559 : memref<1x8x64xf32, #tpu.memory_space<hbm>> -> memref<8x64xf32, #tpu.memory_space<hbm>>
      %dma_wait3A_2561 = arith.constant 0 : i32
      %dma_wait3A_2562 = arith.constant 0 : i32
      %dma_wait3A_2563 = tpu.memref_slice %arg13[%dma_wait3A_2552, %dma_wait3A_2561, %dma_wait3A_2562] : memref<2x16x64xf32, #tpu.memory_space<vmem>> -> memref<1x8x64xf32, #tpu.memory_space<vmem>>
      %dma_wait3A_2564 = tpu.memref_squeeze %dma_wait3A_2563 : memref<1x8x64xf32, #tpu.memory_space<vmem>> -> memref<8x64xf32, #tpu.memory_space<vmem>>
      %dma_wait3A_2565 = arith.constant 0 : i32
      %dma_wait3A_2566 = arith.constant 0 : i32
      %dma_wait3A_2567 = tpu.memref_slice %arg6[%dma_wait3A_2551, %dma_wait3A_2565, %dma_wait3A_2566] : memref<125000x8x64xf32, #tpu.memory_space<hbm>> -> memref<1x8x64xf32, #tpu.memory_space<hbm>>
      %dma_wait3A_2568 = tpu.memref_squeeze %dma_wait3A_2567 : memref<1x8x64xf32, #tpu.memory_space<hbm>> -> memref<8x64xf32, #tpu.memory_space<hbm>>
      tpu.wait_dma2 semaphore(%arg20 : memref<!tpu.dma_semaphore, #tpu.memory_space<semaphore_mem>>) src(%dma_wait3A_2568 : memref<8x64xf32, #tpu.memory_space<hbm>>) dst(%dma_wait3A_2564 : memref<8x64xf32, #tpu.memory_space<vmem>>)
      %dma_wait3A_2569 = arith.constant 0 : i32
      %dma_wait3A_2570 = arith.constant 1 : i32
      %dma_wait3A_2571 = arith.constant 8 : i32
      %dma_wait3A_2572 = arith.constant 0 : i32
      %dma_wait3A_2573 = tpu.memref_slice %arg12[%dma_wait3A_2570, %dma_wait3A_2571, %dma_wait3A_2572] : memref<2x16x64xf32, #tpu.memory_space<vmem>> -> memref<1x8x64xf32, #tpu.memory_space<vmem>>
      %dma_wait3A_2574 = tpu.memref_squeeze %dma_wait3A_2573 : memref<1x8x64xf32, #tpu.memory_space<vmem>> -> memref<8x64xf32, #tpu.memory_space<vmem>>
      %dma_wait3A_2575 = arith.constant 0 : i32
      %dma_wait3A_2576 = arith.constant 0 : i32
      %dma_wait3A_2577 = tpu.memref_slice %arg4[%dma_wait3A_2569, %dma_wait3A_2575, %dma_wait3A_2576] : memref<125000x8x64xf32, #tpu.memory_space<hbm>> -> memref<1x8x64xf32, #tpu.memory_space<hbm>>
      %dma_wait3A_2578 = tpu.memref_squeeze %dma_wait3A_2577 : memref<1x8x64xf32, #tpu.memory_space<hbm>> -> memref<8x64xf32, #tpu.memory_space<hbm>>
      %dma_wait3A_2579 = arith.constant 8 : i32
      %dma_wait3A_2580 = arith.constant 0 : i32
      %dma_wait3A_2581 = tpu.memref_slice %arg12[%dma_wait3A_2570, %dma_wait3A_2579, %dma_wait3A_2580] : memref<2x16x64xf32, #tpu.memory_space<vmem>> -> memref<1x8x64xf32, #tpu.memory_space<vmem>>
      %dma_wait3A_2582 = tpu.memref_squeeze %dma_wait3A_2581 : memref<1x8x64xf32, #tpu.memory_space<vmem>> -> memref<8x64xf32, #tpu.memory_space<vmem>>
      %dma_wait3A_2583 = arith.constant 0 : i32
      %dma_wait3A_2584 = arith.constant 0 : i32
      %dma_wait3A_2585 = tpu.memref_slice %arg4[%dma_wait3A_2569, %dma_wait3A_2583, %dma_wait3A_2584] : memref<125000x8x64xf32, #tpu.memory_space<hbm>> -> memref<1x8x64xf32, #tpu.memory_space<hbm>>
      %dma_wait3A_2586 = tpu.memref_squeeze %dma_wait3A_2585 : memref<1x8x64xf32, #tpu.memory_space<hbm>> -> memref<8x64xf32, #tpu.memory_space<hbm>>
      tpu.wait_dma2 semaphore(%arg20 : memref<!tpu.dma_semaphore, #tpu.memory_space<semaphore_mem>>) src(%dma_wait3A_2586 : memref<8x64xf32, #tpu.memory_space<hbm>>) dst(%dma_wait3A_2582 : memref<8x64xf32, #tpu.memory_space<vmem>>)
      %dma_wait3A_2587 = arith.constant 0 : i32
      %dma_wait3A_2588 = arith.constant 1 : i32
      %dma_wait3A_2589 = arith.constant 8 : i32
      %dma_wait3A_2590 = arith.constant 0 : i32
      %dma_wait3A_2591 = tpu.memref_slice %arg13[%dma_wait3A_2588, %dma_wait3A_2589, %dma_wait3A_2590] : memref<2x16x64xf32, #tpu.memory_space<vmem>> -> memref<1x8x64xf32, #tpu.memory_space<vmem>>
      %dma_wait3A_2592 = tpu.memref_squeeze %dma_wait3A_2591 : memref<1x8x64xf32, #tpu.memory_space<vmem>> -> memref<8x64xf32, #tpu.memory_space<vmem>>
      %dma_wait3A_2593 = arith.constant 0 : i32
      %dma_wait3A_2594 = arith.constant 0 : i32
      %dma_wait3A_2595 = tpu.memref_slice %arg6[%dma_wait3A_2587, %dma_wait3A_2593, %dma_wait3A_2594] : memref<125000x8x64xf32, #tpu.memory_space<hbm>> -> memref<1x8x64xf32, #tpu.memory_space<hbm>>
      %dma_wait3A_2596 = tpu.memref_squeeze %dma_wait3A_2595 : memref<1x8x64xf32, #tpu.memory_space<hbm>> -> memref<8x64xf32, #tpu.memory_space<hbm>>
      %dma_wait3A_2597 = arith.constant 8 : i32
      %dma_wait3A_2598 = arith.constant 0 : i32
      %dma_wait3A_2599 = tpu.memref_slice %arg13[%dma_wait3A_2588, %dma_wait3A_2597, %dma_wait3A_2598] : memref<2x16x64xf32, #tpu.memory_space<vmem>> -> memref<1x8x64xf32, #tpu.memory_space<vmem>>
      %dma_wait3A_2600 = tpu.memref_squeeze %dma_wait3A_2599 : memref<1x8x64xf32, #tpu.memory_space<vmem>> -> memref<8x64xf32, #tpu.memory_space<vmem>>
      %dma_wait3A_2601 = arith.constant 0 : i32
      %dma_wait3A_2602 = arith.constant 0 : i32
      %dma_wait3A_2603 = tpu.memref_slice %arg6[%dma_wait3A_2587, %dma_wait3A_2601, %dma_wait3A_2602] : memref<125000x8x64xf32, #tpu.memory_space<hbm>> -> memref<1x8x64xf32, #tpu.memory_space<hbm>>
      %dma_wait3A_2604 = tpu.memref_squeeze %dma_wait3A_2603 : memref<1x8x64xf32, #tpu.memory_space<hbm>> -> memref<8x64xf32, #tpu.memory_space<hbm>>
      tpu.wait_dma2 semaphore(%arg20 : memref<!tpu.dma_semaphore, #tpu.memory_space<semaphore_mem>>) src(%dma_wait3A_2604 : memref<8x64xf32, #tpu.memory_space<hbm>>) dst(%dma_wait3A_2600 : memref<8x64xf32, #tpu.memory_space<vmem>>)
      %add3A_2605 = arith.constant 1 : i32
      %add3A_2606 = arith.addi %mul3A_724, %add3A_2605 : i32
      %mul3A_2607 = arith.constant 16 : i32
      %mul3A_2608 = arith.muli %add3A_2606, %mul3A_2607 : i32
      %add3A_2609 = arith.constant 0 : i32
      %add3A_2610 = arith.addi %mul3A_2608, %add3A_2609 : i32
      %get3A_2611 = arith.index_cast %add3A_2610 : i32 to index
      %get3A_2612 = tpu.vector_load %arg10[%get3A_2611] {strides = array<i32>} : memref<512xi32, #tpu.memory_space<vmem>>, vector<16xi32>,
      %mul3A_2613 = arith.constant 16 : i32
      %mul3A_2614 = arith.muli %add3A_2606, %mul3A_2613 : i32
      %add3A_2615 = arith.constant 0 : i32
      %add3A_2616 = arith.addi %mul3A_2614, %add3A_2615 : i32
      %get3A_2617 = arith.index_cast %add3A_2616 : i32 to index
      %get3A_2618 = tpu.vector_load %arg11[%get3A_2617] {strides = array<i32>} : memref<512xi32, #tpu.memory_space<vmem>>, vector<16xi32>,
      %get3A_2619 = arith.constant 1 : i32
      %get3A_2620 = arith.constant 0 : i32
      %get3A_2621 = arith.index_cast %get3A_2619 : i32 to index
      %get3A_2622 = arith.index_cast %get3A_2620 : i32 to index
      %get3A_2623 = arith.constant 0 : index
      %get3A_2624 = tpu.vector_load %arg12[%get3A_2621, %get3A_2622, %get3A_2623] {strides = array<i32>} : memref<2x16x64xf32, #tpu.memory_space<vmem>>, vector<16xf32>,
      %get3A_2625 = arith.constant 1 : i32
      %get3A_2626 = arith.constant 0 : i32
      %get3A_2627 = arith.index_cast %get3A_2625 : i32 to index
      %get3A_2628 = arith.index_cast %get3A_2626 : i32 to index
      %get3A_2629 = arith.constant 0 : index
      %get3A_2630 = tpu.vector_load %arg13[%get3A_2627, %get3A_2628, %get3A_2629] {strides = array<i32>} : memref<2x16x64xf32, #tpu.memory_space<vmem>>, vector<16xf32>,
      %mul3A_2631 = arith.mulf %get3A_2624, %get3A_2630 : vector<16xf32>
      %get3A_2632 = arith.constant 1 : i32
      %get3A_2633 = arith.constant 0 : i32
      %get3A_2634 = arith.index_cast %get3A_2632 : i32 to index
      %get3A_2635 = arith.index_cast %get3A_2633 : i32 to index
      %get3A_2636 = arith.constant 16 : index
      %get3A_2637 = tpu.vector_load %arg12[%get3A_2634, %get3A_2635, %get3A_2636] {strides = array<i32>} : memref<2x16x64xf32, #tpu.memory_space<vmem>>, vector<16xf32>,
      %get3A_2638 = arith.constant 1 : i32
      %get3A_2639 = arith.constant 0 : i32
      %get3A_2640 = arith.index_cast %get3A_2638 : i32 to index
      %get3A_2641 = arith.index_cast %get3A_2639 : i32 to index
      %get3A_2642 = arith.constant 16 : index
      %get3A_2643 = tpu.vector_load %arg13[%get3A_2640, %get3A_2641, %get3A_2642] {strides = array<i32>} : memref<2x16x64xf32, #tpu.memory_space<vmem>>, vector<16xf32>,
      %mul3A_2644 = arith.mulf %get3A_2637, %get3A_2643 : vector<16xf32>
      %add3A_2645 = arith.addf %mul3A_2631, %mul3A_2644 : vector<16xf32>
      %get3A_2646 = arith.constant 1 : i32
      %get3A_2647 = arith.constant 0 : i32
      %get3A_2648 = arith.index_cast %get3A_2646 : i32 to index
      %get3A_2649 = arith.index_cast %get3A_2647 : i32 to index
      %get3A_2650 = arith.constant 32 : index
      %get3A_2651 = tpu.vector_load %arg12[%get3A_2648, %get3A_2649, %get3A_2650] {strides = array<i32>} : memref<2x16x64xf32, #tpu.memory_space<vmem>>, vector<16xf32>,
      %get3A_2652 = arith.constant 1 : i32
      %get3A_2653 = arith.constant 0 : i32
      %get3A_2654 = arith.index_cast %get3A_2652 : i32 to index
      %get3A_2655 = arith.index_cast %get3A_2653 : i32 to index
      %get3A_2656 = arith.constant 32 : index
      %get3A_2657 = tpu.vector_load %arg13[%get3A_2654, %get3A_2655, %get3A_2656] {strides = array<i32>} : memref<2x16x64xf32, #tpu.memory_space<vmem>>, vector<16xf32>,
      %mul3A_2658 = arith.mulf %get3A_2651, %get3A_2657 : vector<16xf32>
      %add3A_2659 = arith.addf %add3A_2645, %mul3A_2658 : vector<16xf32>
      %get3A_2660 = arith.constant 1 : i32
      %get3A_2661 = arith.constant 0 : i32
      %get3A_2662 = arith.index_cast %get3A_2660 : i32 to index
      %get3A_2663 = arith.index_cast %get3A_2661 : i32 to index
      %get3A_2664 = arith.constant 48 : index
      %get3A_2665 = tpu.vector_load %arg12[%get3A_2662, %get3A_2663, %get3A_2664] {strides = array<i32>} : memref<2x16x64xf32, #tpu.memory_space<vmem>>, vector<16xf32>,
      %get3A_2666 = arith.constant 1 : i32
      %get3A_2667 = arith.constant 0 : i32
      %get3A_2668 = arith.index_cast %get3A_2666 : i32 to index
      %get3A_2669 = arith.index_cast %get3A_2667 : i32 to index
      %get3A_2670 = arith.constant 48 : index
      %get3A_2671 = tpu.vector_load %arg13[%get3A_2668, %get3A_2669, %get3A_2670] {strides = array<i32>} : memref<2x16x64xf32, #tpu.memory_space<vmem>>, vector<16xf32>,
      %mul3A_2672 = arith.mulf %get3A_2665, %get3A_2671 : vector<16xf32>
      %add3A_2673 = arith.addf %add3A_2659, %mul3A_2672 : vector<16xf32>
      %swap3A_2674 = arith.constant 0 : index
      %swap3A_2675 = tpu.vector_load %arg18[%swap3A_2674] {strides = array<i32>} : memref<272xf32, #tpu.memory_space<vmem>>, vector<16xf32>,
      tpu.vector_store %arg18[%swap3A_2674], %add3A_2673 {strides = array<i32>} : memref<272xf32, #tpu.memory_space<vmem>>, vector<16xf32>,
      %get3A_2676 = arith.constant 1 : i32
      %get3A_2677 = arith.constant 1 : i32
      %get3A_2678 = arith.index_cast %get3A_2676 : i32 to index
      %get3A_2679 = arith.index_cast %get3A_2677 : i32 to index
      %get3A_2680 = arith.constant 0 : index
      %get3A_2681 = tpu.vector_load %arg12[%get3A_2678, %get3A_2679, %get3A_2680] {strides = array<i32>} : memref<2x16x64xf32, #tpu.memory_space<vmem>>, vector<16xf32>,
      %get3A_2682 = arith.constant 1 : i32
      %get3A_2683 = arith.constant 1 : i32
      %get3A_2684 = arith.index_cast %get3A_2682 : i32 to index
      %get3A_2685 = arith.index_cast %get3A_2683 : i32 to index
      %get3A_2686 = arith.constant 0 : index
      %get3A_2687 = tpu.vector_load %arg13[%get3A_2684, %get3A_2685, %get3A_2686] {strides = array<i32>} : memref<2x16x64xf32, #tpu.memory_space<vmem>>, vector<16xf32>,
      %mul3A_2688 = arith.mulf %get3A_2681, %get3A_2687 : vector<16xf32>
      %get3A_2689 = arith.constant 1 : i32
      %get3A_2690 = arith.constant 1 : i32
      %get3A_2691 = arith.index_cast %get3A_2689 : i32 to index
      %get3A_2692 = arith.index_cast %get3A_2690 : i32 to index
      %get3A_2693 = arith.constant 16 : index
      %get3A_2694 = tpu.vector_load %arg12[%get3A_2691, %get3A_2692, %get3A_2693] {strides = array<i32>} : memref<2x16x64xf32, #tpu.memory_space<vmem>>, vector<16xf32>,
      %get3A_2695 = arith.constant 1 : i32
      %get3A_2696 = arith.constant 1 : i32
      %get3A_2697 = arith.index_cast %get3A_2695 : i32 to index
      %get3A_2698 = arith.index_cast %get3A_2696 : i32 to index
      %get3A_2699 = arith.constant 16 : index
      %get3A_2700 = tpu.vector_load %arg13[%get3A_2697, %get3A_2698, %get3A_2699] {strides = array<i32>} : memref<2x16x64xf32, #tpu.memory_space<vmem>>, vector<16xf32>,
      %mul3A_2701 = arith.mulf %get3A_2694, %get3A_2700 : vector<16xf32>
      %add3A_2702 = arith.addf %mul3A_2688, %mul3A_2701 : vector<16xf32>
      %get3A_2703 = arith.constant 1 : i32
      %get3A_2704 = arith.constant 1 : i32
      %get3A_2705 = arith.index_cast %get3A_2703 : i32 to index
      %get3A_2706 = arith.index_cast %get3A_2704 : i32 to index
      %get3A_2707 = arith.constant 32 : index
      %get3A_2708 = tpu.vector_load %arg12[%get3A_2705, %get3A_2706, %get3A_2707] {strides = array<i32>} : memref<2x16x64xf32, #tpu.memory_space<vmem>>, vector<16xf32>,
      %get3A_2709 = arith.constant 1 : i32
      %get3A_2710 = arith.constant 1 : i32
      %get3A_2711 = arith.index_cast %get3A_2709 : i32 to index
      %get3A_2712 = arith.index_cast %get3A_2710 : i32 to index
      %get3A_2713 = arith.constant 32 : index
      %get3A_2714 = tpu.vector_load %arg13[%get3A_2711, %get3A_2712, %get3A_2713] {strides = array<i32>} : memref<2x16x64xf32, #tpu.memory_space<vmem>>, vector<16xf32>,
      %mul3A_2715 = arith.mulf %get3A_2708, %get3A_2714 : vector<16xf32>
      %add3A_2716 = arith.addf %add3A_2702, %mul3A_2715 : vector<16xf32>
      %get3A_2717 = arith.constant 1 : i32
      %get3A_2718 = arith.constant 1 : i32
      %get3A_2719 = arith.index_cast %get3A_2717 : i32 to index
      %get3A_2720 = arith.index_cast %get3A_2718 : i32 to index
      %get3A_2721 = arith.constant 48 : index
      %get3A_2722 = tpu.vector_load %arg12[%get3A_2719, %get3A_2720, %get3A_2721] {strides = array<i32>} : memref<2x16x64xf32, #tpu.memory_space<vmem>>, vector<16xf32>,
      %get3A_2723 = arith.constant 1 : i32
      %get3A_2724 = arith.constant 1 : i32
      %get3A_2725 = arith.index_cast %get3A_2723 : i32 to index
      %get3A_2726 = arith.index_cast %get3A_2724 : i32 to index
      %get3A_2727 = arith.constant 48 : index
      %get3A_2728 = tpu.vector_load %arg13[%get3A_2725, %get3A_2726, %get3A_2727] {strides = array<i32>} : memref<2x16x64xf32, #tpu.memory_space<vmem>>, vector<16xf32>,
      %mul3A_2729 = arith.mulf %get3A_2722, %get3A_2728 : vector<16xf32>
      %add3A_2730 = arith.addf %add3A_2716, %mul3A_2729 : vector<16xf32>
      %swap3A_2731 = arith.constant 17 : index
      %swap3A_2732 = tpu.vector_load %arg18[%swap3A_2731] {strides = array<i32>} : memref<272xf32, #tpu.memory_space<vmem>>, vector<16xf32>,
      tpu.vector_store %arg18[%swap3A_2731], %add3A_2730 {strides = array<i32>} : memref<272xf32, #tpu.memory_space<vmem>>, vector<16xf32>,
      %get3A_2733 = arith.constant 1 : i32
      %get3A_2734 = arith.constant 2 : i32
      %get3A_2735 = arith.index_cast %get3A_2733 : i32 to index
      %get3A_2736 = arith.index_cast %get3A_2734 : i32 to index
      %get3A_2737 = arith.constant 0 : index
      %get3A_2738 = tpu.vector_load %arg12[%get3A_2735, %get3A_2736, %get3A_2737] {strides = array<i32>} : memref<2x16x64xf32, #tpu.memory_space<vmem>>, vector<16xf32>,
      %get3A_2739 = arith.constant 1 : i32
      %get3A_2740 = arith.constant 2 : i32
      %get3A_2741 = arith.index_cast %get3A_2739 : i32 to index
      %get3A_2742 = arith.index_cast %get3A_2740 : i32 to index
      %get3A_2743 = arith.constant 0 : index
      %get3A_2744 = tpu.vector_load %arg13[%get3A_2741, %get3A_2742, %get3A_2743] {strides = array<i32>} : memref<2x16x64xf32, #tpu.memory_space<vmem>>, vector<16xf32>,
      %mul3A_2745 = arith.mulf %get3A_2738, %get3A_2744 : vector<16xf32>
      %get3A_2746 = arith.constant 1 : i32
      %get3A_2747 = arith.constant 2 : i32
      %get3A_2748 = arith.index_cast %get3A_2746 : i32 to index
      %get3A_2749 = arith.index_cast %get3A_2747 : i32 to index
      %get3A_2750 = arith.constant 16 : index
      %get3A_2751 = tpu.vector_load %arg12[%get3A_2748, %get3A_2749, %get3A_2750] {strides = array<i32>} : memref<2x16x64xf32, #tpu.memory_space<vmem>>, vector<16xf32>,
      %get3A_2752 = arith.constant 1 : i32
      %get3A_2753 = arith.constant 2 : i32
      %get3A_2754 = arith.index_cast %get3A_2752 : i32 to index
      %get3A_2755 = arith.index_cast %get3A_2753 : i32 to index
      %get3A_2756 = arith.constant 16 : index
      %get3A_2757 = tpu.vector_load %arg13[%get3A_2754, %get3A_2755, %get3A_2756] {strides = array<i32>} : memref<2x16x64xf32, #tpu.memory_space<vmem>>, vector<16xf32>,
      %mul3A_2758 = arith.mulf %get3A_2751, %get3A_2757 : vector<16xf32>
      %add3A_2759 = arith.addf %mul3A_2745, %mul3A_2758 : vector<16xf32>
      %get3A_2760 = arith.constant 1 : i32
      %get3A_2761 = arith.constant 2 : i32
      %get3A_2762 = arith.index_cast %get3A_2760 : i32 to index
      %get3A_2763 = arith.index_cast %get3A_2761 : i32 to index
      %get3A_2764 = arith.constant 32 : index
      %get3A_2765 = tpu.vector_load %arg12[%get3A_2762, %get3A_2763, %get3A_2764] {strides = array<i32>} : memref<2x16x64xf32, #tpu.memory_space<vmem>>, vector<16xf32>,
      %get3A_2766 = arith.constant 1 : i32
      %get3A_2767 = arith.constant 2 : i32
      %get3A_2768 = arith.index_cast %get3A_2766 : i32 to index
      %get3A_2769 = arith.index_cast %get3A_2767 : i32 to index
      %get3A_2770 = arith.constant 32 : index
      %get3A_2771 = tpu.vector_load %arg13[%get3A_2768, %get3A_2769, %get3A_2770] {strides = array<i32>} : memref<2x16x64xf32, #tpu.memory_space<vmem>>, vector<16xf32>,
      %mul3A_2772 = arith.mulf %get3A_2765, %get3A_2771 : vector<16xf32>
      %add3A_2773 = arith.addf %add3A_2759, %mul3A_2772 : vector<16xf32>
      %get3A_2774 = arith.constant 1 : i32
      %get3A_2775 = arith.constant 2 : i32
      %get3A_2776 = arith.index_cast %get3A_2774 : i32 to index
      %get3A_2777 = arith.index_cast %get3A_2775 : i32 to index
      %get3A_2778 = arith.constant 48 : index
      %get3A_2779 = tpu.vector_load %arg12[%get3A_2776, %get3A_2777, %get3A_2778] {strides = array<i32>} : memref<2x16x64xf32, #tpu.memory_space<vmem>>, vector<16xf32>,
      %get3A_2780 = arith.constant 1 : i32
      %get3A_2781 = arith.constant 2 : i32
      %get3A_2782 = arith.index_cast %get3A_2780 : i32 to index
      %get3A_2783 = arith.index_cast %get3A_2781 : i32 to index
      %get3A_2784 = arith.constant 48 : index
      %get3A_2785 = tpu.vector_load %arg13[%get3A_2782, %get3A_2783, %get3A_2784] {strides = array<i32>} : memref<2x16x64xf32, #tpu.memory_space<vmem>>, vector<16xf32>,
      %mul3A_2786 = arith.mulf %get3A_2779, %get3A_2785 : vector<16xf32>
      %add3A_2787 = arith.addf %add3A_2773, %mul3A_2786 : vector<16xf32>
      %swap3A_2788 = arith.constant 34 : index
      %swap3A_2789 = tpu.vector_load %arg18[%swap3A_2788] {strides = array<i32>} : memref<272xf32, #tpu.memory_space<vmem>>, vector<16xf32>,
      tpu.vector_store %arg18[%swap3A_2788], %add3A_2787 {strides = array<i32>} : memref<272xf32, #tpu.memory_space<vmem>>, vector<16xf32>,
      %get3A_2790 = arith.constant 1 : i32
      %get3A_2791 = arith.constant 3 : i32
      %get3A_2792 = arith.index_cast %get3A_2790 : i32 to index
      %get3A_2793 = arith.index_cast %get3A_2791 : i32 to index
      %get3A_2794 = arith.constant 0 : index
      %get3A_2795 = tpu.vector_load %arg12[%get3A_2792, %get3A_2793, %get3A_2794] {strides = array<i32>} : memref<2x16x64xf32, #tpu.memory_space<vmem>>, vector<16xf32>,
      %get3A_2796 = arith.constant 1 : i32
      %get3A_2797 = arith.constant 3 : i32
      %get3A_2798 = arith.index_cast %get3A_2796 : i32 to index
      %get3A_2799 = arith.index_cast %get3A_2797 : i32 to index
      %get3A_2800 = arith.constant 0 : index
      %get3A_2801 = tpu.vector_load %arg13[%get3A_2798, %get3A_2799, %get3A_2800] {strides = array<i32>} : memref<2x16x64xf32, #tpu.memory_space<vmem>>, vector<16xf32>,
      %mul3A_2802 = arith.mulf %get3A_2795, %get3A_2801 : vector<16xf32>
      %get3A_2803 = arith.constant 1 : i32
      %get3A_2804 = arith.constant 3 : i32
      %get3A_2805 = arith.index_cast %get3A_2803 : i32 to index
      %get3A_2806 = arith.index_cast %get3A_2804 : i32 to index
      %get3A_2807 = arith.constant 16 : index
      %get3A_2808 = tpu.vector_load %arg12[%get3A_2805, %get3A_2806, %get3A_2807] {strides = array<i32>} : memref<2x16x64xf32, #tpu.memory_space<vmem>>, vector<16xf32>,
      %get3A_2809 = arith.constant 1 : i32
      %get3A_2810 = arith.constant 3 : i32
      %get3A_2811 = arith.index_cast %get3A_2809 : i32 to index
      %get3A_2812 = arith.index_cast %get3A_2810 : i32 to index
      %get3A_2813 = arith.constant 16 : index
      %get3A_2814 = tpu.vector_load %arg13[%get3A_2811, %get3A_2812, %get3A_2813] {strides = array<i32>} : memref<2x16x64xf32, #tpu.memory_space<vmem>>, vector<16xf32>,
      %mul3A_2815 = arith.mulf %get3A_2808, %get3A_2814 : vector<16xf32>
      %add3A_2816 = arith.addf %mul3A_2802, %mul3A_2815 : vector<16xf32>
      %get3A_2817 = arith.constant 1 : i32
      %get3A_2818 = arith.constant 3 : i32
      %get3A_2819 = arith.index_cast %get3A_2817 : i32 to index
      %get3A_2820 = arith.index_cast %get3A_2818 : i32 to index
      %get3A_2821 = arith.constant 32 : index
      %get3A_2822 = tpu.vector_load %arg12[%get3A_2819, %get3A_2820, %get3A_2821] {strides = array<i32>} : memref<2x16x64xf32, #tpu.memory_space<vmem>>, vector<16xf32>,
      %get3A_2823 = arith.constant 1 : i32
      %get3A_2824 = arith.constant 3 : i32
      %get3A_2825 = arith.index_cast %get3A_2823 : i32 to index
      %get3A_2826 = arith.index_cast %get3A_2824 : i32 to index
      %get3A_2827 = arith.constant 32 : index
      %get3A_2828 = tpu.vector_load %arg13[%get3A_2825, %get3A_2826, %get3A_2827] {strides = array<i32>} : memref<2x16x64xf32, #tpu.memory_space<vmem>>, vector<16xf32>,
      %mul3A_2829 = arith.mulf %get3A_2822, %get3A_2828 : vector<16xf32>
      %add3A_2830 = arith.addf %add3A_2816, %mul3A_2829 : vector<16xf32>
      %get3A_2831 = arith.constant 1 : i32
      %get3A_2832 = arith.constant 3 : i32
      %get3A_2833 = arith.index_cast %get3A_2831 : i32 to index
      %get3A_2834 = arith.index_cast %get3A_2832 : i32 to index
      %get3A_2835 = arith.constant 48 : index
      %get3A_2836 = tpu.vector_load %arg12[%get3A_2833, %get3A_2834, %get3A_2835] {strides = array<i32>} : memref<2x16x64xf32, #tpu.memory_space<vmem>>, vector<16xf32>,
      %get3A_2837 = arith.constant 1 : i32
      %get3A_2838 = arith.constant 3 : i32
      %get3A_2839 = arith.index_cast %get3A_2837 : i32 to index
      %get3A_2840 = arith.index_cast %get3A_2838 : i32 to index
      %get3A_2841 = arith.constant 48 : index
      %get3A_2842 = tpu.vector_load %arg13[%get3A_2839, %get3A_2840, %get3A_2841] {strides = array<i32>} : memref<2x16x64xf32, #tpu.memory_space<vmem>>, vector<16xf32>,
      %mul3A_2843 = arith.mulf %get3A_2836, %get3A_2842 : vector<16xf32>
      %add3A_2844 = arith.addf %add3A_2830, %mul3A_2843 : vector<16xf32>
      %swap3A_2845 = arith.constant 51 : index
      %swap3A_2846 = tpu.vector_load %arg18[%swap3A_2845] {strides = array<i32>} : memref<272xf32, #tpu.memory_space<vmem>>, vector<16xf32>,
      tpu.vector_store %arg18[%swap3A_2845], %add3A_2844 {strides = array<i32>} : memref<272xf32, #tpu.memory_space<vmem>>, vector<16xf32>,
      %get3A_2847 = arith.constant 1 : i32
      %get3A_2848 = arith.constant 4 : i32
      %get3A_2849 = arith.index_cast %get3A_2847 : i32 to index
      %get3A_2850 = arith.index_cast %get3A_2848 : i32 to index
      %get3A_2851 = arith.constant 0 : index
      %get3A_2852 = tpu.vector_load %arg12[%get3A_2849, %get3A_2850, %get3A_2851] {strides = array<i32>} : memref<2x16x64xf32, #tpu.memory_space<vmem>>, vector<16xf32>,
      %get3A_2853 = arith.constant 1 : i32
      %get3A_2854 = arith.constant 4 : i32
      %get3A_2855 = arith.index_cast %get3A_2853 : i32 to index
      %get3A_2856 = arith.index_cast %get3A_2854 : i32 to index
      %get3A_2857 = arith.constant 0 : index
      %get3A_2858 = tpu.vector_load %arg13[%get3A_2855, %get3A_2856, %get3A_2857] {strides = array<i32>} : memref<2x16x64xf32, #tpu.memory_space<vmem>>, vector<16xf32>,
      %mul3A_2859 = arith.mulf %get3A_2852, %get3A_2858 : vector<16xf32>
      %get3A_2860 = arith.constant 1 : i32
      %get3A_2861 = arith.constant 4 : i32
      %get3A_2862 = arith.index_cast %get3A_2860 : i32 to index
      %get3A_2863 = arith.index_cast %get3A_2861 : i32 to index
      %get3A_2864 = arith.constant 16 : index
      %get3A_2865 = tpu.vector_load %arg12[%get3A_2862, %get3A_2863, %get3A_2864] {strides = array<i32>} : memref<2x16x64xf32, #tpu.memory_space<vmem>>, vector<16xf32>,
      %get3A_2866 = arith.constant 1 : i32
      %get3A_2867 = arith.constant 4 : i32
      %get3A_2868 = arith.index_cast %get3A_2866 : i32 to index
      %get3A_2869 = arith.index_cast %get3A_2867 : i32 to index
      %get3A_2870 = arith.constant 16 : index
      %get3A_2871 = tpu.vector_load %arg13[%get3A_2868, %get3A_2869, %get3A_2870] {strides = array<i32>} : memref<2x16x64xf32, #tpu.memory_space<vmem>>, vector<16xf32>,
      %mul3A_2872 = arith.mulf %get3A_2865, %get3A_2871 : vector<16xf32>
      %add3A_2873 = arith.addf %mul3A_2859, %mul3A_2872 : vector<16xf32>
      %get3A_2874 = arith.constant 1 : i32
      %get3A_2875 = arith.constant 4 : i32
      %get3A_2876 = arith.index_cast %get3A_2874 : i32 to index
      %get3A_2877 = arith.index_cast %get3A_2875 : i32 to index
      %get3A_2878 = arith.constant 32 : index
      %get3A_2879 = tpu.vector_load %arg12[%get3A_2876, %get3A_2877, %get3A_2878] {strides = array<i32>} : memref<2x16x64xf32, #tpu.memory_space<vmem>>, vector<16xf32>,
      %get3A_2880 = arith.constant 1 : i32
      %get3A_2881 = arith.constant 4 : i32
      %get3A_2882 = arith.index_cast %get3A_2880 : i32 to index
      %get3A_2883 = arith.index_cast %get3A_2881 : i32 to index
      %get3A_2884 = arith.constant 32 : index
      %get3A_2885 = tpu.vector_load %arg13[%get3A_2882, %get3A_2883, %get3A_2884] {strides = array<i32>} : memref<2x16x64xf32, #tpu.memory_space<vmem>>, vector<16xf32>,
      %mul3A_2886 = arith.mulf %get3A_2879, %get3A_2885 : vector<16xf32>
      %add3A_2887 = arith.addf %add3A_2873, %mul3A_2886 : vector<16xf32>
      %get3A_2888 = arith.constant 1 : i32
      %get3A_2889 = arith.constant 4 : i32
      %get3A_2890 = arith.index_cast %get3A_2888 : i32 to index
      %get3A_2891 = arith.index_cast %get3A_2889 : i32 to index
      %get3A_2892 = arith.constant 48 : index
      %get3A_2893 = tpu.vector_load %arg12[%get3A_2890, %get3A_2891, %get3A_2892] {strides = array<i32>} : memref<2x16x64xf32, #tpu.memory_space<vmem>>, vector<16xf32>,
      %get3A_2894 = arith.constant 1 : i32
      %get3A_2895 = arith.constant 4 : i32
      %get3A_2896 = arith.index_cast %get3A_2894 : i32 to index
      %get3A_2897 = arith.index_cast %get3A_2895 : i32 to index
      %get3A_2898 = arith.constant 48 : index
      %get3A_2899 = tpu.vector_load %arg13[%get3A_2896, %get3A_2897, %get3A_2898] {strides = array<i32>} : memref<2x16x64xf32, #tpu.memory_space<vmem>>, vector<16xf32>,
      %mul3A_2900 = arith.mulf %get3A_2893, %get3A_2899 : vector<16xf32>
      %add3A_2901 = arith.addf %add3A_2887, %mul3A_2900 : vector<16xf32>
      %swap3A_2902 = arith.constant 68 : index
      %swap3A_2903 = tpu.vector_load %arg18[%swap3A_2902] {strides = array<i32>} : memref<272xf32, #tpu.memory_space<vmem>>, vector<16xf32>,
      tpu.vector_store %arg18[%swap3A_2902], %add3A_2901 {strides = array<i32>} : memref<272xf32, #tpu.memory_space<vmem>>, vector<16xf32>,
      %get3A_2904 = arith.constant 1 : i32
      %get3A_2905 = arith.constant 5 : i32
      %get3A_2906 = arith.index_cast %get3A_2904 : i32 to index
      %get3A_2907 = arith.index_cast %get3A_2905 : i32 to index
      %get3A_2908 = arith.constant 0 : index
      %get3A_2909 = tpu.vector_load %arg12[%get3A_2906, %get3A_2907, %get3A_2908] {strides = array<i32>} : memref<2x16x64xf32, #tpu.memory_space<vmem>>, vector<16xf32>,
      %get3A_2910 = arith.constant 1 : i32
      %get3A_2911 = arith.constant 5 : i32
      %get3A_2912 = arith.index_cast %get3A_2910 : i32 to index
      %get3A_2913 = arith.index_cast %get3A_2911 : i32 to index
      %get3A_2914 = arith.constant 0 : index
      %get3A_2915 = tpu.vector_load %arg13[%get3A_2912, %get3A_2913, %get3A_2914] {strides = array<i32>} : memref<2x16x64xf32, #tpu.memory_space<vmem>>, vector<16xf32>,
      %mul3A_2916 = arith.mulf %get3A_2909, %get3A_2915 : vector<16xf32>
      %get3A_2917 = arith.constant 1 : i32
      %get3A_2918 = arith.constant 5 : i32
      %get3A_2919 = arith.index_cast %get3A_2917 : i32 to index
      %get3A_2920 = arith.index_cast %get3A_2918 : i32 to index
      %get3A_2921 = arith.constant 16 : index
      %get3A_2922 = tpu.vector_load %arg12[%get3A_2919, %get3A_2920, %get3A_2921] {strides = array<i32>} : memref<2x16x64xf32, #tpu.memory_space<vmem>>, vector<16xf32>,
      %get3A_2923 = arith.constant 1 : i32
      %get3A_2924 = arith.constant 5 : i32
      %get3A_2925 = arith.index_cast %get3A_2923 : i32 to index
      %get3A_2926 = arith.index_cast %get3A_2924 : i32 to index
      %get3A_2927 = arith.constant 16 : index
      %get3A_2928 = tpu.vector_load %arg13[%get3A_2925, %get3A_2926, %get3A_2927] {strides = array<i32>} : memref<2x16x64xf32, #tpu.memory_space<vmem>>, vector<16xf32>,
      %mul3A_2929 = arith.mulf %get3A_2922, %get3A_2928 : vector<16xf32>
      %add3A_2930 = arith.addf %mul3A_2916, %mul3A_2929 : vector<16xf32>
      %get3A_2931 = arith.constant 1 : i32
      %get3A_2932 = arith.constant 5 : i32
      %get3A_2933 = arith.index_cast %get3A_2931 : i32 to index
      %get3A_2934 = arith.index_cast %get3A_2932 : i32 to index
      %get3A_2935 = arith.constant 32 : index
      %get3A_2936 = tpu.vector_load %arg12[%get3A_2933, %get3A_2934, %get3A_2935] {strides = array<i32>} : memref<2x16x64xf32, #tpu.memory_space<vmem>>, vector<16xf32>,
      %get3A_2937 = arith.constant 1 : i32
      %get3A_2938 = arith.constant 5 : i32
      %get3A_2939 = arith.index_cast %get3A_2937 : i32 to index
      %get3A_2940 = arith.index_cast %get3A_2938 : i32 to index
      %get3A_2941 = arith.constant 32 : index
      %get3A_2942 = tpu.vector_load %arg13[%get3A_2939, %get3A_2940, %get3A_2941] {strides = array<i32>} : memref<2x16x64xf32, #tpu.memory_space<vmem>>, vector<16xf32>,
      %mul3A_2943 = arith.mulf %get3A_2936, %get3A_2942 : vector<16xf32>
      %add3A_2944 = arith.addf %add3A_2930, %mul3A_2943 : vector<16xf32>
      %get3A_2945 = arith.constant 1 : i32
      %get3A_2946 = arith.constant 5 : i32
      %get3A_2947 = arith.index_cast %get3A_2945 : i32 to index
      %get3A_2948 = arith.index_cast %get3A_2946 : i32 to index
      %get3A_2949 = arith.constant 48 : index
      %get3A_2950 = tpu.vector_load %arg12[%get3A_2947, %get3A_2948, %get3A_2949] {strides = array<i32>} : memref<2x16x64xf32, #tpu.memory_space<vmem>>, vector<16xf32>,
      %get3A_2951 = arith.constant 1 : i32
      %get3A_2952 = arith.constant 5 : i32
      %get3A_2953 = arith.index_cast %get3A_2951 : i32 to index
      %get3A_2954 = arith.index_cast %get3A_2952 : i32 to index
      %get3A_2955 = arith.constant 48 : index
      %get3A_2956 = tpu.vector_load %arg13[%get3A_2953, %get3A_2954, %get3A_2955] {strides = array<i32>} : memref<2x16x64xf32, #tpu.memory_space<vmem>>, vector<16xf32>,
      %mul3A_2957 = arith.mulf %get3A_2950, %get3A_2956 : vector<16xf32>
      %add3A_2958 = arith.addf %add3A_2944, %mul3A_2957 : vector<16xf32>
      %swap3A_2959 = arith.constant 85 : index
      %swap3A_2960 = tpu.vector_load %arg18[%swap3A_2959] {strides = array<i32>} : memref<272xf32, #tpu.memory_space<vmem>>, vector<16xf32>,
      tpu.vector_store %arg18[%swap3A_2959], %add3A_2958 {strides = array<i32>} : memref<272xf32, #tpu.memory_space<vmem>>, vector<16xf32>,
      %get3A_2961 = arith.constant 1 : i32
      %get3A_2962 = arith.constant 6 : i32
      %get3A_2963 = arith.index_cast %get3A_2961 : i32 to index
      %get3A_2964 = arith.index_cast %get3A_2962 : i32 to index
      %get3A_2965 = arith.constant 0 : index
      %get3A_2966 = tpu.vector_load %arg12[%get3A_2963, %get3A_2964, %get3A_2965] {strides = array<i32>} : memref<2x16x64xf32, #tpu.memory_space<vmem>>, vector<16xf32>,
      %get3A_2967 = arith.constant 1 : i32
      %get3A_2968 = arith.constant 6 : i32
      %get3A_2969 = arith.index_cast %get3A_2967 : i32 to index
      %get3A_2970 = arith.index_cast %get3A_2968 : i32 to index
      %get3A_2971 = arith.constant 0 : index
      %get3A_2972 = tpu.vector_load %arg13[%get3A_2969, %get3A_2970, %get3A_2971] {strides = array<i32>} : memref<2x16x64xf32, #tpu.memory_space<vmem>>, vector<16xf32>,
      %mul3A_2973 = arith.mulf %get3A_2966, %get3A_2972 : vector<16xf32>
      %get3A_2974 = arith.constant 1 : i32
      %get3A_2975 = arith.constant 6 : i32
      %get3A_2976 = arith.index_cast %get3A_2974 : i32 to index
      %get3A_2977 = arith.index_cast %get3A_2975 : i32 to index
      %get3A_2978 = arith.constant 16 : index
      %get3A_2979 = tpu.vector_load %arg12[%get3A_2976, %get3A_2977, %get3A_2978] {strides = array<i32>} : memref<2x16x64xf32, #tpu.memory_space<vmem>>, vector<16xf32>,
      %get3A_2980 = arith.constant 1 : i32
      %get3A_2981 = arith.constant 6 : i32
      %get3A_2982 = arith.index_cast %get3A_2980 : i32 to index
      %get3A_2983 = arith.index_cast %get3A_2981 : i32 to index
      %get3A_2984 = arith.constant 16 : index
      %get3A_2985 = tpu.vector_load %arg13[%get3A_2982, %get3A_2983, %get3A_2984] {strides = array<i32>} : memref<2x16x64xf32, #tpu.memory_space<vmem>>, vector<16xf32>,
      %mul3A_2986 = arith.mulf %get3A_2979, %get3A_2985 : vector<16xf32>
      %add3A_2987 = arith.addf %mul3A_2973, %mul3A_2986 : vector<16xf32>
      %get3A_2988 = arith.constant 1 : i32
      %get3A_2989 = arith.constant 6 : i32
      %get3A_2990 = arith.index_cast %get3A_2988 : i32 to index
      %get3A_2991 = arith.index_cast %get3A_2989 : i32 to index
      %get3A_2992 = arith.constant 32 : index
      %get3A_2993 = tpu.vector_load %arg12[%get3A_2990, %get3A_2991, %get3A_2992] {strides = array<i32>} : memref<2x16x64xf32, #tpu.memory_space<vmem>>, vector<16xf32>,
      %get3A_2994 = arith.constant 1 : i32
      %get3A_2995 = arith.constant 6 : i32
      %get3A_2996 = arith.index_cast %get3A_2994 : i32 to index
      %get3A_2997 = arith.index_cast %get3A_2995 : i32 to index
      %get3A_2998 = arith.constant 32 : index
      %get3A_2999 = tpu.vector_load %arg13[%get3A_2996, %get3A_2997, %get3A_2998] {strides = array<i32>} : memref<2x16x64xf32, #tpu.memory_space<vmem>>, vector<16xf32>,
      %mul3A_3000 = arith.mulf %get3A_2993, %get3A_2999 : vector<16xf32>
      %add3A_3001 = arith.addf %add3A_2987, %mul3A_3000 : vector<16xf32>
      %get3A_3002 = arith.constant 1 : i32
      %get3A_3003 = arith.constant 6 : i32
      %get3A_3004 = arith.index_cast %get3A_3002 : i32 to index
      %get3A_3005 = arith.index_cast %get3A_3003 : i32 to index
      %get3A_3006 = arith.constant 48 : index
      %get3A_3007 = tpu.vector_load %arg12[%get3A_3004, %get3A_3005, %get3A_3006] {strides = array<i32>} : memref<2x16x64xf32, #tpu.memory_space<vmem>>, vector<16xf32>,
      %get3A_3008 = arith.constant 1 : i32
      %get3A_3009 = arith.constant 6 : i32
      %get3A_3010 = arith.index_cast %get3A_3008 : i32 to index
      %get3A_3011 = arith.index_cast %get3A_3009 : i32 to index
      %get3A_3012 = arith.constant 48 : index
      %get3A_3013 = tpu.vector_load %arg13[%get3A_3010, %get3A_3011, %get3A_3012] {strides = array<i32>} : memref<2x16x64xf32, #tpu.memory_space<vmem>>, vector<16xf32>,
      %mul3A_3014 = arith.mulf %get3A_3007, %get3A_3013 : vector<16xf32>
      %add3A_3015 = arith.addf %add3A_3001, %mul3A_3014 : vector<16xf32>
      %swap3A_3016 = arith.constant 102 : index
      %swap3A_3017 = tpu.vector_load %arg18[%swap3A_3016] {strides = array<i32>} : memref<272xf32, #tpu.memory_space<vmem>>, vector<16xf32>,
      tpu.vector_store %arg18[%swap3A_3016], %add3A_3015 {strides = array<i32>} : memref<272xf32, #tpu.memory_space<vmem>>, vector<16xf32>,
      %get3A_3018 = arith.constant 1 : i32
      %get3A_3019 = arith.constant 7 : i32
      %get3A_3020 = arith.index_cast %get3A_3018 : i32 to index
      %get3A_3021 = arith.index_cast %get3A_3019 : i32 to index
      %get3A_3022 = arith.constant 0 : index
      %get3A_3023 = tpu.vector_load %arg12[%get3A_3020, %get3A_3021, %get3A_3022] {strides = array<i32>} : memref<2x16x64xf32, #tpu.memory_space<vmem>>, vector<16xf32>,
      %get3A_3024 = arith.constant 1 : i32
      %get3A_3025 = arith.constant 7 : i32
      %get3A_3026 = arith.index_cast %get3A_3024 : i32 to index
      %get3A_3027 = arith.index_cast %get3A_3025 : i32 to index
      %get3A_3028 = arith.constant 0 : index
      %get3A_3029 = tpu.vector_load %arg13[%get3A_3026, %get3A_3027, %get3A_3028] {strides = array<i32>} : memref<2x16x64xf32, #tpu.memory_space<vmem>>, vector<16xf32>,
      %mul3A_3030 = arith.mulf %get3A_3023, %get3A_3029 : vector<16xf32>
      %get3A_3031 = arith.constant 1 : i32
      %get3A_3032 = arith.constant 7 : i32
      %get3A_3033 = arith.index_cast %get3A_3031 : i32 to index
      %get3A_3034 = arith.index_cast %get3A_3032 : i32 to index
      %get3A_3035 = arith.constant 16 : index
      %get3A_3036 = tpu.vector_load %arg12[%get3A_3033, %get3A_3034, %get3A_3035] {strides = array<i32>} : memref<2x16x64xf32, #tpu.memory_space<vmem>>, vector<16xf32>,
      %get3A_3037 = arith.constant 1 : i32
      %get3A_3038 = arith.constant 7 : i32
      %get3A_3039 = arith.index_cast %get3A_3037 : i32 to index
      %get3A_3040 = arith.index_cast %get3A_3038 : i32 to index
      %get3A_3041 = arith.constant 16 : index
      %get3A_3042 = tpu.vector_load %arg13[%get3A_3039, %get3A_3040, %get3A_3041] {strides = array<i32>} : memref<2x16x64xf32, #tpu.memory_space<vmem>>, vector<16xf32>,
      %mul3A_3043 = arith.mulf %get3A_3036, %get3A_3042 : vector<16xf32>
      %add3A_3044 = arith.addf %mul3A_3030, %mul3A_3043 : vector<16xf32>
      %get3A_3045 = arith.constant 1 : i32
      %get3A_3046 = arith.constant 7 : i32
      %get3A_3047 = arith.index_cast %get3A_3045 : i32 to index
      %get3A_3048 = arith.index_cast %get3A_3046 : i32 to index
      %get3A_3049 = arith.constant 32 : index
      %get3A_3050 = tpu.vector_load %arg12[%get3A_3047, %get3A_3048, %get3A_3049] {strides = array<i32>} : memref<2x16x64xf32, #tpu.memory_space<vmem>>, vector<16xf32>,
      %get3A_3051 = arith.constant 1 : i32
      %get3A_3052 = arith.constant 7 : i32
      %get3A_3053 = arith.index_cast %get3A_3051 : i32 to index
      %get3A_3054 = arith.index_cast %get3A_3052 : i32 to index
      %get3A_3055 = arith.constant 32 : index
      %get3A_3056 = tpu.vector_load %arg13[%get3A_3053, %get3A_3054, %get3A_3055] {strides = array<i32>} : memref<2x16x64xf32, #tpu.memory_space<vmem>>, vector<16xf32>,
      %mul3A_3057 = arith.mulf %get3A_3050, %get3A_3056 : vector<16xf32>
      %add3A_3058 = arith.addf %add3A_3044, %mul3A_3057 : vector<16xf32>
      %get3A_3059 = arith.constant 1 : i32
      %get3A_3060 = arith.constant 7 : i32
      %get3A_3061 = arith.index_cast %get3A_3059 : i32 to index
      %get3A_3062 = arith.index_cast %get3A_3060 : i32 to index
      %get3A_3063 = arith.constant 48 : index
      %get3A_3064 = tpu.vector_load %arg12[%get3A_3061, %get3A_3062, %get3A_3063] {strides = array<i32>} : memref<2x16x64xf32, #tpu.memory_space<vmem>>, vector<16xf32>,
      %get3A_3065 = arith.constant 1 : i32
      %get3A_3066 = arith.constant 7 : i32
      %get3A_3067 = arith.index_cast %get3A_3065 : i32 to index
      %get3A_3068 = arith.index_cast %get3A_3066 : i32 to index
      %get3A_3069 = arith.constant 48 : index
      %get3A_3070 = tpu.vector_load %arg13[%get3A_3067, %get3A_3068, %get3A_3069] {strides = array<i32>} : memref<2x16x64xf32, #tpu.memory_space<vmem>>, vector<16xf32>,
      %mul3A_3071 = arith.mulf %get3A_3064, %get3A_3070 : vector<16xf32>
      %add3A_3072 = arith.addf %add3A_3058, %mul3A_3071 : vector<16xf32>
      %swap3A_3073 = arith.constant 119 : index
      %swap3A_3074 = tpu.vector_load %arg18[%swap3A_3073] {strides = array<i32>} : memref<272xf32, #tpu.memory_space<vmem>>, vector<16xf32>,
      tpu.vector_store %arg18[%swap3A_3073], %add3A_3072 {strides = array<i32>} : memref<272xf32, #tpu.memory_space<vmem>>, vector<16xf32>,
      %get3A_3075 = arith.constant 1 : i32
      %get3A_3076 = arith.constant 8 : i32
      %get3A_3077 = arith.index_cast %get3A_3075 : i32 to index
      %get3A_3078 = arith.index_cast %get3A_3076 : i32 to index
      %get3A_3079 = arith.constant 0 : index
      %get3A_3080 = tpu.vector_load %arg12[%get3A_3077, %get3A_3078, %get3A_3079] {strides = array<i32>} : memref<2x16x64xf32, #tpu.memory_space<vmem>>, vector<16xf32>,
      %get3A_3081 = arith.constant 1 : i32
      %get3A_3082 = arith.constant 8 : i32
      %get3A_3083 = arith.index_cast %get3A_3081 : i32 to index
      %get3A_3084 = arith.index_cast %get3A_3082 : i32 to index
      %get3A_3085 = arith.constant 0 : index
      %get3A_3086 = tpu.vector_load %arg13[%get3A_3083, %get3A_3084, %get3A_3085] {strides = array<i32>} : memref<2x16x64xf32, #tpu.memory_space<vmem>>, vector<16xf32>,
      %mul3A_3087 = arith.mulf %get3A_3080, %get3A_3086 : vector<16xf32>
      %get3A_3088 = arith.constant 1 : i32
      %get3A_3089 = arith.constant 8 : i32
      %get3A_3090 = arith.index_cast %get3A_3088 : i32 to index
      %get3A_3091 = arith.index_cast %get3A_3089 : i32 to index
      %get3A_3092 = arith.constant 16 : index
      %get3A_3093 = tpu.vector_load %arg12[%get3A_3090, %get3A_3091, %get3A_3092] {strides = array<i32>} : memref<2x16x64xf32, #tpu.memory_space<vmem>>, vector<16xf32>,
      %get3A_3094 = arith.constant 1 : i32
      %get3A_3095 = arith.constant 8 : i32
      %get3A_3096 = arith.index_cast %get3A_3094 : i32 to index
      %get3A_3097 = arith.index_cast %get3A_3095 : i32 to index
      %get3A_3098 = arith.constant 16 : index
      %get3A_3099 = tpu.vector_load %arg13[%get3A_3096, %get3A_3097, %get3A_3098] {strides = array<i32>} : memref<2x16x64xf32, #tpu.memory_space<vmem>>, vector<16xf32>,
      %mul3A_3100 = arith.mulf %get3A_3093, %get3A_3099 : vector<16xf32>
      %add3A_3101 = arith.addf %mul3A_3087, %mul3A_3100 : vector<16xf32>
      %get3A_3102 = arith.constant 1 : i32
      %get3A_3103 = arith.constant 8 : i32
      %get3A_3104 = arith.index_cast %get3A_3102 : i32 to index
      %get3A_3105 = arith.index_cast %get3A_3103 : i32 to index
      %get3A_3106 = arith.constant 32 : index
      %get3A_3107 = tpu.vector_load %arg12[%get3A_3104, %get3A_3105, %get3A_3106] {strides = array<i32>} : memref<2x16x64xf32, #tpu.memory_space<vmem>>, vector<16xf32>,
      %get3A_3108 = arith.constant 1 : i32
      %get3A_3109 = arith.constant 8 : i32
      %get3A_3110 = arith.index_cast %get3A_3108 : i32 to index
      %get3A_3111 = arith.index_cast %get3A_3109 : i32 to index
      %get3A_3112 = arith.constant 32 : index
      %get3A_3113 = tpu.vector_load %arg13[%get3A_3110, %get3A_3111, %get3A_3112] {strides = array<i32>} : memref<2x16x64xf32, #tpu.memory_space<vmem>>, vector<16xf32>,
      %mul3A_3114 = arith.mulf %get3A_3107, %get3A_3113 : vector<16xf32>
      %add3A_3115 = arith.addf %add3A_3101, %mul3A_3114 : vector<16xf32>
      %get3A_3116 = arith.constant 1 : i32
      %get3A_3117 = arith.constant 8 : i32
      %get3A_3118 = arith.index_cast %get3A_3116 : i32 to index
      %get3A_3119 = arith.index_cast %get3A_3117 : i32 to index
      %get3A_3120 = arith.constant 48 : index
      %get3A_3121 = tpu.vector_load %arg12[%get3A_3118, %get3A_3119, %get3A_3120] {strides = array<i32>} : memref<2x16x64xf32, #tpu.memory_space<vmem>>, vector<16xf32>,
      %get3A_3122 = arith.constant 1 : i32
      %get3A_3123 = arith.constant 8 : i32
      %get3A_3124 = arith.index_cast %get3A_3122 : i32 to index
      %get3A_3125 = arith.index_cast %get3A_3123 : i32 to index
      %get3A_3126 = arith.constant 48 : index
      %get3A_3127 = tpu.vector_load %arg13[%get3A_3124, %get3A_3125, %get3A_3126] {strides = array<i32>} : memref<2x16x64xf32, #tpu.memory_space<vmem>>, vector<16xf32>,
      %mul3A_3128 = arith.mulf %get3A_3121, %get3A_3127 : vector<16xf32>
      %add3A_3129 = arith.addf %add3A_3115, %mul3A_3128 : vector<16xf32>
      %swap3A_3130 = arith.constant 136 : index
      %swap3A_3131 = tpu.vector_load %arg18[%swap3A_3130] {strides = array<i32>} : memref<272xf32, #tpu.memory_space<vmem>>, vector<16xf32>,
      tpu.vector_store %arg18[%swap3A_3130], %add3A_3129 {strides = array<i32>} : memref<272xf32, #tpu.memory_space<vmem>>, vector<16xf32>,
      %get3A_3132 = arith.constant 1 : i32
      %get3A_3133 = arith.constant 9 : i32
      %get3A_3134 = arith.index_cast %get3A_3132 : i32 to index
      %get3A_3135 = arith.index_cast %get3A_3133 : i32 to index
      %get3A_3136 = arith.constant 0 : index
      %get3A_3137 = tpu.vector_load %arg12[%get3A_3134, %get3A_3135, %get3A_3136] {strides = array<i32>} : memref<2x16x64xf32, #tpu.memory_space<vmem>>, vector<16xf32>,
      %get3A_3138 = arith.constant 1 : i32
      %get3A_3139 = arith.constant 9 : i32
      %get3A_3140 = arith.index_cast %get3A_3138 : i32 to index
      %get3A_3141 = arith.index_cast %get3A_3139 : i32 to index
      %get3A_3142 = arith.constant 0 : index
      %get3A_3143 = tpu.vector_load %arg13[%get3A_3140, %get3A_3141, %get3A_3142] {strides = array<i32>} : memref<2x16x64xf32, #tpu.memory_space<vmem>>, vector<16xf32>,
      %mul3A_3144 = arith.mulf %get3A_3137, %get3A_3143 : vector<16xf32>
      %get3A_3145 = arith.constant 1 : i32
      %get3A_3146 = arith.constant 9 : i32
      %get3A_3147 = arith.index_cast %get3A_3145 : i32 to index
      %get3A_3148 = arith.index_cast %get3A_3146 : i32 to index
      %get3A_3149 = arith.constant 16 : index
      %get3A_3150 = tpu.vector_load %arg12[%get3A_3147, %get3A_3148, %get3A_3149] {strides = array<i32>} : memref<2x16x64xf32, #tpu.memory_space<vmem>>, vector<16xf32>,
      %get3A_3151 = arith.constant 1 : i32
      %get3A_3152 = arith.constant 9 : i32
      %get3A_3153 = arith.index_cast %get3A_3151 : i32 to index
      %get3A_3154 = arith.index_cast %get3A_3152 : i32 to index
      %get3A_3155 = arith.constant 16 : index
      %get3A_3156 = tpu.vector_load %arg13[%get3A_3153, %get3A_3154, %get3A_3155] {strides = array<i32>} : memref<2x16x64xf32, #tpu.memory_space<vmem>>, vector<16xf32>,
      %mul3A_3157 = arith.mulf %get3A_3150, %get3A_3156 : vector<16xf32>
      %add3A_3158 = arith.addf %mul3A_3144, %mul3A_3157 : vector<16xf32>
      %get3A_3159 = arith.constant 1 : i32
      %get3A_3160 = arith.constant 9 : i32
      %get3A_3161 = arith.index_cast %get3A_3159 : i32 to index
      %get3A_3162 = arith.index_cast %get3A_3160 : i32 to index
      %get3A_3163 = arith.constant 32 : index
      %get3A_3164 = tpu.vector_load %arg12[%get3A_3161, %get3A_3162, %get3A_3163] {strides = array<i32>} : memref<2x16x64xf32, #tpu.memory_space<vmem>>, vector<16xf32>,
      %get3A_3165 = arith.constant 1 : i32
      %get3A_3166 = arith.constant 9 : i32
      %get3A_3167 = arith.index_cast %get3A_3165 : i32 to index
      %get3A_3168 = arith.index_cast %get3A_3166 : i32 to index
      %get3A_3169 = arith.constant 32 : index
      %get3A_3170 = tpu.vector_load %arg13[%get3A_3167, %get3A_3168, %get3A_3169] {strides = array<i32>} : memref<2x16x64xf32, #tpu.memory_space<vmem>>, vector<16xf32>,
      %mul3A_3171 = arith.mulf %get3A_3164, %get3A_3170 : vector<16xf32>
      %add3A_3172 = arith.addf %add3A_3158, %mul3A_3171 : vector<16xf32>
      %get3A_3173 = arith.constant 1 : i32
      %get3A_3174 = arith.constant 9 : i32
      %get3A_3175 = arith.index_cast %get3A_3173 : i32 to index
      %get3A_3176 = arith.index_cast %get3A_3174 : i32 to index
      %get3A_3177 = arith.constant 48 : index
      %get3A_3178 = tpu.vector_load %arg12[%get3A_3175, %get3A_3176, %get3A_3177] {strides = array<i32>} : memref<2x16x64xf32, #tpu.memory_space<vmem>>, vector<16xf32>,
      %get3A_3179 = arith.constant 1 : i32
      %get3A_3180 = arith.constant 9 : i32
      %get3A_3181 = arith.index_cast %get3A_3179 : i32 to index
      %get3A_3182 = arith.index_cast %get3A_3180 : i32 to index
      %get3A_3183 = arith.constant 48 : index
      %get3A_3184 = tpu.vector_load %arg13[%get3A_3181, %get3A_3182, %get3A_3183] {strides = array<i32>} : memref<2x16x64xf32, #tpu.memory_space<vmem>>, vector<16xf32>,
      %mul3A_3185 = arith.mulf %get3A_3178, %get3A_3184 : vector<16xf32>
      %add3A_3186 = arith.addf %add3A_3172, %mul3A_3185 : vector<16xf32>
      %swap3A_3187 = arith.constant 153 : index
      %swap3A_3188 = tpu.vector_load %arg18[%swap3A_3187] {strides = array<i32>} : memref<272xf32, #tpu.memory_space<vmem>>, vector<16xf32>,
      tpu.vector_store %arg18[%swap3A_3187], %add3A_3186 {strides = array<i32>} : memref<272xf32, #tpu.memory_space<vmem>>, vector<16xf32>,
      %get3A_3189 = arith.constant 1 : i32
      %get3A_3190 = arith.constant 10 : i32
      %get3A_3191 = arith.index_cast %get3A_3189 : i32 to index
      %get3A_3192 = arith.index_cast %get3A_3190 : i32 to index
      %get3A_3193 = arith.constant 0 : index
      %get3A_3194 = tpu.vector_load %arg12[%get3A_3191, %get3A_3192, %get3A_3193] {strides = array<i32>} : memref<2x16x64xf32, #tpu.memory_space<vmem>>, vector<16xf32>,
      %get3A_3195 = arith.constant 1 : i32
      %get3A_3196 = arith.constant 10 : i32
      %get3A_3197 = arith.index_cast %get3A_3195 : i32 to index
      %get3A_3198 = arith.index_cast %get3A_3196 : i32 to index
      %get3A_3199 = arith.constant 0 : index
      %get3A_3200 = tpu.vector_load %arg13[%get3A_3197, %get3A_3198, %get3A_3199] {strides = array<i32>} : memref<2x16x64xf32, #tpu.memory_space<vmem>>, vector<16xf32>,
      %mul3A_3201 = arith.mulf %get3A_3194, %get3A_3200 : vector<16xf32>
      %get3A_3202 = arith.constant 1 : i32
      %get3A_3203 = arith.constant 10 : i32
      %get3A_3204 = arith.index_cast %get3A_3202 : i32 to index
      %get3A_3205 = arith.index_cast %get3A_3203 : i32 to index
      %get3A_3206 = arith.constant 16 : index
      %get3A_3207 = tpu.vector_load %arg12[%get3A_3204, %get3A_3205, %get3A_3206] {strides = array<i32>} : memref<2x16x64xf32, #tpu.memory_space<vmem>>, vector<16xf32>,
      %get3A_3208 = arith.constant 1 : i32
      %get3A_3209 = arith.constant 10 : i32
      %get3A_3210 = arith.index_cast %get3A_3208 : i32 to index
      %get3A_3211 = arith.index_cast %get3A_3209 : i32 to index
      %get3A_3212 = arith.constant 16 : index
      %get3A_3213 = tpu.vector_load %arg13[%get3A_3210, %get3A_3211, %get3A_3212] {strides = array<i32>} : memref<2x16x64xf32, #tpu.memory_space<vmem>>, vector<16xf32>,
      %mul3A_3214 = arith.mulf %get3A_3207, %get3A_3213 : vector<16xf32>
      %add3A_3215 = arith.addf %mul3A_3201, %mul3A_3214 : vector<16xf32>
      %get3A_3216 = arith.constant 1 : i32
      %get3A_3217 = arith.constant 10 : i32
      %get3A_3218 = arith.index_cast %get3A_3216 : i32 to index
      %get3A_3219 = arith.index_cast %get3A_3217 : i32 to index
      %get3A_3220 = arith.constant 32 : index
      %get3A_3221 = tpu.vector_load %arg12[%get3A_3218, %get3A_3219, %get3A_3220] {strides = array<i32>} : memref<2x16x64xf32, #tpu.memory_space<vmem>>, vector<16xf32>,
      %get3A_3222 = arith.constant 1 : i32
      %get3A_3223 = arith.constant 10 : i32
      %get3A_3224 = arith.index_cast %get3A_3222 : i32 to index
      %get3A_3225 = arith.index_cast %get3A_3223 : i32 to index
      %get3A_3226 = arith.constant 32 : index
      %get3A_3227 = tpu.vector_load %arg13[%get3A_3224, %get3A_3225, %get3A_3226] {strides = array<i32>} : memref<2x16x64xf32, #tpu.memory_space<vmem>>, vector<16xf32>,
      %mul3A_3228 = arith.mulf %get3A_3221, %get3A_3227 : vector<16xf32>
      %add3A_3229 = arith.addf %add3A_3215, %mul3A_3228 : vector<16xf32>
      %get3A_3230 = arith.constant 1 : i32
      %get3A_3231 = arith.constant 10 : i32
      %get3A_3232 = arith.index_cast %get3A_3230 : i32 to index
      %get3A_3233 = arith.index_cast %get3A_3231 : i32 to index
      %get3A_3234 = arith.constant 48 : index
      %get3A_3235 = tpu.vector_load %arg12[%get3A_3232, %get3A_3233, %get3A_3234] {strides = array<i32>} : memref<2x16x64xf32, #tpu.memory_space<vmem>>, vector<16xf32>,
      %get3A_3236 = arith.constant 1 : i32
      %get3A_3237 = arith.constant 10 : i32
      %get3A_3238 = arith.index_cast %get3A_3236 : i32 to index
      %get3A_3239 = arith.index_cast %get3A_3237 : i32 to index
      %get3A_3240 = arith.constant 48 : index
      %get3A_3241 = tpu.vector_load %arg13[%get3A_3238, %get3A_3239, %get3A_3240] {strides = array<i32>} : memref<2x16x64xf32, #tpu.memory_space<vmem>>, vector<16xf32>,
      %mul3A_3242 = arith.mulf %get3A_3235, %get3A_3241 : vector<16xf32>
      %add3A_3243 = arith.addf %add3A_3229, %mul3A_3242 : vector<16xf32>
      %swap3A_3244 = arith.constant 170 : index
      %swap3A_3245 = tpu.vector_load %arg18[%swap3A_3244] {strides = array<i32>} : memref<272xf32, #tpu.memory_space<vmem>>, vector<16xf32>,
      tpu.vector_store %arg18[%swap3A_3244], %add3A_3243 {strides = array<i32>} : memref<272xf32, #tpu.memory_space<vmem>>, vector<16xf32>,
      %get3A_3246 = arith.constant 1 : i32
      %get3A_3247 = arith.constant 11 : i32
      %get3A_3248 = arith.index_cast %get3A_3246 : i32 to index
      %get3A_3249 = arith.index_cast %get3A_3247 : i32 to index
      %get3A_3250 = arith.constant 0 : index
      %get3A_3251 = tpu.vector_load %arg12[%get3A_3248, %get3A_3249, %get3A_3250] {strides = array<i32>} : memref<2x16x64xf32, #tpu.memory_space<vmem>>, vector<16xf32>,
      %get3A_3252 = arith.constant 1 : i32
      %get3A_3253 = arith.constant 11 : i32
      %get3A_3254 = arith.index_cast %get3A_3252 : i32 to index
      %get3A_3255 = arith.index_cast %get3A_3253 : i32 to index
      %get3A_3256 = arith.constant 0 : index
      %get3A_3257 = tpu.vector_load %arg13[%get3A_3254, %get3A_3255, %get3A_3256] {strides = array<i32>} : memref<2x16x64xf32, #tpu.memory_space<vmem>>, vector<16xf32>,
      %mul3A_3258 = arith.mulf %get3A_3251, %get3A_3257 : vector<16xf32>
      %get3A_3259 = arith.constant 1 : i32
      %get3A_3260 = arith.constant 11 : i32
      %get3A_3261 = arith.index_cast %get3A_3259 : i32 to index
      %get3A_3262 = arith.index_cast %get3A_3260 : i32 to index
      %get3A_3263 = arith.constant 16 : index
      %get3A_3264 = tpu.vector_load %arg12[%get3A_3261, %get3A_3262, %get3A_3263] {strides = array<i32>} : memref<2x16x64xf32, #tpu.memory_space<vmem>>, vector<16xf32>,
      %get3A_3265 = arith.constant 1 : i32
      %get3A_3266 = arith.constant 11 : i32
      %get3A_3267 = arith.index_cast %get3A_3265 : i32 to index
      %get3A_3268 = arith.index_cast %get3A_3266 : i32 to index
      %get3A_3269 = arith.constant 16 : index
      %get3A_3270 = tpu.vector_load %arg13[%get3A_3267, %get3A_3268, %get3A_3269] {strides = array<i32>} : memref<2x16x64xf32, #tpu.memory_space<vmem>>, vector<16xf32>,
      %mul3A_3271 = arith.mulf %get3A_3264, %get3A_3270 : vector<16xf32>
      %add3A_3272 = arith.addf %mul3A_3258, %mul3A_3271 : vector<16xf32>
      %get3A_3273 = arith.constant 1 : i32
      %get3A_3274 = arith.constant 11 : i32
      %get3A_3275 = arith.index_cast %get3A_3273 : i32 to index
      %get3A_3276 = arith.index_cast %get3A_3274 : i32 to index
      %get3A_3277 = arith.constant 32 : index
      %get3A_3278 = tpu.vector_load %arg12[%get3A_3275, %get3A_3276, %get3A_3277] {strides = array<i32>} : memref<2x16x64xf32, #tpu.memory_space<vmem>>, vector<16xf32>,
      %get3A_3279 = arith.constant 1 : i32
      %get3A_3280 = arith.constant 11 : i32
      %get3A_3281 = arith.index_cast %get3A_3279 : i32 to index
      %get3A_3282 = arith.index_cast %get3A_3280 : i32 to index
      %get3A_3283 = arith.constant 32 : index
      %get3A_3284 = tpu.vector_load %arg13[%get3A_3281, %get3A_3282, %get3A_3283] {strides = array<i32>} : memref<2x16x64xf32, #tpu.memory_space<vmem>>, vector<16xf32>,
      %mul3A_3285 = arith.mulf %get3A_3278, %get3A_3284 : vector<16xf32>
      %add3A_3286 = arith.addf %add3A_3272, %mul3A_3285 : vector<16xf32>
      %get3A_3287 = arith.constant 1 : i32
      %get3A_3288 = arith.constant 11 : i32
      %get3A_3289 = arith.index_cast %get3A_3287 : i32 to index
      %get3A_3290 = arith.index_cast %get3A_3288 : i32 to index
      %get3A_3291 = arith.constant 48 : index
      %get3A_3292 = tpu.vector_load %arg12[%get3A_3289, %get3A_3290, %get3A_3291] {strides = array<i32>} : memref<2x16x64xf32, #tpu.memory_space<vmem>>, vector<16xf32>,
      %get3A_3293 = arith.constant 1 : i32
      %get3A_3294 = arith.constant 11 : i32
      %get3A_3295 = arith.index_cast %get3A_3293 : i32 to index
      %get3A_3296 = arith.index_cast %get3A_3294 : i32 to index
      %get3A_3297 = arith.constant 48 : index
      %get3A_3298 = tpu.vector_load %arg13[%get3A_3295, %get3A_3296, %get3A_3297] {strides = array<i32>} : memref<2x16x64xf32, #tpu.memory_space<vmem>>, vector<16xf32>,
      %mul3A_3299 = arith.mulf %get3A_3292, %get3A_3298 : vector<16xf32>
      %add3A_3300 = arith.addf %add3A_3286, %mul3A_3299 : vector<16xf32>
      %swap3A_3301 = arith.constant 187 : index
      %swap3A_3302 = tpu.vector_load %arg18[%swap3A_3301] {strides = array<i32>} : memref<272xf32, #tpu.memory_space<vmem>>, vector<16xf32>,
      tpu.vector_store %arg18[%swap3A_3301], %add3A_3300 {strides = array<i32>} : memref<272xf32, #tpu.memory_space<vmem>>, vector<16xf32>,
      %get3A_3303 = arith.constant 1 : i32
      %get3A_3304 = arith.constant 12 : i32
      %get3A_3305 = arith.index_cast %get3A_3303 : i32 to index
      %get3A_3306 = arith.index_cast %get3A_3304 : i32 to index
      %get3A_3307 = arith.constant 0 : index
      %get3A_3308 = tpu.vector_load %arg12[%get3A_3305, %get3A_3306, %get3A_3307] {strides = array<i32>} : memref<2x16x64xf32, #tpu.memory_space<vmem>>, vector<16xf32>,
      %get3A_3309 = arith.constant 1 : i32
      %get3A_3310 = arith.constant 12 : i32
      %get3A_3311 = arith.index_cast %get3A_3309 : i32 to index
      %get3A_3312 = arith.index_cast %get3A_3310 : i32 to index
      %get3A_3313 = arith.constant 0 : index
      %get3A_3314 = tpu.vector_load %arg13[%get3A_3311, %get3A_3312, %get3A_3313] {strides = array<i32>} : memref<2x16x64xf32, #tpu.memory_space<vmem>>, vector<16xf32>,
      %mul3A_3315 = arith.mulf %get3A_3308, %get3A_3314 : vector<16xf32>
      %get3A_3316 = arith.constant 1 : i32
      %get3A_3317 = arith.constant 12 : i32
      %get3A_3318 = arith.index_cast %get3A_3316 : i32 to index
      %get3A_3319 = arith.index_cast %get3A_3317 : i32 to index
      %get3A_3320 = arith.constant 16 : index
      %get3A_3321 = tpu.vector_load %arg12[%get3A_3318, %get3A_3319, %get3A_3320] {strides = array<i32>} : memref<2x16x64xf32, #tpu.memory_space<vmem>>, vector<16xf32>,
      %get3A_3322 = arith.constant 1 : i32
      %get3A_3323 = arith.constant 12 : i32
      %get3A_3324 = arith.index_cast %get3A_3322 : i32 to index
      %get3A_3325 = arith.index_cast %get3A_3323 : i32 to index
      %get3A_3326 = arith.constant 16 : index
      %get3A_3327 = tpu.vector_load %arg13[%get3A_3324, %get3A_3325, %get3A_3326] {strides = array<i32>} : memref<2x16x64xf32, #tpu.memory_space<vmem>>, vector<16xf32>,
      %mul3A_3328 = arith.mulf %get3A_3321, %get3A_3327 : vector<16xf32>
      %add3A_3329 = arith.addf %mul3A_3315, %mul3A_3328 : vector<16xf32>
      %get3A_3330 = arith.constant 1 : i32
      %get3A_3331 = arith.constant 12 : i32
      %get3A_3332 = arith.index_cast %get3A_3330 : i32 to index
      %get3A_3333 = arith.index_cast %get3A_3331 : i32 to index
      %get3A_3334 = arith.constant 32 : index
      %get3A_3335 = tpu.vector_load %arg12[%get3A_3332, %get3A_3333, %get3A_3334] {strides = array<i32>} : memref<2x16x64xf32, #tpu.memory_space<vmem>>, vector<16xf32>,
      %get3A_3336 = arith.constant 1 : i32
      %get3A_3337 = arith.constant 12 : i32
      %get3A_3338 = arith.index_cast %get3A_3336 : i32 to index
      %get3A_3339 = arith.index_cast %get3A_3337 : i32 to index
      %get3A_3340 = arith.constant 32 : index
      %get3A_3341 = tpu.vector_load %arg13[%get3A_3338, %get3A_3339, %get3A_3340] {strides = array<i32>} : memref<2x16x64xf32, #tpu.memory_space<vmem>>, vector<16xf32>,
      %mul3A_3342 = arith.mulf %get3A_3335, %get3A_3341 : vector<16xf32>
      %add3A_3343 = arith.addf %add3A_3329, %mul3A_3342 : vector<16xf32>
      %get3A_3344 = arith.constant 1 : i32
      %get3A_3345 = arith.constant 12 : i32
      %get3A_3346 = arith.index_cast %get3A_3344 : i32 to index
      %get3A_3347 = arith.index_cast %get3A_3345 : i32 to index
      %get3A_3348 = arith.constant 48 : index
      %get3A_3349 = tpu.vector_load %arg12[%get3A_3346, %get3A_3347, %get3A_3348] {strides = array<i32>} : memref<2x16x64xf32, #tpu.memory_space<vmem>>, vector<16xf32>,
      %get3A_3350 = arith.constant 1 : i32
      %get3A_3351 = arith.constant 12 : i32
      %get3A_3352 = arith.index_cast %get3A_3350 : i32 to index
      %get3A_3353 = arith.index_cast %get3A_3351 : i32 to index
      %get3A_3354 = arith.constant 48 : index
      %get3A_3355 = tpu.vector_load %arg13[%get3A_3352, %get3A_3353, %get3A_3354] {strides = array<i32>} : memref<2x16x64xf32, #tpu.memory_space<vmem>>, vector<16xf32>,
      %mul3A_3356 = arith.mulf %get3A_3349, %get3A_3355 : vector<16xf32>
      %add3A_3357 = arith.addf %add3A_3343, %mul3A_3356 : vector<16xf32>
      %swap3A_3358 = arith.constant 204 : index
      %swap3A_3359 = tpu.vector_load %arg18[%swap3A_3358] {strides = array<i32>} : memref<272xf32, #tpu.memory_space<vmem>>, vector<16xf32>,
      tpu.vector_store %arg18[%swap3A_3358], %add3A_3357 {strides = array<i32>} : memref<272xf32, #tpu.memory_space<vmem>>, vector<16xf32>,
      %get3A_3360 = arith.constant 1 : i32
      %get3A_3361 = arith.constant 13 : i32
      %get3A_3362 = arith.index_cast %get3A_3360 : i32 to index
      %get3A_3363 = arith.index_cast %get3A_3361 : i32 to index
      %get3A_3364 = arith.constant 0 : index
      %get3A_3365 = tpu.vector_load %arg12[%get3A_3362, %get3A_3363, %get3A_3364] {strides = array<i32>} : memref<2x16x64xf32, #tpu.memory_space<vmem>>, vector<16xf32>,
      %get3A_3366 = arith.constant 1 : i32
      %get3A_3367 = arith.constant 13 : i32
      %get3A_3368 = arith.index_cast %get3A_3366 : i32 to index
      %get3A_3369 = arith.index_cast %get3A_3367 : i32 to index
      %get3A_3370 = arith.constant 0 : index
      %get3A_3371 = tpu.vector_load %arg13[%get3A_3368, %get3A_3369, %get3A_3370] {strides = array<i32>} : memref<2x16x64xf32, #tpu.memory_space<vmem>>, vector<16xf32>,
      %mul3A_3372 = arith.mulf %get3A_3365, %get3A_3371 : vector<16xf32>
      %get3A_3373 = arith.constant 1 : i32
      %get3A_3374 = arith.constant 13 : i32
      %get3A_3375 = arith.index_cast %get3A_3373 : i32 to index
      %get3A_3376 = arith.index_cast %get3A_3374 : i32 to index
      %get3A_3377 = arith.constant 16 : index
      %get3A_3378 = tpu.vector_load %arg12[%get3A_3375, %get3A_3376, %get3A_3377] {strides = array<i32>} : memref<2x16x64xf32, #tpu.memory_space<vmem>>, vector<16xf32>,
      %get3A_3379 = arith.constant 1 : i32
      %get3A_3380 = arith.constant 13 : i32
      %get3A_3381 = arith.index_cast %get3A_3379 : i32 to index
      %get3A_3382 = arith.index_cast %get3A_3380 : i32 to index
      %get3A_3383 = arith.constant 16 : index
      %get3A_3384 = tpu.vector_load %arg13[%get3A_3381, %get3A_3382, %get3A_3383] {strides = array<i32>} : memref<2x16x64xf32, #tpu.memory_space<vmem>>, vector<16xf32>,
      %mul3A_3385 = arith.mulf %get3A_3378, %get3A_3384 : vector<16xf32>
      %add3A_3386 = arith.addf %mul3A_3372, %mul3A_3385 : vector<16xf32>
      %get3A_3387 = arith.constant 1 : i32
      %get3A_3388 = arith.constant 13 : i32
      %get3A_3389 = arith.index_cast %get3A_3387 : i32 to index
      %get3A_3390 = arith.index_cast %get3A_3388 : i32 to index
      %get3A_3391 = arith.constant 32 : index
      %get3A_3392 = tpu.vector_load %arg12[%get3A_3389, %get3A_3390, %get3A_3391] {strides = array<i32>} : memref<2x16x64xf32, #tpu.memory_space<vmem>>, vector<16xf32>,
      %get3A_3393 = arith.constant 1 : i32
      %get3A_3394 = arith.constant 13 : i32
      %get3A_3395 = arith.index_cast %get3A_3393 : i32 to index
      %get3A_3396 = arith.index_cast %get3A_3394 : i32 to index
      %get3A_3397 = arith.constant 32 : index
      %get3A_3398 = tpu.vector_load %arg13[%get3A_3395, %get3A_3396, %get3A_3397] {strides = array<i32>} : memref<2x16x64xf32, #tpu.memory_space<vmem>>, vector<16xf32>,
      %mul3A_3399 = arith.mulf %get3A_3392, %get3A_3398 : vector<16xf32>
      %add3A_3400 = arith.addf %add3A_3386, %mul3A_3399 : vector<16xf32>
      %get3A_3401 = arith.constant 1 : i32
      %get3A_3402 = arith.constant 13 : i32
      %get3A_3403 = arith.index_cast %get3A_3401 : i32 to index
      %get3A_3404 = arith.index_cast %get3A_3402 : i32 to index
      %get3A_3405 = arith.constant 48 : index
      %get3A_3406 = tpu.vector_load %arg12[%get3A_3403, %get3A_3404, %get3A_3405] {strides = array<i32>} : memref<2x16x64xf32, #tpu.memory_space<vmem>>, vector<16xf32>,
      %get3A_3407 = arith.constant 1 : i32
      %get3A_3408 = arith.constant 13 : i32
      %get3A_3409 = arith.index_cast %get3A_3407 : i32 to index
      %get3A_3410 = arith.index_cast %get3A_3408 : i32 to index
      %get3A_3411 = arith.constant 48 : index
      %get3A_3412 = tpu.vector_load %arg13[%get3A_3409, %get3A_3410, %get3A_3411] {strides = array<i32>} : memref<2x16x64xf32, #tpu.memory_space<vmem>>, vector<16xf32>,
      %mul3A_3413 = arith.mulf %get3A_3406, %get3A_3412 : vector<16xf32>
      %add3A_3414 = arith.addf %add3A_3400, %mul3A_3413 : vector<16xf32>
      %swap3A_3415 = arith.constant 221 : index
      %swap3A_3416 = tpu.vector_load %arg18[%swap3A_3415] {strides = array<i32>} : memref<272xf32, #tpu.memory_space<vmem>>, vector<16xf32>,
      tpu.vector_store %arg18[%swap3A_3415], %add3A_3414 {strides = array<i32>} : memref<272xf32, #tpu.memory_space<vmem>>, vector<16xf32>,
      %get3A_3417 = arith.constant 1 : i32
      %get3A_3418 = arith.constant 14 : i32
      %get3A_3419 = arith.index_cast %get3A_3417 : i32 to index
      %get3A_3420 = arith.index_cast %get3A_3418 : i32 to index
      %get3A_3421 = arith.constant 0 : index
      %get3A_3422 = tpu.vector_load %arg12[%get3A_3419, %get3A_3420, %get3A_3421] {strides = array<i32>} : memref<2x16x64xf32, #tpu.memory_space<vmem>>, vector<16xf32>,
      %get3A_3423 = arith.constant 1 : i32
      %get3A_3424 = arith.constant 14 : i32
      %get3A_3425 = arith.index_cast %get3A_3423 : i32 to index
      %get3A_3426 = arith.index_cast %get3A_3424 : i32 to index
      %get3A_3427 = arith.constant 0 : index
      %get3A_3428 = tpu.vector_load %arg13[%get3A_3425, %get3A_3426, %get3A_3427] {strides = array<i32>} : memref<2x16x64xf32, #tpu.memory_space<vmem>>, vector<16xf32>,
      %mul3A_3429 = arith.mulf %get3A_3422, %get3A_3428 : vector<16xf32>
      %get3A_3430 = arith.constant 1 : i32
      %get3A_3431 = arith.constant 14 : i32
      %get3A_3432 = arith.index_cast %get3A_3430 : i32 to index
      %get3A_3433 = arith.index_cast %get3A_3431 : i32 to index
      %get3A_3434 = arith.constant 16 : index
      %get3A_3435 = tpu.vector_load %arg12[%get3A_3432, %get3A_3433, %get3A_3434] {strides = array<i32>} : memref<2x16x64xf32, #tpu.memory_space<vmem>>, vector<16xf32>,
      %get3A_3436 = arith.constant 1 : i32
      %get3A_3437 = arith.constant 14 : i32
      %get3A_3438 = arith.index_cast %get3A_3436 : i32 to index
      %get3A_3439 = arith.index_cast %get3A_3437 : i32 to index
      %get3A_3440 = arith.constant 16 : index
      %get3A_3441 = tpu.vector_load %arg13[%get3A_3438, %get3A_3439, %get3A_3440] {strides = array<i32>} : memref<2x16x64xf32, #tpu.memory_space<vmem>>, vector<16xf32>,
      %mul3A_3442 = arith.mulf %get3A_3435, %get3A_3441 : vector<16xf32>
      %add3A_3443 = arith.addf %mul3A_3429, %mul3A_3442 : vector<16xf32>
      %get3A_3444 = arith.constant 1 : i32
      %get3A_3445 = arith.constant 14 : i32
      %get3A_3446 = arith.index_cast %get3A_3444 : i32 to index
      %get3A_3447 = arith.index_cast %get3A_3445 : i32 to index
      %get3A_3448 = arith.constant 32 : index
      %get3A_3449 = tpu.vector_load %arg12[%get3A_3446, %get3A_3447, %get3A_3448] {strides = array<i32>} : memref<2x16x64xf32, #tpu.memory_space<vmem>>, vector<16xf32>,
      %get3A_3450 = arith.constant 1 : i32
      %get3A_3451 = arith.constant 14 : i32
      %get3A_3452 = arith.index_cast %get3A_3450 : i32 to index
      %get3A_3453 = arith.index_cast %get3A_3451 : i32 to index
      %get3A_3454 = arith.constant 32 : index
      %get3A_3455 = tpu.vector_load %arg13[%get3A_3452, %get3A_3453, %get3A_3454] {strides = array<i32>} : memref<2x16x64xf32, #tpu.memory_space<vmem>>, vector<16xf32>,
      %mul3A_3456 = arith.mulf %get3A_3449, %get3A_3455 : vector<16xf32>
      %add3A_3457 = arith.addf %add3A_3443, %mul3A_3456 : vector<16xf32>
      %get3A_3458 = arith.constant 1 : i32
      %get3A_3459 = arith.constant 14 : i32
      %get3A_3460 = arith.index_cast %get3A_3458 : i32 to index
      %get3A_3461 = arith.index_cast %get3A_3459 : i32 to index
      %get3A_3462 = arith.constant 48 : index
      %get3A_3463 = tpu.vector_load %arg12[%get3A_3460, %get3A_3461, %get3A_3462] {strides = array<i32>} : memref<2x16x64xf32, #tpu.memory_space<vmem>>, vector<16xf32>,
      %get3A_3464 = arith.constant 1 : i32
      %get3A_3465 = arith.constant 14 : i32
      %get3A_3466 = arith.index_cast %get3A_3464 : i32 to index
      %get3A_3467 = arith.index_cast %get3A_3465 : i32 to index
      %get3A_3468 = arith.constant 48 : index
      %get3A_3469 = tpu.vector_load %arg13[%get3A_3466, %get3A_3467, %get3A_3468] {strides = array<i32>} : memref<2x16x64xf32, #tpu.memory_space<vmem>>, vector<16xf32>,
      %mul3A_3470 = arith.mulf %get3A_3463, %get3A_3469 : vector<16xf32>
      %add3A_3471 = arith.addf %add3A_3457, %mul3A_3470 : vector<16xf32>
      %swap3A_3472 = arith.constant 238 : index
      %swap3A_3473 = tpu.vector_load %arg18[%swap3A_3472] {strides = array<i32>} : memref<272xf32, #tpu.memory_space<vmem>>, vector<16xf32>,
      tpu.vector_store %arg18[%swap3A_3472], %add3A_3471 {strides = array<i32>} : memref<272xf32, #tpu.memory_space<vmem>>, vector<16xf32>,
      %get3A_3474 = arith.constant 1 : i32
      %get3A_3475 = arith.constant 15 : i32
      %get3A_3476 = arith.index_cast %get3A_3474 : i32 to index
      %get3A_3477 = arith.index_cast %get3A_3475 : i32 to index
      %get3A_3478 = arith.constant 0 : index
      %get3A_3479 = tpu.vector_load %arg12[%get3A_3476, %get3A_3477, %get3A_3478] {strides = array<i32>} : memref<2x16x64xf32, #tpu.memory_space<vmem>>, vector<16xf32>,
      %get3A_3480 = arith.constant 1 : i32
      %get3A_3481 = arith.constant 15 : i32
      %get3A_3482 = arith.index_cast %get3A_3480 : i32 to index
      %get3A_3483 = arith.index_cast %get3A_3481 : i32 to index
      %get3A_3484 = arith.constant 0 : index
      %get3A_3485 = tpu.vector_load %arg13[%get3A_3482, %get3A_3483, %get3A_3484] {strides = array<i32>} : memref<2x16x64xf32, #tpu.memory_space<vmem>>, vector<16xf32>,
      %mul3A_3486 = arith.mulf %get3A_3479, %get3A_3485 : vector<16xf32>
      %get3A_3487 = arith.constant 1 : i32
      %get3A_3488 = arith.constant 15 : i32
      %get3A_3489 = arith.index_cast %get3A_3487 : i32 to index
      %get3A_3490 = arith.index_cast %get3A_3488 : i32 to index
      %get3A_3491 = arith.constant 16 : index
      %get3A_3492 = tpu.vector_load %arg12[%get3A_3489, %get3A_3490, %get3A_3491] {strides = array<i32>} : memref<2x16x64xf32, #tpu.memory_space<vmem>>, vector<16xf32>,
      %get3A_3493 = arith.constant 1 : i32
      %get3A_3494 = arith.constant 15 : i32
      %get3A_3495 = arith.index_cast %get3A_3493 : i32 to index
      %get3A_3496 = arith.index_cast %get3A_3494 : i32 to index
      %get3A_3497 = arith.constant 16 : index
      %get3A_3498 = tpu.vector_load %arg13[%get3A_3495, %get3A_3496, %get3A_3497] {strides = array<i32>} : memref<2x16x64xf32, #tpu.memory_space<vmem>>, vector<16xf32>,
      %mul3A_3499 = arith.mulf %get3A_3492, %get3A_3498 : vector<16xf32>
      %add3A_3500 = arith.addf %mul3A_3486, %mul3A_3499 : vector<16xf32>
      %get3A_3501 = arith.constant 1 : i32
      %get3A_3502 = arith.constant 15 : i32
      %get3A_3503 = arith.index_cast %get3A_3501 : i32 to index
      %get3A_3504 = arith.index_cast %get3A_3502 : i32 to index
      %get3A_3505 = arith.constant 32 : index
      %get3A_3506 = tpu.vector_load %arg12[%get3A_3503, %get3A_3504, %get3A_3505] {strides = array<i32>} : memref<2x16x64xf32, #tpu.memory_space<vmem>>, vector<16xf32>,
      %get3A_3507 = arith.constant 1 : i32
      %get3A_3508 = arith.constant 15 : i32
      %get3A_3509 = arith.index_cast %get3A_3507 : i32 to index
      %get3A_3510 = arith.index_cast %get3A_3508 : i32 to index
      %get3A_3511 = arith.constant 32 : index
      %get3A_3512 = tpu.vector_load %arg13[%get3A_3509, %get3A_3510, %get3A_3511] {strides = array<i32>} : memref<2x16x64xf32, #tpu.memory_space<vmem>>, vector<16xf32>,
      %mul3A_3513 = arith.mulf %get3A_3506, %get3A_3512 : vector<16xf32>
      %add3A_3514 = arith.addf %add3A_3500, %mul3A_3513 : vector<16xf32>
      %get3A_3515 = arith.constant 1 : i32
      %get3A_3516 = arith.constant 15 : i32
      %get3A_3517 = arith.index_cast %get3A_3515 : i32 to index
      %get3A_3518 = arith.index_cast %get3A_3516 : i32 to index
      %get3A_3519 = arith.constant 48 : index
      %get3A_3520 = tpu.vector_load %arg12[%get3A_3517, %get3A_3518, %get3A_3519] {strides = array<i32>} : memref<2x16x64xf32, #tpu.memory_space<vmem>>, vector<16xf32>,
      %get3A_3521 = arith.constant 1 : i32
      %get3A_3522 = arith.constant 15 : i32
      %get3A_3523 = arith.index_cast %get3A_3521 : i32 to index
      %get3A_3524 = arith.index_cast %get3A_3522 : i32 to index
      %get3A_3525 = arith.constant 48 : index
      %get3A_3526 = tpu.vector_load %arg13[%get3A_3523, %get3A_3524, %get3A_3525] {strides = array<i32>} : memref<2x16x64xf32, #tpu.memory_space<vmem>>, vector<16xf32>,
      %mul3A_3527 = arith.mulf %get3A_3520, %get3A_3526 : vector<16xf32>
      %add3A_3528 = arith.addf %add3A_3514, %mul3A_3527 : vector<16xf32>
      %swap3A_3529 = arith.constant 255 : index
      %swap3A_3530 = tpu.vector_load %arg18[%swap3A_3529] {strides = array<i32>} : memref<272xf32, #tpu.memory_space<vmem>>, vector<16xf32>,
      tpu.vector_store %arg18[%swap3A_3529], %add3A_3528 {strides = array<i32>} : memref<272xf32, #tpu.memory_space<vmem>>, vector<16xf32>,
      %add3A_3531 = arith.constant 0 : i32
      %add3A_3532 = vector.broadcast %add3A_3531 : i32 to vector<16xi32>
      %add3A_3533 = arith.addi %mul3A_716, %add3A_3532 : vector<16xi32>
      %gather3A_3534 = tpu.vector_load_idx %arg18[%add3A_3533] : memref<272xf32, #tpu.memory_space<vmem>>[vector<16xi32>], vector<16xf32>,
      %add3A_3535 = arith.addf %get3A_713, %gather3A_3534 : vector<16xf32>
      %add3A_3536 = arith.constant 1 : i32
      %add3A_3537 = vector.broadcast %add3A_3536 : i32 to vector<16xi32>
      %add3A_3538 = arith.addi %mul3A_716, %add3A_3537 : vector<16xi32>
      %gather3A_3539 = tpu.vector_load_idx %arg18[%add3A_3538] : memref<272xf32, #tpu.memory_space<vmem>>[vector<16xi32>], vector<16xf32>,
      %add3A_3540 = arith.addf %add3A_3535, %gather3A_3539 : vector<16xf32>
      %add3A_3541 = arith.constant 2 : i32
      %add3A_3542 = vector.broadcast %add3A_3541 : i32 to vector<16xi32>
      %add3A_3543 = arith.addi %mul3A_716, %add3A_3542 : vector<16xi32>
      %gather3A_3544 = tpu.vector_load_idx %arg18[%add3A_3543] : memref<272xf32, #tpu.memory_space<vmem>>[vector<16xi32>], vector<16xf32>,
      %add3A_3545 = arith.addf %add3A_3540, %gather3A_3544 : vector<16xf32>
      %add3A_3546 = arith.constant 3 : i32
      %add3A_3547 = vector.broadcast %add3A_3546 : i32 to vector<16xi32>
      %add3A_3548 = arith.addi %mul3A_716, %add3A_3547 : vector<16xi32>
      %gather3A_3549 = tpu.vector_load_idx %arg18[%add3A_3548] : memref<272xf32, #tpu.memory_space<vmem>>[vector<16xi32>], vector<16xf32>,
      %add3A_3550 = arith.addf %add3A_3545, %gather3A_3549 : vector<16xf32>
      %add3A_3551 = arith.constant 4 : i32
      %add3A_3552 = vector.broadcast %add3A_3551 : i32 to vector<16xi32>
      %add3A_3553 = arith.addi %mul3A_716, %add3A_3552 : vector<16xi32>
      %gather3A_3554 = tpu.vector_load_idx %arg18[%add3A_3553] : memref<272xf32, #tpu.memory_space<vmem>>[vector<16xi32>], vector<16xf32>,
      %add3A_3555 = arith.addf %add3A_3550, %gather3A_3554 : vector<16xf32>
      %add3A_3556 = arith.constant 5 : i32
      %add3A_3557 = vector.broadcast %add3A_3556 : i32 to vector<16xi32>
      %add3A_3558 = arith.addi %mul3A_716, %add3A_3557 : vector<16xi32>
      %gather3A_3559 = tpu.vector_load_idx %arg18[%add3A_3558] : memref<272xf32, #tpu.memory_space<vmem>>[vector<16xi32>], vector<16xf32>,
      %add3A_3560 = arith.addf %add3A_3555, %gather3A_3559 : vector<16xf32>
      %add3A_3561 = arith.constant 6 : i32
      %add3A_3562 = vector.broadcast %add3A_3561 : i32 to vector<16xi32>
      %add3A_3563 = arith.addi %mul3A_716, %add3A_3562 : vector<16xi32>
      %gather3A_3564 = tpu.vector_load_idx %arg18[%add3A_3563] : memref<272xf32, #tpu.memory_space<vmem>>[vector<16xi32>], vector<16xf32>,
      %add3A_3565 = arith.addf %add3A_3560, %gather3A_3564 : vector<16xf32>
      %add3A_3566 = arith.constant 7 : i32
      %add3A_3567 = vector.broadcast %add3A_3566 : i32 to vector<16xi32>
      %add3A_3568 = arith.addi %mul3A_716, %add3A_3567 : vector<16xi32>
      %gather3A_3569 = tpu.vector_load_idx %arg18[%add3A_3568] : memref<272xf32, #tpu.memory_space<vmem>>[vector<16xi32>], vector<16xf32>,
      %add3A_3570 = arith.addf %add3A_3565, %gather3A_3569 : vector<16xf32>
      %add3A_3571 = arith.constant 8 : i32
      %add3A_3572 = vector.broadcast %add3A_3571 : i32 to vector<16xi32>
      %add3A_3573 = arith.addi %mul3A_716, %add3A_3572 : vector<16xi32>
      %gather3A_3574 = tpu.vector_load_idx %arg18[%add3A_3573] : memref<272xf32, #tpu.memory_space<vmem>>[vector<16xi32>], vector<16xf32>,
      %add3A_3575 = arith.addf %add3A_3570, %gather3A_3574 : vector<16xf32>
      %add3A_3576 = arith.constant 9 : i32
      %add3A_3577 = vector.broadcast %add3A_3576 : i32 to vector<16xi32>
      %add3A_3578 = arith.addi %mul3A_716, %add3A_3577 : vector<16xi32>
      %gather3A_3579 = tpu.vector_load_idx %arg18[%add3A_3578] : memref<272xf32, #tpu.memory_space<vmem>>[vector<16xi32>], vector<16xf32>,
      %add3A_3580 = arith.addf %add3A_3575, %gather3A_3579 : vector<16xf32>
      %add3A_3581 = arith.constant 10 : i32
      %add3A_3582 = vector.broadcast %add3A_3581 : i32 to vector<16xi32>
      %add3A_3583 = arith.addi %mul3A_716, %add3A_3582 : vector<16xi32>
      %gather3A_3584 = tpu.vector_load_idx %arg18[%add3A_3583] : memref<272xf32, #tpu.memory_space<vmem>>[vector<16xi32>], vector<16xf32>,
      %add3A_3585 = arith.addf %add3A_3580, %gather3A_3584 : vector<16xf32>
      %add3A_3586 = arith.constant 11 : i32
      %add3A_3587 = vector.broadcast %add3A_3586 : i32 to vector<16xi32>
      %add3A_3588 = arith.addi %mul3A_716, %add3A_3587 : vector<16xi32>
      %gather3A_3589 = tpu.vector_load_idx %arg18[%add3A_3588] : memref<272xf32, #tpu.memory_space<vmem>>[vector<16xi32>], vector<16xf32>,
      %add3A_3590 = arith.addf %add3A_3585, %gather3A_3589 : vector<16xf32>
      %add3A_3591 = arith.constant 12 : i32
      %add3A_3592 = vector.broadcast %add3A_3591 : i32 to vector<16xi32>
      %add3A_3593 = arith.addi %mul3A_716, %add3A_3592 : vector<16xi32>
      %gather3A_3594 = tpu.vector_load_idx %arg18[%add3A_3593] : memref<272xf32, #tpu.memory_space<vmem>>[vector<16xi32>], vector<16xf32>,
      %add3A_3595 = arith.addf %add3A_3590, %gather3A_3594 : vector<16xf32>
      %add3A_3596 = arith.constant 13 : i32
      %add3A_3597 = vector.broadcast %add3A_3596 : i32 to vector<16xi32>
      %add3A_3598 = arith.addi %mul3A_716, %add3A_3597 : vector<16xi32>
      %gather3A_3599 = tpu.vector_load_idx %arg18[%add3A_3598] : memref<272xf32, #tpu.memory_space<vmem>>[vector<16xi32>], vector<16xf32>,
      %add3A_3600 = arith.addf %add3A_3595, %gather3A_3599 : vector<16xf32>
      %add3A_3601 = arith.constant 14 : i32
      %add3A_3602 = vector.broadcast %add3A_3601 : i32 to vector<16xi32>
      %add3A_3603 = arith.addi %mul3A_716, %add3A_3602 : vector<16xi32>
      %gather3A_3604 = tpu.vector_load_idx %arg18[%add3A_3603] : memref<272xf32, #tpu.memory_space<vmem>>[vector<16xi32>], vector<16xf32>,
      %add3A_3605 = arith.addf %add3A_3600, %gather3A_3604 : vector<16xf32>
      %add3A_3606 = arith.constant 15 : i32
      %add3A_3607 = vector.broadcast %add3A_3606 : i32 to vector<16xi32>
      %add3A_3608 = arith.addi %mul3A_716, %add3A_3607 : vector<16xi32>
      %gather3A_3609 = tpu.vector_load_idx %arg18[%add3A_3608] : memref<272xf32, #tpu.memory_space<vmem>>[vector<16xi32>], vector<16xf32>,
      %add3A_3610 = arith.addf %add3A_3605, %gather3A_3609 : vector<16xf32>
      %mul3A_3611 = arith.constant 16 : i32
      %mul3A_3612 = arith.muli %add3A_2606, %mul3A_3611 : i32
      %add3A_3613 = arith.constant 0 : i32
      %add3A_3614 = arith.addi %mul3A_3612, %add3A_3613 : i32
      %get3A_3615 = arith.index_cast %add3A_3614 : i32 to index
      %get3A_3616 = tpu.vector_load %arg14[%get3A_3615] {strides = array<i32>} : memref<512xf32, #tpu.memory_space<vmem>>, vector<16xf32>,
      %add3A_3617 = arith.addf %add3A_3610, %get3A_3616 : vector<16xf32>
      %get3A_3618 = arith.index_cast %add3A_3614 : i32 to index
      %get3A_3619 = tpu.vector_load %arg15[%get3A_3618] {strides = array<i32>} : memref<512xf32, #tpu.memory_space<vmem>>, vector<16xf32>,
      %add3A_3620 = arith.addf %add3A_3617, %get3A_3619 : vector<16xf32>
      %swap3A_3621 = arith.index_cast %add3A_3614 : i32 to index
      %swap3A_3622 = tpu.vector_load %arg17[%swap3A_3621] {strides = array<i32>} : memref<512xf32, #tpu.memory_space<vmem>>, vector<16xf32>,
      tpu.vector_store %arg17[%swap3A_3621], %add3A_3620 {strides = array<i32>} : memref<512xf32, #tpu.memory_space<vmem>>, vector<16xf32>,
    }
    %scan3A_721 = arith.constant 16 : i32
    "tpu.region"() ({
      %run_scoped3A = tpu.sem_alloc : memref<!tpu.dma_semaphore, #tpu.memory_space<semaphore_mem>>
      %dma_start3A_722 = tpu.memref_slice %arg9[%mul3A_2] : memref<16384xf32, #tpu.memory_space<hbm>> -> memref<512xf32, #tpu.memory_space<hbm>>
      %dma_start3A_723 = tpu.memref_slice %arg9[%mul3A_2] : memref<16384xf32, #tpu.memory_space<hbm>> -> memref<512xf32, #tpu.memory_space<hbm>>
      tpu.enqueue_dma source(%arg17 : memref<512xf32, #tpu.memory_space<vmem>>) target(%dma_start3A_723 : memref<512xf32, #tpu.memory_space<hbm>>) target_semaphore(%run_scoped3A : memref<!tpu.dma_semaphore, #tpu.memory_space<semaphore_mem>>)
      %dma_wait3A_724 = tpu.memref_slice %arg9[%mul3A_2] : memref<16384xf32, #tpu.memory_space<hbm>> -> memref<512xf32, #tpu.memory_space<hbm>>
      %dma_wait3A_725 = tpu.memref_slice %arg9[%mul3A_2] : memref<16384xf32, #tpu.memory_space<hbm>> -> memref<512xf32, #tpu.memory_space<hbm>>
      tpu.wait_dma2 semaphore(%run_scoped3A : memref<!tpu.dma_semaphore, #tpu.memory_space<semaphore_mem>>) src(%arg17 : memref<512xf32, #tpu.memory_space<vmem>>) dst(%dma_wait3A_725 : memref<512xf32, #tpu.memory_space<hbm>>)
      tpu.yield
    }) : () -> ()
    return
  }
}

</mosaic_0001>

<sc_bundles>
// kernel: kernel.3.cloned.1.call-start
scs
__scs_entry_jumppad:
0x0: {  	(pc) =	sbr.rel $0x88, $3  }
0x1: {  	(tag) =	ssettag $0x0;
	lr =	simm.s32 $0x1  }
0x2: {  	[smem:$0x3F9A] =	sst lr;
	_ =	strace $0xD0000000  }
0x3: {  	_ = 	snop  }
0x4: {  	_ = 	snop  }
0x5: {  	_ = 	snop  }
0x6: {  	_ = 	snop  }
0x7: {  	_ = 	snop  }
__scs_overlays_trampoline_lowered:
0x8: {  	[smem:$0x3FA9] =	sst s0  }
0x9: {  	[smem:$0x3FAA] =	sst s1  }
0xa: {  	[smem:$0x3FAB] =	sst s2  }
0xb: {  	[smem:$0x3FAC] =	sst s3  }
0xc: {  	[smem:$0x3FAD] =	sst s4  }
0xd: {  	[smem:$0x3FAE] =	sst s5  }
0xe: {  	[smem:$0x3FAF] =	sst s6  }
0xf: {  	[smem:$0x3FB0] =	sst s7  }
0x10: {  	[smem:$0x3FB1] =	sst s8  }
0x11: {  	[smem:$0x3FB2] =	sst s9;
	s0 =	simm.s32 @!p0 $0x0  }
0x12: {  	s1 =	sld [smem:$0x3F98];
	s0 =	simm.s32 @p0 $0x1  }
0x13: {  	[smem:$0x3FB3] =	sst s0;
	s0 =	simm.s32 @!p1 $0x0  }
0x14: {  	s2 =	sld [smem:$0x3F97];
	s0 =	simm.s32 @p1 $0x1  }
0x15: {  	[smem:$0x3FB4] =	sst s0;
	s0 =	simm.s32 @!p2 $0x0  }
0x16: {  	s3 =	sld [smem:$0x3FDB];
	s0 =	simm.s32 @p2 $0x1  }
0x17: {  	s4 =	simm.s32 $0x1BF5;
	[smem:$0x3FB6] =	sst s0  }
0x18: {  	s0 =	sld [smem:$0x3F99];
	_ =	swait.ge [sflag:s4], $0x0  }
0x19: {  	s7 =	sld [smem:$0x3F9A]  }
0x1a: {  	s8 =	sadd.s32 $0xFFFFE003, lr  }
0x1b: {  	s9 =	sadd.s32 $0xFFFFFEF7, lr;
	s5 =	simm.s32 $0xFFFFFFFF;
	p2 =	slt.u32 s8, $0xFFFFF086  }
0x1c: {  	p1 =	slt.u32 s9, $0xF7A;
	s5 =	simm.s32 @!p2 $0x0  }
0x1d: {  	s5 =	simm.s32 @p1 $0x1;
	p0 =	seq.s32 s7, s2  }
0x1e: {  	s7 =	smul.u32 @!p0 $0xF7A, s2;
	p2 =	seq.s32 @!p0 s5, $0x0  }
0x1f: {  	s9 =	smul.u32 $0xF7A, s1;
	s8 =	simm.s32 @!p0 $0x1BF5;
	p2 =	por !p2, p0  }
0x20: {  	[sflag:s8] =	ssyncset.s32 @!p0 $0xFFFFF086;
	s6 =	sadd.s32 @!p0 s3, s7;
	s7 =	simm.s32 @!p0 $0x108  }
0x21: {  	s3 =	sadd.s32 s3, s9;
	s6 =	sadd.s32 @!p0 $0x88, s6;
	s7 =	simm.s32 @p2 $0x1082  }
0x22: {  	[simem:s7], [sflag:s8] =	dma.local @!p0 [hbm:s6], $0xF7A  }
0x23: {  	s9 =	sor.u32 $0xD0000000, s2;
	s6 =	simm.s32 $0x108;
	_ =	swait.ge @!p0 [sflag:s8], $0x0  }
0x24: {  	s3 =	sadd.s32 $0x88, s3;
	s6 =	simm.s32 @!p1 $0x1082;
	[sflag:s4] =	ssyncset.s32 $0xFFFFF086  }
0x25: {  	[simem:s6], [sflag:s4] =	dma.local [hbm:s3], $0xF7A  }
0x26: {  	[smem:$0x3F9A] =	sst s1;
	(tag) =	ssettag s2;
	_ =	strace s9  }
0x27: {  	s1 =	sld [smem:$0x3FAA]  }
0x28: {  	s2 =	sld [smem:$0x3FAB]  }
0x29: {  	s4 =	sld [smem:$0x3FAD]  }
0x2a: {  	p0 =	seq.s32 s5, $0x0;
	s5 =	sld [smem:$0x3FAE]  }
0x2b: {  	s6 =	sld [smem:$0x3FAF]  }
0x2c: {  	s7 =	sld [smem:$0x3FB0]  }
0x2d: {  	s3 =	simm.s32 $0x108;
	s8 =	sld [smem:$0x3FB1]  }
0x2e: {  	s3 =	simm.s32 @!p0 $0x1082;
	s9 =	sld [smem:$0x3FB2]  }
0x2f: {  	lr =	sadd.s32 s0, s3;
	s0 =	sld [smem:$0x3FA9]  }
0x30: {  	s3 =	sld [smem:$0x3FAC]  }
0x31: {  	[smem:$0x3FB5] =	sst s10  }
0x32: {  	s10 =	sld [smem:$0x3FB3];
	_ =	sdelay $0x3  }
0x33: {  	p0 =	seq.s32 s10, $0x1;
	s10 =	sld [smem:$0x3FB5];
	_ =	sdelay $0x3  }
0x34: {  	[smem:$0x3FB5] =	sst s10  }
0x35: {  	s10 =	sld [smem:$0x3FB4];
	_ =	sdelay $0x3  }
0x36: {  	p1 =	seq.s32 s10, $0x1;
	s10 =	sld [smem:$0x3FB5];
	_ =	sdelay $0x3  }
0x37: {  	[smem:$0x3FB5] =	sst s10  }
0x38: {  	s10 =	sld [smem:$0x3FB6]  }
0x39: {  	_ = 	snop;
	(pc) =	sbr.ind lr, $3  }
0x3a: {  	_ = 	snop  }
0x3b: {  	_ = 	snop  }
0x3c: {  	p2 =	seq.s32 s10, $0x1;
	s10 =	sld [smem:$0x3FB5]  }
0x3d: {  	_ =	shalt  }
0x3e: {  	_ =	shalt  }
0x3f: {  	_ =	shalt  }
0x40: {  	_ =	shalt  }
0x41: {  	_ =	shalt  }
0x42: {  	_ =	shalt  }
0x43: {  	_ =	shalt  }
0x44: {  	_ =	shalt  }
0x45: {  	_ =	shalt  }
0x46: {  	_ =	shalt  }
0x47: {  	_ =	shalt  }
0x48: {  	_ =	shalt  }
0x49: {  	_ =	shalt  }
0x4a: {  	_ =	shalt  }
0x4b: {  	_ =	shalt  }
0x4c: {  	_ =	shalt  }
0x4d: {  	_ =	shalt  }
0x4e: {  	_ =	shalt  }
0x4f: {  	_ =	shalt  }
0x50: {  	_ =	shalt  }
0x51: {  	_ =	shalt  }
0x52: {  	_ =	shalt  }
0x53: {  	_ =	shalt  }
0x54: {  	_ =	shalt  }
0x55: {  	_ =	shalt  }
0x56: {  	_ =	shalt  }
0x57: {  	_ =	shalt  }
0x58: {  	_ =	shalt  }
0x59: {  	_ =	shalt  }
0x5a: {  	_ =	shalt  }
0x5b: {  	_ =	shalt  }
0x5c: {  	_ =	shalt  }
0x5d: {  	_ =	shalt  }
0x5e: {  	_ =	shalt  }
0x5f: {  	_ =	shalt  }
0x60: {  	_ =	shalt  }
0x61: {  	_ =	shalt  }
0x62: {  	_ =	shalt  }
0x63: {  	_ =	shalt  }
0x64: {  	_ =	shalt  }
0x65: {  	_ =	shalt  }
0x66: {  	_ =	shalt  }
0x67: {  	_ =	shalt  }
0x68: {  	_ =	shalt  }
0x69: {  	_ =	shalt  }
0x6a: {  	_ =	shalt  }
0x6b: {  	_ =	shalt  }
0x6c: {  	_ =	shalt  }
0x6d: {  	_ =	shalt  }
0x6e: {  	_ =	shalt  }
0x6f: {  	_ =	shalt  }
0x70: {  	_ =	shalt  }
0x71: {  	_ =	shalt  }
0x72: {  	_ =	shalt  }
0x73: {  	_ =	shalt  }
0x74: {  	_ =	shalt  }
0x75: {  	_ =	shalt  }
0x76: {  	_ =	shalt  }
0x77: {  	_ =	shalt  }
0x78: {  	_ =	shalt  }
0x79: {  	_ =	shalt  }
0x7a: {  	_ =	shalt  }
0x7b: {  	_ =	shalt  }
0x7c: {  	_ =	shalt  }
0x7d: {  	_ =	shalt  }
0x7e: {  	_ =	shalt  }
0x7f: {  	_ =	shalt  }
0x80: {  	_ =	shalt  }
0x81: {  	_ =	shalt  }
0x82: {  	_ =	shalt  }
0x83: {  	_ =	shalt  }
0x84: {  	_ =	shalt  }
0x85: {  	_ =	shalt  }
0x86: {  	_ =	shalt  }
0x87: {  	_ =	shalt  }
.Lfunc_end0:
.L_simem_size_0:
called_computation_lowered:
.L_overlay_start_0:
0x88: {  	s2 =	sld [smem:$0x3FD9]  }
0x89: {  	s3 =	sld [smem:$0x3FFE];
	_ =	sdelay $0x1  }
0x8a: {  	s1 =	srdreg.scid  }
0x8b: {  	s0 =	sand.u32 $0x1, s1  }
0x8c: {  	s17 =	sshll.u32 s0, $0xA;
	s2 =	sadd.s32 s3, s2  }
0x8d: {  	s2 =	sadd.s32 s2, s17  }
0x8e: {  	[smem:$0x3FC1] =	sst s2  }
0x8f: {  	_ = 	snop  }
0x90: {  	s2 =	sld [smem:$0x3FC9]  }
0x91: {  	s18 =	sld [smem:$0x3FC8]  }
0x92: {  	s4 =	sld [smem:$0x3FD0];
	(tm) =	ssettm $0x1  }
0x93: {  	s5 =	sld [smem:$0x3FFB];
	_ =	sdelay $0x3  }
0x94: {  	_ =	strace s5  }
0x95: {  	s5 =	sld [smem:$0x3FFC];
	_ =	sdelay $0x3  }
0x96: {  	_ =	strace s5  }
0x97: {  	s5 =	sld [smem:$0x3FFD];
	_ =	sdelay $0x3  }
0x98: {  	_ =	strace s5  }
0x99: {  	_ =	strace $0x8FFFFFFF  }
0x9a: {  	s19 =	sld [smem:$0x3FDB];
	_ =	sdelay $0x1  }
0x9b: {  	s6 =	simm.s32 $_scs_section_size  }
0x9c: {  	s7 =	simm.s32 $_size__tile_overlayer_lowered;
	s8 =	simm.s32 $_tile_overlayer_lowered  }
0x9d: {  	s22 =	simm.s32 $0x1BFF;
	s21 =	sshll.u32 s8, $0x1;
	s5 =	sadd.s32 s6, s19  }
0x9e: {  	s9 =	simm.s32 $0x0;
	s20 =	sshll.u32 s7, $0x1;
	s7 =	sadd.s32 s21, s5  }
0x9f: {  	[timem:s9], [sflag:s22] =	dma.local [hbm:s7], s20  }
0xa0: {  	_ =	swait.ge [sflag:s22], s20  }
0xa1: {  	s6 =	ssub.s32 $0x0, s20;
	[sflag:s22] =	ssyncset.done $0x0  }
0xa2: {  	[sflag:s22] =	ssyncadd.s32 s6;
	_ =	sdelay $0x1  }
0xa3: {  	s23 =	simm.s32 $0x1B8B  }
0xa4: {  	_ =	swait.ge [sflag:s23], $0x1  }
0xa5: {  	[sflag:s23] =	ssyncset.done $0x0  }
0xa6: {  	s25 =	simm.s32 $0x1B8E;
	s24 =	sld [smem:$0x3FFE];
	[sflag:s23] =	ssyncadd.s32 $0xFFFFFFFF  }
0xa7: {  	s26 =	simm.s32 $execute0_lowered;
	[smem:$0x3FD2] =	sst s25  }
0xa8: {  	s7 =	sshll.u32 s26, $0x1;
	_ =	strace $0x80000046;
	[dreg:$0x1] =	wrdreg $0xFFFFFFFF  }
0xa9: {  	s28 =	simm.s32 $_size_execute0_lowered;
	s5 =	sadd.s32 s5, s7;
	[dreg:$0x0] =	wrdreg $0x0  }
0xaa: {  	s7 =	sshll.u32 s28, $0x1;
	[dreg:$0x2] =	wrdreg s5  }
0xab: {  	[dreg:$0x3] =	wrdreg s7  }
0xac: {  	[dreg:$0x4] =	wrdreg $0xC0  }
0xad: {  	_ =	task [dreg:s9], $0x5FFFF  }
0xae: {  	[dreg:$0x1] =	wrdreg $0xFFFFFFFF  }
0xaf: {  	[dreg:$0x0] =	wrdreg $0x60  }
0xb0: {  	[dreg:$0x2] =	wrdreg s2  }
0xb1: {  	[dreg:$0x3] =	wrdreg s18  }
0xb2: {  	[dreg:$0x4] =	wrdreg s24  }
0xb3: {  	[dreg:$0x5] =	wrdreg s4  }
0xb4: {  	[dreg:$0x6] =	wrdreg $0x9  }
0xb5: {  	_ =	task.clear_ibuf [dreg:s9], $0x7FFFF;
	_ =	strace $0x90000046  }
0xb6: {  	s29 =	simm.s32 $0x9;
	_ =	strace $0x80000048  }
0xb7: {  	_ =	swait.ge [sflag:s29], $0x1  }
0xb8: {  	[sflag:s29] =	ssyncadd.s32 $0xFFFFFFFF  }
0xb9: {  	_ =	strace $0x90000048  }
0xba: {  	_ =	sfence  }
0xbb: {  	s30 =	sld [smem:$0x0];
	_ =	sdelay $0x2  }
0xbc: {  	s31 =	sshll.u32 s1, $0xD;
	s1 =	sshrl.u32 s1, $0x2  }
0xbd: {  	s3 =	sand.u32 $0x4000, s31;
	s1 =	sadd.s32 s1, s30  }
0xbe: {  	s0 =	sor.u32 s3, s0;
	s1 =	sshll.u32 s1, $0x11  }
0xbf: {  	s0 =	sor.u32 s1, s0  }
0xc0: {  	s0 =	sadd.s32 $0x8F2B, s0  }
0xc1: {  	[sflag:s0] =	ssyncadd.remote.s32 $0x1  }
0xc2: {  	_ =	sfence.sel $0xFFFF  }
0xc3: {  	[dreg:$0x0] =	wrdreg $0xFFFFFFFF;
	(pc) =	sbr.abs _section_cstart, $3  }
0xc4: {  	[dreg:$0x1] =	wrdreg $0xFFFFFFFF  }
0xc5: {  	_ =	task.clear_ibuf [dreg:s9], $0x2FFFF;
	_ =	strace $0x9FFFFFFF  }
0xc6: {  	(tm) =	ssettm $0x7FFFFFFF  }
0xc7: {  	_ =	shalt  }
tec
execute0_lowered:
.L_overlay_start_1:
0x0: {  	(tag) =	ssettag $0x1  }
0x1: {  	s0 =	rddreg [dreg:$0x0]  }
0x2: {  	s1 =	rddreg [dreg:$0x1]  }
0x3: {  	s10 =	rddreg [dreg:$0x2];
	v0 =	vlaneseq.u32  }
0x4: {  	s3 =	rddreg [dreg:$0x3];
	s2 =	simm.s32 $0x0;
	s6 =	srdreg.scid;
	v4 =	vmul.u32 $0x11, v0  }
0x5: {  	s8 =	stileid.u32;
	s30 =	simm.s32 $0x4;
	[smem:$0x7FF] =	sst s2  }
0x6: {  	s14 =	simm.s32 $0xF00;
	s15 =	simm.s32 $0x1F00;
	_ =	strace $0x80000047;
	v5 =	vadd.s32 $0x1, v4;
	[tilespmem:$0x1FF00] =	vst v4  }
0x7: {  	s16 =	simm.s32 $0xF80;
	s11 =	simm.s32 $0x2100;
	s13 =	simm.s32 $0x1180;
	v6 =	vadd.s32 $0x2, v4;
	[tilespmem:$0x1FF10] =	vst v5  }
0x8: {  	s12 =	simm.s32 $0x2180;
	s17 =	simm.s32 $0x1200;
	s18 =	simm.s32 $0x2200;
	v7 =	vadd.s32 $0x3, v4;
	[tilespmem:$0x1FF20] =	vst v6  }
0x9: {  	s19 =	simm.s32 $0x1280;
	s20 =	simm.s32 $0x2280;
	s21 =	simm.s32 $0x1300;
	v8 =	vadd.s32 $0x4, v4;
	[tilespmem:$0x1FF30] =	vst v7  }
0xa: {  	s22 =	simm.s32 $0x2300;
	s23 =	simm.s32 $0x1380;
	s28 =	simm.s32 $0x2;
	v9 =	vadd.s32 $0x5, v4;
	[tilespmem:$0x1FF40] =	vst v8  }
0xb: {  	s4 =	sadd.s32 $0x3D400, s10;
	s5 =	sadd.s32 $0xF7F800, s10;
	s6 =	sand.u32 $0x1, s6;
	v10 =	vadd.s32 $0x6, v4;
	[tilespmem:$0x1FF50] =	vst v9  }
0xc: {  	s8 =	sshll.u32 s8, $0x7;
	s9 =	sadd.s32 $0x1EA00, s10;
	s25 =	sadd.s32 $0x1EC1C00, s10;
	v11 =	vadd.s32 $0x7, v4;
	[tilespmem:$0x1FF60] =	vst v10  }
0xd: {  	s10 =	simm.s32 $0x1100;
	s7 =	ssub.s32 $0x2, s6;
	[dreg:$0x5] =	wrdreg s9;
	v12 =	vadd.s32 $0x8, v4;
	[tilespmem:$0x1FF70] =	vst v11  }
0xe: {  	s6 =	sshll.u32 s6, $0x6;
	[dreg:$0x6] =	wrdreg s25;
	s9 =	simm.s32 $0x2080;
	v13 =	vadd.s32 $0x9, v4;
	[tilespmem:$0x1FF80] =	vst v12  }
0xf: {  	s25 =	simm.s32 $0x1;
	s24 =	sshrl.u32 s7, $0x1;
	s6 =	sor.u32 s6, s8;
	v14 =	vadd.s32 $0xA, v4;
	[tilespmem:$0x1FF90] =	vst v13  }
0x10: {  	s8 =	simm.s32 $0x1080;
	v15 =	vadd.s32 $0xB, v4;
	s7 =	ssub.s32 s7, s24;
	s0 =	sadd.s32 s0, s6;
	[tilespmem:$0x1FFA0] =	vst v14  }
.Ltmp0:
0x11: {  	v19 =	vadd.s32 $0xC, v4;
	s26 =	sadd.s32 s1, s6;
	s29 =	sadd.s32 s3, s6;
	[tilespmem:$0x1FFB0] =	vst v15;
	(pc) =	sbr.rel .LBB2_1-.Ltmp0, $4  }
0x12: {  	v20 =	vadd.s32 $0xD, v4;
	s3 =	simm.s32 $0x1E80;
	s1 =	simm.s32 $0x1F80;
	[tilespmem:$0x1FFC0] =	vst v19;
	[dreg:$0x7] =	wrdreg s0  }
0x13: {  	v21 =	vadd.s32 $0xE, v4;
	s6 =	simm.s32 $0x1000;
	s24 =	simm.s32 $0x2380;
	[tilespmem:$0x1FFD0] =	vst v20;
	[dreg:$0x8] =	wrdreg s26  }
0x14: {  	v22 =	vadd.s32 $0xF, v4;
	[tilespmem:$0x1FFE0] =	vst v21;
	[dreg:$0x9] =	wrdreg s29;
	s31 =	smax.u32 s7, $0x1;
	s7 =	simm.s32 $0x2000  }
0x15: {  	[tilespmem:$0x1FFF0] =	vst v22;
	s26 =	simm.s32 $0x2A80;
	s0 =	simm.s32 $0x0;
	[dreg:$0xa] =	wrdreg s31  }
.LBB2_5:
0x16: {  	s29 =	rddreg [dreg:$0x9];
	s0 =	simm.s32 $0x2880;
	s30 =	simm.s32 $0x4  }
0x17: {  	[hbm4b:s29+s2] =	stream.linear.scatter [tilespmem:s0], [sflag:$0x4], $0x200, $0x38;
	[tilespmem:$0x2C00] =	vst v63  }
0x18: {  	_ =	swait.ge [sflag:s30], $0x200  }
0x19: {  	s29 =	rddreg [dreg:$0xb]  }
0x1a: {  	s31 =	rddreg [dreg:$0xa];
	s0 =	sadd.s32 $0x1, s29  }
0x1b: {  	p0 =	sne.s32 s0, s31  }
.Ltmp1:
0x1c: {  	_ = 	snop;
	(pc) =	sbr.rel @!p0 .LBB2_6-.Ltmp1, $3  }
0x1d: {  	_ =	sdelay $0x1  }
0x1e: {  	[sflag:s30] =	ssyncset.done $0x0  }
0x1f: {  	[sflag:s30] =	ssyncadd.s32 $0xFFFFFE00  }
.LBB2_1:
0x20: {  	[dreg:$0xb] =	wrdreg s0  }
0x21: {  	s29 =	rddreg [dreg:$0x7]  }
0x22: {  	[tilespmem:s2], [sflag:$0x4] =	stream.linear.gather [hbm4b:s29+s2], $0x200, $0x38;
	[tilespmem:$0x2C00] =	vst v63  }
0x23: {  	_ =	swait.ge [sflag:s30], $0x200  }
0x24: {  	[sflag:s30] =	ssyncset.done $0x0  }
0x25: {  	s31 =	simm.s32 $0x200;
	s29 =	rddreg [dreg:$0x8];
	[sflag:s30] =	ssyncadd.s32 $0xFFFFFE00  }
0x26: {  	[tilespmem:s31], [sflag:$0x4] =	stream.linear.gather [hbm4b:s29+s2], $0x200, $0x38;
	[tilespmem:$0x2C00] =	vst v63  }
0x27: {  	_ =	swait.ge [sflag:s30], $0x200  }
0x28: {  	[sflag:s30] =	ssyncset.done $0x0  }
0x29: {  	[sflag:s30] =	ssyncadd.s32 $0xFFFFFE00  }
0x2a: {  	s0 =	simm.s32 $0x2400;
	s29 =	rddreg [dreg:$0x2]  }
0x2b: {  	[tilespmem:s0], [sflag:$0x3] =	stream.indirect.gather [hbm4b:s29+s31], $0x1, s2, s31, $0xb8;
	[tilespmem:$0x2C00] =	vst v63  }
0x2c: {  	s29 =	rddreg [dreg:$0x5];
	s0 =	simm.s32 $0x2600  }
0x2d: {  	[tilespmem:s0], [sflag:$0x3] =	stream.indirect.gather [hbm4b:s29+s31], $0x1, s31, s31, $0xb8;
	[tilespmem:$0x2C00] =	vst v63  }
0x2e: {  	s29 =	rddreg [dreg:$0x6];
	s31 =	simm.s32 $0x2800  }
0x2f: {  	[tilespmem:s31], [sflag:$0x4] =	stream.linear.gather [hbm4b:s29+s2], $0x80, $0x38;
	[tilespmem:$0x2C00] =	vst v63  }
0x30: {  	_ =	swait.ge [sflag:s30], $0x80  }
0x31: {  	[sflag:s30] =	ssyncset.done $0x0  }
0x32: {  	[sflag:s30] =	ssyncadd.s32 $0xFFFFFF80  }
0x33: {  	v16 =	vld [tilespmem:$0x0];
	_ =	sdelay $0x3  }
0x34: {  	v18 =	vld [tilespmem:$0x200]  }
0x35: {  	v17 =	vshll.u32 v16, $0x4  }
0x36: {  	(v2sf) =	vpush v17, $0x0;
	_ =	sdelay $0x2  }
0x37: {  	v62 =	vshll.u32 v18, $0x4  }
0x38: {  	(v2sf) =	vpush v62, $0x0;
	_ =	sdelay $0x3  }
0x39: {  	(v2sf) =	vpush v17, $0x1;
	_ =	sdelay $0x3  }
0x3a: {  	(v2sf) =	vpush v62, $0x1;
	_ =	sdelay $0x2  }
0x3b: {  	s29 =	spop (v2sf)  }
0x3c: {  	(v2sf) =	vpush v17, $0x2;
	s29 =	sand.u32 $0x1FFFFFF0, s29  }
0x3d: {  	s31 =	simm.s32 $0x400;
	s29 =	sadd.s32 s4, s29  }
0x3e: {  	[tilespmem:s31], [sflag:$0x1] =	stream.linear.gather [hbm4b:s29+s2], $0x80, $0x38;
	[tilespmem:$0x2C00] =	vst v63  }
0x3f: {  	s29 =	spop (v2sf)  }
0x40: {  	(v2sf) =	vpush v62, $0x2;
	s29 =	sand.u32 $0x1FFFFFF0, s29  }
0x41: {  	s0 =	simm.s32 $0x1400;
	s29 =	sadd.s32 s5, s29  }
0x42: {  	[tilespmem:s0], [sflag:$0x1] =	stream.linear.gather [hbm4b:s29+s2], $0x80, $0x38;
	[tilespmem:$0x2C00] =	vst v63  }
0x43: {  	s29 =	spop (v2sf)  }
0x44: {  	(v2sf) =	vpush v17, $0x3;
	s29 =	sand.u32 $0x1FFFFFF0, s29  }
0x45: {  	s31 =	simm.s32 $0x480;
	s29 =	sadd.s32 s4, s29  }
0x46: {  	[tilespmem:s31], [sflag:$0x1] =	stream.linear.gather [hbm4b:s29+s2], $0x80, $0x38;
	[tilespmem:$0x2C00] =	vst v63  }
0x47: {  	s29 =	spop (v2sf)  }
0x48: {  	(v2sf) =	vpush v62, $0x3;
	s29 =	sand.u32 $0x1FFFFFF0, s29  }
0x49: {  	s30 =	simm.s32 $0x1480;
	s29 =	sadd.s32 s5, s29  }
0x4a: {  	[tilespmem:s30], [sflag:$0x1] =	stream.linear.gather [hbm4b:s29+s2], $0x80, $0x38;
	[tilespmem:$0x2C00] =	vst v63  }
0x4b: {  	s29 =	spop (v2sf)  }
0x4c: {  	(v2sf) =	vpush v17, $0x4;
	s29 =	sand.u32 $0x1FFFFFF0, s29  }
0x4d: {  	s31 =	simm.s32 $0x500;
	s29 =	sadd.s32 s4, s29  }
0x4e: {  	[tilespmem:s31], [sflag:$0x1] =	stream.linear.gather [hbm4b:s29+s2], $0x80, $0x38;
	[tilespmem:$0x2C00] =	vst v63  }
0x4f: {  	s29 =	spop (v2sf)  }
0x50: {  	(v2sf) =	vpush v62, $0x4;
	s29 =	sand.u32 $0x1FFFFFF0, s29  }
0x51: {  	s30 =	simm.s32 $0x1500;
	s29 =	sadd.s32 s5, s29  }
0x52: {  	[tilespmem:s30], [sflag:$0x1] =	stream.linear.gather [hbm4b:s29+s2], $0x80, $0x38;
	[tilespmem:$0x2C00] =	vst v63  }
0x53: {  	s29 =	spop (v2sf)  }
0x54: {  	(v2sf) =	vpush v17, $0x5;
	s29 =	sand.u32 $0x1FFFFFF0, s29  }
0x55: {  	s31 =	simm.s32 $0x580;
	s29 =	sadd.s32 s4, s29  }
0x56: {  	[tilespmem:s31], [sflag:$0x1] =	stream.linear.gather [hbm4b:s29+s2], $0x80, $0x38;
	[tilespmem:$0x2C00] =	vst v63  }
0x57: {  	s29 =	spop (v2sf)  }
0x58: {  	(v2sf) =	vpush v62, $0x5;
	s29 =	sand.u32 $0x1FFFFFF0, s29  }
0x59: {  	s30 =	simm.s32 $0x1580;
	s29 =	sadd.s32 s5, s29  }
0x5a: {  	[tilespmem:s30], [sflag:$0x1] =	stream.linear.gather [hbm4b:s29+s2], $0x80, $0x38;
	[tilespmem:$0x2C00] =	vst v63  }
0x5b: {  	s29 =	spop (v2sf)  }
0x5c: {  	(v2sf) =	vpush v17, $0x6;
	s29 =	sand.u32 $0x1FFFFFF0, s29  }
0x5d: {  	s31 =	simm.s32 $0x600;
	s29 =	sadd.s32 s4, s29  }
0x5e: {  	[tilespmem:s31], [sflag:$0x1] =	stream.linear.gather [hbm4b:s29+s2], $0x80, $0x38;
	[tilespmem:$0x2C00] =	vst v63  }
0x5f: {  	s29 =	spop (v2sf)  }
0x60: {  	(v2sf) =	vpush v62, $0x6;
	s29 =	sand.u32 $0x1FFFFFF0, s29  }
0x61: {  	s30 =	simm.s32 $0x1600;
	s29 =	sadd.s32 s5, s29  }
0x62: {  	[tilespmem:s30], [sflag:$0x1] =	stream.linear.gather [hbm4b:s29+s2], $0x80, $0x38;
	[tilespmem:$0x2C00] =	vst v63  }
0x63: {  	s29 =	spop (v2sf)  }
0x64: {  	(v2sf) =	vpush v17, $0x7;
	s29 =	sand.u32 $0x1FFFFFF0, s29  }
0x65: {  	s31 =	simm.s32 $0x680;
	s29 =	sadd.s32 s4, s29  }
0x66: {  	[tilespmem:s31], [sflag:$0x1] =	stream.linear.gather [hbm4b:s29+s2], $0x80, $0x38;
	[tilespmem:$0x2C00] =	vst v63  }
0x67: {  	s29 =	spop (v2sf)  }
0x68: {  	(v2sf) =	vpush v62, $0x7;
	s29 =	sand.u32 $0x1FFFFFF0, s29  }
0x69: {  	s30 =	simm.s32 $0x1680;
	s29 =	sadd.s32 s5, s29  }
0x6a: {  	[tilespmem:s30], [sflag:$0x1] =	stream.linear.gather [hbm4b:s29+s2], $0x80, $0x38;
	[tilespmem:$0x2C00] =	vst v63  }
0x6b: {  	s29 =	spop (v2sf)  }
0x6c: {  	(v2sf) =	vpush v17, $0x8;
	s29 =	sand.u32 $0x1FFFFFF0, s29  }
0x6d: {  	s31 =	simm.s32 $0x700;
	s29 =	sadd.s32 s4, s29  }
0x6e: {  	[tilespmem:s31], [sflag:$0x1] =	stream.linear.gather [hbm4b:s29+s2], $0x80, $0x38;
	[tilespmem:$0x2C00] =	vst v63  }
0x6f: {  	s29 =	spop (v2sf)  }
0x70: {  	(v2sf) =	vpush v62, $0x8;
	s29 =	sand.u32 $0x1FFFFFF0, s29  }
0x71: {  	s30 =	simm.s32 $0x1700;
	s29 =	sadd.s32 s5, s29  }
0x72: {  	[tilespmem:s30], [sflag:$0x1] =	stream.linear.gather [hbm4b:s29+s2], $0x80, $0x38;
	[tilespmem:$0x2C00] =	vst v63  }
0x73: {  	s29 =	spop (v2sf)  }
0x74: {  	(v2sf) =	vpush v17, $0x9;
	s29 =	sand.u32 $0x1FFFFFF0, s29  }
0x75: {  	s31 =	simm.s32 $0x780;
	s29 =	sadd.s32 s4, s29  }
0x76: {  	[tilespmem:s31], [sflag:$0x1] =	stream.linear.gather [hbm4b:s29+s2], $0x80, $0x38;
	[tilespmem:$0x2C00] =	vst v63  }
0x77: {  	s29 =	spop (v2sf)  }
0x78: {  	(v2sf) =	vpush v62, $0x9;
	s29 =	sand.u32 $0x1FFFFFF0, s29  }
0x79: {  	s30 =	simm.s32 $0x1780;
	s29 =	sadd.s32 s5, s29  }
0x7a: {  	[tilespmem:s30], [sflag:$0x1] =	stream.linear.gather [hbm4b:s29+s2], $0x80, $0x38;
	[tilespmem:$0x2C00] =	vst v63  }
0x7b: {  	s29 =	spop (v2sf)  }
0x7c: {  	(v2sf) =	vpush v17, $0xA;
	s29 =	sand.u32 $0x1FFFFFF0, s29  }
0x7d: {  	s31 =	simm.s32 $0x800;
	s29 =	sadd.s32 s4, s29  }
0x7e: {  	[tilespmem:s31], [sflag:$0x1] =	stream.linear.gather [hbm4b:s29+s2], $0x80, $0x38;
	[tilespmem:$0x2C00] =	vst v63  }
0x7f: {  	s29 =	spop (v2sf)  }
0x80: {  	(v2sf) =	vpush v62, $0xA;
	s29 =	sand.u32 $0x1FFFFFF0, s29  }
0x81: {  	s30 =	simm.s32 $0x1800;
	s29 =	sadd.s32 s5, s29  }
0x82: {  	[tilespmem:s30], [sflag:$0x1] =	stream.linear.gather [hbm4b:s29+s2], $0x80, $0x38;
	[tilespmem:$0x2C00] =	vst v63  }
0x83: {  	s29 =	spop (v2sf)  }
0x84: {  	(v2sf) =	vpush v17, $0xB;
	s29 =	sand.u32 $0x1FFFFFF0, s29  }
0x85: {  	s31 =	simm.s32 $0x880;
	s29 =	sadd.s32 s4, s29  }
0x86: {  	[tilespmem:s31], [sflag:$0x1] =	stream.linear.gather [hbm4b:s29+s2], $0x80, $0x38;
	[tilespmem:$0x2C00] =	vst v63  }
0x87: {  	s29 =	spop (v2sf)  }
0x88: {  	(v2sf) =	vpush v62, $0xB;
	s29 =	sand.u32 $0x1FFFFFF0, s29  }
0x89: {  	s30 =	simm.s32 $0x1880;
	s29 =	sadd.s32 s5, s29  }
0x8a: {  	[tilespmem:s30], [sflag:$0x1] =	stream.linear.gather [hbm4b:s29+s2], $0x80, $0x38;
	[tilespmem:$0x2C00] =	vst v63  }
0x8b: {  	s29 =	spop (v2sf)  }
0x8c: {  	(v2sf) =	vpush v17, $0xC;
	s29 =	sand.u32 $0x1FFFFFF0, s29  }
0x8d: {  	s31 =	simm.s32 $0x900;
	s29 =	sadd.s32 s4, s29  }
0x8e: {  	[tilespmem:s31], [sflag:$0x1] =	stream.linear.gather [hbm4b:s29+s2], $0x80, $0x38;
	[tilespmem:$0x2C00] =	vst v63  }
0x8f: {  	s29 =	spop (v2sf)  }
0x90: {  	(v2sf) =	vpush v62, $0xC;
	s29 =	sand.u32 $0x1FFFFFF0, s29  }
0x91: {  	s30 =	simm.s32 $0x1900;
	s29 =	sadd.s32 s5, s29  }
0x92: {  	[tilespmem:s30], [sflag:$0x1] =	stream.linear.gather [hbm4b:s29+s2], $0x80, $0x38;
	[tilespmem:$0x2C00] =	vst v63  }
0x93: {  	s29 =	spop (v2sf)  }
0x94: {  	(v2sf) =	vpush v17, $0xD;
	s29 =	sand.u32 $0x1FFFFFF0, s29  }
0x95: {  	s31 =	simm.s32 $0x980;
	s29 =	sadd.s32 s4, s29  }
0x96: {  	[tilespmem:s31], [sflag:$0x1] =	stream.linear.gather [hbm4b:s29+s2], $0x80, $0x38;
	[tilespmem:$0x2C00] =	vst v63  }
0x97: {  	s29 =	spop (v2sf)  }
0x98: {  	(v2sf) =	vpush v62, $0xD;
	s29 =	sand.u32 $0x1FFFFFF0, s29  }
0x99: {  	s30 =	simm.s32 $0x1980;
	s29 =	sadd.s32 s5, s29  }
0x9a: {  	[tilespmem:s30], [sflag:$0x1] =	stream.linear.gather [hbm4b:s29+s2], $0x80, $0x38;
	[tilespmem:$0x2C00] =	vst v63  }
0x9b: {  	s29 =	spop (v2sf)  }
0x9c: {  	(v2sf) =	vpush v17, $0xE;
	s29 =	sand.u32 $0x1FFFFFF0, s29  }
0x9d: {  	s31 =	simm.s32 $0xA00;
	s29 =	sadd.s32 s4, s29  }
0x9e: {  	[tilespmem:s31], [sflag:$0x1] =	stream.linear.gather [hbm4b:s29+s2], $0x80, $0x38;
	[tilespmem:$0x2C00] =	vst v63  }
0x9f: {  	s29 =	spop (v2sf)  }
0xa0: {  	(v2sf) =	vpush v62, $0xE;
	s29 =	sand.u32 $0x1FFFFFF0, s29  }
0xa1: {  	s30 =	simm.s32 $0x1A00;
	s29 =	sadd.s32 s5, s29  }
0xa2: {  	[tilespmem:s30], [sflag:$0x1] =	stream.linear.gather [hbm4b:s29+s2], $0x80, $0x38;
	[tilespmem:$0x2C00] =	vst v63  }
0xa3: {  	s29 =	spop (v2sf)  }
0xa4: {  	(v2sf) =	vpush v17, $0xF;
	s29 =	sand.u32 $0x1FFFFFF0, s29  }
0xa5: {  	s31 =	simm.s32 $0xA80;
	s29 =	sadd.s32 s4, s29  }
0xa6: {  	[tilespmem:s31], [sflag:$0x1] =	stream.linear.gather [hbm4b:s29+s2], $0x80, $0x38;
	[tilespmem:$0x2C00] =	vst v63  }
0xa7: {  	s29 =	spop (v2sf)  }
0xa8: {  	(v2sf) =	vpush v62, $0xF;
	s29 =	sand.u32 $0x1FFFFFF0, s29  }
0xa9: {  	s30 =	simm.s32 $0x1A80;
	s29 =	sadd.s32 s5, s29  }
0xaa: {  	[tilespmem:s30], [sflag:$0x1] =	stream.linear.gather [hbm4b:s29+s2], $0x80, $0x38;
	[tilespmem:$0x2C00] =	vst v63  }
0xab: {  	s29 =	spop (v2sf)  }
0xac: {  	s29 =	sand.u32 $0x1FFFFFF0, s29  }
0xad: {  	s31 =	simm.s32 $0xB00;
	s29 =	sadd.s32 s4, s29  }
0xae: {  	[tilespmem:s31], [sflag:$0x1] =	stream.linear.gather [hbm4b:s29+s2], $0x80, $0x38;
	[tilespmem:$0x2C00] =	vst v63  }
0xaf: {  	s29 =	spop (v2sf)  }
0xb0: {  	s29 =	sand.u32 $0x1FFFFFF0, s29  }
0xb1: {  	s30 =	simm.s32 $0x1B00;
	s29 =	sadd.s32 s5, s29  }
0xb2: {  	[tilespmem:s30], [sflag:$0x1] =	stream.linear.gather [hbm4b:s29+s2], $0x80, $0x38;
	[tilespmem:$0x2C00] =	vst v63  }
0xb3: {  	s29 =	spop (v2sf)  }
0xb4: {  	s29 =	sand.u32 $0x1FFFFFF0, s29  }
0xb5: {  	s31 =	simm.s32 $0xB80;
	s29 =	sadd.s32 s4, s29  }
0xb6: {  	[tilespmem:s31], [sflag:$0x1] =	stream.linear.gather [hbm4b:s29+s2], $0x80, $0x38;
	[tilespmem:$0x2C00] =	vst v63  }
0xb7: {  	s29 =	spop (v2sf)  }
0xb8: {  	s29 =	sand.u32 $0x1FFFFFF0, s29  }
0xb9: {  	s30 =	simm.s32 $0x1B80;
	s31 =	simm.s32 $0x3;
	s29 =	sadd.s32 s5, s29  }
0xba: {  	[tilespmem:s30], [sflag:$0x1] =	stream.linear.gather [hbm4b:s29+s2], $0x80, $0x38;
	[tilespmem:$0x2C00] =	vst v63  }
0xbb: {  	_ =	swait.ge [sflag:s31], $0x200  }
0xbc: {  	[sflag:s31] =	ssyncset.done $0x0  }
0xbd: {  	[sflag:s31] =	ssyncadd.s32 $0xFFFFFE00  }
0xbe: {  	_ =	swait.ge [sflag:s31], $0x200  }
0xbf: {  	[sflag:s31] =	ssyncset.done $0x0  }
0xc0: {  	[sflag:s31] =	ssyncadd.s32 $0xFFFFFE00  }
0xc1: {  	v63 =	vld [tilespmem:$0x2800]  }
.Ltmp2:
0xc2: {  	_ = 	snop;
	(pc) =	sbr.rel .LBB2_2-.Ltmp2, $2  }
0xc3: {  	_ =	sdelay $0x2  }
0xc4: {  	s29 =	simm.s32 $0x0;
	[tilespmem:$0x1FEF0] =	vst v63  }
.LBB2_4:
0xc5: {  	_ =	swait.ge [sflag:s28], $0x400  }
0xc6: {  	[sflag:s28] =	ssyncset.done $0x0  }
0xc7: {  	[sflag:s28] =	ssyncadd.s32 $0xFFFFFC00  }
0xc8: {  	_ =	swait.ge [sflag:s28], $0x400  }
0xc9: {  	[sflag:s28] =	ssyncset.done $0x0  }
0xca: {  	[sflag:s28] =	ssyncadd.s32 $0xFFFFFC00  }
0xcb: {  	_ =	swait.ge [sflag:s28], $0x400  }
0xcc: {  	[sflag:s28] =	ssyncset.done $0x0  }
0xcd: {  	[sflag:s28] =	ssyncadd.s32 $0xFFFFFC00  }
0xce: {  	_ =	swait.ge [sflag:s28], $0x400  }
0xcf: {  	[sflag:s28] =	ssyncset.done $0x0  }
0xd0: {  	[sflag:s28] =	ssyncadd.s32 $0xFFFFFC00  }
0xd1: {  	v0 =	vld [tilespmem:$0xC00]  }
0xd2: {  	v1 =	vld [tilespmem:$0x1C00]  }
0xd3: {  	v2 =	vld [tilespmem:$0xC10]  }
0xd4: {  	v3 =	vld [tilespmem:$0x1C10]  }
0xd5: {  	v4 =	vld [tilespmem:$0xC20]  }
0xd6: {  	v5 =	vld [tilespmem:$0x1C20]  }
0xd7: {  	v6 =	vld [tilespmem:$0xC30]  }
0xd8: {  	v7 =	vld [tilespmem:$0x1C30]  }
0xd9: {  	v8 =	vld [tilespmem:$0xC80]  }
0xda: {  	v9 =	vld [tilespmem:$0x1C80]  }
0xdb: {  	v10 =	vld [tilespmem:$0xC90]  }
0xdc: {  	v11 =	vld [tilespmem:$0x1C90]  }
0xdd: {  	v12 =	vld [tilespmem:$0xCA0]  }
0xde: {  	v13 =	vld [tilespmem:$0x1CA0]  }
0xdf: {  	v14 =	vld [tilespmem:$0xCB0]  }
0xe0: {  	v62 =	vld [tilespmem:$0x1CB0]  }
0xe1: {  	v16 =	vld [tilespmem:$0xD00]  }
0xe2: {  	v17 =	vld [tilespmem:$0x1D00]  }
0xe3: {  	v18 =	vld [tilespmem:$0xD10]  }
0xe4: {  	v19 =	vld [tilespmem:$0x1D10]  }
0xe5: {  	v20 =	vld [tilespmem:$0xD20]  }
0xe6: {  	v21 =	vld [tilespmem:$0x1D20]  }
0xe7: {  	v63 =	vld [tilespmem:$0xD30]  }
0xe8: {  	v53 =	vld [tilespmem:$0x1D30]  }
0xe9: {  	v24 =	vld [tilespmem:$0xD80]  }
0xea: {  	v25 =	vld [tilespmem:$0x1D80]  }
0xeb: {  	v26 =	vld [tilespmem:$0xD90]  }
0xec: {  	v27 =	vld [tilespmem:$0x1D90]  }
0xed: {  	v28 =	vld [tilespmem:$0xDA0]  }
0xee: {  	v29 =	vld [tilespmem:$0x1DA0]  }
0xef: {  	v30 =	vld [tilespmem:$0xDB0]  }
0xf0: {  	v31 =	vld [tilespmem:$0x1DB0]  }
0xf1: {  	v38 =	vld [tilespmem:$0xE00]  }
0xf2: {  	v33 =	vld [tilespmem:$0x1E00]  }
0xf3: {  	v34 =	vld [tilespmem:$0xE10]  }
0xf4: {  	v35 =	vld [tilespmem:$0x1E10]  }
0xf5: {  	v22 =	vld [tilespmem:$0xE20]  }
0xf6: {  	v23 =	vld [tilespmem:$0x1E20]  }
0xf7: {  	v32 =	vld [tilespmem:$0xE30]  }
0xf8: {  	v55 =	vld [tilespmem:$0x1E30]  }
0xf9: {  	v40 =	vld [tilespmem:$0xE80]  }
0xfa: {  	v41 =	vld [tilespmem:$0x1E80]  }
0xfb: {  	v42 =	vld [tilespmem:$0xE90]  }
0xfc: {  	v43 =	vld [tilespmem:$0x1E90]  }
0xfd: {  	v44 =	vld [tilespmem:$0xEA0]  }
0xfe: {  	v45 =	vld [tilespmem:$0x1EA0]  }
0xff: {  	v46 =	vld [tilespmem:$0xEB0]  }
0x100: {  	v47 =	vld [tilespmem:$0x1EB0]  }
0x101: {  	v48 =	vld [tilespmem:$0xF00]  }
0x102: {  	v49 =	vld [tilespmem:$0x1F00]  }
0x103: {  	v50 =	vld [tilespmem:$0xF10]  }
0x104: {  	v51 =	vld [tilespmem:$0x1F10]  }
0x105: {  	v36 =	vld [tilespmem:$0xF20]  }
0x106: {  	v37 =	vld [tilespmem:$0x1F20]  }
0x107: {  	v39 =	vld [tilespmem:$0xF30]  }
0x108: {  	v52 =	vld [tilespmem:$0x1F30]  }
0x109: {  	v56 =	vld [tilespmem:$0xF80]  }
0x10a: {  	v57 =	vld [tilespmem:$0x1F80]  }
0x10b: {  	v58 =	vld [tilespmem:$0xF90]  }
0x10c: {  	v59 =	vld [tilespmem:$0x1F90]  }
0x10d: {  	v60 =	vld [tilespmem:$0xFA0]  }
0x10e: {  	v61 =	vld [tilespmem:$0x1FA0]  }
0x10f: {  	v54 =	vld [tilespmem:$0xFB0]  }
0x110: {  	v15 =	vld [tilespmem:$0x10A0]  }
0x111: {  	[tilespmem:$0x1FB10] =	vst v63;
	v63 =	vld [tilespmem:$0x1FB0]  }
0x112: {  	[tilespmem:$0x1FB00] =	vst v62;
	v62 =	vld [tilespmem:$0x1000]  }
0x113: {  	[tilespmem:$0x1FB20] =	vst v22;
	v22 =	vld [tilespmem:$0x2000]  }
0x114: {  	[tilespmem:$0x1FB30] =	vst v23;
	v23 =	vld [tilespmem:$0x1010]  }
0x115: {  	[tilespmem:$0x1FB80] =	vst v52;
	v52 =	vld [tilespmem:$0x2010]  }
0x116: {  	[tilespmem:$0x1FB40] =	vst v32;
	v32 =	vld [tilespmem:$0x1020]  }
0x117: {  	[tilespmem:$0x1FB50] =	vst v36;
	v36 =	vld [tilespmem:$0x2020]  }
0x118: {  	[tilespmem:$0x1FB60] =	vst v37;
	v37 =	vld [tilespmem:$0x1030]  }
0x119: {  	[tilespmem:$0x1FB70] =	vst v39;
	v39 =	vld [tilespmem:$0x2030]  }
0x11a: {  	[tilespmem:$0x1FAF0] =	vst v14;
	v14 =	vld [tilespmem:$0x2090]  }
0x11b: {  	[tilespmem:$0x1FB90] =	vst v54;
	v54 =	vld [tilespmem:$0x20A0]  }
0x11c: {  	[tilespmem:$0x1FC10] =	vst v15;
	v15 =	vld [tilespmem:$0x2190]  }
0x11d: {  	v0 =	vmul.f32 v1, v0;
	v1 =	vld [tilespmem:$0x21B0]  }
0x11e: {  	v2 =	vmul.f32 v3, v2;
	v3 =	vmul.f32 v5, v4;
	v4 =	vld [tilespmem:$0x1200]  }
0x11f: {  	v5 =	vmul.f32 v9, v8;
	v9 =	vld [tilespmem:$0x2200]  }
0x120: {  	v8 =	vmul.f32 v11, v10;
	v11 =	vld [tilespmem:$0x2210]  }
0x121: {  	v10 =	vld [tilespmem:$0x2220]  }
0x122: {  	v31 =	vmul.f32 v31, v30;
	v30 =	vld [tilespmem:$0x1300]  }
0x123: {  	v27 =	vmul.f32 v27, v26;
	v26 =	vld [tilespmem:$0x1FB00]  }
0x124: {  	v40 =	vmul.f32 v41, v40;
	v41 =	vmul.f32 v43, v42;
	v42 =	vld [tilespmem:$0x1FB20]  }
0x125: {  	v43 =	vld [tilespmem:$0x1FB30]  }
0x126: {  	v0 =	vadd.f32 v2, v0;
	v2 =	vmul.f32 v7, v6;
	v7 =	vld [tilespmem:$0x1210]  }
0x127: {  	v5 =	vadd.f32 v8, v5;
	v8 =	vld [tilespmem:$0x2230]  }
0x128: {  	v0 =	vadd.f32 v3, v0;
	v3 =	vmul.f32 v25, v24;
	v25 =	vld [tilespmem:$0x1FAF0]  }
0x129: {  	v24 =	vmul.f32 v21, v20;
	v21 =	vld [tilespmem:$0x1290]  }
0x12a: {  	[tilespmem:$0x1FBF0] =	vst v37;
	v37 =	vld [tilespmem:$0x1080]  }
0x12b: {  	[tilespmem:$0x1FBB0] =	vst v22;
	v22 =	vld [tilespmem:$0x2080]  }
0x12c: {  	[tilespmem:$0x1FBE0] =	vst v36;
	v36 =	vld [tilespmem:$0x1090]  }
0x12d: {  	[tilespmem:$0x1FBA0] =	vst v62;
	v62 =	vld [tilespmem:$0x10B0]  }
0x12e: {  	[tilespmem:$0x1FBC0] =	vst v23;
	v23 =	vld [tilespmem:$0x20B0]  }
0x12f: {  	[tilespmem:$0x1FBD0] =	vst v32;
	v32 =	vld [tilespmem:$0x1100]  }
0x130: {  	[tilespmem:$0x1FC00] =	vst v39;
	v39 =	vld [tilespmem:$0x2100]  }
0x131: {  	[tilespmem:$0x1FC20] =	vst v54;
	v54 =	vld [tilespmem:$0x1110]  }
0x132: {  	v19 =	vmul.f32 v19, v18;
	v3 =	vadd.f32 v27, v3;
	v27 =	vmul.f32 v29, v28;
	v29 =	vld [tilespmem:$0x1FB10]  }
0x133: {  	v33 =	vmul.f32 v33, v38;
	v18 =	vmul.f32 v43, v42;
	v43 =	vld [tilespmem:$0x1FB70]  }
0x134: {  	v38 =	vmul.f32 v35, v34;
	v34 =	vmul.f32 v51, v50;
	v50 =	vld [tilespmem:$0x1FBE0]  }
0x135: {  	v51 =	vld [tilespmem:$0x1FBF0]  }
0x136: {  	v3 =	vadd.f32 v27, v3;
	v27 =	vld [tilespmem:$0x12A0]  }
0x137: {  	v17 =	vmul.f32 v17, v16;
	v16 =	vmul.f32 v26, v25;
	v25 =	vld [tilespmem:$0x2290]  }
0x138: {  	[tilespmem:$0x1FC60] =	vst v62;
	v62 =	vld [tilespmem:$0x1120]  }
0x139: {  	[tilespmem:$0x1FC50] =	vst v54;
	v54 =	vld [tilespmem:$0x2110]  }
0x13a: {  	[tilespmem:$0x1FC70] =	vst v23;
	v23 =	vld [tilespmem:$0x2120]  }
0x13b: {  	[tilespmem:$0x1FC30] =	vst v32;
	v32 =	vld [tilespmem:$0x1130]  }
0x13c: {  	[tilespmem:$0x1FC40] =	vst v39;
	v39 =	vld [tilespmem:$0x2130]  }
0x13d: {  	[tilespmem:$0x1FC80] =	vst v62;
	v62 =	vld [tilespmem:$0x11A0]  }
0x13e: {  	v3 =	vadd.f32 v31, v3;
	v31 =	vld [tilespmem:$0x12B0]  }
0x13f: {  	v22 =	vmul.f32 v22, v37;
	v37 =	vld [tilespmem:$0x2320]  }
0x140: {  	v6 =	vmul.f32 v53, v29;
	v53 =	vld [tilespmem:$0x1FB40]  }
0x141: {  	v29 =	vld [tilespmem:$0x22A0]  }
0x142: {  	[tilespmem:$0x1FCA0] =	vst v62;
	v62 =	vld [tilespmem:$0x21A0]  }
0x143: {  	v35 =	vmul.f32 v57, v56;
	v56 =	vld [tilespmem:$0x1FC30]  }
0x144: {  	v42 =	vmul.f32 v61, v60;
	v60 =	vld [tilespmem:$0x1FC60]  }
0x145: {  	v61 =	vld [tilespmem:$0x1FC70]  }
0x146: {  	[tilespmem:$0x1FCC0] =	vst v32;
	v32 =	vld [tilespmem:$0x1190]  }
0x147: {  	[tilespmem:$0x1FCB0] =	vst v62;
	v62 =	vld [tilespmem:$0x11B0]  }
0x148: {  	v57 =	vld [tilespmem:$0x1FC40]  }
0x149: {  	[tilespmem:$0x1FCD0] =	vst v39;
	v39 =	vld [tilespmem:$0x1180]  }
0x14a: {  	[tilespmem:$0x1FC90] =	vst v23;
	v23 =	vld [tilespmem:$0x2180]  }
0x14b: {  	v15 =	vmul.f32 v15, v32;
	v32 =	vmul.f32 v61, v60;
	v61 =	vld [tilespmem:$0x13B0]  }
0x14c: {  	[tilespmem:$0x1FCE0] =	vst v62;
	v62 =	vmul.f32 v13, v12;
	v13 =	vld [tilespmem:$0x1220]  }
0x14d: {  	v12 =	vadd.f32 v41, v40;
	v40 =	vld [tilespmem:$0x1FB50]  }
0x14e: {  	v41 =	vld [tilespmem:$0x1FB60]  }
0x14f: {  	v5 =	vadd.f32 v62, v5;
	v62 =	vadd.f32 v19, v17;
	v17 =	vld [tilespmem:$0x1230]  }
0x150: {  	v19 =	vld [tilespmem:$0x2280]  }
0x151: {  	v5 =	vadd.f32 v16, v5;
	v16 =	vld [tilespmem:$0x1280]  }
0x152: {  	v28 =	vadd.f32 v24, v62;
	v24 =	vmul.f32 v55, v53;
	v55 =	vmul.f32 v45, v44;
	v44 =	vld [tilespmem:$0x1FB80]  }
0x153: {  	v45 =	vld [tilespmem:$0x1FB90]  }
0x154: {  	v62 =	vmul.f32 v47, v46;
	v46 =	vld [tilespmem:$0x1FBA0]  }
0x155: {  	v47 =	vld [tilespmem:$0x1FBB0]  }
0x156: {  	v53 =	vld [tilespmem:$0x1FC10]  }
0x157: {  	v0 =	vadd.f32 v2, v0;
	v2 =	vadd.f32 v6, v28;
	v28 =	vld [tilespmem:$0x22B0]  }
0x158: {  	v6 =	vadd.f32 v38, v33;
	v33 =	vmul.f32 v49, v48;
	v48 =	vld [tilespmem:$0x1FBC0]  }
0x159: {  	v49 =	vld [tilespmem:$0x1FBD0]  }
0x15a: {  	v12 =	vadd.f32 v55, v12;
	v55 =	vld [tilespmem:$0x1FC20]  }
0x15b: {  	v38 =	vmul.f32 v59, v58;
	v58 =	vld [tilespmem:$0x1FC50]  }
0x15c: {  	v59 =	vmul.f32 v23, v39;
	v23 =	vld [tilespmem:$0x2330]  }
0x15d: {  	v6 =	vadd.f32 v18, v6;
	v18 =	vadd.f32 v34, v33;
	v34 =	vld [tilespmem:$0x2300]  }
0x15e: {  	v20 =	vadd.f32 v38, v35;
	v38 =	vld [tilespmem:$0x1310]  }
0x15f: {  	v12 =	vadd.f32 v62, v12;
	v62 =	vld [tilespmem:$0x1FC80]  }
0x160: {  	v33 =	vmul.f32 v63, v45;
	v63 =	vld [tilespmem:$0x1FC90]  }
0x161: {  	v14 =	vmul.f32 v14, v36;
	v45 =	vld [tilespmem:$0x2380]  }
0x162: {  	v35 =	vmul.f32 v52, v48;
	v52 =	vld [tilespmem:$0x1FC00]  }
0x163: {  	v4 =	vmul.f32 v9, v4;
	v14 =	vadd.f32 v14, v22;
	v48 =	vld [tilespmem:$0x1FCC0]  }
0x164: {  	v6 =	vadd.f32 v24, v6;
	v24 =	vmul.f32 v41, v40;
	v22 =	vmul.f32 v55, v53;
	v53 =	vld [tilespmem:$0x2390]  }
0x165: {  	v7 =	vmul.f32 v11, v7;
	v26 =	vmul.f32 v47, v46;
	v55 =	vld [tilespmem:$0x13A0]  }
0x166: {  	v20 =	vadd.f32 v42, v20;
	v18 =	vadd.f32 v24, v18;
	v24 =	vmul.f32 v44, v43;
	v43 =	vld [tilespmem:$0x1FCA0]  }
0x167: {  	v4 =	vadd.f32 v7, v4;
	v60 =	vmul.f32 v29, v27;
	v10 =	vmul.f32 v10, v13;
	v44 =	vld [tilespmem:$0x1FCB0]  }
0x168: {  	v20 =	vadd.f32 v33, v20;
	v33 =	vmul.f32 v50, v49;
	v49 =	vld [tilespmem:$0x1FCD0];
	v26 =	vadd.f32 v35, v26  }
0x169: {  	v4 =	vadd.f32 v10, v4;
	v15 =	vadd.f32 v15, v59;
	v59 =	vmul.f32 v8, v17;
	v50 =	vld [tilespmem:$0x1390]  }
0x16a: {  	[tilespmem:$0x2A80] =	vst v0;
	v40 =	vmul.f32 v54, v58;
	v35 =	vld [tilespmem:$0x1320];
	v26 =	vadd.f32 v33, v26;
	v33 =	vmul.f32 v57, v56  }
0x16b: {  	[tilespmem:$0x2AB3] =	vst v3;
	v14 =	vadd.f32 v22, v14;
	v18 =	vadd.f32 v24, v18;
	v24 =	vld [tilespmem:$0x2310];
	v39 =	vmul.f32 v63, v62  }
0x16c: {  	[tilespmem:$0x2A91] =	vst v5;
	v62 =	vmul.f32 v34, v30;
	v56 =	vmul.f32 v19, v16;
	v33 =	vadd.f32 v40, v33;
	v40 =	vld [tilespmem:$0x1380]  }
0x16d: {  	[tilespmem:$0x2AA2] =	vst v2;
	v27 =	vadd.f32 v59, v4;
	v58 =	vld [tilespmem:$0x23A0];
	v57 =	vmul.f32 v25, v21;
	v36 =	vmul.f32 v52, v51  }
0x16e: {  	[tilespmem:$0x2AD5] =	vst v12;
	v46 =	vadd.f32 v32, v14;
	v52 =	vld [tilespmem:$0x1FCE0];
	v22 =	vmul.f32 v44, v43;
	v32 =	vmul.f32 v49, v48  }
0x16f: {  	v41 =	vld [tilespmem:$0x1330];
	[tilespmem:$0x2AC4] =	vst v6;
	v2 =	vadd.f32 v57, v56;
	v9 =	vmul.f32 v53, v50;
	v42 =	vadd.f32 v36, v26  }
0x170: {  	[tilespmem:$0x2AE6] =	vst v18;
	v18 =	vld [tilespmem:$0x23B0];
	v47 =	vadd.f32 v39, v33;
	v51 =	vadd.f32 v22, v15;
	v63 =	vmul.f32 v24, v38  }
0x171: {  	[tilespmem:$0x2AF7] =	vst v20;
	v20 =	vadd.f32 v60, v2;
	v22 =	vmul.f32 v37, v35;
	v19 =	vmul.f32 v45, v40  }
0x172: {  	[tilespmem:$0x2B4C] =	vst v27;
	v24 =	vmul.f32 v28, v31;
	v54 =	vadd.f32 v32, v47;
	v21 =	vadd.f32 v63, v62;
	v32 =	vld [tilespmem:$0x1FF00]  }
0x173: {  	[tilespmem:$0x2B19] =	vst v46;
	v26 =	vmul.f32 v58, v55;
	v1 =	vmul.f32 v1, v52;
	v25 =	vadd.f32 v9, v19  }
0x174: {  	v28 =	vmul.f32 v23, v41;
	v33 =	vld [tilespmem:$0x1FF10];
	[tilespmem:$0x2B08] =	vst v42;
	v0 =	vadd.f32 v24, v20;
	v2 =	vadd.f32 v22, v21  }
0x175: {  	v30 =	vmul.f32 v18, v61;
	v1 =	vadd.f32 v1, v51;
	[tilespmem:$0x2B2A] =	vst v54;
	v29 =	vadd.f32 v26, v25  }
0x176: {  	v35 =	vld [tilespmem:$0x1FF20];
	[tilespmem:$0x2B5D] =	vst v0;
	v2 =	vadd.f32 v28, v2  }
0x177: {  	v36 =	vld [tilespmem:$0x1FEF0];
	[tilespmem:$0x2B3B] =	vst v1;
	v31 =	vadd.f32 v30, v29  }
0x178: {  	v37 =	vld [tilespmem:$0x1FF30];
	[tilespmem:$0x2B6E] =	vst v2  }
0x179: {  	v38 =	vld [tilespmem:$0x1FF40];
	[tilespmem:$0x2B7F] =	vst v31  }
0x17a: {  	v0 =	vld.idx.msk [tilespmem:v32+s26+$0x0], $0xffff  }
0x17b: {  	v40 =	vld [tilespmem:$0x1FF50]  }
0x17c: {  	v34 =	vld.idx.msk [tilespmem:v33+s26+$0x0], $0xffff  }
0x17d: {  	v42 =	vld [tilespmem:$0x1FF60]  }
0x17e: {  	v2 =	vld.idx.msk [tilespmem:v35+s26+$0x0], $0xffff  }
0x17f: {  	v44 =	vld [tilespmem:$0x1FF70];
	v0 =	vadd.f32 v0, v36  }
0x180: {  	v3 =	vld.idx.msk [tilespmem:v37+s26+$0x0], $0xffff  }
0x181: {  	v46 =	vld [tilespmem:$0x1FF80];
	v0 =	vadd.f32 v34, v0  }
0x182: {  	v39 =	vld.idx.msk [tilespmem:v38+s26+$0x0], $0xffff  }
0x183: {  	v48 =	vld [tilespmem:$0x1FF90];
	v0 =	vadd.f32 v2, v0  }
0x184: {  	v41 =	vld.idx.msk [tilespmem:v40+s26+$0x0], $0xffff  }
0x185: {  	v50 =	vld [tilespmem:$0x1FFA0];
	v0 =	vadd.f32 v3, v0  }
0x186: {  	v43 =	vld.idx.msk [tilespmem:v42+s26+$0x0], $0xffff  }
0x187: {  	v52 =	vld [tilespmem:$0x1FFB0];
	v0 =	vadd.f32 v39, v0  }
0x188: {  	v45 =	vld.idx.msk [tilespmem:v44+s26+$0x0], $0xffff  }
0x189: {  	v54 =	vld [tilespmem:$0x1FFC0];
	v0 =	vadd.f32 v41, v0  }
0x18a: {  	v47 =	vld.idx.msk [tilespmem:v46+s26+$0x0], $0xffff  }
0x18b: {  	v56 =	vld [tilespmem:$0x1FFD0];
	v0 =	vadd.f32 v43, v0  }
0x18c: {  	v49 =	vld.idx.msk [tilespmem:v48+s26+$0x0], $0xffff  }
0x18d: {  	v58 =	vld [tilespmem:$0x1FFE0];
	v0 =	vadd.f32 v45, v0  }
0x18e: {  	v51 =	vld.idx.msk [tilespmem:v50+s26+$0x0], $0xffff  }
0x18f: {  	v60 =	vld [tilespmem:$0x1FFF0];
	v0 =	vadd.f32 v47, v0  }
0x190: {  	v53 =	vld.idx.msk [tilespmem:v52+s26+$0x0], $0xffff  }
0x191: {  	v0 =	vadd.f32 v49, v0  }
0x192: {  	v55 =	vld.idx.msk [tilespmem:v54+s26+$0x0], $0xffff  }
0x193: {  	v0 =	vadd.f32 v51, v0  }
0x194: {  	v57 =	vld.idx.msk [tilespmem:v56+s26+$0x0], $0xffff  }
0x195: {  	v0 =	vadd.f32 v53, v0  }
0x196: {  	v59 =	vld.idx.msk [tilespmem:v58+s26+$0x0], $0xffff  }
0x197: {  	v0 =	vadd.f32 v55, v0  }
0x198: {  	v61 =	vld.idx.msk [tilespmem:v60+s26+$0x0], $0xffff  }
0x199: {  	v0 =	vadd.f32 v57, v0  }
0x19a: {  	v62 =	vld [tilespmem:s30+$0x2410]  }
0x19b: {  	v0 =	vadd.f32 v59, v0  }
0x19c: {  	v63 =	vld [tilespmem:s30+$0x2610]  }
0x19d: {  	s29 =	sadd.s32 $0x80, s29;
	v0 =	vadd.f32 v61, v0  }
0x19e: {  	p0 =	sne.s32 s29, $0x800  }
.Ltmp3:
0x19f: {  	v0 =	vadd.f32 v62, v0;
	(pc) =	sbr.rel @!p0 .LBB2_5-.Ltmp3, $3  }
0x1a0: {  	_ = 	snop  }
0x1a1: {  	v0 =	vadd.f32 v63, v0;
	_ =	sdelay $0x1  }
0x1a2: {  	[tilespmem:s30+$0x2890] =	vst v0  }
.LBB2_2:
0x1a3: {  	s30 =	sshra.s32 s29, $0x2  }
0x1a4: {  	v17 =	vld [tilespmem:s30+$0x10];
	_ =	sdelay $0x3  }
0x1a5: {  	v19 =	vld [tilespmem:s30+$0x210]  }
0x1a6: {  	v18 =	vshll.u32 v17, $0x4  }
0x1a7: {  	(v2sf) =	vpush v18, $0x0;
	_ =	sdelay $0x2  }
0x1a8: {  	v11 =	vshll.u32 v19, $0x4  }
0x1a9: {  	(v2sf) =	vpush v11, $0x0;
	_ =	sdelay $0x3  }
0x1aa: {  	(v2sf) =	vpush v18, $0x1;
	_ =	sdelay $0x3  }
0x1ab: {  	(v2sf) =	vpush v11, $0x1;
	_ =	sdelay $0x2  }
0x1ac: {  	s31 =	spop (v2sf)  }
0x1ad: {  	(v2sf) =	vpush v18, $0x2;
	s31 =	sand.u32 $0x1FFFFFF0, s31  }
0x1ae: {  	s0 =	simm.s32 $0xC00;
	s31 =	sadd.s32 s4, s31  }
0x1af: {  	[tilespmem:s0], [sflag:$0x2] =	stream.linear.gather [hbm4b:s31+s2], $0x80, $0x38;
	[tilespmem:$0x2C00] =	vst v63  }
0x1b0: {  	s0 =	spop (v2sf)  }
0x1b1: {  	(v2sf) =	vpush v11, $0x2;
	s31 =	sand.u32 $0x1FFFFFF0, s0  }
0x1b2: {  	s0 =	simm.s32 $0x1C00;
	s31 =	sadd.s32 s5, s31  }
0x1b3: {  	[tilespmem:s0], [sflag:$0x2] =	stream.linear.gather [hbm4b:s31+s2], $0x80, $0x38;
	[tilespmem:$0x2C00] =	vst v63  }
0x1b4: {  	s0 =	spop (v2sf)  }
0x1b5: {  	(v2sf) =	vpush v18, $0x3;
	s31 =	sand.u32 $0x1FFFFFF0, s0  }
0x1b6: {  	s0 =	simm.s32 $0xC80;
	s31 =	sadd.s32 s4, s31  }
0x1b7: {  	[tilespmem:s0], [sflag:$0x2] =	stream.linear.gather [hbm4b:s31+s2], $0x80, $0x38;
	[tilespmem:$0x2C00] =	vst v63  }
0x1b8: {  	s0 =	spop (v2sf)  }
0x1b9: {  	(v2sf) =	vpush v11, $0x3;
	s31 =	sand.u32 $0x1FFFFFF0, s0  }
0x1ba: {  	s0 =	simm.s32 $0x1C80;
	s31 =	sadd.s32 s5, s31  }
0x1bb: {  	[tilespmem:s0], [sflag:$0x2] =	stream.linear.gather [hbm4b:s31+s2], $0x80, $0x38;
	[tilespmem:$0x2C00] =	vst v63  }
0x1bc: {  	s0 =	spop (v2sf)  }
0x1bd: {  	(v2sf) =	vpush v18, $0x4;
	s31 =	sand.u32 $0x1FFFFFF0, s0  }
0x1be: {  	s0 =	simm.s32 $0xD00;
	s31 =	sadd.s32 s4, s31  }
0x1bf: {  	[tilespmem:s0], [sflag:$0x2] =	stream.linear.gather [hbm4b:s31+s2], $0x80, $0x38;
	[tilespmem:$0x2C00] =	vst v63  }
0x1c0: {  	s0 =	spop (v2sf)  }
0x1c1: {  	(v2sf) =	vpush v11, $0x4;
	s31 =	sand.u32 $0x1FFFFFF0, s0  }
0x1c2: {  	s0 =	simm.s32 $0x1D00;
	s31 =	sadd.s32 s5, s31  }
0x1c3: {  	[tilespmem:s0], [sflag:$0x2] =	stream.linear.gather [hbm4b:s31+s2], $0x80, $0x38;
	[tilespmem:$0x2C00] =	vst v63  }
0x1c4: {  	s0 =	spop (v2sf)  }
0x1c5: {  	(v2sf) =	vpush v18, $0x5;
	s31 =	sand.u32 $0x1FFFFFF0, s0  }
0x1c6: {  	s0 =	simm.s32 $0xD80;
	s31 =	sadd.s32 s4, s31  }
0x1c7: {  	[tilespmem:s0], [sflag:$0x2] =	stream.linear.gather [hbm4b:s31+s2], $0x80, $0x38;
	[tilespmem:$0x2C00] =	vst v63  }
0x1c8: {  	s0 =	spop (v2sf)  }
0x1c9: {  	(v2sf) =	vpush v11, $0x5;
	s31 =	sand.u32 $0x1FFFFFF0, s0  }
0x1ca: {  	s0 =	simm.s32 $0x1D80;
	s31 =	sadd.s32 s5, s31  }
0x1cb: {  	[tilespmem:s0], [sflag:$0x2] =	stream.linear.gather [hbm4b:s31+s2], $0x80, $0x38;
	[tilespmem:$0x2C00] =	vst v63  }
0x1cc: {  	s0 =	spop (v2sf)  }
0x1cd: {  	(v2sf) =	vpush v18, $0x6;
	s31 =	sand.u32 $0x1FFFFFF0, s0  }
0x1ce: {  	s0 =	simm.s32 $0xE00;
	s31 =	sadd.s32 s4, s31  }
0x1cf: {  	[tilespmem:s0], [sflag:$0x2] =	stream.linear.gather [hbm4b:s31+s2], $0x80, $0x38;
	[tilespmem:$0x2C00] =	vst v63  }
0x1d0: {  	s0 =	spop (v2sf)  }
0x1d1: {  	(v2sf) =	vpush v11, $0x6;
	s31 =	sand.u32 $0x1FFFFFF0, s0  }
0x1d2: {  	s0 =	simm.s32 $0x1E00;
	s31 =	sadd.s32 s5, s31  }
0x1d3: {  	[tilespmem:s0], [sflag:$0x2] =	stream.linear.gather [hbm4b:s31+s2], $0x80, $0x38;
	[tilespmem:$0x2C00] =	vst v63  }
0x1d4: {  	s0 =	spop (v2sf)  }
0x1d5: {  	(v2sf) =	vpush v18, $0x7;
	s31 =	sand.u32 $0x1FFFFFF0, s0  }
0x1d6: {  	s0 =	simm.s32 $0xE80;
	s31 =	sadd.s32 s4, s31  }
0x1d7: {  	[tilespmem:s0], [sflag:$0x2] =	stream.linear.gather [hbm4b:s31+s2], $0x80, $0x38;
	[tilespmem:$0x2C00] =	vst v63  }
0x1d8: {  	s0 =	spop (v2sf)  }
0x1d9: {  	(v2sf) =	vpush v11, $0x7;
	s31 =	sand.u32 $0x1FFFFFF0, s0  }
0x1da: {  	s31 =	sadd.s32 s5, s31  }
0x1db: {  	[tilespmem:s3], [sflag:$0x2] =	stream.linear.gather [hbm4b:s31+s2], $0x80, $0x38;
	[tilespmem:$0x2C00] =	vst v63  }
0x1dc: {  	s0 =	spop (v2sf)  }
0x1dd: {  	(v2sf) =	vpush v18, $0x8;
	s31 =	sand.u32 $0x1FFFFFF0, s0  }
0x1de: {  	s31 =	sadd.s32 s4, s31  }
0x1df: {  	[tilespmem:s14], [sflag:$0x2] =	stream.linear.gather [hbm4b:s31+s2], $0x80, $0x38;
	[tilespmem:$0x2C00] =	vst v63  }
0x1e0: {  	s0 =	spop (v2sf)  }
0x1e1: {  	(v2sf) =	vpush v11, $0x8;
	s31 =	sand.u32 $0x1FFFFFF0, s0  }
0x1e2: {  	s31 =	sadd.s32 s5, s31  }
0x1e3: {  	[tilespmem:s15], [sflag:$0x2] =	stream.linear.gather [hbm4b:s31+s2], $0x80, $0x38;
	[tilespmem:$0x2C00] =	vst v63  }
0x1e4: {  	s0 =	spop (v2sf)  }
0x1e5: {  	(v2sf) =	vpush v18, $0x9;
	s31 =	sand.u32 $0x1FFFFFF0, s0  }
0x1e6: {  	s31 =	sadd.s32 s4, s31  }
0x1e7: {  	[tilespmem:s16], [sflag:$0x2] =	stream.linear.gather [hbm4b:s31+s2], $0x80, $0x38;
	[tilespmem:$0x2C00] =	vst v63  }
0x1e8: {  	s0 =	spop (v2sf)  }
0x1e9: {  	(v2sf) =	vpush v11, $0x9;
	s31 =	sand.u32 $0x1FFFFFF0, s0  }
0x1ea: {  	s31 =	sadd.s32 s5, s31  }
0x1eb: {  	[tilespmem:s1], [sflag:$0x2] =	stream.linear.gather [hbm4b:s31+s2], $0x80, $0x38;
	[tilespmem:$0x2C00] =	vst v63  }
0x1ec: {  	s0 =	spop (v2sf)  }
0x1ed: {  	(v2sf) =	vpush v18, $0xA;
	s31 =	sand.u32 $0x1FFFFFF0, s0  }
0x1ee: {  	s31 =	sadd.s32 s4, s31  }
0x1ef: {  	[tilespmem:s6], [sflag:$0x2] =	stream.linear.gather [hbm4b:s31+s2], $0x80, $0x38;
	[tilespmem:$0x2C00] =	vst v63  }
0x1f0: {  	s0 =	spop (v2sf)  }
0x1f1: {  	(v2sf) =	vpush v11, $0xA;
	s31 =	sand.u32 $0x1FFFFFF0, s0  }
0x1f2: {  	s31 =	sadd.s32 s5, s31  }
0x1f3: {  	[tilespmem:s7], [sflag:$0x2] =	stream.linear.gather [hbm4b:s31+s2], $0x80, $0x38;
	[tilespmem:$0x2C00] =	vst v63  }
0x1f4: {  	s0 =	spop (v2sf)  }
0x1f5: {  	(v2sf) =	vpush v18, $0xB;
	s31 =	sand.u32 $0x1FFFFFF0, s0  }
0x1f6: {  	s31 =	sadd.s32 s4, s31  }
0x1f7: {  	[tilespmem:s8], [sflag:$0x2] =	stream.linear.gather [hbm4b:s31+s2], $0x80, $0x38;
	[tilespmem:$0x2C00] =	vst v63  }
0x1f8: {  	s0 =	spop (v2sf)  }
0x1f9: {  	(v2sf) =	vpush v11, $0xB;
	s31 =	sand.u32 $0x1FFFFFF0, s0  }
0x1fa: {  	s31 =	sadd.s32 s5, s31  }
0x1fb: {  	[tilespmem:s9], [sflag:$0x2] =	stream.linear.gather [hbm4b:s31+s2], $0x80, $0x38;
	[tilespmem:$0x2C00] =	vst v63  }
0x1fc: {  	s0 =	spop (v2sf)  }
0x1fd: {  	(v2sf) =	vpush v18, $0xC;
	s31 =	sand.u32 $0x1FFFFFF0, s0  }
0x1fe: {  	s31 =	sadd.s32 s4, s31  }
0x1ff: {  	[tilespmem:s10], [sflag:$0x2] =	stream.linear.gather [hbm4b:s31+s2], $0x80, $0x38;
	[tilespmem:$0x2C00] =	vst v63  }
0x200: {  	s0 =	spop (v2sf)  }
0x201: {  	(v2sf) =	vpush v11, $0xC;
	s31 =	sand.u32 $0x1FFFFFF0, s0  }
0x202: {  	s31 =	sadd.s32 s5, s31  }
0x203: {  	[tilespmem:s11], [sflag:$0x2] =	stream.linear.gather [hbm4b:s31+s2], $0x80, $0x38;
	[tilespmem:$0x2C00] =	vst v63  }
0x204: {  	s0 =	spop (v2sf)  }
0x205: {  	(v2sf) =	vpush v18, $0xD;
	s31 =	sand.u32 $0x1FFFFFF0, s0  }
0x206: {  	s31 =	sadd.s32 s4, s31  }
0x207: {  	[tilespmem:s13], [sflag:$0x2] =	stream.linear.gather [hbm4b:s31+s2], $0x80, $0x38;
	[tilespmem:$0x2C00] =	vst v63  }
0x208: {  	s0 =	spop (v2sf)  }
0x209: {  	(v2sf) =	vpush v11, $0xD;
	s31 =	sand.u32 $0x1FFFFFF0, s0  }
0x20a: {  	s31 =	sadd.s32 s5, s31  }
0x20b: {  	[tilespmem:s12], [sflag:$0x2] =	stream.linear.gather [hbm4b:s31+s2], $0x80, $0x38;
	[tilespmem:$0x2C00] =	vst v63  }
0x20c: {  	s0 =	spop (v2sf)  }
0x20d: {  	(v2sf) =	vpush v18, $0xE;
	s31 =	sand.u32 $0x1FFFFFF0, s0  }
0x20e: {  	s31 =	sadd.s32 s4, s31  }
0x20f: {  	[tilespmem:s17], [sflag:$0x2] =	stream.linear.gather [hbm4b:s31+s2], $0x80, $0x38;
	[tilespmem:$0x2C00] =	vst v63  }
0x210: {  	s0 =	spop (v2sf)  }
0x211: {  	(v2sf) =	vpush v11, $0xE;
	s31 =	sand.u32 $0x1FFFFFF0, s0  }
0x212: {  	s31 =	sadd.s32 s5, s31  }
0x213: {  	[tilespmem:s18], [sflag:$0x2] =	stream.linear.gather [hbm4b:s31+s2], $0x80, $0x38;
	[tilespmem:$0x2C00] =	vst v63  }
0x214: {  	s0 =	spop (v2sf)  }
0x215: {  	(v2sf) =	vpush v18, $0xF;
	s31 =	sand.u32 $0x1FFFFFF0, s0  }
0x216: {  	s31 =	sadd.s32 s4, s31  }
0x217: {  	[tilespmem:s19], [sflag:$0x2] =	stream.linear.gather [hbm4b:s31+s2], $0x80, $0x38;
	[tilespmem:$0x2C00] =	vst v63  }
0x218: {  	s0 =	spop (v2sf)  }
0x219: {  	(v2sf) =	vpush v11, $0xF;
	s31 =	sand.u32 $0x1FFFFFF0, s0  }
0x21a: {  	s31 =	sadd.s32 s5, s31  }
0x21b: {  	[tilespmem:s20], [sflag:$0x2] =	stream.linear.gather [hbm4b:s31+s2], $0x80, $0x38;
	[tilespmem:$0x2C00] =	vst v63  }
0x21c: {  	s0 =	spop (v2sf)  }
0x21d: {  	s31 =	sand.u32 $0x1FFFFFF0, s0  }
0x21e: {  	s31 =	sadd.s32 s4, s31  }
0x21f: {  	[tilespmem:s21], [sflag:$0x2] =	stream.linear.gather [hbm4b:s31+s2], $0x80, $0x38;
	[tilespmem:$0x2C00] =	vst v63  }
0x220: {  	s0 =	spop (v2sf)  }
0x221: {  	s31 =	sand.u32 $0x1FFFFFF0, s0  }
0x222: {  	s31 =	sadd.s32 s5, s31  }
0x223: {  	[tilespmem:s22], [sflag:$0x2] =	stream.linear.gather [hbm4b:s31+s2], $0x80, $0x38;
	[tilespmem:$0x2C00] =	vst v63  }
0x224: {  	s0 =	spop (v2sf)  }
0x225: {  	s31 =	sand.u32 $0x1FFFFFF0, s0  }
0x226: {  	s31 =	sadd.s32 s4, s31  }
0x227: {  	[tilespmem:s23], [sflag:$0x2] =	stream.linear.gather [hbm4b:s31+s2], $0x80, $0x38;
	[tilespmem:$0x2C00] =	vst v63  }
0x228: {  	s0 =	spop (v2sf)  }
0x229: {  	s31 =	sand.u32 $0x1FFFFFF0, s0  }
0x22a: {  	s31 =	sadd.s32 s5, s31  }
0x22b: {  	[tilespmem:s24], [sflag:$0x2] =	stream.linear.gather [hbm4b:s31+s2], $0x80, $0x38;
	[tilespmem:$0x2C00] =	vst v63  }
0x22c: {  	_ =	swait.ge [sflag:s25], $0x400  }
0x22d: {  	[sflag:s25] =	ssyncset.done $0x0  }
0x22e: {  	[sflag:s25] =	ssyncadd.s32 $0xFFFFFC00  }
0x22f: {  	_ =	swait.ge [sflag:s25], $0x400  }
0x230: {  	[sflag:s25] =	ssyncset.done $0x0  }
0x231: {  	[sflag:s25] =	ssyncadd.s32 $0xFFFFFC00  }
0x232: {  	_ =	swait.ge [sflag:s25], $0x400  }
0x233: {  	[sflag:s25] =	ssyncset.done $0x0  }
0x234: {  	[sflag:s25] =	ssyncadd.s32 $0xFFFFFC00  }
0x235: {  	_ =	swait.ge [sflag:s25], $0x400  }
0x236: {  	[sflag:s25] =	ssyncset.done $0x0  }
0x237: {  	[sflag:s25] =	ssyncadd.s32 $0xFFFFFC00  }
0x238: {  	v17 =	vld [tilespmem:$0x400]  }
0x239: {  	v18 =	vld [tilespmem:$0x1400]  }
0x23a: {  	v19 =	vld [tilespmem:$0x410]  }
0x23b: {  	v20 =	vld [tilespmem:$0x1410]  }
0x23c: {  	v21 =	vld [tilespmem:$0x420]  }
0x23d: {  	v22 =	vld [tilespmem:$0x1420]  }
0x23e: {  	v23 =	vld [tilespmem:$0x430]  }
0x23f: {  	v24 =	vld [tilespmem:$0x1430]  }
0x240: {  	v25 =	vld [tilespmem:$0x480]  }
0x241: {  	v26 =	vld [tilespmem:$0x1480]  }
0x242: {  	v27 =	vld [tilespmem:$0x490]  }
0x243: {  	v28 =	vld [tilespmem:$0x1490]  }
0x244: {  	v29 =	vld [tilespmem:$0x4A0]  }
0x245: {  	v30 =	vld [tilespmem:$0x14A0]  }
0x246: {  	v0 =	vld [tilespmem:$0x4B0]  }
0x247: {  	v12 =	vld [tilespmem:$0x14B0]  }
0x248: {  	v33 =	vld [tilespmem:$0x500]  }
0x249: {  	v34 =	vld [tilespmem:$0x1500]  }
0x24a: {  	v35 =	vld [tilespmem:$0x510]  }
0x24b: {  	v36 =	vld [tilespmem:$0x1510]  }
0x24c: {  	v37 =	vld [tilespmem:$0x520]  }
0x24d: {  	v38 =	vld [tilespmem:$0x1520]  }
0x24e: {  	v13 =	vld [tilespmem:$0x530]  }
0x24f: {  	v40 =	vld [tilespmem:$0x1530]  }
0x250: {  	v41 =	vld [tilespmem:$0x580]  }
0x251: {  	v42 =	vld [tilespmem:$0x1580]  }
0x252: {  	v43 =	vld [tilespmem:$0x590]  }
0x253: {  	v44 =	vld [tilespmem:$0x1590]  }
0x254: {  	v45 =	vld [tilespmem:$0x5A0]  }
0x255: {  	v46 =	vld [tilespmem:$0x15A0]  }
0x256: {  	v47 =	vld [tilespmem:$0x5B0]  }
0x257: {  	v48 =	vld [tilespmem:$0x15B0]  }
0x258: {  	v49 =	vld [tilespmem:$0x600]  }
0x259: {  	v50 =	vld [tilespmem:$0x1600]  }
0x25a: {  	v51 =	vld [tilespmem:$0x610]  }
0x25b: {  	v52 =	vld [tilespmem:$0x1610]  }
0x25c: {  	v14 =	vld [tilespmem:$0x620]  }
0x25d: {  	v15 =	vld [tilespmem:$0x1620]  }
0x25e: {  	v16 =	vld [tilespmem:$0x630]  }
0x25f: {  	v56 =	vld [tilespmem:$0x1630]  }
0x260: {  	v57 =	vld [tilespmem:$0x680]  }
0x261: {  	v58 =	vld [tilespmem:$0x1680]  }
0x262: {  	v59 =	vld [tilespmem:$0x690]  }
0x263: {  	v60 =	vld [tilespmem:$0x1690]  }
0x264: {  	v61 =	vld [tilespmem:$0x6A0]  }
0x265: {  	v62 =	vld [tilespmem:$0x16A0]  }
0x266: {  	v63 =	vld [tilespmem:$0x6B0]  }
0x267: {  	v1 =	vld [tilespmem:$0x16B0]  }
0x268: {  	v6 =	vld [tilespmem:$0x1700]  }
0x269: {  	v3 =	vld [tilespmem:$0x710]  }
0x26a: {  	v4 =	vld [tilespmem:$0x1710]  }
0x26b: {  	v31 =	vld [tilespmem:$0x720]  }
0x26c: {  	v32 =	vld [tilespmem:$0x1720]  }
0x26d: {  	v39 =	vld [tilespmem:$0x730]  }
0x26e: {  	v53 =	vld [tilespmem:$0x1730]  }
0x26f: {  	v9 =	vld [tilespmem:$0x780]  }
0x270: {  	v10 =	vld [tilespmem:$0x1780]  }
0x271: {  	v11 =	vld [tilespmem:$0x790]  }
0x272: {  	v54 =	vld [tilespmem:$0x7B0]  }
0x273: {  	v55 =	vld [tilespmem:$0x800]  }
0x274: {  	v5 =	vld [tilespmem:$0x1800]  }
0x275: {  	v7 =	vld [tilespmem:$0x810]  }
0x276: {  	v8 =	vld [tilespmem:$0x820]  }
0x277: {  	v2 =	vld [tilespmem:$0x8A0]  }
0x278: {  	[tilespmem:$0x1FD40] =	vst v16;
	v16 =	vld [tilespmem:$0x700]  }
0x279: {  	[tilespmem:$0x1FD00] =	vst v12;
	v12 =	vld [tilespmem:$0x1790]  }
0x27a: {  	[tilespmem:$0x1FD60] =	vst v32;
	v32 =	vld [tilespmem:$0x7A0]  }
0x27b: {  	[tilespmem:$0x1FD20] =	vst v14;
	v14 =	vld [tilespmem:$0x17A0]  }
0x27c: {  	[tilespmem:$0x1FD70] =	vst v39;
	v39 =	vld [tilespmem:$0x17B0]  }
0x27d: {  	[tilespmem:$0x1FD90] =	vst v54;
	v54 =	vld [tilespmem:$0x1810]  }
0x27e: {  	[tilespmem:$0x1FD10] =	vst v13;
	v13 =	vld [tilespmem:$0x1820]  }
0x27f: {  	[tilespmem:$0x1FD30] =	vst v15;
	v15 =	vld [tilespmem:$0x830]  }
0x280: {  	[tilespmem:$0x1FD50] =	vst v31;
	v31 =	vld [tilespmem:$0x1830]  }
0x281: {  	[tilespmem:$0x1FDB0] =	vst v5;
	v5 =	vld [tilespmem:$0x890]  }
0x282: {  	[tilespmem:$0x1FCF0] =	vst v0;
	v0 =	vld [tilespmem:$0x1890]  }
0x283: {  	[tilespmem:$0x1FD80] =	vst v53;
	v53 =	vld [tilespmem:$0x18A0]  }
0x284: {  	[tilespmem:$0x1FDA0] =	vst v55;
	v55 =	vld [tilespmem:$0x8B0]  }
0x285: {  	[tilespmem:$0x1FDC0] =	vst v7;
	v7 =	vld [tilespmem:$0x18B0]  }
0x286: {  	[tilespmem:$0x1FDD0] =	vst v8;
	v8 =	vld [tilespmem:$0x900]  }
0x287: {  	[tilespmem:$0x1FE10] =	vst v2;
	v2 =	vld [tilespmem:$0x1990]  }
0x288: {  	v17 =	vmul.f32 v18, v17;
	v18 =	vld [tilespmem:$0x19B0]  }
0x289: {  	v19 =	vmul.f32 v20, v19;
	v20 =	vmul.f32 v22, v21;
	v21 =	vld [tilespmem:$0xA00]  }
0x28a: {  	v28 =	vmul.f32 v28, v27;
	v27 =	vld [tilespmem:$0x1A20]  }
0x28b: {  	v3 =	vmul.f32 v4, v3;
	v4 =	vld [tilespmem:$0x1AA0]  }
0x28c: {  	v48 =	vmul.f32 v48, v47;
	v47 =	vld [tilespmem:$0x1FD80]  }
0x28d: {  	v50 =	vmul.f32 v50, v49;
	v49 =	vld [tilespmem:$0x1FDA0]  }
0x28e: {  	v34 =	vmul.f32 v34, v33;
	v52 =	vmul.f32 v52, v51;
	v51 =	vld [tilespmem:$0x1FDC0]  }
0x28f: {  	v36 =	vmul.f32 v36, v35;
	v17 =	vadd.f32 v19, v17;
	v19 =	vmul.f32 v24, v23;
	v24 =	vld [tilespmem:$0xA10]  }
0x290: {  	v23 =	vmul.f32 v30, v29;
	v30 =	vld [tilespmem:$0xA20]  }
0x291: {  	v36 =	vadd.f32 v36, v34;
	v34 =	vld [tilespmem:$0xA30]  }
0x292: {  	v17 =	vadd.f32 v20, v17;
	v20 =	vmul.f32 v42, v41;
	v42 =	vld [tilespmem:$0x1FCF0]  }
0x293: {  	[tilespmem:$0x1FE60] =	vst v55;
	v55 =	vld [tilespmem:$0x920]  }
0x294: {  	v41 =	vmul.f32 v38, v37;
	v38 =	vld [tilespmem:$0xA90]  }
0x295: {  	[tilespmem:$0x1FE00] =	vst v31;
	v31 =	vld [tilespmem:$0x1900]  }
0x296: {  	[tilespmem:$0x1FDF0] =	vst v15;
	v15 =	vld [tilespmem:$0x880]  }
0x297: {  	[tilespmem:$0x1FE70] =	vst v7;
	v7 =	vld [tilespmem:$0x1920]  }
0x298: {  	[tilespmem:$0x1FE80] =	vst v55;
	v55 =	vld [tilespmem:$0x9A0]  }
0x299: {  	[tilespmem:$0x1FE30] =	vst v8;
	v8 =	vld [tilespmem:$0x930]  }
0x29a: {  	[tilespmem:$0x1FE40] =	vst v31;
	v31 =	vld [tilespmem:$0x1930]  }
0x29b: {  	[tilespmem:$0x1FE20] =	vst v53;
	v53 =	vld [tilespmem:$0x910]  }
0x29c: {  	[tilespmem:$0x1FE90] =	vst v7;
	v7 =	vld [tilespmem:$0x1980]  }
0x29d: {  	[tilespmem:$0x1FEA0] =	vst v55;
	v55 =	vld [tilespmem:$0x19A0]  }
0x29e: {  	[tilespmem:$0x1FEC0] =	vst v8;
	v8 =	vld [tilespmem:$0x990]  }
0x29f: {  	[tilespmem:$0x1FED0] =	vst v31;
	v31 =	vld [tilespmem:$0x980]  }
0x2a0: {  	[tilespmem:$0x1FDE0] =	vst v13;
	v13 =	vld [tilespmem:$0x1880]  }
0x2a1: {  	v37 =	vmul.f32 v12, v11;
	v11 =	vld [tilespmem:$0xAB0]  }
0x2a2: {  	[tilespmem:$0x1FEB0] =	vst v55;
	v55 =	vld [tilespmem:$0x9B0]  }
0x2a3: {  	v1 =	vmul.f32 v1, v63;
	v0 =	vmul.f32 v0, v5;
	v5 =	vld [tilespmem:$0x1B10]  }
0x2a4: {  	[tilespmem:$0x1FE50] =	vst v53;
	v53 =	vld [tilespmem:$0x1910];
	v2 =	vmul.f32 v2, v8;
	v63 =	vmul.f32 v7, v31  }
0x2a5: {  	v62 =	vmul.f32 v62, v61;
	v61 =	vld [tilespmem:$0x1FE40]  }
0x2a6: {  	v2 =	vadd.f32 v2, v63;
	v63 =	vld [tilespmem:$0x1BA0]  }
0x2a7: {  	[tilespmem:$0x1FEE0] =	vst v55;
	v55 =	vmul.f32 v26, v25;
	v26 =	vld [tilespmem:$0x1A00]  }
0x2a8: {  	v25 =	vld [tilespmem:$0x1A30]  }
0x2a9: {  	v22 =	vadd.f32 v28, v55;
	v28 =	vld [tilespmem:$0x1A10]  }
0x2aa: {  	v55 =	vmul.f32 v44, v43;
	v43 =	vld [tilespmem:$0x1FD00]  }
0x2ab: {  	v44 =	vmul.f32 v46, v45;
	v46 =	vld [tilespmem:$0x1FD10]  }
0x2ac: {  	v45 =	vadd.f32 v41, v36;
	v36 =	vld [tilespmem:$0x1A80]  }
0x2ad: {  	v41 =	vld [tilespmem:$0x1A90]  }
0x2ae: {  	v20 =	vadd.f32 v55, v20;
	v55 =	vmul.f32 v58, v57;
	v58 =	vld [tilespmem:$0x1FD20]  }
0x2af: {  	v57 =	vmul.f32 v60, v59;
	v59 =	vld [tilespmem:$0x1FD30]  }
0x2b0: {  	v60 =	vld [tilespmem:$0x1FD40]  }
0x2b1: {  	v20 =	vadd.f32 v44, v20;
	v44 =	vld [tilespmem:$0x1FD60]  }
0x2b2: {  	v29 =	vadd.f32 v57, v55;
	v55 =	vld [tilespmem:$0x1FDE0]  }
0x2b3: {  	v57 =	vld [tilespmem:$0x1FE00]  }
0x2b4: {  	v33 =	vmul.f32 v43, v42;
	v42 =	vld [tilespmem:$0xAA0]  }
0x2b5: {  	v43 =	vld [tilespmem:$0x1FD50]  }
0x2b6: {  	v22 =	vadd.f32 v23, v22;
	v23 =	vmul.f32 v40, v46;
	v46 =	vld [tilespmem:$0x1FD70]  }
0x2b7: {  	v20 =	vadd.f32 v48, v20;
	v48 =	vld [tilespmem:$0x1FD90]  }
0x2b8: {  	v22 =	vadd.f32 v33, v22;
	v33 =	vld [tilespmem:$0xA80]  }
0x2b9: {  	v17 =	vadd.f32 v19, v17;
	v19 =	vadd.f32 v23, v45;
	v45 =	vmul.f32 v14, v32;
	v14 =	vld [tilespmem:$0xB00]  }
0x2ba: {  	v23 =	vadd.f32 v52, v50;
	v50 =	vld [tilespmem:$0x1FDB0]  }
0x2bb: {  	v32 =	vmul.f32 v54, v51;
	v54 =	vld [tilespmem:$0x1FDD0]  }
0x2bc: {  	v52 =	vmul.f32 v13, v15;
	v15 =	vld [tilespmem:$0xB20]  }
0x2bd: {  	v40 =	vmul.f32 v56, v60;
	v56 =	vld [tilespmem:$0x1FDF0]  }
0x2be: {  	v9 =	vmul.f32 v10, v9;
	v35 =	vmul.f32 v59, v58;
	v58 =	vld [tilespmem:$0x1FE10]  }
0x2bf: {  	v59 =	vld [tilespmem:$0x1FE20]  }
0x2c0: {  	v9 =	vadd.f32 v37, v9;
	v60 =	vld [tilespmem:$0x1FE30]  }
0x2c1: {  	v23 =	vadd.f32 v35, v23;
	v35 =	vadd.f32 v62, v29;
	v29 =	vld [tilespmem:$0x1B00]  }
0x2c2: {  	v62 =	vld [tilespmem:$0x1FE50]  }
0x2c3: {  	v6 =	vmul.f32 v6, v16;
	v9 =	vadd.f32 v45, v9;
	v45 =	vld [tilespmem:$0x1FE80]  }
0x2c4: {  	v0 =	vadd.f32 v0, v52;
	v52 =	vld [tilespmem:$0x1FEC0]  }
0x2c5: {  	v3 =	vadd.f32 v3, v6;
	v6 =	vmul.f32 v44, v43;
	v43 =	vld [tilespmem:$0x1FE60]  }
0x2c6: {  	v44 =	vld [tilespmem:$0x1FE70]  }
0x2c7: {  	v12 =	vadd.f32 v40, v23;
	v23 =	vld [tilespmem:$0x1AB0]  }
0x2c8: {  	v1 =	vadd.f32 v1, v35;
	v35 =	vld [tilespmem:$0xB10]  }
0x2c9: {  	v16 =	vmul.f32 v39, v48;
	v39 =	vld [tilespmem:$0xB30]  }
0x2ca: {  	v40 =	vld [tilespmem:$0x1B30]  }
0x2cb: {  	v4 =	vmul.f32 v4, v42;
	v48 =	vld [tilespmem:$0x1FEA0];
	v3 =	vadd.f32 v6, v3;
	v6 =	vmul.f32 v47, v46  }
0x2cc: {  	v10 =	vmul.f32 v50, v49;
	v13 =	vmul.f32 v55, v54;
	v46 =	vld [tilespmem:$0x1FE90]  }
0x2cd: {  	v47 =	vld [tilespmem:$0xB80];
	v9 =	vadd.f32 v16, v9;
	v16 =	vmul.f32 v57, v56;
	v56 =	vmul.f32 v26, v21  }
0x2ce: {  	v49 =	vld [tilespmem:$0x1FEB0];
	v26 =	vmul.f32 v25, v34;
	v3 =	vadd.f32 v6, v3;
	v6 =	vmul.f32 v59, v58  }
0x2cf: {  	v50 =	vld [tilespmem:$0x1B80];
	v37 =	vmul.f32 v53, v62;
	v58 =	vmul.f32 v28, v24  }
0x2d0: {  	v54 =	vld [tilespmem:$0xB90];
	v10 =	vadd.f32 v32, v10;
	v59 =	vmul.f32 v27, v30;
	v62 =	vmul.f32 v41, v38  }
0x2d1: {  	[tilespmem:$0x2A80] =	vst v17;
	v57 =	vld [tilespmem:$0x1B90];
	v29 =	vmul.f32 v29, v14;
	v8 =	vmul.f32 v44, v43  }
0x2d2: {  	[tilespmem:$0x2AB3] =	vst v20;
	v55 =	vld [tilespmem:$0x1FEE0];
	v10 =	vadd.f32 v13, v10;
	v13 =	vmul.f32 v61, v60;
	v0 =	vadd.f32 v6, v0  }
0x2d3: {  	[tilespmem:$0x2A91] =	vst v22;
	v32 =	vld [tilespmem:$0x1B20];
	v61 =	vmul.f32 v36, v33;
	v24 =	vadd.f32 v58, v56;
	v5 =	vmul.f32 v5, v35  }
0x2d4: {  	[tilespmem:$0x2AA2] =	vst v19;
	v53 =	vld [tilespmem:$0x1FED0];
	v36 =	vmul.f32 v23, v11;
	v31 =	vmul.f32 v46, v45;
	v13 =	vadd.f32 v37, v13  }
0x2d5: {  	[tilespmem:$0x2AC4] =	vst v12;
	v60 =	vld [tilespmem:$0xBA0];
	v6 =	vmul.f32 v49, v48;
	v10 =	vadd.f32 v16, v10;
	v0 =	vadd.f32 v8, v0  }
0x2d6: {  	[tilespmem:$0x2AD5] =	vst v1;
	v27 =	vld [tilespmem:$0xBB0];
	v28 =	vadd.f32 v62, v61;
	v1 =	vadd.f32 v59, v24;
	v33 =	vmul.f32 v57, v54  }
0x2d7: {  	v30 =	vld [tilespmem:$0x1BB0];
	[tilespmem:$0x2AF7] =	vst v9;
	v34 =	vadd.f32 v5, v29;
	v2 =	vadd.f32 v6, v2;
	v6 =	vmul.f32 v18, v55  }
0x2d8: {  	[tilespmem:$0x2AE6] =	vst v3;
	v35 =	vmul.f32 v32, v15;
	v51 =	vadd.f32 v31, v13;
	v31 =	vmul.f32 v50, v47  }
0x2d9: {  	v45 =	vld [tilespmem:$0x1FF00];
	v13 =	vmul.f32 v53, v52;
	[tilespmem:$0x2B08] =	vst v10;
	v3 =	vadd.f32 v4, v28;
	v1 =	vadd.f32 v26, v1  }
0x2da: {  	[tilespmem:$0x2B19] =	vst v0;
	v2 =	vadd.f32 v6, v2;
	v38 =	vmul.f32 v63, v60;
	v37 =	vadd.f32 v33, v31  }
0x2db: {  	v40 =	vmul.f32 v40, v39;
	v46 =	vld [tilespmem:$0x1FF10];
	v4 =	vadd.f32 v35, v34;
	v8 =	vadd.f32 v13, v51;
	[tilespmem:$0x2B4C] =	vst v1  }
0x2dc: {  	v42 =	vmul.f32 v30, v27;
	v0 =	vadd.f32 v36, v3;
	[tilespmem:$0x2B3B] =	vst v2;
	v41 =	vadd.f32 v38, v37  }
0x2dd: {  	v47 =	vld [tilespmem:$0x1FF20];
	v43 =	vadd.f32 v40, v4;
	[tilespmem:$0x2B2A] =	vst v8  }
0x2de: {  	v48 =	vld [tilespmem:$0x1FEF0];
	[tilespmem:$0x2B5D] =	vst v0;
	v44 =	vadd.f32 v42, v41  }
0x2df: {  	v49 =	vld [tilespmem:$0x1FF30];
	[tilespmem:$0x2B6E] =	vst v43  }
0x2e0: {  	v50 =	vld [tilespmem:$0x1FF40];
	[tilespmem:$0x2B7F] =	vst v44  }
0x2e1: {  	v0 =	vld.idx.msk [tilespmem:v45+s26+$0x0], $0xffff  }
0x2e2: {  	v51 =	vld [tilespmem:$0x1FF50]  }
0x2e3: {  	v1 =	vld.idx.msk [tilespmem:v46+s26+$0x0], $0xffff  }
0x2e4: {  	v52 =	vld [tilespmem:$0x1FF60]  }
0x2e5: {  	v2 =	vld.idx.msk [tilespmem:v47+s26+$0x0], $0xffff  }
0x2e6: {  	v53 =	vld [tilespmem:$0x1FF70];
	v0 =	vadd.f32 v0, v48  }
0x2e7: {  	v3 =	vld.idx.msk [tilespmem:v49+s26+$0x0], $0xffff  }
0x2e8: {  	v54 =	vld [tilespmem:$0x1FF80];
	v0 =	vadd.f32 v1, v0  }
0x2e9: {  	v1 =	vld.idx.msk [tilespmem:v50+s26+$0x0], $0xffff  }
0x2ea: {  	v55 =	vld [tilespmem:$0x1FF90];
	v0 =	vadd.f32 v2, v0  }
0x2eb: {  	v2 =	vld.idx.msk [tilespmem:v51+s26+$0x0], $0xffff  }
0x2ec: {  	v56 =	vld [tilespmem:$0x1FFA0];
	v0 =	vadd.f32 v3, v0  }
0x2ed: {  	v3 =	vld.idx.msk [tilespmem:v52+s26+$0x0], $0xffff  }
0x2ee: {  	v57 =	vld [tilespmem:$0x1FFB0];
	v0 =	vadd.f32 v1, v0  }
0x2ef: {  	v1 =	vld.idx.msk [tilespmem:v53+s26+$0x0], $0xffff  }
0x2f0: {  	v58 =	vld [tilespmem:$0x1FFC0];
	v0 =	vadd.f32 v2, v0  }
0x2f1: {  	v2 =	vld.idx.msk [tilespmem:v54+s26+$0x0], $0xffff  }
0x2f2: {  	v59 =	vld [tilespmem:$0x1FFD0];
	v0 =	vadd.f32 v3, v0  }
0x2f3: {  	v3 =	vld.idx.msk [tilespmem:v55+s26+$0x0], $0xffff  }
0x2f4: {  	v60 =	vld [tilespmem:$0x1FFE0];
	v0 =	vadd.f32 v1, v0  }
0x2f5: {  	v1 =	vld.idx.msk [tilespmem:v56+s26+$0x0], $0xffff  }
0x2f6: {  	v61 =	vld [tilespmem:$0x1FFF0];
	v0 =	vadd.f32 v2, v0  }
0x2f7: {  	v2 =	vld.idx.msk [tilespmem:v57+s26+$0x0], $0xffff  }
0x2f8: {  	v0 =	vadd.f32 v3, v0  }
0x2f9: {  	v3 =	vld.idx.msk [tilespmem:v58+s26+$0x0], $0xffff  }
0x2fa: {  	v0 =	vadd.f32 v1, v0  }
0x2fb: {  	v1 =	vld.idx.msk [tilespmem:v59+s26+$0x0], $0xffff  }
0x2fc: {  	v0 =	vadd.f32 v2, v0  }
0x2fd: {  	v2 =	vld.idx.msk [tilespmem:v60+s26+$0x0], $0xffff  }
0x2fe: {  	v0 =	vadd.f32 v3, v0  }
0x2ff: {  	v3 =	vld.idx.msk [tilespmem:v61+s26+$0x0], $0xffff  }
0x300: {  	v0 =	vadd.f32 v1, v0  }
0x301: {  	v62 =	vld [tilespmem:s30+$0x2400]  }
0x302: {  	v0 =	vadd.f32 v2, v0  }
0x303: {  	v63 =	vld [tilespmem:s30+$0x2600]  }
0x304: {  	v0 =	vadd.f32 v3, v0  }
0x305: {  	p0 =	seq.s32 s29, $0x780  }
.Ltmp4:
0x306: {  	v0 =	vadd.f32 v62, v0;
	(pc) =	sbr.rel @p0 .LBB2_4-.Ltmp4, $3  }
0x307: {  	_ = 	snop  }
0x308: {  	v0 =	vadd.f32 v63, v0;
	_ =	sdelay $0x1  }
0x309: {  	[tilespmem:s30+$0x2880] =	vst v0  }
0x30a: {  	v0 =	vld [tilespmem:s30+$0x20];
	_ =	sdelay $0x3  }
0x30b: {  	v1 =	vld [tilespmem:s30+$0x220]  }
0x30c: {  	v18 =	vshll.u32 v0, $0x4  }
0x30d: {  	(v2sf) =	vpush v18, $0x0;
	_ =	sdelay $0x2  }
0x30e: {  	v17 =	vshll.u32 v1, $0x4  }
0x30f: {  	(v2sf) =	vpush v17, $0x0;
	_ =	sdelay $0x3  }
0x310: {  	(v2sf) =	vpush v18, $0x1;
	_ =	sdelay $0x3  }
0x311: {  	(v2sf) =	vpush v17, $0x1;
	_ =	sdelay $0x2  }
0x312: {  	s31 =	spop (v2sf)  }
0x313: {  	(v2sf) =	vpush v18, $0x2;
	s31 =	sand.u32 $0x1FFFFFF0, s31  }
0x314: {  	s0 =	simm.s32 $0x400;
	s31 =	sadd.s32 s4, s31  }
0x315: {  	[tilespmem:s0], [sflag:$0x1] =	stream.linear.gather [hbm4b:s31+s2], $0x80, $0x38;
	[tilespmem:$0x2C00] =	vst v63  }
0x316: {  	s0 =	spop (v2sf)  }
0x317: {  	(v2sf) =	vpush v17, $0x2;
	s31 =	sand.u32 $0x1FFFFFF0, s0  }
0x318: {  	s0 =	simm.s32 $0x1400;
	s31 =	sadd.s32 s5, s31  }
0x319: {  	[tilespmem:s0], [sflag:$0x1] =	stream.linear.gather [hbm4b:s31+s2], $0x80, $0x38;
	[tilespmem:$0x2C00] =	vst v63  }
0x31a: {  	s0 =	spop (v2sf)  }
0x31b: {  	(v2sf) =	vpush v18, $0x3;
	s31 =	sand.u32 $0x1FFFFFF0, s0  }
0x31c: {  	s0 =	simm.s32 $0x480;
	s31 =	sadd.s32 s4, s31  }
0x31d: {  	[tilespmem:s0], [sflag:$0x1] =	stream.linear.gather [hbm4b:s31+s2], $0x80, $0x38;
	[tilespmem:$0x2C00] =	vst v63  }
0x31e: {  	s0 =	spop (v2sf)  }
0x31f: {  	(v2sf) =	vpush v17, $0x3;
	s31 =	sand.u32 $0x1FFFFFF0, s0  }
0x320: {  	s0 =	simm.s32 $0x1480;
	s31 =	sadd.s32 s5, s31  }
0x321: {  	[tilespmem:s0], [sflag:$0x1] =	stream.linear.gather [hbm4b:s31+s2], $0x80, $0x38;
	[tilespmem:$0x2C00] =	vst v63  }
0x322: {  	s0 =	spop (v2sf)  }
0x323: {  	(v2sf) =	vpush v18, $0x4;
	s31 =	sand.u32 $0x1FFFFFF0, s0  }
0x324: {  	s0 =	simm.s32 $0x500;
	s31 =	sadd.s32 s4, s31  }
0x325: {  	[tilespmem:s0], [sflag:$0x1] =	stream.linear.gather [hbm4b:s31+s2], $0x80, $0x38;
	[tilespmem:$0x2C00] =	vst v63  }
0x326: {  	s0 =	spop (v2sf)  }
0x327: {  	(v2sf) =	vpush v17, $0x4;
	s31 =	sand.u32 $0x1FFFFFF0, s0  }
0x328: {  	s0 =	simm.s32 $0x1500;
	s31 =	sadd.s32 s5, s31  }
0x329: {  	[tilespmem:s0], [sflag:$0x1] =	stream.linear.gather [hbm4b:s31+s2], $0x80, $0x38;
	[tilespmem:$0x2C00] =	vst v63  }
0x32a: {  	s0 =	spop (v2sf)  }
0x32b: {  	(v2sf) =	vpush v18, $0x5;
	s31 =	sand.u32 $0x1FFFFFF0, s0  }
0x32c: {  	s0 =	simm.s32 $0x580;
	s31 =	sadd.s32 s4, s31  }
0x32d: {  	[tilespmem:s0], [sflag:$0x1] =	stream.linear.gather [hbm4b:s31+s2], $0x80, $0x38;
	[tilespmem:$0x2C00] =	vst v63  }
0x32e: {  	s0 =	spop (v2sf)  }
0x32f: {  	(v2sf) =	vpush v17, $0x5;
	s31 =	sand.u32 $0x1FFFFFF0, s0  }
0x330: {  	s0 =	simm.s32 $0x1580;
	s31 =	sadd.s32 s5, s31  }
0x331: {  	[tilespmem:s0], [sflag:$0x1] =	stream.linear.gather [hbm4b:s31+s2], $0x80, $0x38;
	[tilespmem:$0x2C00] =	vst v63  }
0x332: {  	s0 =	spop (v2sf)  }
0x333: {  	(v2sf) =	vpush v18, $0x6;
	s31 =	sand.u32 $0x1FFFFFF0, s0  }
0x334: {  	s0 =	simm.s32 $0x600;
	s31 =	sadd.s32 s4, s31  }
0x335: {  	[tilespmem:s0], [sflag:$0x1] =	stream.linear.gather [hbm4b:s31+s2], $0x80, $0x38;
	[tilespmem:$0x2C00] =	vst v63  }
0x336: {  	s0 =	spop (v2sf)  }
0x337: {  	(v2sf) =	vpush v17, $0x6;
	s31 =	sand.u32 $0x1FFFFFF0, s0  }
0x338: {  	s0 =	simm.s32 $0x1600;
	s31 =	sadd.s32 s5, s31  }
0x339: {  	[tilespmem:s0], [sflag:$0x1] =	stream.linear.gather [hbm4b:s31+s2], $0x80, $0x38;
	[tilespmem:$0x2C00] =	vst v63  }
0x33a: {  	s0 =	spop (v2sf)  }
0x33b: {  	(v2sf) =	vpush v18, $0x7;
	s31 =	sand.u32 $0x1FFFFFF0, s0  }
0x33c: {  	s0 =	simm.s32 $0x680;
	s31 =	sadd.s32 s4, s31  }
0x33d: {  	[tilespmem:s0], [sflag:$0x1] =	stream.linear.gather [hbm4b:s31+s2], $0x80, $0x38;
	[tilespmem:$0x2C00] =	vst v63  }
0x33e: {  	s0 =	spop (v2sf)  }
0x33f: {  	(v2sf) =	vpush v17, $0x7;
	s31 =	sand.u32 $0x1FFFFFF0, s0  }
0x340: {  	s0 =	simm.s32 $0x1680;
	s31 =	sadd.s32 s5, s31  }
0x341: {  	[tilespmem:s0], [sflag:$0x1] =	stream.linear.gather [hbm4b:s31+s2], $0x80, $0x38;
	[tilespmem:$0x2C00] =	vst v63  }
0x342: {  	s0 =	spop (v2sf)  }
0x343: {  	(v2sf) =	vpush v18, $0x8;
	s31 =	sand.u32 $0x1FFFFFF0, s0  }
0x344: {  	s0 =	simm.s32 $0x700;
	s31 =	sadd.s32 s4, s31  }
0x345: {  	[tilespmem:s0], [sflag:$0x1] =	stream.linear.gather [hbm4b:s31+s2], $0x80, $0x38;
	[tilespmem:$0x2C00] =	vst v63  }
0x346: {  	s0 =	spop (v2sf)  }
0x347: {  	(v2sf) =	vpush v17, $0x8;
	s31 =	sand.u32 $0x1FFFFFF0, s0  }
0x348: {  	s0 =	simm.s32 $0x1700;
	s31 =	sadd.s32 s5, s31  }
0x349: {  	[tilespmem:s0], [sflag:$0x1] =	stream.linear.gather [hbm4b:s31+s2], $0x80, $0x38;
	[tilespmem:$0x2C00] =	vst v63  }
0x34a: {  	s0 =	spop (v2sf)  }
0x34b: {  	(v2sf) =	vpush v18, $0x9;
	s31 =	sand.u32 $0x1FFFFFF0, s0  }
0x34c: {  	s0 =	simm.s32 $0x780;
	s31 =	sadd.s32 s4, s31  }
0x34d: {  	[tilespmem:s0], [sflag:$0x1] =	stream.linear.gather [hbm4b:s31+s2], $0x80, $0x38;
	[tilespmem:$0x2C00] =	vst v63  }
0x34e: {  	s0 =	spop (v2sf)  }
0x34f: {  	(v2sf) =	vpush v17, $0x9;
	s31 =	sand.u32 $0x1FFFFFF0, s0  }
0x350: {  	s0 =	simm.s32 $0x1780;
	s31 =	sadd.s32 s5, s31  }
0x351: {  	[tilespmem:s0], [sflag:$0x1] =	stream.linear.gather [hbm4b:s31+s2], $0x80, $0x38;
	[tilespmem:$0x2C00] =	vst v63  }
0x352: {  	s0 =	spop (v2sf)  }
0x353: {  	(v2sf) =	vpush v18, $0xA;
	s31 =	sand.u32 $0x1FFFFFF0, s0  }
0x354: {  	s0 =	simm.s32 $0x800;
	s31 =	sadd.s32 s4, s31  }
0x355: {  	[tilespmem:s0], [sflag:$0x1] =	stream.linear.gather [hbm4b:s31+s2], $0x80, $0x38;
	[tilespmem:$0x2C00] =	vst v63  }
0x356: {  	s0 =	spop (v2sf)  }
0x357: {  	(v2sf) =	vpush v17, $0xA;
	s31 =	sand.u32 $0x1FFFFFF0, s0  }
0x358: {  	s0 =	simm.s32 $0x1800;
	s31 =	sadd.s32 s5, s31  }
0x359: {  	[tilespmem:s0], [sflag:$0x1] =	stream.linear.gather [hbm4b:s31+s2], $0x80, $0x38;
	[tilespmem:$0x2C00] =	vst v63  }
0x35a: {  	s0 =	spop (v2sf)  }
0x35b: {  	(v2sf) =	vpush v18, $0xB;
	s31 =	sand.u32 $0x1FFFFFF0, s0  }
0x35c: {  	s0 =	simm.s32 $0x880;
	s31 =	sadd.s32 s4, s31  }
0x35d: {  	[tilespmem:s0], [sflag:$0x1] =	stream.linear.gather [hbm4b:s31+s2], $0x80, $0x38;
	[tilespmem:$0x2C00] =	vst v63  }
0x35e: {  	s0 =	spop (v2sf)  }
0x35f: {  	(v2sf) =	vpush v17, $0xB;
	s31 =	sand.u32 $0x1FFFFFF0, s0  }
0x360: {  	s0 =	simm.s32 $0x1880;
	s31 =	sadd.s32 s5, s31  }
0x361: {  	[tilespmem:s0], [sflag:$0x1] =	stream.linear.gather [hbm4b:s31+s2], $0x80, $0x38;
	[tilespmem:$0x2C00] =	vst v63  }
0x362: {  	s0 =	spop (v2sf)  }
0x363: {  	(v2sf) =	vpush v18, $0xC;
	s31 =	sand.u32 $0x1FFFFFF0, s0  }
0x364: {  	s0 =	simm.s32 $0x900;
	s31 =	sadd.s32 s4, s31  }
0x365: {  	[tilespmem:s0], [sflag:$0x1] =	stream.linear.gather [hbm4b:s31+s2], $0x80, $0x38;
	[tilespmem:$0x2C00] =	vst v63  }
0x366: {  	s0 =	spop (v2sf)  }
0x367: {  	(v2sf) =	vpush v17, $0xC;
	s31 =	sand.u32 $0x1FFFFFF0, s0  }
0x368: {  	s0 =	simm.s32 $0x1900;
	s31 =	sadd.s32 s5, s31  }
0x369: {  	[tilespmem:s0], [sflag:$0x1] =	stream.linear.gather [hbm4b:s31+s2], $0x80, $0x38;
	[tilespmem:$0x2C00] =	vst v63  }
0x36a: {  	s0 =	spop (v2sf)  }
0x36b: {  	(v2sf) =	vpush v18, $0xD;
	s31 =	sand.u32 $0x1FFFFFF0, s0  }
0x36c: {  	s0 =	simm.s32 $0x980;
	s31 =	sadd.s32 s4, s31  }
0x36d: {  	[tilespmem:s0], [sflag:$0x1] =	stream.linear.gather [hbm4b:s31+s2], $0x80, $0x38;
	[tilespmem:$0x2C00] =	vst v63  }
0x36e: {  	s0 =	spop (v2sf)  }
0x36f: {  	(v2sf) =	vpush v17, $0xD;
	s31 =	sand.u32 $0x1FFFFFF0, s0  }
0x370: {  	s0 =	simm.s32 $0x1980;
	s31 =	sadd.s32 s5, s31  }
0x371: {  	[tilespmem:s0], [sflag:$0x1] =	stream.linear.gather [hbm4b:s31+s2], $0x80, $0x38;
	[tilespmem:$0x2C00] =	vst v63  }
0x372: {  	s0 =	spop (v2sf)  }
0x373: {  	(v2sf) =	vpush v18, $0xE;
	s31 =	sand.u32 $0x1FFFFFF0, s0  }
0x374: {  	s0 =	simm.s32 $0xA00;
	s31 =	sadd.s32 s4, s31  }
0x375: {  	[tilespmem:s0], [sflag:$0x1] =	stream.linear.gather [hbm4b:s31+s2], $0x80, $0x38;
	[tilespmem:$0x2C00] =	vst v63  }
0x376: {  	s0 =	spop (v2sf)  }
0x377: {  	(v2sf) =	vpush v17, $0xE;
	s31 =	sand.u32 $0x1FFFFFF0, s0  }
0x378: {  	s0 =	simm.s32 $0x1A00;
	s31 =	sadd.s32 s5, s31  }
0x379: {  	[tilespmem:s0], [sflag:$0x1] =	stream.linear.gather [hbm4b:s31+s2], $0x80, $0x38;
	[tilespmem:$0x2C00] =	vst v63  }
0x37a: {  	s0 =	spop (v2sf)  }
0x37b: {  	(v2sf) =	vpush v18, $0xF;
	s31 =	sand.u32 $0x1FFFFFF0, s0  }
0x37c: {  	s0 =	simm.s32 $0xA80;
	s31 =	sadd.s32 s4, s31  }
0x37d: {  	[tilespmem:s0], [sflag:$0x1] =	stream.linear.gather [hbm4b:s31+s2], $0x80, $0x38;
	[tilespmem:$0x2C00] =	vst v63  }
0x37e: {  	s0 =	spop (v2sf)  }
0x37f: {  	s31 =	sand.u32 $0x1FFFFFF0, s0  }
0x380: {  	(v2sf) =	vpush v17, $0xF;
	s0 =	simm.s32 $0x1A80;
	s31 =	sadd.s32 s5, s31  }
0x381: {  	[tilespmem:s0], [sflag:$0x1] =	stream.linear.gather [hbm4b:s31+s2], $0x80, $0x38;
	[tilespmem:$0x2C00] =	vst v63  }
0x382: {  	s0 =	spop (v2sf)  }
0x383: {  	s31 =	sand.u32 $0x1FFFFFF0, s0  }
0x384: {  	s0 =	simm.s32 $0xB00;
	s31 =	sadd.s32 s4, s31  }
0x385: {  	[tilespmem:s0], [sflag:$0x1] =	stream.linear.gather [hbm4b:s31+s2], $0x80, $0x38;
	[tilespmem:$0x2C00] =	vst v63  }
0x386: {  	s0 =	spop (v2sf)  }
0x387: {  	s31 =	sand.u32 $0x1FFFFFF0, s0  }
0x388: {  	s0 =	simm.s32 $0x1B00;
	s31 =	sadd.s32 s5, s31  }
0x389: {  	[tilespmem:s0], [sflag:$0x1] =	stream.linear.gather [hbm4b:s31+s2], $0x80, $0x38;
	[tilespmem:$0x2C00] =	vst v63  }
0x38a: {  	s0 =	spop (v2sf)  }
0x38b: {  	s31 =	sand.u32 $0x1FFFFFF0, s0  }
0x38c: {  	s0 =	simm.s32 $0xB80;
	s31 =	sadd.s32 s4, s31  }
0x38d: {  	[tilespmem:s0], [sflag:$0x1] =	stream.linear.gather [hbm4b:s31+s2], $0x80, $0x38;
	[tilespmem:$0x2C00] =	vst v63  }
.Ltmp5:
0x38e: {  	_ = 	snop;
	(pc) =	sbr.rel .LBB2_4-.Ltmp5, $4  }
0x38f: {  	s0 =	spop (v2sf)  }
0x390: {  	s31 =	sand.u32 $0x1FFFFFF0, s0  }
0x391: {  	s0 =	simm.s32 $0x1B80;
	s31 =	sadd.s32 s5, s31  }
0x392: {  	[tilespmem:s0], [sflag:$0x1] =	stream.linear.gather [hbm4b:s31+s2], $0x80, $0x38;
	[tilespmem:$0x2C00] =	vst v63  }
.LBB2_6:
0x393: {  	_ =	sfence.sel $0x180000  }
0x394: {  	[bflag:$0x0] =	sbarrier.arrive $0xFFFF  }
0x395: {  	_ =	strace $0x90000047  }
0x396: {  	s0 =	stileid.u32;
	[bflag:$0x2] =	sbarrier.arrive $0xFFFF  }
0x397: {  	p0 =	sne.s32 s0, $0x0;
	s0 =	rddreg [dreg:$0x4]  }
0x398: {  	s0 =	sadd.s32 @!p0 $0x100000, s0  }
0x399: {  	[sflag:s0] =	ssyncadd.tile.s32 @!p0 $0x1;
	_ =	shalt  }
.Lfunc_end2:
_tile_overlayer_lowered:
.L_overlay_start_2:
0x39a: {  	(tag) =	ssettag $0x2  }
0x39b: {  	s0 =	rddreg [dreg:$0x0];
	s2 =	stileid.u32  }
0x39c: {  	s1 =	rddreg [dreg:$0x1];
	p0 =	sne.s32 s2, $0x0  }
0x39d: {  	s3 =	rddreg [dreg:$0x2];
	[bflag:$0x3] =	sbarrier.arrive $0xFFFF;
	s2 =	simm.s32 @!p0 $0x1C04  }
0x39e: {  	[timem:s3], [sflag:s2] =	dma.local @!p0 [hbm:s0], s1  }
0x39f: {  	s0 =	simm.s32 @!p0 $0x4  }
0x3a0: {  	_ =	swait.ge @!p0 [sflag:s0], s1  }
0x3a1: {  	s1 =	ssub.s32 @!p0 $0x0, s1;
	[sflag:s0] =	ssyncset.done @!p0 $0x0  }
0x3a2: {  	[sflag:s0] =	ssyncadd.s32 @!p0 s1  }
0x3a3: {  	[bflag:$0x3] =	sbarrier.arrive $0xFFFF  }
0x3a4: {  	_ =	shalt  }

</sc_bundles>
